<compile_context>
chip_gen: v7x
topology: tpu7x:2x2x1
jax: 0.10.2.dev20260603
libtpu: 0.0.44.dev20260713+nightly
codegen_flags: <defaults>
</compile_context>

<pallas_src>
import dataclasses
import functools

import jax
import jax.numpy as jnp
from jax import lax
from jax.experimental import pallas as pl
from jax.experimental.pallas import tpu as pltpu
from jax.experimental.pallas import tpu_sc as plsc

N = 10000
E = 320000
D = 128
R = 100

NC = 2
NS = 16
NW = NC * NS
EPT = E // NW
CH = 80
NCHUNK = EPT // CH
RB = 80
NRB = N // RB
HR = N // 16
GR = 128

_mesh = plsc.VectorSubcoreMesh(core_axis_name="c", subcore_axis_name="s")

_cp = pltpu.CompilerParams()
if "needs_layout_passes" in pltpu.CompilerParams.__dataclass_fields__:
    _cp = dataclasses.replace(_cp, needs_layout_passes=False)



@functools.partial(
    pl.kernel,
    mesh=_mesh,
    compiler_params=_cp,
    out_type=[
        jax.ShapeDtypeStruct((NW, GR * 128), jnp.float32),
        jax.ShapeDtypeStruct((NW, GR * 128), jnp.float32),
    ],
    scratch_types=[
        pltpu.VMEM((EPT,), jnp.int32),
        pltpu.VMEM((EPT,), jnp.int32),
        pltpu.VMEM((GR * 128,), jnp.float32),
        pltpu.VMEM((GR * 128,), jnp.float32),
    ],
)
def _deg_kernel(src_hbm, dst_hbm, hs_hbm, hd_hbm, sidx, didx, hist_s, hist_d):
    c = lax.axis_index("c")
    s = lax.axis_index("s")
    wid = c * NS + s

    pltpu.sync_copy(src_hbm.at[pl.ds(wid * EPT, EPT)], sidx)
    pltpu.sync_copy(dst_hbm.at[pl.ds(wid * EPT, EPT)], didx)

    zero = jnp.zeros((16,), jnp.float32)

    @pl.loop(0, GR * 8)
    def _(r):
        hist_s[pl.ds(r * 16, 16)] = zero
        hist_d[pl.ds(r * 16, 16)] = zero

    one = jnp.full((16,), 1.0, jnp.float32)

    def scram(n):
        r = lax.shift_right_logical(n, 4)
        t = n & 15
        return (lax.shift_left((r & 127), 7)
                + lax.shift_left(lax.shift_right_logical(r, 7), 4) + t)

    @pl.loop(0, EPT // 16)
    def _(i):
        sl = pl.ds(i * 16, 16)
        plsc.addupdate_scatter(hist_s, [scram(sidx[sl])], one)
        plsc.addupdate_scatter(hist_d, [scram(didx[sl])], one)

    pltpu.sync_copy(hist_s, hs_hbm.at[wid])
    pltpu.sync_copy(hist_d, hd_hbm.at[wid])



@functools.partial(
    pl.kernel,
    mesh=_mesh,
    out_type=jax.ShapeDtypeStruct((NC, N, D), jnp.float32),
    scratch_types=[
        pltpu.VMEM((CH,), jnp.int32),
        pltpu.VMEM((CH,), jnp.int32),
        pltpu.VMEM((CH,), jnp.int32),
        pltpu.VMEM((CH,), jnp.int32),
        pltpu.VMEM((CH, D), jnp.float32),
        pltpu.VMEM((CH, D), jnp.float32),
        pltpu.VMEM((CH, D), jnp.float32),
        pltpu.VMEM((CH, D), jnp.float32),
        pltpu.SemaphoreType.DMA,
        pltpu.SemaphoreType.DMA,
        pltpu.SemaphoreType.DMA,
        pltpu.SemaphoreType.DMA,
        pltpu.SemaphoreType.DMA,
        pltpu.SemaphoreType.DMA,
        pltpu.SemaphoreType.DMA,
        pltpu.SemaphoreType.DMA,
        pltpu.VMEM_SHARED((N, D), jnp.float32),
    ],
)
def _mix_kernel(feat_hbm, wg_hbm, src_hbm, dst_hbm, out_hbm,
                sidx0, sidx1, didx0, didx1,
                rows0, rows1, wrows0, wrows1,
                gf0, gw0, gf1, gw1, gi0, gi1, gd0, gd1, acc):
    c = lax.axis_index("c")
    s = lax.axis_index("s")
    wid = c * NS + s
    e0 = wid * EPT

    def gi_desc(k, sidx, gi):
        return pltpu.make_async_copy(src_hbm.at[pl.ds(e0 + k * CH, CH)],
                                     sidx, gi)

    def gd_desc(k, didx, gd):
        return pltpu.make_async_copy(dst_hbm.at[pl.ds(e0 + k * CH, CH)],
                                     didx, gd)

    def g_descs(k, rows, wrows, sidx, gf, gw):
        return (pltpu.make_async_copy(feat_hbm.at[sidx], rows, gf),
                pltpu.make_async_copy(wg_hbm.at[pl.ds(e0 + k * CH, CH)],
                                      wrows, gw))

    def consume_stage(k, kn, sidx, didx, rows, wrows, gf, gw, gi, gd):
        cf, cw = g_descs(k, rows, wrows, sidx, gf, gw)
        cf.wait()
        cw.wait()

        @pl.when(kn < NCHUNK)
        def _():
            gi_desc(kn, sidx, gi).start()

        gd_desc(k, didx, gd).wait()

        @plsc.parallel_loop(0, CH, unroll=4)
        def _(r):
            for g in range(D // 16):
                sl = pl.ds(g * 16, 16)
                rows[r, sl] = rows[r, sl] * wrows[r, sl]

        pltpu.sync_copy(rows, acc.at[didx], add=True)

        @pl.when(kn < NCHUNK)
        def _():
            gd_desc(kn, didx, gd).start()
            gi_desc(kn, sidx, gi).wait()
            cf2, cw2 = g_descs(kn, rows, wrows, sidx, gf, gw)
            cf2.start()
            cw2.start()

    _z = jnp.zeros((16,), jnp.float32)

    @pl.loop(0, CH)
    def _(r):
        for g in range(D // 16):
            rows0[r, pl.ds(g * 16, 16)] = _z

    @pl.loop(0, (NRB + NS - 1) // NS)
    def _(j):
        blk = s + j * NS

        @pl.when(blk < NRB)
        def _():
            pltpu.sync_copy(rows0, acc.at[pl.ds(blk * RB, RB)])

    plsc.subcore_barrier()

    gi_desc(0, sidx0, gi0).start()
    gd_desc(0, didx0, gd0).start()
    gi_desc(1, sidx1, gi1).start()
    gd_desc(1, didx1, gd1).start()
    gi_desc(0, sidx0, gi0).wait()
    cf, cw = g_descs(0, rows0, wrows0, sidx0, gf0, gw0)
    cf.start()
    cw.start()
    gi_desc(1, sidx1, gi1).wait()
    cf, cw = g_descs(1, rows1, wrows1, sidx1, gf1, gw1)
    cf.start()
    cw.start()

    @pl.loop(0, NCHUNK // 2)
    def _(j):
        a = 2 * j
        consume_stage(a, a + 2, sidx0, didx0, rows0, wrows0,
                      gf0, gw0, gi0, gd0)
        consume_stage(a + 1, a + 3, sidx1, didx1, rows1, wrows1,
                      gf1, gw1, gi1, gd1)

    consume_stage(NCHUNK - 1, NCHUNK + 1, sidx0, didx0,
                  rows0, wrows0, gf0, gw0, gi0, gd0)

    plsc.subcore_barrier()

    @pl.loop(0, (NRB + NS - 1) // NS)
    def _(j):
        blk = s + j * NS

        @pl.when(blk < NRB)
        def _():
            pltpu.sync_copy(acc.at[pl.ds(blk * RB, RB)],
                            out_hbm.at[c, pl.ds(blk * RB, RB)])



BSE = 2000
NBE = E // BSE


def _wg_body(et_ref, w_ref, wg_ref):
    oh = (et_ref[0] == lax.broadcasted_iota(jnp.int32, (R, BSE), 0))
    wg_ref[...] = lax.dot_general(oh.astype(jnp.float32), w_ref[...],
                                  (((0,), (0,)), ((), ())),
                                  preferred_element_type=jnp.float32)


def _wg_call(et3, weight):
    return pl.pallas_call(
        _wg_body,
        grid=(NBE,),
        in_specs=[
            pl.BlockSpec((1, 1, BSE), lambda i: (i, 0, 0)),
            pl.BlockSpec((R, D), lambda i: (0, 0)),
        ],
        out_specs=pl.BlockSpec((BSE, D), lambda i: (i, 0)),
        out_shape=jax.ShapeDtypeStruct((E, D), jnp.float32),
    )(et3, weight)

def _unscramble(deg2):
    return jnp.concatenate(
        [deg2[:, 16 * g:16 * (g + 1)] for g in range(5)], axis=0)[:HR]


def _prep_body(x_ref, hs_ref, hd_ref, fs_ref, sm_ref, nd_ref, ns_ref):
    deg_out = _unscramble(jnp.sum(hs_ref[...], axis=0))
    deg_in = _unscramble(jnp.sum(hd_ref[...], axis=0))
    ns = lax.rsqrt(jnp.maximum(deg_out, 1.0))
    cd = jnp.maximum(deg_in, 1.0)
    nd = lax.rsqrt(cd)
    ns_ref[...] = ns
    nd_ref[...] = nd
    sm_ref[...] = nd / cd
    fs_ref[...] = x_ref[...] * ns[:, :, None]


def _prep_call(x3, hs, hd):
    return pl.pallas_call(
        _prep_body,
        out_shape=[
            jax.ShapeDtypeStruct((HR, 16, D), jnp.float32),
            jax.ShapeDtypeStruct((HR, 16), jnp.float32),
            jax.ShapeDtypeStruct((HR, 16), jnp.float32),
            jax.ShapeDtypeStruct((HR, 16), jnp.float32),
        ],
    )(x3, hs, hd)


def _post_body(feat_ref, parts_ref, w_ref, sm_ref, nd_ref, ns_ref,
               h_ref, hs_ref):
    mix = parts_ref[0] + parts_ref[1]
    mm = lax.dot_general(feat_ref[...], w_ref[...],
                         (((2,), (0,)), ((), ())),
                         preferred_element_type=jnp.float32)
    rst = mm * nd_ref[...][:, :, None] + mix * sm_ref[...][:, :, None]
    h = jnp.maximum(rst, 0.0)
    h_ref[...] = h
    hs_ref[...] = h * ns_ref[...][:, :, None]


def _post_call(feat3, parts, loop_w, sm, nd, ns):
    return pl.pallas_call(
        _post_body,
        out_shape=[
            jax.ShapeDtypeStruct((HR, 16, D), jnp.float32),
            jax.ShapeDtypeStruct((HR, 16, D), jnp.float32),
        ],
    )(feat3, parts, loop_w, sm, nd, ns)



@jax.jit
def kernel(x, edge_index, etype, weight, loop_w1, loop_w2):
    src = edge_index[0]
    dst = edge_index[1]
    hs, hd = _deg_kernel(src, dst)
    wg = _wg_call(etype.reshape(NBE, 1, BSE), weight)
    x3 = x.reshape(HR, 16, D)
    fs3, sm, nd, ns = _prep_call(x3, hs.reshape(NW, GR, 128),
                                 hd.reshape(NW, GR, 128))
    parts1 = _mix_kernel(fs3.reshape(N, D), wg, src, dst)
    h1, h1n = _post_call(x3, parts1.reshape(NC, HR, 16, D), loop_w1,
                         sm, nd, ns)
    parts2 = _mix_kernel(h1n.reshape(N, D), wg, src, dst)
    h2, _ = _post_call(h1, parts2.reshape(NC, HR, 16, D), loop_w2,
                       sm, nd, ns)
    return h2.reshape(N, D)

# --- scband reference (transcript-rebuilt; emitter-appended) ---
"""Pipeline reference for scband-gcn-12644383719572 (READ-ONLY COPY).

The authoritative reference and input builder live on the scoring server;
editing this copy changes nothing except your own understanding.
"""

import jax, jax.numpy as jnp
import numpy as np

N = 10000
E = 320000
D = 128
R = 100


def setup_inputs(seed: int = 0) -> dict:
    key = jax.random.key(seed)
    k1, k2, k3, k4, k5, k6 = jax.random.split(key, 6)
    x = jax.random.normal(k1, (N, D), dtype=jnp.float32)
    edge_index = jax.random.randint(k2, (2, E), 0, N, dtype=jnp.int32)
    etype = jax.random.randint(k3, (E,), 0, R, dtype=jnp.int32)
    # relation embedding table (weight passed to forward in the original)
    weight = jax.random.normal(k4, (R, D), dtype=jnp.float32) * (1.0 / np.sqrt(D))
    # self-loop weights for the two RGCN layers (xavier-uniform style init)
    limit = np.sqrt(6.0 / (D + D)) * np.sqrt(2.0)
    loop_w1 = jax.random.uniform(k5, (D, D), dtype=jnp.float32, minval=-limit, maxval=limit)
    loop_w2 = jax.random.uniform(k6, (D, D), dtype=jnp.float32, minval=-limit, maxval=limit)
    return {"x": x, "edge_index": edge_index, "etype": etype, "weight": weight,
            "loop_w1": loop_w1, "loop_w2": loop_w2}


def _rgcn_layer(feat, src, dst, etype, weight, loop_w):
    # EncoderRGCNLayer.forward with norm='both', activation=relu, self_loop=True, dropout=0
    ones = jnp.ones((src.shape[0],), dtype=jnp.float32)
    # out-degree normalization of source features (norm == 'both')
    deg_out = jax.ops.segment_sum(ones, src, num_segments=N)
    norm_src = jnp.clip(deg_out, 1.0) ** -0.5
    feat_src = feat * norm_src[:, None]
    # apply_edges(fn.u_mul_e('h', 'r', 'm')): gather src feats, multiply by relation weight per edge
    rel_w = weight[etype]                      # [E, D] gather on relation table
    m = feat_src[src] * rel_w                  # [E, D] gather on node feats
    # update_all(copy_e, mean): segment mean over destination nodes
    deg_in = jax.ops.segment_sum(ones, dst, num_segments=N)
    mix = jax.ops.segment_sum(m, dst, num_segments=N) / jnp.clip(deg_in, 1.0)[:, None]
    # self loop: dstdata['h'] @ loop_weight
    rst = feat @ loop_w + mix
    # in-degree normalization (norm == 'both')
    norm_dst = jnp.clip(deg_in, 1.0) ** -0.5
    rst = rst * norm_dst[:, None]
    return jax.nn.relu(rst)


def reference(x, edge_index, etype, weight, loop_w1, loop_w2):
    src = edge_index[0]
    dst = edge_index[1]
    h = _rgcn_layer(x, src, dst, etype, weight, loop_w1)
    h = _rgcn_layer(h, src, dst, etype, weight, loop_w2)
    return h

if __name__ == "__main__":
    import jax
    _d = setup_inputs()
    print(jax.jit(kernel)(*tuple(_d.values())))

</pallas_src>

<mosaic_0001>
#map = affine_map<(d0, d1) -> (0)>
#map1 = affine_map<(d0, d1) -> (0, 0)>
module attributes {stable_mosaic.version = 14 : i64} {
  func.func @_deg_kernel(%arg0: i32, %arg1: i32, %arg2: memref<320000xi32, #tpu.memory_space<hbm>>, %arg3: memref<320000xi32, #tpu.memory_space<hbm>>, %arg4: memref<32x16384xf32, #tpu.memory_space<hbm>>, %arg5: memref<32x16384xf32, #tpu.memory_space<hbm>>, %arg6: memref<10000xi32, #tpu.memory_space<vmem>>, %arg7: memref<10000xi32, #tpu.memory_space<vmem>>, %arg8: memref<16384xf32, #tpu.memory_space<vmem>>, %arg9: memref<16384xf32, #tpu.memory_space<vmem>>) attributes {dimension_semantics = [#tpu.dimension_semantics<core_parallel>, #tpu.dimension_semantics<subcore_parallel>], iteration_bounds = array<i64: 2, 16>, scalar_prefetch = 0 : i64, scratch_operands = 4 : i64, tpu.core_type = #tpu.core_type<sc_vector_subcore>, window_params = [{transform_indices = #map}, {transform_indices = #map}, {transform_indices = #map1}, {transform_indices = #map1}]} {
    %mul3A = arith.constant 16 : i32
    %mul3A_0 = arith.muli %arg0, %mul3A : i32
    %add3A = arith.addi %mul3A_0, %arg1 : i32
    %mul3A_1 = arith.constant 10000 : i32
    %mul3A_2 = arith.muli %add3A, %mul3A_1 : i32
    "tpu.region"() ({
      %run_scoped3A = tpu.sem_alloc : memref<!tpu.dma_semaphore, #tpu.memory_space<semaphore_mem>>
      %dma_start3A = tpu.memref_slice %arg2[%mul3A_2] : memref<320000xi32, #tpu.memory_space<hbm>> -> memref<10000xi32, #tpu.memory_space<hbm>>
      %dma_start3A_17 = tpu.memref_slice %arg2[%mul3A_2] : memref<320000xi32, #tpu.memory_space<hbm>> -> memref<10000xi32, #tpu.memory_space<hbm>>
      tpu.enqueue_dma source(%dma_start3A_17 : memref<10000xi32, #tpu.memory_space<hbm>>) target(%arg6 : memref<10000xi32, #tpu.memory_space<vmem>>) target_semaphore(%run_scoped3A : memref<!tpu.dma_semaphore, #tpu.memory_space<semaphore_mem>>)
      %dma_wait3A = tpu.memref_slice %arg2[%mul3A_2] : memref<320000xi32, #tpu.memory_space<hbm>> -> memref<10000xi32, #tpu.memory_space<hbm>>
      %dma_wait3A_18 = tpu.memref_slice %arg2[%mul3A_2] : memref<320000xi32, #tpu.memory_space<hbm>> -> memref<10000xi32, #tpu.memory_space<hbm>>
      tpu.wait_dma2 semaphore(%run_scoped3A : memref<!tpu.dma_semaphore, #tpu.memory_space<semaphore_mem>>) src(%dma_wait3A_18 : memref<10000xi32, #tpu.memory_space<hbm>>) dst(%arg6 : memref<10000xi32, #tpu.memory_space<vmem>>)
      tpu.yield
    }) : () -> ()
    %mul3A_3 = arith.constant 10000 : i32
    %mul3A_4 = arith.muli %add3A, %mul3A_3 : i32
    "tpu.region"() ({
      %run_scoped3A = tpu.sem_alloc : memref<!tpu.dma_semaphore, #tpu.memory_space<semaphore_mem>>
      %dma_start3A = tpu.memref_slice %arg3[%mul3A_4] : memref<320000xi32, #tpu.memory_space<hbm>> -> memref<10000xi32, #tpu.memory_space<hbm>>
      %dma_start3A_17 = tpu.memref_slice %arg3[%mul3A_4] : memref<320000xi32, #tpu.memory_space<hbm>> -> memref<10000xi32, #tpu.memory_space<hbm>>
      tpu.enqueue_dma source(%dma_start3A_17 : memref<10000xi32, #tpu.memory_space<hbm>>) target(%arg7 : memref<10000xi32, #tpu.memory_space<vmem>>) target_semaphore(%run_scoped3A : memref<!tpu.dma_semaphore, #tpu.memory_space<semaphore_mem>>)
      %dma_wait3A = tpu.memref_slice %arg3[%mul3A_4] : memref<320000xi32, #tpu.memory_space<hbm>> -> memref<10000xi32, #tpu.memory_space<hbm>>
      %dma_wait3A_18 = tpu.memref_slice %arg3[%mul3A_4] : memref<320000xi32, #tpu.memory_space<hbm>> -> memref<10000xi32, #tpu.memory_space<hbm>>
      tpu.wait_dma2 semaphore(%run_scoped3A : memref<!tpu.dma_semaphore, #tpu.memory_space<semaphore_mem>>) src(%dma_wait3A_18 : memref<10000xi32, #tpu.memory_space<hbm>>) dst(%arg7 : memref<10000xi32, #tpu.memory_space<vmem>>)
      tpu.yield
    }) : () -> ()
    %broadcast_in_dim3A = arith.constant 0.000000e+00 : f32
    %broadcast_in_dim3A_5 = vector.broadcast %broadcast_in_dim3A : f32 to vector<16xf32>
    %scan3A = arith.constant 0 : i32
    %scan3A_6 = arith.constant 1024 : i32
    %scan3A_7 = arith.addi %scan3A, %scan3A_6 : i32
    %scan3A_8 = arith.constant 1 : i32
    scf.for %scan3A_17 = %scan3A to %scan3A_7 step %scan3A_8  : i32 {
      %mul3A_18 = arith.constant 1 : i32
      %mul3A_19 = arith.muli %scan3A_17, %mul3A_18 : i32
      %add3A_20 = arith.constant 0 : i32
      %add3A_21 = arith.addi %add3A_20, %mul3A_19 : i32
      %mul3A_22 = arith.constant 16 : i32
      %mul3A_23 = arith.muli %add3A_21, %mul3A_22 : i32
      %swap3A = arith.index_cast %mul3A_23 : i32 to index
      %swap3A_24 = tpu.vector_load %arg8[%swap3A] {strides = array<i32>} : memref<16384xf32, #tpu.memory_space<vmem>>, vector<16xf32>,
      tpu.vector_store %arg8[%swap3A], %broadcast_in_dim3A_5 {strides = array<i32>} : memref<16384xf32, #tpu.memory_space<vmem>>, vector<16xf32>,
      %mul3A_25 = arith.constant 16 : i32
      %mul3A_26 = arith.muli %add3A_21, %mul3A_25 : i32
      %swap3A_27 = arith.index_cast %mul3A_26 : i32 to index
      %swap3A_28 = tpu.vector_load %arg9[%swap3A_27] {strides = array<i32>} : memref<16384xf32, #tpu.memory_space<vmem>>, vector<16xf32>,
      tpu.vector_store %arg9[%swap3A_27], %broadcast_in_dim3A_5 {strides = array<i32>} : memref<16384xf32, #tpu.memory_space<vmem>>, vector<16xf32>,
    }
    %scan3A_9 = arith.constant 1024 : i32
    %broadcast_in_dim3A_10 = arith.constant 1.000000e+00 : f32
    %broadcast_in_dim3A_11 = vector.broadcast %broadcast_in_dim3A_10 : f32 to vector<16xf32>
    %scan3A_12 = arith.constant 0 : i32
    %scan3A_13 = arith.constant 625 : i32
    %scan3A_14 = arith.addi %scan3A_12, %scan3A_13 : i32
    %scan3A_15 = arith.constant 1 : i32
    scf.for %scan3A_17 = %scan3A_12 to %scan3A_14 step %scan3A_15  : i32 {
      %mul3A_18 = arith.constant 1 : i32
      %mul3A_19 = arith.muli %scan3A_17, %mul3A_18 : i32
      %add3A_20 = arith.constant 0 : i32
      %add3A_21 = arith.addi %add3A_20, %mul3A_19 : i32
      %mul3A_22 = arith.constant 16 : i32
      %mul3A_23 = arith.muli %add3A_21, %mul3A_22 : i32
      %get3A = arith.index_cast %mul3A_23 : i32 to index
      %get3A_24 = tpu.vector_load %arg6[%get3A] {strides = array<i32>} : memref<10000xi32, #tpu.memory_space<vmem>>, vector<16xi32>,
      %shift_right_logical3A = arith.constant 4 : i32
      %shift_right_logical3A_25 = vector.broadcast %shift_right_logical3A : i32 to vector<16xi32>
      %shift_right_logical3A_26 = arith.shrui %get3A_24, %shift_right_logical3A_25 : vector<16xi32>
      %and3A = arith.constant 15 : i32
      %and3A_27 = vector.broadcast %and3A : i32 to vector<16xi32>
      %and3A_28 = arith.andi %get3A_24, %and3A_27 : vector<16xi32>
      %and3A_29 = arith.constant 127 : i32
      %and3A_30 = vector.broadcast %and3A_29 : i32 to vector<16xi32>
      %and3A_31 = arith.andi %shift_right_logical3A_26, %and3A_30 : vector<16xi32>
      %shift_left3A = arith.constant 7 : i32
      %shift_left3A_32 = vector.broadcast %shift_left3A : i32 to vector<16xi32>
      %shift_left3A_33 = arith.shli %and3A_31, %shift_left3A_32 : vector<16xi32>
      %shift_right_logical3A_34 = arith.constant 7 : i32
      %shift_right_logical3A_35 = vector.broadcast %shift_right_logical3A_34 : i32 to vector<16xi32>
      %shift_right_logical3A_36 = arith.shrui %shift_right_logical3A_26, %shift_right_logical3A_35 : vector<16xi32>
      %shift_left3A_37 = arith.constant 4 : i32
      %shift_left3A_38 = vector.broadcast %shift_left3A_37 : i32 to vector<16xi32>
      %shift_left3A_39 = arith.shli %shift_right_logical3A_36, %shift_left3A_38 : vector<16xi32>
      %add3A_40 = arith.addi %shift_left3A_33, %shift_left3A_39 : vector<16xi32>
      %add3A_41 = arith.addi %add3A_40, %and3A_28 : vector<16xi32>
      tpu.vector_store_idx %arg8[%add3A_41], %broadcast_in_dim3A_11 {add = true} : memref<16384xf32, #tpu.memory_space<vmem>>[vector<16xi32>], vector<16xf32>,
      %get3A_42 = arith.index_cast %mul3A_23 : i32 to index
      %get3A_43 = tpu.vector_load %arg7[%get3A_42] {strides = array<i32>} : memref<10000xi32, #tpu.memory_space<vmem>>, vector<16xi32>,
      %shift_right_logical3A_44 = arith.constant 4 : i32
      %shift_right_logical3A_45 = vector.broadcast %shift_right_logical3A_44 : i32 to vector<16xi32>
      %shift_right_logical3A_46 = arith.shrui %get3A_43, %shift_right_logical3A_45 : vector<16xi32>
      %and3A_47 = arith.constant 15 : i32
      %and3A_48 = vector.broadcast %and3A_47 : i32 to vector<16xi32>
      %and3A_49 = arith.andi %get3A_43, %and3A_48 : vector<16xi32>
      %and3A_50 = arith.constant 127 : i32
      %and3A_51 = vector.broadcast %and3A_50 : i32 to vector<16xi32>
      %and3A_52 = arith.andi %shift_right_logical3A_46, %and3A_51 : vector<16xi32>
      %shift_left3A_53 = arith.constant 7 : i32
      %shift_left3A_54 = vector.broadcast %shift_left3A_53 : i32 to vector<16xi32>
      %shift_left3A_55 = arith.shli %and3A_52, %shift_left3A_54 : vector<16xi32>
      %shift_right_logical3A_56 = arith.constant 7 : i32
      %shift_right_logical3A_57 = vector.broadcast %shift_right_logical3A_56 : i32 to vector<16xi32>
      %shift_right_logical3A_58 = arith.shrui %shift_right_logical3A_46, %shift_right_logical3A_57 : vector<16xi32>
      %shift_left3A_59 = arith.constant 4 : i32
      %shift_left3A_60 = vector.broadcast %shift_left3A_59 : i32 to vector<16xi32>
      %shift_left3A_61 = arith.shli %shift_right_logical3A_58, %shift_left3A_60 : vector<16xi32>
      %add3A_62 = arith.addi %shift_left3A_55, %shift_left3A_61 : vector<16xi32>
      %add3A_63 = arith.addi %add3A_62, %and3A_49 : vector<16xi32>
      tpu.vector_store_idx %arg9[%add3A_63], %broadcast_in_dim3A_11 {add = true} : memref<16384xf32, #tpu.memory_space<vmem>>[vector<16xi32>], vector<16xf32>,
    }
    %scan3A_16 = arith.constant 625 : i32
    "tpu.region"() ({
      %run_scoped3A = tpu.sem_alloc : memref<!tpu.dma_semaphore, #tpu.memory_space<semaphore_mem>>
      %dma_start3A = arith.constant 0 : i32
      %dma_start3A_17 = tpu.memref_slice %arg4[%add3A, %dma_start3A] : memref<32x16384xf32, #tpu.memory_space<hbm>> -> memref<1x16384xf32, #tpu.memory_space<hbm>>
      %dma_start3A_18 = tpu.memref_squeeze %dma_start3A_17 : memref<1x16384xf32, #tpu.memory_space<hbm>> -> memref<16384xf32, #tpu.memory_space<hbm>>
      %dma_start3A_19 = arith.constant 0 : i32
      %dma_start3A_20 = tpu.memref_slice %arg4[%add3A, %dma_start3A_19] : memref<32x16384xf32, #tpu.memory_space<hbm>> -> memref<1x16384xf32, #tpu.memory_space<hbm>>
      %dma_start3A_21 = tpu.memref_squeeze %dma_start3A_20 : memref<1x16384xf32, #tpu.memory_space<hbm>> -> memref<16384xf32, #tpu.memory_space<hbm>>
      tpu.enqueue_dma source(%arg8 : memref<16384xf32, #tpu.memory_space<vmem>>) target(%dma_start3A_21 : memref<16384xf32, #tpu.memory_space<hbm>>) target_semaphore(%run_scoped3A : memref<!tpu.dma_semaphore, #tpu.memory_space<semaphore_mem>>)
      %dma_wait3A = arith.constant 0 : i32
      %dma_wait3A_22 = tpu.memref_slice %arg4[%add3A, %dma_wait3A] : memref<32x16384xf32, #tpu.memory_space<hbm>> -> memref<1x16384xf32, #tpu.memory_space<hbm>>
      %dma_wait3A_23 = tpu.memref_squeeze %dma_wait3A_22 : memref<1x16384xf32, #tpu.memory_space<hbm>> -> memref<16384xf32, #tpu.memory_space<hbm>>
      %dma_wait3A_24 = arith.constant 0 : i32
      %dma_wait3A_25 = tpu.memref_slice %arg4[%add3A, %dma_wait3A_24] : memref<32x16384xf32, #tpu.memory_space<hbm>> -> memref<1x16384xf32, #tpu.memory_space<hbm>>
      %dma_wait3A_26 = tpu.memref_squeeze %dma_wait3A_25 : memref<1x16384xf32, #tpu.memory_space<hbm>> -> memref<16384xf32, #tpu.memory_space<hbm>>
      tpu.wait_dma2 semaphore(%run_scoped3A : memref<!tpu.dma_semaphore, #tpu.memory_space<semaphore_mem>>) src(%arg8 : memref<16384xf32, #tpu.memory_space<vmem>>) dst(%dma_wait3A_26 : memref<16384xf32, #tpu.memory_space<hbm>>)
      tpu.yield
    }) : () -> ()
    "tpu.region"() ({
      %run_scoped3A = tpu.sem_alloc : memref<!tpu.dma_semaphore, #tpu.memory_space<semaphore_mem>>
      %dma_start3A = arith.constant 0 : i32
      %dma_start3A_17 = tpu.memref_slice %arg5[%add3A, %dma_start3A] : memref<32x16384xf32, #tpu.memory_space<hbm>> -> memref<1x16384xf32, #tpu.memory_space<hbm>>
      %dma_start3A_18 = tpu.memref_squeeze %dma_start3A_17 : memref<1x16384xf32, #tpu.memory_space<hbm>> -> memref<16384xf32, #tpu.memory_space<hbm>>
      %dma_start3A_19 = arith.constant 0 : i32
      %dma_start3A_20 = tpu.memref_slice %arg5[%add3A, %dma_start3A_19] : memref<32x16384xf32, #tpu.memory_space<hbm>> -> memref<1x16384xf32, #tpu.memory_space<hbm>>
      %dma_start3A_21 = tpu.memref_squeeze %dma_start3A_20 : memref<1x16384xf32, #tpu.memory_space<hbm>> -> memref<16384xf32, #tpu.memory_space<hbm>>
      tpu.enqueue_dma source(%arg9 : memref<16384xf32, #tpu.memory_space<vmem>>) target(%dma_start3A_21 : memref<16384xf32, #tpu.memory_space<hbm>>) target_semaphore(%run_scoped3A : memref<!tpu.dma_semaphore, #tpu.memory_space<semaphore_mem>>)
      %dma_wait3A = arith.constant 0 : i32
      %dma_wait3A_22 = tpu.memref_slice %arg5[%add3A, %dma_wait3A] : memref<32x16384xf32, #tpu.memory_space<hbm>> -> memref<1x16384xf32, #tpu.memory_space<hbm>>
      %dma_wait3A_23 = tpu.memref_squeeze %dma_wait3A_22 : memref<1x16384xf32, #tpu.memory_space<hbm>> -> memref<16384xf32, #tpu.memory_space<hbm>>
      %dma_wait3A_24 = arith.constant 0 : i32
      %dma_wait3A_25 = tpu.memref_slice %arg5[%add3A, %dma_wait3A_24] : memref<32x16384xf32, #tpu.memory_space<hbm>> -> memref<1x16384xf32, #tpu.memory_space<hbm>>
      %dma_wait3A_26 = tpu.memref_squeeze %dma_wait3A_25 : memref<1x16384xf32, #tpu.memory_space<hbm>> -> memref<16384xf32, #tpu.memory_space<hbm>>
      tpu.wait_dma2 semaphore(%run_scoped3A : memref<!tpu.dma_semaphore, #tpu.memory_space<semaphore_mem>>) src(%arg9 : memref<16384xf32, #tpu.memory_space<vmem>>) dst(%dma_wait3A_26 : memref<16384xf32, #tpu.memory_space<hbm>>)
      tpu.yield
    }) : () -> ()
    return
  }
}

#map = affine_map<(d0, d1) -> (0, 0)>
#map1 = affine_map<(d0, d1) -> (0)>
#map2 = affine_map<(d0, d1) -> (0, 0, 0)>
module attributes {stable_mosaic.version = 14 : i64} {
  func.func @_mix_kernel(%arg0: i32, %arg1: i32, %arg2: memref<10000x128xf32, #tpu.memory_space<hbm>>, %arg3: memref<320000x128xf32, #tpu.memory_space<hbm>>, %arg4: memref<320000xi32, #tpu.memory_space<hbm>>, %arg5: memref<320000xi32, #tpu.memory_space<hbm>>, %arg6: memref<2x10000x128xf32, #tpu.memory_space<hbm>>, %arg7: memref<80xi32, #tpu.memory_space<vmem>>, %arg8: memref<80xi32, #tpu.memory_space<vmem>>, %arg9: memref<80xi32, #tpu.memory_space<vmem>>, %arg10: memref<80xi32, #tpu.memory_space<vmem>>, %arg11: memref<80x128xf32, #tpu.memory_space<vmem>>, %arg12: memref<80x128xf32, #tpu.memory_space<vmem>>, %arg13: memref<80x128xf32, #tpu.memory_space<vmem>>, %arg14: memref<80x128xf32, #tpu.memory_space<vmem>>, %arg15: memref<!tpu.dma_semaphore, #tpu.memory_space<semaphore_mem>>, %arg16: memref<!tpu.dma_semaphore, #tpu.memory_space<semaphore_mem>>, %arg17: memref<!tpu.dma_semaphore, #tpu.memory_space<semaphore_mem>>, %arg18: memref<!tpu.dma_semaphore, #tpu.memory_space<semaphore_mem>>, %arg19: memref<!tpu.dma_semaphore, #tpu.memory_space<semaphore_mem>>, %arg20: memref<!tpu.dma_semaphore, #tpu.memory_space<semaphore_mem>>, %arg21: memref<!tpu.dma_semaphore, #tpu.memory_space<semaphore_mem>>, %arg22: memref<!tpu.dma_semaphore, #tpu.memory_space<semaphore_mem>>, %arg23: memref<10000x128xf32, #tpu.memory_space<vmem_shared>>) attributes {dimension_semantics = [#tpu.dimension_semantics<core_parallel>, #tpu.dimension_semantics<subcore_parallel>], iteration_bounds = array<i64: 2, 16>, scalar_prefetch = 0 : i64, scratch_operands = 17 : i64, tpu.core_type = #tpu.core_type<sc_vector_subcore>, window_params = [{transform_indices = #map}, {transform_indices = #map}, {transform_indices = #map1}, {transform_indices = #map1}, {transform_indices = #map2}]} {
    %mul3A = arith.constant 16 : i32
    %mul3A_0 = arith.muli %arg0, %mul3A : i32
    %add3A = arith.addi %mul3A_0, %arg1 : i32
    %mul3A_1 = arith.constant 10000 : i32
    %mul3A_2 = arith.muli %add3A, %mul3A_1 : i32
    %broadcast_in_dim3A = arith.constant 0.000000e+00 : f32
    %broadcast_in_dim3A_3 = vector.broadcast %broadcast_in_dim3A : f32 to vector<16xf32>
    %scan3A = arith.constant 0 : i32
    %scan3A_4 = arith.constant 80 : i32
    %scan3A_5 = arith.addi %scan3A, %scan3A_4 : i32
    %scan3A_6 = arith.constant 1 : i32
    scf.for %scan3A_79 = %scan3A to %scan3A_5 step %scan3A_6  : i32 {
      %mul3A_80 = arith.constant 1 : i32
      %mul3A_81 = arith.muli %scan3A_79, %mul3A_80 : i32
      %add3A_82 = arith.constant 0 : i32
      %add3A_83 = arith.addi %add3A_82, %mul3A_81 : i32
      %swap3A = arith.index_cast %add3A_83 : i32 to index
      %swap3A_84 = arith.constant 0 : index
      %swap3A_85 = tpu.vector_load %arg11[%swap3A, %swap3A_84] {strides = array<i32>} : memref<80x128xf32, #tpu.memory_space<vmem>>, vector<1x16xf32>,
      %swap3A_86 = vector.shape_cast %swap3A_85 : vector<1x16xf32> to vector<16xf32>
      %swap3A_87 = vector.shape_cast %broadcast_in_dim3A_3 : vector<16xf32> to vector<1x16xf32>
      tpu.vector_store %arg11[%swap3A, %swap3A_84], %swap3A_87 {strides = array<i32>} : memref<80x128xf32, #tpu.memory_space<vmem>>, vector<1x16xf32>,
      %swap3A_88 = arith.index_cast %add3A_83 : i32 to index
      %swap3A_89 = arith.constant 16 : index
      %swap3A_90 = tpu.vector_load %arg11[%swap3A_88, %swap3A_89] {strides = array<i32>} : memref<80x128xf32, #tpu.memory_space<vmem>>, vector<1x16xf32>,
      %swap3A_91 = vector.shape_cast %swap3A_90 : vector<1x16xf32> to vector<16xf32>
      %swap3A_92 = vector.shape_cast %broadcast_in_dim3A_3 : vector<16xf32> to vector<1x16xf32>
      tpu.vector_store %arg11[%swap3A_88, %swap3A_89], %swap3A_92 {strides = array<i32>} : memref<80x128xf32, #tpu.memory_space<vmem>>, vector<1x16xf32>,
      %swap3A_93 = arith.index_cast %add3A_83 : i32 to index
      %swap3A_94 = arith.constant 32 : index
      %swap3A_95 = tpu.vector_load %arg11[%swap3A_93, %swap3A_94] {strides = array<i32>} : memref<80x128xf32, #tpu.memory_space<vmem>>, vector<1x16xf32>,
      %swap3A_96 = vector.shape_cast %swap3A_95 : vector<1x16xf32> to vector<16xf32>
      %swap3A_97 = vector.shape_cast %broadcast_in_dim3A_3 : vector<16xf32> to vector<1x16xf32>
      tpu.vector_store %arg11[%swap3A_93, %swap3A_94], %swap3A_97 {strides = array<i32>} : memref<80x128xf32, #tpu.memory_space<vmem>>, vector<1x16xf32>,
      %swap3A_98 = arith.index_cast %add3A_83 : i32 to index
      %swap3A_99 = arith.constant 48 : index
      %swap3A_100 = tpu.vector_load %arg11[%swap3A_98, %swap3A_99] {strides = array<i32>} : memref<80x128xf32, #tpu.memory_space<vmem>>, vector<1x16xf32>,
      %swap3A_101 = vector.shape_cast %swap3A_100 : vector<1x16xf32> to vector<16xf32>
      %swap3A_102 = vector.shape_cast %broadcast_in_dim3A_3 : vector<16xf32> to vector<1x16xf32>
      tpu.vector_store %arg11[%swap3A_98, %swap3A_99], %swap3A_102 {strides = array<i32>} : memref<80x128xf32, #tpu.memory_space<vmem>>, vector<1x16xf32>,
      %swap3A_103 = arith.index_cast %add3A_83 : i32 to index
      %swap3A_104 = arith.constant 64 : index
      %swap3A_105 = tpu.vector_load %arg11[%swap3A_103, %swap3A_104] {strides = array<i32>} : memref<80x128xf32, #tpu.memory_space<vmem>>, vector<1x16xf32>,
      %swap3A_106 = vector.shape_cast %swap3A_105 : vector<1x16xf32> to vector<16xf32>
      %swap3A_107 = vector.shape_cast %broadcast_in_dim3A_3 : vector<16xf32> to vector<1x16xf32>
      tpu.vector_store %arg11[%swap3A_103, %swap3A_104], %swap3A_107 {strides = array<i32>} : memref<80x128xf32, #tpu.memory_space<vmem>>, vector<1x16xf32>,
      %swap3A_108 = arith.index_cast %add3A_83 : i32 to index
      %swap3A_109 = arith.constant 80 : index
      %swap3A_110 = tpu.vector_load %arg11[%swap3A_108, %swap3A_109] {strides = array<i32>} : memref<80x128xf32, #tpu.memory_space<vmem>>, vector<1x16xf32>,
      %swap3A_111 = vector.shape_cast %swap3A_110 : vector<1x16xf32> to vector<16xf32>
      %swap3A_112 = vector.shape_cast %broadcast_in_dim3A_3 : vector<16xf32> to vector<1x16xf32>
      tpu.vector_store %arg11[%swap3A_108, %swap3A_109], %swap3A_112 {strides = array<i32>} : memref<80x128xf32, #tpu.memory_space<vmem>>, vector<1x16xf32>,
      %swap3A_113 = arith.index_cast %add3A_83 : i32 to index
      %swap3A_114 = arith.constant 96 : index
      %swap3A_115 = tpu.vector_load %arg11[%swap3A_113, %swap3A_114] {strides = array<i32>} : memref<80x128xf32, #tpu.memory_space<vmem>>, vector<1x16xf32>,
      %swap3A_116 = vector.shape_cast %swap3A_115 : vector<1x16xf32> to vector<16xf32>
      %swap3A_117 = vector.shape_cast %broadcast_in_dim3A_3 : vector<16xf32> to vector<1x16xf32>
      tpu.vector_store %arg11[%swap3A_113, %swap3A_114], %swap3A_117 {strides = array<i32>} : memref<80x128xf32, #tpu.memory_space<vmem>>, vector<1x16xf32>,
      %swap3A_118 = arith.index_cast %add3A_83 : i32 to index
      %swap3A_119 = arith.constant 112 : index
      %swap3A_120 = tpu.vector_load %arg11[%swap3A_118, %swap3A_119] {strides = array<i32>} : memref<80x128xf32, #tpu.memory_space<vmem>>, vector<1x16xf32>,
      %swap3A_121 = vector.shape_cast %swap3A_120 : vector<1x16xf32> to vector<16xf32>
      %swap3A_122 = vector.shape_cast %broadcast_in_dim3A_3 : vector<16xf32> to vector<1x16xf32>
      tpu.vector_store %arg11[%swap3A_118, %swap3A_119], %swap3A_122 {strides = array<i32>} : memref<80x128xf32, #tpu.memory_space<vmem>>, vector<1x16xf32>,
    }
    %scan3A_7 = arith.constant 80 : i32
    %scan3A_8 = arith.constant 0 : i32
    %scan3A_9 = arith.constant 8 : i32
    %scan3A_10 = arith.addi %scan3A_8, %scan3A_9 : i32
    %scan3A_11 = arith.constant 1 : i32
    scf.for %scan3A_79 = %scan3A_8 to %scan3A_10 step %scan3A_11  : i32 {
      %mul3A_80 = arith.constant 1 : i32
      %mul3A_81 = arith.muli %scan3A_79, %mul3A_80 : i32
      %add3A_82 = arith.constant 0 : i32
      %add3A_83 = arith.addi %add3A_82, %mul3A_81 : i32
      %mul3A_84 = arith.constant 16 : i32
      %mul3A_85 = arith.muli %add3A_83, %mul3A_84 : i32
      %add3A_86 = arith.addi %arg1, %mul3A_85 : i32
      %lt3A = arith.constant 125 : i32
      %lt3A_87 = arith.cmpi slt, %add3A_86, %lt3A : i32
      %convert_element_type3A = arith.extui %lt3A_87 : i1 to i32
      %cond3A = arith.constant 0 : i32
      %cond3A_88 = arith.cmpi ne, %convert_element_type3A, %cond3A : i32
      scf.if %cond3A_88 {
        %mul3A_89 = arith.constant 80 : i32
        %mul3A_90 = arith.muli %add3A_86, %mul3A_89 : i32
        "tpu.region"() ({
          %run_scoped3A = tpu.sem_alloc : memref<!tpu.dma_semaphore, #tpu.memory_space<semaphore_mem>>
          %dma_start3A_91 = arith.constant 0 : i32
          %dma_start3A_92 = tpu.memref_slice %arg23[%mul3A_90, %dma_start3A_91] : memref<10000x128xf32, #tpu.memory_space<vmem_shared>> -> memref<80x128xf32, #tpu.memory_space<vmem_shared>>
          %dma_start3A_93 = arith.constant 0 : i32
          %dma_start3A_94 = tpu.memref_slice %arg23[%mul3A_90, %dma_start3A_93] : memref<10000x128xf32, #tpu.memory_space<vmem_shared>> -> memref<80x128xf32, #tpu.memory_space<vmem_shared>>
          tpu.enqueue_dma source(%arg11 : memref<80x128xf32, #tpu.memory_space<vmem>>) target(%dma_start3A_94 : memref<80x128xf32, #tpu.memory_space<vmem_shared>>) target_semaphore(%run_scoped3A : memref<!tpu.dma_semaphore, #tpu.memory_space<semaphore_mem>>)
          %dma_wait3A_95 = arith.constant 0 : i32
          %dma_wait3A_96 = tpu.memref_slice %arg23[%mul3A_90, %dma_wait3A_95] : memref<10000x128xf32, #tpu.memory_space<vmem_shared>> -> memref<80x128xf32, #tpu.memory_space<vmem_shared>>
          %dma_wait3A_97 = arith.constant 0 : i32
          %dma_wait3A_98 = tpu.memref_slice %arg23[%mul3A_90, %dma_wait3A_97] : memref<10000x128xf32, #tpu.memory_space<vmem_shared>> -> memref<80x128xf32, #tpu.memory_space<vmem_shared>>
          tpu.wait_dma2 semaphore(%run_scoped3A : memref<!tpu.dma_semaphore, #tpu.memory_space<semaphore_mem>>) src(%arg11 : memref<80x128xf32, #tpu.memory_space<vmem>>) dst(%dma_wait3A_98 : memref<80x128xf32, #tpu.memory_space<vmem_shared>>)
          tpu.yield
        }) : () -> ()
      } else {
      }
    }
    %scan3A_12 = arith.constant 8 : i32
    %barrier3A = arith.constant 0 : index
    tpu.barrier barrier_id(%barrier3A)
    %add3A_13 = arith.constant 0 : i32
    %add3A_14 = arith.addi %mul3A_2, %add3A_13 : i32
    %dma_start3A = tpu.memref_slice %arg4[%add3A_14] : memref<320000xi32, #tpu.memory_space<hbm>> -> memref<80xi32, #tpu.memory_space<hbm>>
    %dma_start3A_15 = tpu.memref_slice %arg4[%add3A_14] : memref<320000xi32, #tpu.memory_space<hbm>> -> memref<80xi32, #tpu.memory_space<hbm>>
    tpu.enqueue_dma source(%dma_start3A_15 : memref<80xi32, #tpu.memory_space<hbm>>) target(%arg7 : memref<80xi32, #tpu.memory_space<vmem>>) target_semaphore(%arg19 : memref<!tpu.dma_semaphore, #tpu.memory_space<semaphore_mem>>)
    %add3A_16 = arith.constant 0 : i32
    %add3A_17 = arith.addi %mul3A_2, %add3A_16 : i32
    %dma_start3A_18 = tpu.memref_slice %arg5[%add3A_17] : memref<320000xi32, #tpu.memory_space<hbm>> -> memref<80xi32, #tpu.memory_space<hbm>>
    %dma_start3A_19 = tpu.memref_slice %arg5[%add3A_17] : memref<320000xi32, #tpu.memory_space<hbm>> -> memref<80xi32, #tpu.memory_space<hbm>>
    tpu.enqueue_dma source(%dma_start3A_19 : memref<80xi32, #tpu.memory_space<hbm>>) target(%arg9 : memref<80xi32, #tpu.memory_space<vmem>>) target_semaphore(%arg21 : memref<!tpu.dma_semaphore, #tpu.memory_space<semaphore_mem>>)
    %add3A_20 = arith.constant 80 : i32
    %add3A_21 = arith.addi %mul3A_2, %add3A_20 : i32
    %dma_start3A_22 = tpu.memref_slice %arg4[%add3A_21] : memref<320000xi32, #tpu.memory_space<hbm>> -> memref<80xi32, #tpu.memory_space<hbm>>
    %dma_start3A_23 = tpu.memref_slice %arg4[%add3A_21] : memref<320000xi32, #tpu.memory_space<hbm>> -> memref<80xi32, #tpu.memory_space<hbm>>
    tpu.enqueue_dma source(%dma_start3A_23 : memref<80xi32, #tpu.memory_space<hbm>>) target(%arg8 : memref<80xi32, #tpu.memory_space<vmem>>) target_semaphore(%arg20 : memref<!tpu.dma_semaphore, #tpu.memory_space<semaphore_mem>>)
    %add3A_24 = arith.constant 80 : i32
    %add3A_25 = arith.addi %mul3A_2, %add3A_24 : i32
    %dma_start3A_26 = tpu.memref_slice %arg5[%add3A_25] : memref<320000xi32, #tpu.memory_space<hbm>> -> memref<80xi32, #tpu.memory_space<hbm>>
    %dma_start3A_27 = tpu.memref_slice %arg5[%add3A_25] : memref<320000xi32, #tpu.memory_space<hbm>> -> memref<80xi32, #tpu.memory_space<hbm>>
    tpu.enqueue_dma source(%dma_start3A_27 : memref<80xi32, #tpu.memory_space<hbm>>) target(%arg10 : memref<80xi32, #tpu.memory_space<vmem>>) target_semaphore(%arg22 : memref<!tpu.dma_semaphore, #tpu.memory_space<semaphore_mem>>)
    %add3A_28 = arith.constant 0 : i32
    %add3A_29 = arith.addi %mul3A_2, %add3A_28 : i32
    %dma_wait3A = tpu.memref_slice %arg4[%add3A_29] : memref<320000xi32, #tpu.memory_space<hbm>> -> memref<80xi32, #tpu.memory_space<hbm>>
    %dma_wait3A_30 = tpu.memref_slice %arg4[%add3A_29] : memref<320000xi32, #tpu.memory_space<hbm>> -> memref<80xi32, #tpu.memory_space<hbm>>
    tpu.wait_dma2 semaphore(%arg19 : memref<!tpu.dma_semaphore, #tpu.memory_space<semaphore_mem>>) src(%dma_wait3A_30 : memref<80xi32, #tpu.memory_space<hbm>>) dst(%arg7 : memref<80xi32, #tpu.memory_space<vmem>>)
    %add3A_31 = arith.constant 0 : i32
    %add3A_32 = arith.addi %mul3A_2, %add3A_31 : i32
    %dma_start3A_33 = arith.constant 0 : i32
    %dma_start3A_34 = arith.constant 0 : i32
    %dma_start3A_35 = tpu.memref_slice %arg2[%dma_start3A_33, %dma_start3A_34] : memref<10000x128xf32, #tpu.memory_space<hbm>> -> memref<10000x128xf32, #tpu.memory_space<hbm>>
    tpu.enqueue_indirect_dma source(%dma_start3A_35 : memref<10000x128xf32, #tpu.memory_space<hbm>>) target(%arg11 : memref<80x128xf32, #tpu.memory_space<vmem>>) offsets(%arg7 : memref<80xi32, #tpu.memory_space<vmem>>) semaphore(%arg15 : memref<!tpu.dma_semaphore, #tpu.memory_space<semaphore_mem>>)
    %dma_start3A_36 = arith.constant 0 : i32
    %dma_start3A_37 = tpu.memref_slice %arg3[%add3A_32, %dma_start3A_36] : memref<320000x128xf32, #tpu.memory_space<hbm>> -> memref<80x128xf32, #tpu.memory_space<hbm>>
    %dma_start3A_38 = arith.constant 0 : i32
    %dma_start3A_39 = tpu.memref_slice %arg3[%add3A_32, %dma_start3A_38] : memref<320000x128xf32, #tpu.memory_space<hbm>> -> memref<80x128xf32, #tpu.memory_space<hbm>>
    tpu.enqueue_dma source(%dma_start3A_39 : memref<80x128xf32, #tpu.memory_space<hbm>>) target(%arg13 : memref<80x128xf32, #tpu.memory_space<vmem>>) target_semaphore(%arg16 : memref<!tpu.dma_semaphore, #tpu.memory_space<semaphore_mem>>)
    %add3A_40 = arith.constant 80 : i32
    %add3A_41 = arith.addi %mul3A_2, %add3A_40 : i32
    %dma_wait3A_42 = tpu.memref_slice %arg4[%add3A_41] : memref<320000xi32, #tpu.memory_space<hbm>> -> memref<80xi32, #tpu.memory_space<hbm>>
    %dma_wait3A_43 = tpu.memref_slice %arg4[%add3A_41] : memref<320000xi32, #tpu.memory_space<hbm>> -> memref<80xi32, #tpu.memory_space<hbm>>
    tpu.wait_dma2 semaphore(%arg20 : memref<!tpu.dma_semaphore, #tpu.memory_space<semaphore_mem>>) src(%dma_wait3A_43 : memref<80xi32, #tpu.memory_space<hbm>>) dst(%arg8 : memref<80xi32, #tpu.memory_space<vmem>>)
    %add3A_44 = arith.constant 80 : i32
    %add3A_45 = arith.addi %mul3A_2, %add3A_44 : i32
    %dma_start3A_46 = arith.constant 0 : i32
    %dma_start3A_47 = arith.constant 0 : i32
    %dma_start3A_48 = tpu.memref_slice %arg2[%dma_start3A_46, %dma_start3A_47] : memref<10000x128xf32, #tpu.memory_space<hbm>> -> memref<10000x128xf32, #tpu.memory_space<hbm>>
    tpu.enqueue_indirect_dma source(%dma_start3A_48 : memref<10000x128xf32, #tpu.memory_space<hbm>>) target(%arg12 : memref<80x128xf32, #tpu.memory_space<vmem>>) offsets(%arg8 : memref<80xi32, #tpu.memory_space<vmem>>) semaphore(%arg17 : memref<!tpu.dma_semaphore, #tpu.memory_space<semaphore_mem>>)
    %dma_start3A_49 = arith.constant 0 : i32
    %dma_start3A_50 = tpu.memref_slice %arg3[%add3A_45, %dma_start3A_49] : memref<320000x128xf32, #tpu.memory_space<hbm>> -> memref<80x128xf32, #tpu.memory_space<hbm>>
    %dma_start3A_51 = arith.constant 0 : i32
    %dma_start3A_52 = tpu.memref_slice %arg3[%add3A_45, %dma_start3A_51] : memref<320000x128xf32, #tpu.memory_space<hbm>> -> memref<80x128xf32, #tpu.memory_space<hbm>>
    tpu.enqueue_dma source(%dma_start3A_52 : memref<80x128xf32, #tpu.memory_space<hbm>>) target(%arg14 : memref<80x128xf32, #tpu.memory_space<vmem>>) target_semaphore(%arg18 : memref<!tpu.dma_semaphore, #tpu.memory_space<semaphore_mem>>)
    %scan3A_53 = arith.constant 0 : i32
    %scan3A_54 = arith.constant 62 : i32
    %scan3A_55 = arith.addi %scan3A_53, %scan3A_54 : i32
    %scan3A_56 = arith.constant 1 : i32
    scf.for %scan3A_79 = %scan3A_53 to %scan3A_55 step %scan3A_56  : i32 {
      %mul3A_80 = arith.constant 1 : i32
      %mul3A_81 = arith.muli %scan3A_79, %mul3A_80 : i32
      %add3A_82 = arith.constant 0 : i32
      %add3A_83 = arith.addi %add3A_82, %mul3A_81 : i32
      %mul3A_84 = arith.constant 2 : i32
      %mul3A_85 = arith.muli %mul3A_84, %add3A_83 : i32
      %add3A_86 = arith.constant 2 : i32
      %add3A_87 = arith.addi %mul3A_85, %add3A_86 : i32
      %mul3A_88 = arith.constant 80 : i32
      %mul3A_89 = arith.muli %mul3A_85, %mul3A_88 : i32
      %add3A_90 = arith.addi %mul3A_2, %mul3A_89 : i32
      %dma_wait3A_91 = arith.constant 0 : i32
      %dma_wait3A_92 = arith.constant 0 : i32
      %dma_wait3A_93 = tpu.memref_slice %arg2[%dma_wait3A_91, %dma_wait3A_92] : memref<10000x128xf32, #tpu.memory_space<hbm>> -> memref<10000x128xf32, #tpu.memory_space<hbm>>
      tpu.wait_indirect_dma semaphore(%arg15 : memref<!tpu.dma_semaphore, #tpu.memory_space<semaphore_mem>>) src(%dma_wait3A_93 : memref<10000x128xf32, #tpu.memory_space<hbm>>) dst(%arg11 : memref<80x128xf32, #tpu.memory_space<vmem>>)
      %dma_wait3A_94 = arith.constant 0 : i32
      %dma_wait3A_95 = tpu.memref_slice %arg3[%add3A_90, %dma_wait3A_94] : memref<320000x128xf32, #tpu.memory_space<hbm>> -> memref<80x128xf32, #tpu.memory_space<hbm>>
      %dma_wait3A_96 = arith.constant 0 : i32
      %dma_wait3A_97 = tpu.memref_slice %arg3[%add3A_90, %dma_wait3A_96] : memref<320000x128xf32, #tpu.memory_space<hbm>> -> memref<80x128xf32, #tpu.memory_space<hbm>>
      tpu.wait_dma2 semaphore(%arg16 : memref<!tpu.dma_semaphore, #tpu.memory_space<semaphore_mem>>) src(%dma_wait3A_97 : memref<80x128xf32, #tpu.memory_space<hbm>>) dst(%arg13 : memref<80x128xf32, #tpu.memory_space<vmem>>)
      %lt3A = arith.constant 125 : i32
      %lt3A_98 = arith.cmpi slt, %add3A_87, %lt3A : i32
      %convert_element_type3A = arith.extui %lt3A_98 : i1 to i32
      %cond3A = arith.constant 0 : i32
      %cond3A_99 = arith.cmpi ne, %convert_element_type3A, %cond3A : i32
      scf.if %cond3A_99 {
        %mul3A_145 = arith.constant 80 : i32
        %mul3A_146 = arith.muli %add3A_87, %mul3A_145 : i32
        %add3A_147 = arith.addi %mul3A_2, %mul3A_146 : i32
        %dma_start3A_148 = tpu.memref_slice %arg4[%add3A_147] : memref<320000xi32, #tpu.memory_space<hbm>> -> memref<80xi32, #tpu.memory_space<hbm>>
        %dma_start3A_149 = tpu.memref_slice %arg4[%add3A_147] : memref<320000xi32, #tpu.memory_space<hbm>> -> memref<80xi32, #tpu.memory_space<hbm>>
        tpu.enqueue_dma source(%dma_start3A_149 : memref<80xi32, #tpu.memory_space<hbm>>) target(%arg7 : memref<80xi32, #tpu.memory_space<vmem>>) target_semaphore(%arg19 : memref<!tpu.dma_semaphore, #tpu.memory_space<semaphore_mem>>)
      } else {
      }
      %mul3A_100 = arith.constant 80 : i32
      %mul3A_101 = arith.muli %mul3A_85, %mul3A_100 : i32
      %add3A_102 = arith.addi %mul3A_2, %mul3A_101 : i32
      %dma_wait3A_103 = tpu.memref_slice %arg5[%add3A_102] : memref<320000xi32, #tpu.memory_space<hbm>> -> memref<80xi32, #tpu.memory_space<hbm>>
      %dma_wait3A_104 = tpu.memref_slice %arg5[%add3A_102] : memref<320000xi32, #tpu.memory_space<hbm>> -> memref<80xi32, #tpu.memory_space<hbm>>
      tpu.wait_dma2 semaphore(%arg21 : memref<!tpu.dma_semaphore, #tpu.memory_space<semaphore_mem>>) src(%dma_wait3A_104 : memref<80xi32, #tpu.memory_space<hbm>>) dst(%arg9 : memref<80xi32, #tpu.memory_space<vmem>>)
      %parallel_loop3A_105 = arith.constant 0 : i32
      %parallel_loop3A_106 = arith.constant 80 : i32
      %parallel_loop3A_107 = arith.constant 1 : i32
      scf.for %parallel_loop3A_145 = %parallel_loop3A_105 to %parallel_loop3A_106 step %parallel_loop3A_107  : i32 {
        %parallel_loop3A_146 = arith.index_cast %parallel_loop3A_145 : i32 to index
        %parallel_loop3A_147 = arith.constant 0 : index
        %parallel_loop3A_148 = tpu.vector_load %arg11[%parallel_loop3A_146, %parallel_loop3A_147] {strides = array<i32>} : memref<80x128xf32, #tpu.memory_space<vmem>>, vector<1x16xf32>,
        %parallel_loop3A_149 = vector.shape_cast %parallel_loop3A_148 : vector<1x16xf32> to vector<16xf32>
        %parallel_loop3A_150 = arith.index_cast %parallel_loop3A_145 : i32 to index
        %parallel_loop3A_151 = arith.constant 0 : index
        %parallel_loop3A_152 = tpu.vector_load %arg13[%parallel_loop3A_150, %parallel_loop3A_151] {strides = array<i32>} : memref<80x128xf32, #tpu.memory_space<vmem>>, vector<1x16xf32>,
        %parallel_loop3A_153 = vector.shape_cast %parallel_loop3A_152 : vector<1x16xf32> to vector<16xf32>
        %parallel_loop3A_154 = arith.mulf %parallel_loop3A_149, %parallel_loop3A_153 : vector<16xf32>
        %parallel_loop3A_155 = arith.index_cast %parallel_loop3A_145 : i32 to index
        %parallel_loop3A_156 = arith.constant 0 : index
        %parallel_loop3A_157 = tpu.vector_load %arg11[%parallel_loop3A_155, %parallel_loop3A_156] {strides = array<i32>} : memref<80x128xf32, #tpu.memory_space<vmem>>, vector<1x16xf32>,
        %parallel_loop3A_158 = vector.shape_cast %parallel_loop3A_157 : vector<1x16xf32> to vector<16xf32>
        %parallel_loop3A_159 = vector.shape_cast %parallel_loop3A_154 : vector<16xf32> to vector<1x16xf32>
        tpu.vector_store %arg11[%parallel_loop3A_155, %parallel_loop3A_156], %parallel_loop3A_159 {strides = array<i32>} : memref<80x128xf32, #tpu.memory_space<vmem>>, vector<1x16xf32>,
        %parallel_loop3A_160 = arith.index_cast %parallel_loop3A_145 : i32 to index
        %parallel_loop3A_161 = arith.constant 16 : index
        %parallel_loop3A_162 = tpu.vector_load %arg11[%parallel_loop3A_160, %parallel_loop3A_161] {strides = array<i32>} : memref<80x128xf32, #tpu.memory_space<vmem>>, vector<1x16xf32>,
        %parallel_loop3A_163 = vector.shape_cast %parallel_loop3A_162 : vector<1x16xf32> to vector<16xf32>
        %parallel_loop3A_164 = arith.index_cast %parallel_loop3A_145 : i32 to index
        %parallel_loop3A_165 = arith.constant 16 : index
        %parallel_loop3A_166 = tpu.vector_load %arg13[%parallel_loop3A_164, %parallel_loop3A_165] {strides = array<i32>} : memref<80x128xf32, #tpu.memory_space<vmem>>, vector<1x16xf32>,
        %parallel_loop3A_167 = vector.shape_cast %parallel_loop3A_166 : vector<1x16xf32> to vector<16xf32>
        %parallel_loop3A_168 = arith.mulf %parallel_loop3A_163, %parallel_loop3A_167 : vector<16xf32>
        %parallel_loop3A_169 = arith.index_cast %parallel_loop3A_145 : i32 to index
        %parallel_loop3A_170 = arith.constant 16 : index
        %parallel_loop3A_171 = tpu.vector_load %arg11[%parallel_loop3A_169, %parallel_loop3A_170] {strides = array<i32>} : memref<80x128xf32, #tpu.memory_space<vmem>>, vector<1x16xf32>,
        %parallel_loop3A_172 = vector.shape_cast %parallel_loop3A_171 : vector<1x16xf32> to vector<16xf32>
        %parallel_loop3A_173 = vector.shape_cast %parallel_loop3A_168 : vector<16xf32> to vector<1x16xf32>
        tpu.vector_store %arg11[%parallel_loop3A_169, %parallel_loop3A_170], %parallel_loop3A_173 {strides = array<i32>} : memref<80x128xf32, #tpu.memory_space<vmem>>, vector<1x16xf32>,
        %parallel_loop3A_174 = arith.index_cast %parallel_loop3A_145 : i32 to index
        %parallel_loop3A_175 = arith.constant 32 : index
        %parallel_loop3A_176 = tpu.vector_load %arg11[%parallel_loop3A_174, %parallel_loop3A_175] {strides = array<i32>} : memref<80x128xf32, #tpu.memory_space<vmem>>, vector<1x16xf32>,
        %parallel_loop3A_177 = vector.shape_cast %parallel_loop3A_176 : vector<1x16xf32> to vector<16xf32>
        %parallel_loop3A_178 = arith.index_cast %parallel_loop3A_145 : i32 to index
        %parallel_loop3A_179 = arith.constant 32 : index
        %parallel_loop3A_180 = tpu.vector_load %arg13[%parallel_loop3A_178, %parallel_loop3A_179] {strides = array<i32>} : memref<80x128xf32, #tpu.memory_space<vmem>>, vector<1x16xf32>,
        %parallel_loop3A_181 = vector.shape_cast %parallel_loop3A_180 : vector<1x16xf32> to vector<16xf32>
        %parallel_loop3A_182 = arith.mulf %parallel_loop3A_177, %parallel_loop3A_181 : vector<16xf32>
        %parallel_loop3A_183 = arith.index_cast %parallel_loop3A_145 : i32 to index
        %parallel_loop3A_184 = arith.constant 32 : index
        %parallel_loop3A_185 = tpu.vector_load %arg11[%parallel_loop3A_183, %parallel_loop3A_184] {strides = array<i32>} : memref<80x128xf32, #tpu.memory_space<vmem>>, vector<1x16xf32>,
        %parallel_loop3A_186 = vector.shape_cast %parallel_loop3A_185 : vector<1x16xf32> to vector<16xf32>
        %parallel_loop3A_187 = vector.shape_cast %parallel_loop3A_182 : vector<16xf32> to vector<1x16xf32>
        tpu.vector_store %arg11[%parallel_loop3A_183, %parallel_loop3A_184], %parallel_loop3A_187 {strides = array<i32>} : memref<80x128xf32, #tpu.memory_space<vmem>>, vector<1x16xf32>,
        %parallel_loop3A_188 = arith.index_cast %parallel_loop3A_145 : i32 to index
        %parallel_loop3A_189 = arith.constant 48 : index
        %parallel_loop3A_190 = tpu.vector_load %arg11[%parallel_loop3A_188, %parallel_loop3A_189] {strides = array<i32>} : memref<80x128xf32, #tpu.memory_space<vmem>>, vector<1x16xf32>,
        %parallel_loop3A_191 = vector.shape_cast %parallel_loop3A_190 : vector<1x16xf32> to vector<16xf32>
        %parallel_loop3A_192 = arith.index_cast %parallel_loop3A_145 : i32 to index
        %parallel_loop3A_193 = arith.constant 48 : index
        %parallel_loop3A_194 = tpu.vector_load %arg13[%parallel_loop3A_192, %parallel_loop3A_193] {strides = array<i32>} : memref<80x128xf32, #tpu.memory_space<vmem>>, vector<1x16xf32>,
        %parallel_loop3A_195 = vector.shape_cast %parallel_loop3A_194 : vector<1x16xf32> to vector<16xf32>
        %parallel_loop3A_196 = arith.mulf %parallel_loop3A_191, %parallel_loop3A_195 : vector<16xf32>
        %parallel_loop3A_197 = arith.index_cast %parallel_loop3A_145 : i32 to index
        %parallel_loop3A_198 = arith.constant 48 : index
        %parallel_loop3A_199 = tpu.vector_load %arg11[%parallel_loop3A_197, %parallel_loop3A_198] {strides = array<i32>} : memref<80x128xf32, #tpu.memory_space<vmem>>, vector<1x16xf32>,
        %parallel_loop3A_200 = vector.shape_cast %parallel_loop3A_199 : vector<1x16xf32> to vector<16xf32>
        %parallel_loop3A_201 = vector.shape_cast %parallel_loop3A_196 : vector<16xf32> to vector<1x16xf32>
        tpu.vector_store %arg11[%parallel_loop3A_197, %parallel_loop3A_198], %parallel_loop3A_201 {strides = array<i32>} : memref<80x128xf32, #tpu.memory_space<vmem>>, vector<1x16xf32>,
        %parallel_loop3A_202 = arith.index_cast %parallel_loop3A_145 : i32 to index
        %parallel_loop3A_203 = arith.constant 64 : index
        %parallel_loop3A_204 = tpu.vector_load %arg11[%parallel_loop3A_202, %parallel_loop3A_203] {strides = array<i32>} : memref<80x128xf32, #tpu.memory_space<vmem>>, vector<1x16xf32>,
        %parallel_loop3A_205 = vector.shape_cast %parallel_loop3A_204 : vector<1x16xf32> to vector<16xf32>
        %parallel_loop3A_206 = arith.index_cast %parallel_loop3A_145 : i32 to index
        %parallel_loop3A_207 = arith.constant 64 : index
        %parallel_loop3A_208 = tpu.vector_load %arg13[%parallel_loop3A_206, %parallel_loop3A_207] {strides = array<i32>} : memref<80x128xf32, #tpu.memory_space<vmem>>, vector<1x16xf32>,
        %parallel_loop3A_209 = vector.shape_cast %parallel_loop3A_208 : vector<1x16xf32> to vector<16xf32>
        %parallel_loop3A_210 = arith.mulf %parallel_loop3A_205, %parallel_loop3A_209 : vector<16xf32>
        %parallel_loop3A_211 = arith.index_cast %parallel_loop3A_145 : i32 to index
        %parallel_loop3A_212 = arith.constant 64 : index
        %parallel_loop3A_213 = tpu.vector_load %arg11[%parallel_loop3A_211, %parallel_loop3A_212] {strides = array<i32>} : memref<80x128xf32, #tpu.memory_space<vmem>>, vector<1x16xf32>,
        %parallel_loop3A_214 = vector.shape_cast %parallel_loop3A_213 : vector<1x16xf32> to vector<16xf32>
        %parallel_loop3A_215 = vector.shape_cast %parallel_loop3A_210 : vector<16xf32> to vector<1x16xf32>
        tpu.vector_store %arg11[%parallel_loop3A_211, %parallel_loop3A_212], %parallel_loop3A_215 {strides = array<i32>} : memref<80x128xf32, #tpu.memory_space<vmem>>, vector<1x16xf32>,
        %parallel_loop3A_216 = arith.index_cast %parallel_loop3A_145 : i32 to index
        %parallel_loop3A_217 = arith.constant 80 : index
        %parallel_loop3A_218 = tpu.vector_load %arg11[%parallel_loop3A_216, %parallel_loop3A_217] {strides = array<i32>} : memref<80x128xf32, #tpu.memory_space<vmem>>, vector<1x16xf32>,
        %parallel_loop3A_219 = vector.shape_cast %parallel_loop3A_218 : vector<1x16xf32> to vector<16xf32>
        %parallel_loop3A_220 = arith.index_cast %parallel_loop3A_145 : i32 to index
        %parallel_loop3A_221 = arith.constant 80 : index
        %parallel_loop3A_222 = tpu.vector_load %arg13[%parallel_loop3A_220, %parallel_loop3A_221] {strides = array<i32>} : memref<80x128xf32, #tpu.memory_space<vmem>>, vector<1x16xf32>,
        %parallel_loop3A_223 = vector.shape_cast %parallel_loop3A_222 : vector<1x16xf32> to vector<16xf32>
        %parallel_loop3A_224 = arith.mulf %parallel_loop3A_219, %parallel_loop3A_223 : vector<16xf32>
        %parallel_loop3A_225 = arith.index_cast %parallel_loop3A_145 : i32 to index
        %parallel_loop3A_226 = arith.constant 80 : index
        %parallel_loop3A_227 = tpu.vector_load %arg11[%parallel_loop3A_225, %parallel_loop3A_226] {strides = array<i32>} : memref<80x128xf32, #tpu.memory_space<vmem>>, vector<1x16xf32>,
        %parallel_loop3A_228 = vector.shape_cast %parallel_loop3A_227 : vector<1x16xf32> to vector<16xf32>
        %parallel_loop3A_229 = vector.shape_cast %parallel_loop3A_224 : vector<16xf32> to vector<1x16xf32>
        tpu.vector_store %arg11[%parallel_loop3A_225, %parallel_loop3A_226], %parallel_loop3A_229 {strides = array<i32>} : memref<80x128xf32, #tpu.memory_space<vmem>>, vector<1x16xf32>,
        %parallel_loop3A_230 = arith.index_cast %parallel_loop3A_145 : i32 to index
        %parallel_loop3A_231 = arith.constant 96 : index
        %parallel_loop3A_232 = tpu.vector_load %arg11[%parallel_loop3A_230, %parallel_loop3A_231] {strides = array<i32>} : memref<80x128xf32, #tpu.memory_space<vmem>>, vector<1x16xf32>,
        %parallel_loop3A_233 = vector.shape_cast %parallel_loop3A_232 : vector<1x16xf32> to vector<16xf32>
        %parallel_loop3A_234 = arith.index_cast %parallel_loop3A_145 : i32 to index
        %parallel_loop3A_235 = arith.constant 96 : index
        %parallel_loop3A_236 = tpu.vector_load %arg13[%parallel_loop3A_234, %parallel_loop3A_235] {strides = array<i32>} : memref<80x128xf32, #tpu.memory_space<vmem>>, vector<1x16xf32>,
        %parallel_loop3A_237 = vector.shape_cast %parallel_loop3A_236 : vector<1x16xf32> to vector<16xf32>
        %parallel_loop3A_238 = arith.mulf %parallel_loop3A_233, %parallel_loop3A_237 : vector<16xf32>
        %parallel_loop3A_239 = arith.index_cast %parallel_loop3A_145 : i32 to index
        %parallel_loop3A_240 = arith.constant 96 : index
        %parallel_loop3A_241 = tpu.vector_load %arg11[%parallel_loop3A_239, %parallel_loop3A_240] {strides = array<i32>} : memref<80x128xf32, #tpu.memory_space<vmem>>, vector<1x16xf32>,
        %parallel_loop3A_242 = vector.shape_cast %parallel_loop3A_241 : vector<1x16xf32> to vector<16xf32>
        %parallel_loop3A_243 = vector.shape_cast %parallel_loop3A_238 : vector<16xf32> to vector<1x16xf32>
        tpu.vector_store %arg11[%parallel_loop3A_239, %parallel_loop3A_240], %parallel_loop3A_243 {strides = array<i32>} : memref<80x128xf32, #tpu.memory_space<vmem>>, vector<1x16xf32>,
        %parallel_loop3A_244 = arith.index_cast %parallel_loop3A_145 : i32 to index
        %parallel_loop3A_245 = arith.constant 112 : index
        %parallel_loop3A_246 = tpu.vector_load %arg11[%parallel_loop3A_244, %parallel_loop3A_245] {strides = array<i32>} : memref<80x128xf32, #tpu.memory_space<vmem>>, vector<1x16xf32>,
        %parallel_loop3A_247 = vector.shape_cast %parallel_loop3A_246 : vector<1x16xf32> to vector<16xf32>
        %parallel_loop3A_248 = arith.index_cast %parallel_loop3A_145 : i32 to index
        %parallel_loop3A_249 = arith.constant 112 : index
        %parallel_loop3A_250 = tpu.vector_load %arg13[%parallel_loop3A_248, %parallel_loop3A_249] {strides = array<i32>} : memref<80x128xf32, #tpu.memory_space<vmem>>, vector<1x16xf32>,
        %parallel_loop3A_251 = vector.shape_cast %parallel_loop3A_250 : vector<1x16xf32> to vector<16xf32>
        %parallel_loop3A_252 = arith.mulf %parallel_loop3A_247, %parallel_loop3A_251 : vector<16xf32>
        %parallel_loop3A_253 = arith.index_cast %parallel_loop3A_145 : i32 to index
        %parallel_loop3A_254 = arith.constant 112 : index
        %parallel_loop3A_255 = tpu.vector_load %arg11[%parallel_loop3A_253, %parallel_loop3A_254] {strides = array<i32>} : memref<80x128xf32, #tpu.memory_space<vmem>>, vector<1x16xf32>,
        %parallel_loop3A_256 = vector.shape_cast %parallel_loop3A_255 : vector<1x16xf32> to vector<16xf32>
        %parallel_loop3A_257 = vector.shape_cast %parallel_loop3A_252 : vector<16xf32> to vector<1x16xf32>
        tpu.vector_store %arg11[%parallel_loop3A_253, %parallel_loop3A_254], %parallel_loop3A_257 {strides = array<i32>} : memref<80x128xf32, #tpu.memory_space<vmem>>, vector<1x16xf32>,
      } {sc.loop_unroll_factor = 4 : i64, sc.parallel_access}
      "tpu.region"() ({
        %run_scoped3A = tpu.sem_alloc : memref<!tpu.dma_semaphore, #tpu.memory_space<semaphore_mem>>
        %dma_start3A_145 = arith.constant 0 : i32
        %dma_start3A_146 = arith.constant 0 : i32
        %dma_start3A_147 = tpu.memref_slice %arg23[%dma_start3A_145, %dma_start3A_146] : memref<10000x128xf32, #tpu.memory_space<vmem_shared>> -> memref<10000x128xf32, #tpu.memory_space<vmem_shared>>
        tpu.enqueue_indirect_dma source(%arg11 : memref<80x128xf32, #tpu.memory_space<vmem>>) target(%dma_start3A_147 : memref<10000x128xf32, #tpu.memory_space<vmem_shared>>) offsets(%arg9 : memref<80xi32, #tpu.memory_space<vmem>>) semaphore(%run_scoped3A : memref<!tpu.dma_semaphore, #tpu.memory_space<semaphore_mem>>) {add = true}
        %dma_wait3A_148 = arith.constant 0 : i32
        %dma_wait3A_149 = arith.constant 0 : i32
        %dma_wait3A_150 = tpu.memref_slice %arg23[%dma_wait3A_148, %dma_wait3A_149] : memref<10000x128xf32, #tpu.memory_space<vmem_shared>> -> memref<10000x128xf32, #tpu.memory_space<vmem_shared>>
        tpu.wait_indirect_dma semaphore(%run_scoped3A : memref<!tpu.dma_semaphore, #tpu.memory_space<semaphore_mem>>) src(%arg11 : memref<80x128xf32, #tpu.memory_space<vmem>>) dst(%dma_wait3A_150 : memref<10000x128xf32, #tpu.memory_space<vmem_shared>>)
        tpu.yield
      }) : () -> ()
      %lt3A_108 = arith.constant 125 : i32
      %lt3A_109 = arith.cmpi slt, %add3A_87, %lt3A_108 : i32
      %convert_element_type3A_110 = arith.extui %lt3A_109 : i1 to i32
      %cond3A_111 = arith.constant 0 : i32
      %cond3A_112 = arith.cmpi ne, %convert_element_type3A_110, %cond3A_111 : i32
      scf.if %cond3A_112 {
        %mul3A_145 = arith.constant 80 : i32
        %mul3A_146 = arith.muli %add3A_87, %mul3A_145 : i32
        %add3A_147 = arith.addi %mul3A_2, %mul3A_146 : i32
        %dma_start3A_148 = tpu.memref_slice %arg5[%add3A_147] : memref<320000xi32, #tpu.memory_space<hbm>> -> memref<80xi32, #tpu.memory_space<hbm>>
        %dma_start3A_149 = tpu.memref_slice %arg5[%add3A_147] : memref<320000xi32, #tpu.memory_space<hbm>> -> memref<80xi32, #tpu.memory_space<hbm>>
        tpu.enqueue_dma source(%dma_start3A_149 : memref<80xi32, #tpu.memory_space<hbm>>) target(%arg9 : memref<80xi32, #tpu.memory_space<vmem>>) target_semaphore(%arg21 : memref<!tpu.dma_semaphore, #tpu.memory_space<semaphore_mem>>)
        %mul3A_150 = arith.constant 80 : i32
        %mul3A_151 = arith.muli %add3A_87, %mul3A_150 : i32
        %add3A_152 = arith.addi %mul3A_2, %mul3A_151 : i32
        %dma_wait3A_153 = tpu.memref_slice %arg4[%add3A_152] : memref<320000xi32, #tpu.memory_space<hbm>> -> memref<80xi32, #tpu.memory_space<hbm>>
        %dma_wait3A_154 = tpu.memref_slice %arg4[%add3A_152] : memref<320000xi32, #tpu.memory_space<hbm>> -> memref<80xi32, #tpu.memory_space<hbm>>
        tpu.wait_dma2 semaphore(%arg19 : memref<!tpu.dma_semaphore, #tpu.memory_space<semaphore_mem>>) src(%dma_wait3A_154 : memref<80xi32, #tpu.memory_space<hbm>>) dst(%arg7 : memref<80xi32, #tpu.memory_space<vmem>>)
        %mul3A_155 = arith.constant 80 : i32
        %mul3A_156 = arith.muli %add3A_87, %mul3A_155 : i32
        %add3A_157 = arith.addi %mul3A_2, %mul3A_156 : i32
        %dma_start3A_158 = arith.constant 0 : i32
        %dma_start3A_159 = arith.constant 0 : i32
        %dma_start3A_160 = tpu.memref_slice %arg2[%dma_start3A_158, %dma_start3A_159] : memref<10000x128xf32, #tpu.memory_space<hbm>> -> memref<10000x128xf32, #tpu.memory_space<hbm>>
        tpu.enqueue_indirect_dma source(%dma_start3A_160 : memref<10000x128xf32, #tpu.memory_space<hbm>>) target(%arg11 : memref<80x128xf32, #tpu.memory_space<vmem>>) offsets(%arg7 : memref<80xi32, #tpu.memory_space<vmem>>) semaphore(%arg15 : memref<!tpu.dma_semaphore, #tpu.memory_space<semaphore_mem>>)
        %dma_start3A_161 = arith.constant 0 : i32
        %dma_start3A_162 = tpu.memref_slice %arg3[%add3A_157, %dma_start3A_161] : memref<320000x128xf32, #tpu.memory_space<hbm>> -> memref<80x128xf32, #tpu.memory_space<hbm>>
        %dma_start3A_163 = arith.constant 0 : i32
        %dma_start3A_164 = tpu.memref_slice %arg3[%add3A_157, %dma_start3A_163] : memref<320000x128xf32, #tpu.memory_space<hbm>> -> memref<80x128xf32, #tpu.memory_space<hbm>>
        tpu.enqueue_dma source(%dma_start3A_164 : memref<80x128xf32, #tpu.memory_space<hbm>>) target(%arg13 : memref<80x128xf32, #tpu.memory_space<vmem>>) target_semaphore(%arg16 : memref<!tpu.dma_semaphore, #tpu.memory_space<semaphore_mem>>)
      } else {
      }
      %add3A_113 = arith.constant 1 : i32
      %add3A_114 = arith.addi %mul3A_85, %add3A_113 : i32
      %add3A_115 = arith.constant 3 : i32
      %add3A_116 = arith.addi %mul3A_85, %add3A_115 : i32
      %mul3A_117 = arith.constant 80 : i32
      %mul3A_118 = arith.muli %add3A_114, %mul3A_117 : i32
      %add3A_119 = arith.addi %mul3A_2, %mul3A_118 : i32
      %dma_wait3A_120 = arith.constant 0 : i32
      %dma_wait3A_121 = arith.constant 0 : i32
      %dma_wait3A_122 = tpu.memref_slice %arg2[%dma_wait3A_120, %dma_wait3A_121] : memref<10000x128xf32, #tpu.memory_space<hbm>> -> memref<10000x128xf32, #tpu.memory_space<hbm>>
      tpu.wait_indirect_dma semaphore(%arg17 : memref<!tpu.dma_semaphore, #tpu.memory_space<semaphore_mem>>) src(%dma_wait3A_122 : memref<10000x128xf32, #tpu.memory_space<hbm>>) dst(%arg12 : memref<80x128xf32, #tpu.memory_space<vmem>>)
      %dma_wait3A_123 = arith.constant 0 : i32
      %dma_wait3A_124 = tpu.memref_slice %arg3[%add3A_119, %dma_wait3A_123] : memref<320000x128xf32, #tpu.memory_space<hbm>> -> memref<80x128xf32, #tpu.memory_space<hbm>>
      %dma_wait3A_125 = arith.constant 0 : i32
      %dma_wait3A_126 = tpu.memref_slice %arg3[%add3A_119, %dma_wait3A_125] : memref<320000x128xf32, #tpu.memory_space<hbm>> -> memref<80x128xf32, #tpu.memory_space<hbm>>
      tpu.wait_dma2 semaphore(%arg18 : memref<!tpu.dma_semaphore, #tpu.memory_space<semaphore_mem>>) src(%dma_wait3A_126 : memref<80x128xf32, #tpu.memory_space<hbm>>) dst(%arg14 : memref<80x128xf32, #tpu.memory_space<vmem>>)
      %lt3A_127 = arith.constant 125 : i32
      %lt3A_128 = arith.cmpi slt, %add3A_116, %lt3A_127 : i32
      %convert_element_type3A_129 = arith.extui %lt3A_128 : i1 to i32
      %cond3A_130 = arith.constant 0 : i32
      %cond3A_131 = arith.cmpi ne, %convert_element_type3A_129, %cond3A_130 : i32
      scf.if %cond3A_131 {
        %mul3A_145 = arith.constant 80 : i32
        %mul3A_146 = arith.muli %add3A_116, %mul3A_145 : i32
        %add3A_147 = arith.addi %mul3A_2, %mul3A_146 : i32
        %dma_start3A_148 = tpu.memref_slice %arg4[%add3A_147] : memref<320000xi32, #tpu.memory_space<hbm>> -> memref<80xi32, #tpu.memory_space<hbm>>
        %dma_start3A_149 = tpu.memref_slice %arg4[%add3A_147] : memref<320000xi32, #tpu.memory_space<hbm>> -> memref<80xi32, #tpu.memory_space<hbm>>
        tpu.enqueue_dma source(%dma_start3A_149 : memref<80xi32, #tpu.memory_space<hbm>>) target(%arg8 : memref<80xi32, #tpu.memory_space<vmem>>) target_semaphore(%arg20 : memref<!tpu.dma_semaphore, #tpu.memory_space<semaphore_mem>>)
      } else {
      }
      %mul3A_132 = arith.constant 80 : i32
      %mul3A_133 = arith.muli %add3A_114, %mul3A_132 : i32
      %add3A_134 = arith.addi %mul3A_2, %mul3A_133 : i32
      %dma_wait3A_135 = tpu.memref_slice %arg5[%add3A_134] : memref<320000xi32, #tpu.memory_space<hbm>> -> memref<80xi32, #tpu.memory_space<hbm>>
      %dma_wait3A_136 = tpu.memref_slice %arg5[%add3A_134] : memref<320000xi32, #tpu.memory_space<hbm>> -> memref<80xi32, #tpu.memory_space<hbm>>
      tpu.wait_dma2 semaphore(%arg22 : memref<!tpu.dma_semaphore, #tpu.memory_space<semaphore_mem>>) src(%dma_wait3A_136 : memref<80xi32, #tpu.memory_space<hbm>>) dst(%arg10 : memref<80xi32, #tpu.memory_space<vmem>>)
      %parallel_loop3A_137 = arith.constant 0 : i32
      %parallel_loop3A_138 = arith.constant 80 : i32
      %parallel_loop3A_139 = arith.constant 1 : i32
      scf.for %parallel_loop3A_145 = %parallel_loop3A_137 to %parallel_loop3A_138 step %parallel_loop3A_139  : i32 {
        %parallel_loop3A_146 = arith.index_cast %parallel_loop3A_145 : i32 to index
        %parallel_loop3A_147 = arith.constant 0 : index
        %parallel_loop3A_148 = tpu.vector_load %arg12[%parallel_loop3A_146, %parallel_loop3A_147] {strides = array<i32>} : memref<80x128xf32, #tpu.memory_space<vmem>>, vector<1x16xf32>,
        %parallel_loop3A_149 = vector.shape_cast %parallel_loop3A_148 : vector<1x16xf32> to vector<16xf32>
        %parallel_loop3A_150 = arith.index_cast %parallel_loop3A_145 : i32 to index
        %parallel_loop3A_151 = arith.constant 0 : index
        %parallel_loop3A_152 = tpu.vector_load %arg14[%parallel_loop3A_150, %parallel_loop3A_151] {strides = array<i32>} : memref<80x128xf32, #tpu.memory_space<vmem>>, vector<1x16xf32>,
        %parallel_loop3A_153 = vector.shape_cast %parallel_loop3A_152 : vector<1x16xf32> to vector<16xf32>
        %parallel_loop3A_154 = arith.mulf %parallel_loop3A_149, %parallel_loop3A_153 : vector<16xf32>
        %parallel_loop3A_155 = arith.index_cast %parallel_loop3A_145 : i32 to index
        %parallel_loop3A_156 = arith.constant 0 : index
        %parallel_loop3A_157 = tpu.vector_load %arg12[%parallel_loop3A_155, %parallel_loop3A_156] {strides = array<i32>} : memref<80x128xf32, #tpu.memory_space<vmem>>, vector<1x16xf32>,
        %parallel_loop3A_158 = vector.shape_cast %parallel_loop3A_157 : vector<1x16xf32> to vector<16xf32>
        %parallel_loop3A_159 = vector.shape_cast %parallel_loop3A_154 : vector<16xf32> to vector<1x16xf32>
        tpu.vector_store %arg12[%parallel_loop3A_155, %parallel_loop3A_156], %parallel_loop3A_159 {strides = array<i32>} : memref<80x128xf32, #tpu.memory_space<vmem>>, vector<1x16xf32>,
        %parallel_loop3A_160 = arith.index_cast %parallel_loop3A_145 : i32 to index
        %parallel_loop3A_161 = arith.constant 16 : index
        %parallel_loop3A_162 = tpu.vector_load %arg12[%parallel_loop3A_160, %parallel_loop3A_161] {strides = array<i32>} : memref<80x128xf32, #tpu.memory_space<vmem>>, vector<1x16xf32>,
        %parallel_loop3A_163 = vector.shape_cast %parallel_loop3A_162 : vector<1x16xf32> to vector<16xf32>
        %parallel_loop3A_164 = arith.index_cast %parallel_loop3A_145 : i32 to index
        %parallel_loop3A_165 = arith.constant 16 : index
        %parallel_loop3A_166 = tpu.vector_load %arg14[%parallel_loop3A_164, %parallel_loop3A_165] {strides = array<i32>} : memref<80x128xf32, #tpu.memory_space<vmem>>, vector<1x16xf32>,
        %parallel_loop3A_167 = vector.shape_cast %parallel_loop3A_166 : vector<1x16xf32> to vector<16xf32>
        %parallel_loop3A_168 = arith.mulf %parallel_loop3A_163, %parallel_loop3A_167 : vector<16xf32>
        %parallel_loop3A_169 = arith.index_cast %parallel_loop3A_145 : i32 to index
        %parallel_loop3A_170 = arith.constant 16 : index
        %parallel_loop3A_171 = tpu.vector_load %arg12[%parallel_loop3A_169, %parallel_loop3A_170] {strides = array<i32>} : memref<80x128xf32, #tpu.memory_space<vmem>>, vector<1x16xf32>,
        %parallel_loop3A_172 = vector.shape_cast %parallel_loop3A_171 : vector<1x16xf32> to vector<16xf32>
        %parallel_loop3A_173 = vector.shape_cast %parallel_loop3A_168 : vector<16xf32> to vector<1x16xf32>
        tpu.vector_store %arg12[%parallel_loop3A_169, %parallel_loop3A_170], %parallel_loop3A_173 {strides = array<i32>} : memref<80x128xf32, #tpu.memory_space<vmem>>, vector<1x16xf32>,
        %parallel_loop3A_174 = arith.index_cast %parallel_loop3A_145 : i32 to index
        %parallel_loop3A_175 = arith.constant 32 : index
        %parallel_loop3A_176 = tpu.vector_load %arg12[%parallel_loop3A_174, %parallel_loop3A_175] {strides = array<i32>} : memref<80x128xf32, #tpu.memory_space<vmem>>, vector<1x16xf32>,
        %parallel_loop3A_177 = vector.shape_cast %parallel_loop3A_176 : vector<1x16xf32> to vector<16xf32>
        %parallel_loop3A_178 = arith.index_cast %parallel_loop3A_145 : i32 to index
        %parallel_loop3A_179 = arith.constant 32 : index
        %parallel_loop3A_180 = tpu.vector_load %arg14[%parallel_loop3A_178, %parallel_loop3A_179] {strides = array<i32>} : memref<80x128xf32, #tpu.memory_space<vmem>>, vector<1x16xf32>,
        %parallel_loop3A_181 = vector.shape_cast %parallel_loop3A_180 : vector<1x16xf32> to vector<16xf32>
        %parallel_loop3A_182 = arith.mulf %parallel_loop3A_177, %parallel_loop3A_181 : vector<16xf32>
        %parallel_loop3A_183 = arith.index_cast %parallel_loop3A_145 : i32 to index
        %parallel_loop3A_184 = arith.constant 32 : index
        %parallel_loop3A_185 = tpu.vector_load %arg12[%parallel_loop3A_183, %parallel_loop3A_184] {strides = array<i32>} : memref<80x128xf32, #tpu.memory_space<vmem>>, vector<1x16xf32>,
        %parallel_loop3A_186 = vector.shape_cast %parallel_loop3A_185 : vector<1x16xf32> to vector<16xf32>
        %parallel_loop3A_187 = vector.shape_cast %parallel_loop3A_182 : vector<16xf32> to vector<1x16xf32>
        tpu.vector_store %arg12[%parallel_loop3A_183, %parallel_loop3A_184], %parallel_loop3A_187 {strides = array<i32>} : memref<80x128xf32, #tpu.memory_space<vmem>>, vector<1x16xf32>,
        %parallel_loop3A_188 = arith.index_cast %parallel_loop3A_145 : i32 to index
        %parallel_loop3A_189 = arith.constant 48 : index
        %parallel_loop3A_190 = tpu.vector_load %arg12[%parallel_loop3A_188, %parallel_loop3A_189] {strides = array<i32>} : memref<80x128xf32, #tpu.memory_space<vmem>>, vector<1x16xf32>,
        %parallel_loop3A_191 = vector.shape_cast %parallel_loop3A_190 : vector<1x16xf32> to vector<16xf32>
        %parallel_loop3A_192 = arith.index_cast %parallel_loop3A_145 : i32 to index
        %parallel_loop3A_193 = arith.constant 48 : index
        %parallel_loop3A_194 = tpu.vector_load %arg14[%parallel_loop3A_192, %parallel_loop3A_193] {strides = array<i32>} : memref<80x128xf32, #tpu.memory_space<vmem>>, vector<1x16xf32>,
        %parallel_loop3A_195 = vector.shape_cast %parallel_loop3A_194 : vector<1x16xf32> to vector<16xf32>
        %parallel_loop3A_196 = arith.mulf %parallel_loop3A_191, %parallel_loop3A_195 : vector<16xf32>
        %parallel_loop3A_197 = arith.index_cast %parallel_loop3A_145 : i32 to index
        %parallel_loop3A_198 = arith.constant 48 : index
        %parallel_loop3A_199 = tpu.vector_load %arg12[%parallel_loop3A_197, %parallel_loop3A_198] {strides = array<i32>} : memref<80x128xf32, #tpu.memory_space<vmem>>, vector<1x16xf32>,
        %parallel_loop3A_200 = vector.shape_cast %parallel_loop3A_199 : vector<1x16xf32> to vector<16xf32>
        %parallel_loop3A_201 = vector.shape_cast %parallel_loop3A_196 : vector<16xf32> to vector<1x16xf32>
        tpu.vector_store %arg12[%parallel_loop3A_197, %parallel_loop3A_198], %parallel_loop3A_201 {strides = array<i32>} : memref<80x128xf32, #tpu.memory_space<vmem>>, vector<1x16xf32>,
        %parallel_loop3A_202 = arith.index_cast %parallel_loop3A_145 : i32 to index
        %parallel_loop3A_203 = arith.constant 64 : index
        %parallel_loop3A_204 = tpu.vector_load %arg12[%parallel_loop3A_202, %parallel_loop3A_203] {strides = array<i32>} : memref<80x128xf32, #tpu.memory_space<vmem>>, vector<1x16xf32>,
        %parallel_loop3A_205 = vector.shape_cast %parallel_loop3A_204 : vector<1x16xf32> to vector<16xf32>
        %parallel_loop3A_206 = arith.index_cast %parallel_loop3A_145 : i32 to index
        %parallel_loop3A_207 = arith.constant 64 : index
        %parallel_loop3A_208 = tpu.vector_load %arg14[%parallel_loop3A_206, %parallel_loop3A_207] {strides = array<i32>} : memref<80x128xf32, #tpu.memory_space<vmem>>, vector<1x16xf32>,
        %parallel_loop3A_209 = vector.shape_cast %parallel_loop3A_208 : vector<1x16xf32> to vector<16xf32>
        %parallel_loop3A_210 = arith.mulf %parallel_loop3A_205, %parallel_loop3A_209 : vector<16xf32>
        %parallel_loop3A_211 = arith.index_cast %parallel_loop3A_145 : i32 to index
        %parallel_loop3A_212 = arith.constant 64 : index
        %parallel_loop3A_213 = tpu.vector_load %arg12[%parallel_loop3A_211, %parallel_loop3A_212] {strides = array<i32>} : memref<80x128xf32, #tpu.memory_space<vmem>>, vector<1x16xf32>,
        %parallel_loop3A_214 = vector.shape_cast %parallel_loop3A_213 : vector<1x16xf32> to vector<16xf32>
        %parallel_loop3A_215 = vector.shape_cast %parallel_loop3A_210 : vector<16xf32> to vector<1x16xf32>
        tpu.vector_store %arg12[%parallel_loop3A_211, %parallel_loop3A_212], %parallel_loop3A_215 {strides = array<i32>} : memref<80x128xf32, #tpu.memory_space<vmem>>, vector<1x16xf32>,
        %parallel_loop3A_216 = arith.index_cast %parallel_loop3A_145 : i32 to index
        %parallel_loop3A_217 = arith.constant 80 : index
        %parallel_loop3A_218 = tpu.vector_load %arg12[%parallel_loop3A_216, %parallel_loop3A_217] {strides = array<i32>} : memref<80x128xf32, #tpu.memory_space<vmem>>, vector<1x16xf32>,
        %parallel_loop3A_219 = vector.shape_cast %parallel_loop3A_218 : vector<1x16xf32> to vector<16xf32>
        %parallel_loop3A_220 = arith.index_cast %parallel_loop3A_145 : i32 to index
        %parallel_loop3A_221 = arith.constant 80 : index
        %parallel_loop3A_222 = tpu.vector_load %arg14[%parallel_loop3A_220, %parallel_loop3A_221] {strides = array<i32>} : memref<80x128xf32, #tpu.memory_space<vmem>>, vector<1x16xf32>,
        %parallel_loop3A_223 = vector.shape_cast %parallel_loop3A_222 : vector<1x16xf32> to vector<16xf32>
        %parallel_loop3A_224 = arith.mulf %parallel_loop3A_219, %parallel_loop3A_223 : vector<16xf32>
        %parallel_loop3A_225 = arith.index_cast %parallel_loop3A_145 : i32 to index
        %parallel_loop3A_226 = arith.constant 80 : index
        %parallel_loop3A_227 = tpu.vector_load %arg12[%parallel_loop3A_225, %parallel_loop3A_226] {strides = array<i32>} : memref<80x128xf32, #tpu.memory_space<vmem>>, vector<1x16xf32>,
        %parallel_loop3A_228 = vector.shape_cast %parallel_loop3A_227 : vector<1x16xf32> to vector<16xf32>
        %parallel_loop3A_229 = vector.shape_cast %parallel_loop3A_224 : vector<16xf32> to vector<1x16xf32>
        tpu.vector_store %arg12[%parallel_loop3A_225, %parallel_loop3A_226], %parallel_loop3A_229 {strides = array<i32>} : memref<80x128xf32, #tpu.memory_space<vmem>>, vector<1x16xf32>,
        %parallel_loop3A_230 = arith.index_cast %parallel_loop3A_145 : i32 to index
        %parallel_loop3A_231 = arith.constant 96 : index
        %parallel_loop3A_232 = tpu.vector_load %arg12[%parallel_loop3A_230, %parallel_loop3A_231] {strides = array<i32>} : memref<80x128xf32, #tpu.memory_space<vmem>>, vector<1x16xf32>,
        %parallel_loop3A_233 = vector.shape_cast %parallel_loop3A_232 : vector<1x16xf32> to vector<16xf32>
        %parallel_loop3A_234 = arith.index_cast %parallel_loop3A_145 : i32 to index
        %parallel_loop3A_235 = arith.constant 96 : index
        %parallel_loop3A_236 = tpu.vector_load %arg14[%parallel_loop3A_234, %parallel_loop3A_235] {strides = array<i32>} : memref<80x128xf32, #tpu.memory_space<vmem>>, vector<1x16xf32>,
        %parallel_loop3A_237 = vector.shape_cast %parallel_loop3A_236 : vector<1x16xf32> to vector<16xf32>
        %parallel_loop3A_238 = arith.mulf %parallel_loop3A_233, %parallel_loop3A_237 : vector<16xf32>
        %parallel_loop3A_239 = arith.index_cast %parallel_loop3A_145 : i32 to index
        %parallel_loop3A_240 = arith.constant 96 : index
        %parallel_loop3A_241 = tpu.vector_load %arg12[%parallel_loop3A_239, %parallel_loop3A_240] {strides = array<i32>} : memref<80x128xf32, #tpu.memory_space<vmem>>, vector<1x16xf32>,
        %parallel_loop3A_242 = vector.shape_cast %parallel_loop3A_241 : vector<1x16xf32> to vector<16xf32>
        %parallel_loop3A_243 = vector.shape_cast %parallel_loop3A_238 : vector<16xf32> to vector<1x16xf32>
        tpu.vector_store %arg12[%parallel_loop3A_239, %parallel_loop3A_240], %parallel_loop3A_243 {strides = array<i32>} : memref<80x128xf32, #tpu.memory_space<vmem>>, vector<1x16xf32>,
        %parallel_loop3A_244 = arith.index_cast %parallel_loop3A_145 : i32 to index
        %parallel_loop3A_245 = arith.constant 112 : index
        %parallel_loop3A_246 = tpu.vector_load %arg12[%parallel_loop3A_244, %parallel_loop3A_245] {strides = array<i32>} : memref<80x128xf32, #tpu.memory_space<vmem>>, vector<1x16xf32>,
        %parallel_loop3A_247 = vector.shape_cast %parallel_loop3A_246 : vector<1x16xf32> to vector<16xf32>
        %parallel_loop3A_248 = arith.index_cast %parallel_loop3A_145 : i32 to index
        %parallel_loop3A_249 = arith.constant 112 : index
        %parallel_loop3A_250 = tpu.vector_load %arg14[%parallel_loop3A_248, %parallel_loop3A_249] {strides = array<i32>} : memref<80x128xf32, #tpu.memory_space<vmem>>, vector<1x16xf32>,
        %parallel_loop3A_251 = vector.shape_cast %parallel_loop3A_250 : vector<1x16xf32> to vector<16xf32>
        %parallel_loop3A_252 = arith.mulf %parallel_loop3A_247, %parallel_loop3A_251 : vector<16xf32>
        %parallel_loop3A_253 = arith.index_cast %parallel_loop3A_145 : i32 to index
        %parallel_loop3A_254 = arith.constant 112 : index
        %parallel_loop3A_255 = tpu.vector_load %arg12[%parallel_loop3A_253, %parallel_loop3A_254] {strides = array<i32>} : memref<80x128xf32, #tpu.memory_space<vmem>>, vector<1x16xf32>,
        %parallel_loop3A_256 = vector.shape_cast %parallel_loop3A_255 : vector<1x16xf32> to vector<16xf32>
        %parallel_loop3A_257 = vector.shape_cast %parallel_loop3A_252 : vector<16xf32> to vector<1x16xf32>
        tpu.vector_store %arg12[%parallel_loop3A_253, %parallel_loop3A_254], %parallel_loop3A_257 {strides = array<i32>} : memref<80x128xf32, #tpu.memory_space<vmem>>, vector<1x16xf32>,
      } {sc.loop_unroll_factor = 4 : i64, sc.parallel_access}
      "tpu.region"() ({
        %run_scoped3A = tpu.sem_alloc : memref<!tpu.dma_semaphore, #tpu.memory_space<semaphore_mem>>
        %dma_start3A_145 = arith.constant 0 : i32
        %dma_start3A_146 = arith.constant 0 : i32
        %dma_start3A_147 = tpu.memref_slice %arg23[%dma_start3A_145, %dma_start3A_146] : memref<10000x128xf32, #tpu.memory_space<vmem_shared>> -> memref<10000x128xf32, #tpu.memory_space<vmem_shared>>
        tpu.enqueue_indirect_dma source(%arg12 : memref<80x128xf32, #tpu.memory_space<vmem>>) target(%dma_start3A_147 : memref<10000x128xf32, #tpu.memory_space<vmem_shared>>) offsets(%arg10 : memref<80xi32, #tpu.memory_space<vmem>>) semaphore(%run_scoped3A : memref<!tpu.dma_semaphore, #tpu.memory_space<semaphore_mem>>) {add = true}
        %dma_wait3A_148 = arith.constant 0 : i32
        %dma_wait3A_149 = arith.constant 0 : i32
        %dma_wait3A_150 = tpu.memref_slice %arg23[%dma_wait3A_148, %dma_wait3A_149] : memref<10000x128xf32, #tpu.memory_space<vmem_shared>> -> memref<10000x128xf32, #tpu.memory_space<vmem_shared>>
        tpu.wait_indirect_dma semaphore(%run_scoped3A : memref<!tpu.dma_semaphore, #tpu.memory_space<semaphore_mem>>) src(%arg12 : memref<80x128xf32, #tpu.memory_space<vmem>>) dst(%dma_wait3A_150 : memref<10000x128xf32, #tpu.memory_space<vmem_shared>>)
        tpu.yield
      }) : () -> ()
      %lt3A_140 = arith.constant 125 : i32
      %lt3A_141 = arith.cmpi slt, %add3A_116, %lt3A_140 : i32
      %convert_element_type3A_142 = arith.extui %lt3A_141 : i1 to i32
      %cond3A_143 = arith.constant 0 : i32
      %cond3A_144 = arith.cmpi ne, %convert_element_type3A_142, %cond3A_143 : i32
      scf.if %cond3A_144 {
        %mul3A_145 = arith.constant 80 : i32
        %mul3A_146 = arith.muli %add3A_116, %mul3A_145 : i32
        %add3A_147 = arith.addi %mul3A_2, %mul3A_146 : i32
        %dma_start3A_148 = tpu.memref_slice %arg5[%add3A_147] : memref<320000xi32, #tpu.memory_space<hbm>> -> memref<80xi32, #tpu.memory_space<hbm>>
        %dma_start3A_149 = tpu.memref_slice %arg5[%add3A_147] : memref<320000xi32, #tpu.memory_space<hbm>> -> memref<80xi32, #tpu.memory_space<hbm>>
        tpu.enqueue_dma source(%dma_start3A_149 : memref<80xi32, #tpu.memory_space<hbm>>) target(%arg10 : memref<80xi32, #tpu.memory_space<vmem>>) target_semaphore(%arg22 : memref<!tpu.dma_semaphore, #tpu.memory_space<semaphore_mem>>)
        %mul3A_150 = arith.constant 80 : i32
        %mul3A_151 = arith.muli %add3A_116, %mul3A_150 : i32
        %add3A_152 = arith.addi %mul3A_2, %mul3A_151 : i32
        %dma_wait3A_153 = tpu.memref_slice %arg4[%add3A_152] : memref<320000xi32, #tpu.memory_space<hbm>> -> memref<80xi32, #tpu.memory_space<hbm>>
        %dma_wait3A_154 = tpu.memref_slice %arg4[%add3A_152] : memref<320000xi32, #tpu.memory_space<hbm>> -> memref<80xi32, #tpu.memory_space<hbm>>
        tpu.wait_dma2 semaphore(%arg20 : memref<!tpu.dma_semaphore, #tpu.memory_space<semaphore_mem>>) src(%dma_wait3A_154 : memref<80xi32, #tpu.memory_space<hbm>>) dst(%arg8 : memref<80xi32, #tpu.memory_space<vmem>>)
        %mul3A_155 = arith.constant 80 : i32
        %mul3A_156 = arith.muli %add3A_116, %mul3A_155 : i32
        %add3A_157 = arith.addi %mul3A_2, %mul3A_156 : i32
        %dma_start3A_158 = arith.constant 0 : i32
        %dma_start3A_159 = arith.constant 0 : i32
        %dma_start3A_160 = tpu.memref_slice %arg2[%dma_start3A_158, %dma_start3A_159] : memref<10000x128xf32, #tpu.memory_space<hbm>> -> memref<10000x128xf32, #tpu.memory_space<hbm>>
        tpu.enqueue_indirect_dma source(%dma_start3A_160 : memref<10000x128xf32, #tpu.memory_space<hbm>>) target(%arg12 : memref<80x128xf32, #tpu.memory_space<vmem>>) offsets(%arg8 : memref<80xi32, #tpu.memory_space<vmem>>) semaphore(%arg17 : memref<!tpu.dma_semaphore, #tpu.memory_space<semaphore_mem>>)
        %dma_start3A_161 = arith.constant 0 : i32
        %dma_start3A_162 = tpu.memref_slice %arg3[%add3A_157, %dma_start3A_161] : memref<320000x128xf32, #tpu.memory_space<hbm>> -> memref<80x128xf32, #tpu.memory_space<hbm>>
        %dma_start3A_163 = arith.constant 0 : i32
        %dma_start3A_164 = tpu.memref_slice %arg3[%add3A_157, %dma_start3A_163] : memref<320000x128xf32, #tpu.memory_space<hbm>> -> memref<80x128xf32, #tpu.memory_space<hbm>>
        tpu.enqueue_dma source(%dma_start3A_164 : memref<80x128xf32, #tpu.memory_space<hbm>>) target(%arg14 : memref<80x128xf32, #tpu.memory_space<vmem>>) target_semaphore(%arg18 : memref<!tpu.dma_semaphore, #tpu.memory_space<semaphore_mem>>)
      } else {
      }
    }
    %scan3A_57 = arith.constant 62 : i32
    %add3A_58 = arith.constant 9920 : i32
    %add3A_59 = arith.addi %mul3A_2, %add3A_58 : i32
    %dma_wait3A_60 = arith.constant 0 : i32
    %dma_wait3A_61 = arith.constant 0 : i32
    %dma_wait3A_62 = tpu.memref_slice %arg2[%dma_wait3A_60, %dma_wait3A_61] : memref<10000x128xf32, #tpu.memory_space<hbm>> -> memref<10000x128xf32, #tpu.memory_space<hbm>>
    tpu.wait_indirect_dma semaphore(%arg15 : memref<!tpu.dma_semaphore, #tpu.memory_space<semaphore_mem>>) src(%dma_wait3A_62 : memref<10000x128xf32, #tpu.memory_space<hbm>>) dst(%arg11 : memref<80x128xf32, #tpu.memory_space<vmem>>)
    %dma_wait3A_63 = arith.constant 0 : i32
    %dma_wait3A_64 = tpu.memref_slice %arg3[%add3A_59, %dma_wait3A_63] : memref<320000x128xf32, #tpu.memory_space<hbm>> -> memref<80x128xf32, #tpu.memory_space<hbm>>
    %dma_wait3A_65 = arith.constant 0 : i32
    %dma_wait3A_66 = tpu.memref_slice %arg3[%add3A_59, %dma_wait3A_65] : memref<320000x128xf32, #tpu.memory_space<hbm>> -> memref<80x128xf32, #tpu.memory_space<hbm>>
    tpu.wait_dma2 semaphore(%arg16 : memref<!tpu.dma_semaphore, #tpu.memory_space<semaphore_mem>>) src(%dma_wait3A_66 : memref<80x128xf32, #tpu.memory_space<hbm>>) dst(%arg13 : memref<80x128xf32, #tpu.memory_space<vmem>>)
    %add3A_67 = arith.constant 9920 : i32
    %add3A_68 = arith.addi %mul3A_2, %add3A_67 : i32
    %dma_wait3A_69 = tpu.memref_slice %arg5[%add3A_68] : memref<320000xi32, #tpu.memory_space<hbm>> -> memref<80xi32, #tpu.memory_space<hbm>>
    %dma_wait3A_70 = tpu.memref_slice %arg5[%add3A_68] : memref<320000xi32, #tpu.memory_space<hbm>> -> memref<80xi32, #tpu.memory_space<hbm>>
    tpu.wait_dma2 semaphore(%arg21 : memref<!tpu.dma_semaphore, #tpu.memory_space<semaphore_mem>>) src(%dma_wait3A_70 : memref<80xi32, #tpu.memory_space<hbm>>) dst(%arg9 : memref<80xi32, #tpu.memory_space<vmem>>)
    %parallel_loop3A = arith.constant 0 : i32
    %parallel_loop3A_71 = arith.constant 80 : i32
    %parallel_loop3A_72 = arith.constant 1 : i32
    scf.for %parallel_loop3A_79 = %parallel_loop3A to %parallel_loop3A_71 step %parallel_loop3A_72  : i32 {
      %parallel_loop3A_80 = arith.index_cast %parallel_loop3A_79 : i32 to index
      %parallel_loop3A_81 = arith.constant 0 : index
      %parallel_loop3A_82 = tpu.vector_load %arg11[%parallel_loop3A_80, %parallel_loop3A_81] {strides = array<i32>} : memref<80x128xf32, #tpu.memory_space<vmem>>, vector<1x16xf32>,
      %parallel_loop3A_83 = vector.shape_cast %parallel_loop3A_82 : vector<1x16xf32> to vector<16xf32>
      %parallel_loop3A_84 = arith.index_cast %parallel_loop3A_79 : i32 to index
      %parallel_loop3A_85 = arith.constant 0 : index
      %parallel_loop3A_86 = tpu.vector_load %arg13[%parallel_loop3A_84, %parallel_loop3A_85] {strides = array<i32>} : memref<80x128xf32, #tpu.memory_space<vmem>>, vector<1x16xf32>,
      %parallel_loop3A_87 = vector.shape_cast %parallel_loop3A_86 : vector<1x16xf32> to vector<16xf32>
      %parallel_loop3A_88 = arith.mulf %parallel_loop3A_83, %parallel_loop3A_87 : vector<16xf32>
      %parallel_loop3A_89 = arith.index_cast %parallel_loop3A_79 : i32 to index
      %parallel_loop3A_90 = arith.constant 0 : index
      %parallel_loop3A_91 = tpu.vector_load %arg11[%parallel_loop3A_89, %parallel_loop3A_90] {strides = array<i32>} : memref<80x128xf32, #tpu.memory_space<vmem>>, vector<1x16xf32>,
      %parallel_loop3A_92 = vector.shape_cast %parallel_loop3A_91 : vector<1x16xf32> to vector<16xf32>
      %parallel_loop3A_93 = vector.shape_cast %parallel_loop3A_88 : vector<16xf32> to vector<1x16xf32>
      tpu.vector_store %arg11[%parallel_loop3A_89, %parallel_loop3A_90], %parallel_loop3A_93 {strides = array<i32>} : memref<80x128xf32, #tpu.memory_space<vmem>>, vector<1x16xf32>,
      %parallel_loop3A_94 = arith.index_cast %parallel_loop3A_79 : i32 to index
      %parallel_loop3A_95 = arith.constant 16 : index
      %parallel_loop3A_96 = tpu.vector_load %arg11[%parallel_loop3A_94, %parallel_loop3A_95] {strides = array<i32>} : memref<80x128xf32, #tpu.memory_space<vmem>>, vector<1x16xf32>,
      %parallel_loop3A_97 = vector.shape_cast %parallel_loop3A_96 : vector<1x16xf32> to vector<16xf32>
      %parallel_loop3A_98 = arith.index_cast %parallel_loop3A_79 : i32 to index
      %parallel_loop3A_99 = arith.constant 16 : index
      %parallel_loop3A_100 = tpu.vector_load %arg13[%parallel_loop3A_98, %parallel_loop3A_99] {strides = array<i32>} : memref<80x128xf32, #tpu.memory_space<vmem>>, vector<1x16xf32>,
      %parallel_loop3A_101 = vector.shape_cast %parallel_loop3A_100 : vector<1x16xf32> to vector<16xf32>
      %parallel_loop3A_102 = arith.mulf %parallel_loop3A_97, %parallel_loop3A_101 : vector<16xf32>
      %parallel_loop3A_103 = arith.index_cast %parallel_loop3A_79 : i32 to index
      %parallel_loop3A_104 = arith.constant 16 : index
      %parallel_loop3A_105 = tpu.vector_load %arg11[%parallel_loop3A_103, %parallel_loop3A_104] {strides = array<i32>} : memref<80x128xf32, #tpu.memory_space<vmem>>, vector<1x16xf32>,
      %parallel_loop3A_106 = vector.shape_cast %parallel_loop3A_105 : vector<1x16xf32> to vector<16xf32>
      %parallel_loop3A_107 = vector.shape_cast %parallel_loop3A_102 : vector<16xf32> to vector<1x16xf32>
      tpu.vector_store %arg11[%parallel_loop3A_103, %parallel_loop3A_104], %parallel_loop3A_107 {strides = array<i32>} : memref<80x128xf32, #tpu.memory_space<vmem>>, vector<1x16xf32>,
      %parallel_loop3A_108 = arith.index_cast %parallel_loop3A_79 : i32 to index
      %parallel_loop3A_109 = arith.constant 32 : index
      %parallel_loop3A_110 = tpu.vector_load %arg11[%parallel_loop3A_108, %parallel_loop3A_109] {strides = array<i32>} : memref<80x128xf32, #tpu.memory_space<vmem>>, vector<1x16xf32>,
      %parallel_loop3A_111 = vector.shape_cast %parallel_loop3A_110 : vector<1x16xf32> to vector<16xf32>
      %parallel_loop3A_112 = arith.index_cast %parallel_loop3A_79 : i32 to index
      %parallel_loop3A_113 = arith.constant 32 : index
      %parallel_loop3A_114 = tpu.vector_load %arg13[%parallel_loop3A_112, %parallel_loop3A_113] {strides = array<i32>} : memref<80x128xf32, #tpu.memory_space<vmem>>, vector<1x16xf32>,
      %parallel_loop3A_115 = vector.shape_cast %parallel_loop3A_114 : vector<1x16xf32> to vector<16xf32>
      %parallel_loop3A_116 = arith.mulf %parallel_loop3A_111, %parallel_loop3A_115 : vector<16xf32>
      %parallel_loop3A_117 = arith.index_cast %parallel_loop3A_79 : i32 to index
      %parallel_loop3A_118 = arith.constant 32 : index
      %parallel_loop3A_119 = tpu.vector_load %arg11[%parallel_loop3A_117, %parallel_loop3A_118] {strides = array<i32>} : memref<80x128xf32, #tpu.memory_space<vmem>>, vector<1x16xf32>,
      %parallel_loop3A_120 = vector.shape_cast %parallel_loop3A_119 : vector<1x16xf32> to vector<16xf32>
      %parallel_loop3A_121 = vector.shape_cast %parallel_loop3A_116 : vector<16xf32> to vector<1x16xf32>
      tpu.vector_store %arg11[%parallel_loop3A_117, %parallel_loop3A_118], %parallel_loop3A_121 {strides = array<i32>} : memref<80x128xf32, #tpu.memory_space<vmem>>, vector<1x16xf32>,
      %parallel_loop3A_122 = arith.index_cast %parallel_loop3A_79 : i32 to index
      %parallel_loop3A_123 = arith.constant 48 : index
      %parallel_loop3A_124 = tpu.vector_load %arg11[%parallel_loop3A_122, %parallel_loop3A_123] {strides = array<i32>} : memref<80x128xf32, #tpu.memory_space<vmem>>, vector<1x16xf32>,
      %parallel_loop3A_125 = vector.shape_cast %parallel_loop3A_124 : vector<1x16xf32> to vector<16xf32>
      %parallel_loop3A_126 = arith.index_cast %parallel_loop3A_79 : i32 to index
      %parallel_loop3A_127 = arith.constant 48 : index
      %parallel_loop3A_128 = tpu.vector_load %arg13[%parallel_loop3A_126, %parallel_loop3A_127] {strides = array<i32>} : memref<80x128xf32, #tpu.memory_space<vmem>>, vector<1x16xf32>,
      %parallel_loop3A_129 = vector.shape_cast %parallel_loop3A_128 : vector<1x16xf32> to vector<16xf32>
      %parallel_loop3A_130 = arith.mulf %parallel_loop3A_125, %parallel_loop3A_129 : vector<16xf32>
      %parallel_loop3A_131 = arith.index_cast %parallel_loop3A_79 : i32 to index
      %parallel_loop3A_132 = arith.constant 48 : index
      %parallel_loop3A_133 = tpu.vector_load %arg11[%parallel_loop3A_131, %parallel_loop3A_132] {strides = array<i32>} : memref<80x128xf32, #tpu.memory_space<vmem>>, vector<1x16xf32>,
      %parallel_loop3A_134 = vector.shape_cast %parallel_loop3A_133 : vector<1x16xf32> to vector<16xf32>
      %parallel_loop3A_135 = vector.shape_cast %parallel_loop3A_130 : vector<16xf32> to vector<1x16xf32>
      tpu.vector_store %arg11[%parallel_loop3A_131, %parallel_loop3A_132], %parallel_loop3A_135 {strides = array<i32>} : memref<80x128xf32, #tpu.memory_space<vmem>>, vector<1x16xf32>,
      %parallel_loop3A_136 = arith.index_cast %parallel_loop3A_79 : i32 to index
      %parallel_loop3A_137 = arith.constant 64 : index
      %parallel_loop3A_138 = tpu.vector_load %arg11[%parallel_loop3A_136, %parallel_loop3A_137] {strides = array<i32>} : memref<80x128xf32, #tpu.memory_space<vmem>>, vector<1x16xf32>,
      %parallel_loop3A_139 = vector.shape_cast %parallel_loop3A_138 : vector<1x16xf32> to vector<16xf32>
      %parallel_loop3A_140 = arith.index_cast %parallel_loop3A_79 : i32 to index
      %parallel_loop3A_141 = arith.constant 64 : index
      %parallel_loop3A_142 = tpu.vector_load %arg13[%parallel_loop3A_140, %parallel_loop3A_141] {strides = array<i32>} : memref<80x128xf32, #tpu.memory_space<vmem>>, vector<1x16xf32>,
      %parallel_loop3A_143 = vector.shape_cast %parallel_loop3A_142 : vector<1x16xf32> to vector<16xf32>
      %parallel_loop3A_144 = arith.mulf %parallel_loop3A_139, %parallel_loop3A_143 : vector<16xf32>
      %parallel_loop3A_145 = arith.index_cast %parallel_loop3A_79 : i32 to index
      %parallel_loop3A_146 = arith.constant 64 : index
      %parallel_loop3A_147 = tpu.vector_load %arg11[%parallel_loop3A_145, %parallel_loop3A_146] {strides = array<i32>} : memref<80x128xf32, #tpu.memory_space<vmem>>, vector<1x16xf32>,
      %parallel_loop3A_148 = vector.shape_cast %parallel_loop3A_147 : vector<1x16xf32> to vector<16xf32>
      %parallel_loop3A_149 = vector.shape_cast %parallel_loop3A_144 : vector<16xf32> to vector<1x16xf32>
      tpu.vector_store %arg11[%parallel_loop3A_145, %parallel_loop3A_146], %parallel_loop3A_149 {strides = array<i32>} : memref<80x128xf32, #tpu.memory_space<vmem>>, vector<1x16xf32>,
      %parallel_loop3A_150 = arith.index_cast %parallel_loop3A_79 : i32 to index
      %parallel_loop3A_151 = arith.constant 80 : index
      %parallel_loop3A_152 = tpu.vector_load %arg11[%parallel_loop3A_150, %parallel_loop3A_151] {strides = array<i32>} : memref<80x128xf32, #tpu.memory_space<vmem>>, vector<1x16xf32>,
      %parallel_loop3A_153 = vector.shape_cast %parallel_loop3A_152 : vector<1x16xf32> to vector<16xf32>
      %parallel_loop3A_154 = arith.index_cast %parallel_loop3A_79 : i32 to index
      %parallel_loop3A_155 = arith.constant 80 : index
      %parallel_loop3A_156 = tpu.vector_load %arg13[%parallel_loop3A_154, %parallel_loop3A_155] {strides = array<i32>} : memref<80x128xf32, #tpu.memory_space<vmem>>, vector<1x16xf32>,
      %parallel_loop3A_157 = vector.shape_cast %parallel_loop3A_156 : vector<1x16xf32> to vector<16xf32>
      %parallel_loop3A_158 = arith.mulf %parallel_loop3A_153, %parallel_loop3A_157 : vector<16xf32>
      %parallel_loop3A_159 = arith.index_cast %parallel_loop3A_79 : i32 to index
      %parallel_loop3A_160 = arith.constant 80 : index
      %parallel_loop3A_161 = tpu.vector_load %arg11[%parallel_loop3A_159, %parallel_loop3A_160] {strides = array<i32>} : memref<80x128xf32, #tpu.memory_space<vmem>>, vector<1x16xf32>,
      %parallel_loop3A_162 = vector.shape_cast %parallel_loop3A_161 : vector<1x16xf32> to vector<16xf32>
      %parallel_loop3A_163 = vector.shape_cast %parallel_loop3A_158 : vector<16xf32> to vector<1x16xf32>
      tpu.vector_store %arg11[%parallel_loop3A_159, %parallel_loop3A_160], %parallel_loop3A_163 {strides = array<i32>} : memref<80x128xf32, #tpu.memory_space<vmem>>, vector<1x16xf32>,
      %parallel_loop3A_164 = arith.index_cast %parallel_loop3A_79 : i32 to index
      %parallel_loop3A_165 = arith.constant 96 : index
      %parallel_loop3A_166 = tpu.vector_load %arg11[%parallel_loop3A_164, %parallel_loop3A_165] {strides = array<i32>} : memref<80x128xf32, #tpu.memory_space<vmem>>, vector<1x16xf32>,
      %parallel_loop3A_167 = vector.shape_cast %parallel_loop3A_166 : vector<1x16xf32> to vector<16xf32>
      %parallel_loop3A_168 = arith.index_cast %parallel_loop3A_79 : i32 to index
      %parallel_loop3A_169 = arith.constant 96 : index
      %parallel_loop3A_170 = tpu.vector_load %arg13[%parallel_loop3A_168, %parallel_loop3A_169] {strides = array<i32>} : memref<80x128xf32, #tpu.memory_space<vmem>>, vector<1x16xf32>,
      %parallel_loop3A_171 = vector.shape_cast %parallel_loop3A_170 : vector<1x16xf32> to vector<16xf32>
      %parallel_loop3A_172 = arith.mulf %parallel_loop3A_167, %parallel_loop3A_171 : vector<16xf32>
      %parallel_loop3A_173 = arith.index_cast %parallel_loop3A_79 : i32 to index
      %parallel_loop3A_174 = arith.constant 96 : index
      %parallel_loop3A_175 = tpu.vector_load %arg11[%parallel_loop3A_173, %parallel_loop3A_174] {strides = array<i32>} : memref<80x128xf32, #tpu.memory_space<vmem>>, vector<1x16xf32>,
      %parallel_loop3A_176 = vector.shape_cast %parallel_loop3A_175 : vector<1x16xf32> to vector<16xf32>
      %parallel_loop3A_177 = vector.shape_cast %parallel_loop3A_172 : vector<16xf32> to vector<1x16xf32>
      tpu.vector_store %arg11[%parallel_loop3A_173, %parallel_loop3A_174], %parallel_loop3A_177 {strides = array<i32>} : memref<80x128xf32, #tpu.memory_space<vmem>>, vector<1x16xf32>,
      %parallel_loop3A_178 = arith.index_cast %parallel_loop3A_79 : i32 to index
      %parallel_loop3A_179 = arith.constant 112 : index
      %parallel_loop3A_180 = tpu.vector_load %arg11[%parallel_loop3A_178, %parallel_loop3A_179] {strides = array<i32>} : memref<80x128xf32, #tpu.memory_space<vmem>>, vector<1x16xf32>,
      %parallel_loop3A_181 = vector.shape_cast %parallel_loop3A_180 : vector<1x16xf32> to vector<16xf32>
      %parallel_loop3A_182 = arith.index_cast %parallel_loop3A_79 : i32 to index
      %parallel_loop3A_183 = arith.constant 112 : index
      %parallel_loop3A_184 = tpu.vector_load %arg13[%parallel_loop3A_182, %parallel_loop3A_183] {strides = array<i32>} : memref<80x128xf32, #tpu.memory_space<vmem>>, vector<1x16xf32>,
      %parallel_loop3A_185 = vector.shape_cast %parallel_loop3A_184 : vector<1x16xf32> to vector<16xf32>
      %parallel_loop3A_186 = arith.mulf %parallel_loop3A_181, %parallel_loop3A_185 : vector<16xf32>
      %parallel_loop3A_187 = arith.index_cast %parallel_loop3A_79 : i32 to index
      %parallel_loop3A_188 = arith.constant 112 : index
      %parallel_loop3A_189 = tpu.vector_load %arg11[%parallel_loop3A_187, %parallel_loop3A_188] {strides = array<i32>} : memref<80x128xf32, #tpu.memory_space<vmem>>, vector<1x16xf32>,
      %parallel_loop3A_190 = vector.shape_cast %parallel_loop3A_189 : vector<1x16xf32> to vector<16xf32>
      %parallel_loop3A_191 = vector.shape_cast %parallel_loop3A_186 : vector<16xf32> to vector<1x16xf32>
      tpu.vector_store %arg11[%parallel_loop3A_187, %parallel_loop3A_188], %parallel_loop3A_191 {strides = array<i32>} : memref<80x128xf32, #tpu.memory_space<vmem>>, vector<1x16xf32>,
    } {sc.loop_unroll_factor = 4 : i64, sc.parallel_access}
    "tpu.region"() ({
      %run_scoped3A = tpu.sem_alloc : memref<!tpu.dma_semaphore, #tpu.memory_space<semaphore_mem>>
      %dma_start3A_79 = arith.constant 0 : i32
      %dma_start3A_80 = arith.constant 0 : i32
      %dma_start3A_81 = tpu.memref_slice %arg23[%dma_start3A_79, %dma_start3A_80] : memref<10000x128xf32, #tpu.memory_space<vmem_shared>> -> memref<10000x128xf32, #tpu.memory_space<vmem_shared>>
      tpu.enqueue_indirect_dma source(%arg11 : memref<80x128xf32, #tpu.memory_space<vmem>>) target(%dma_start3A_81 : memref<10000x128xf32, #tpu.memory_space<vmem_shared>>) offsets(%arg9 : memref<80xi32, #tpu.memory_space<vmem>>) semaphore(%run_scoped3A : memref<!tpu.dma_semaphore, #tpu.memory_space<semaphore_mem>>) {add = true}
      %dma_wait3A_82 = arith.constant 0 : i32
      %dma_wait3A_83 = arith.constant 0 : i32
      %dma_wait3A_84 = tpu.memref_slice %arg23[%dma_wait3A_82, %dma_wait3A_83] : memref<10000x128xf32, #tpu.memory_space<vmem_shared>> -> memref<10000x128xf32, #tpu.memory_space<vmem_shared>>
      tpu.wait_indirect_dma semaphore(%run_scoped3A : memref<!tpu.dma_semaphore, #tpu.memory_space<semaphore_mem>>) src(%arg11 : memref<80x128xf32, #tpu.memory_space<vmem>>) dst(%dma_wait3A_84 : memref<10000x128xf32, #tpu.memory_space<vmem_shared>>)
      tpu.yield
    }) : () -> ()
    %barrier3A_73 = arith.constant 0 : index
    tpu.barrier barrier_id(%barrier3A_73)
    %scan3A_74 = arith.constant 0 : i32
    %scan3A_75 = arith.constant 8 : i32
    %scan3A_76 = arith.addi %scan3A_74, %scan3A_75 : i32
    %scan3A_77 = arith.constant 1 : i32
    scf.for %scan3A_79 = %scan3A_74 to %scan3A_76 step %scan3A_77  : i32 {
      %mul3A_80 = arith.constant 1 : i32
      %mul3A_81 = arith.muli %scan3A_79, %mul3A_80 : i32
      %add3A_82 = arith.constant 0 : i32
      %add3A_83 = arith.addi %add3A_82, %mul3A_81 : i32
      %mul3A_84 = arith.constant 16 : i32
      %mul3A_85 = arith.muli %add3A_83, %mul3A_84 : i32
      %add3A_86 = arith.addi %arg1, %mul3A_85 : i32
      %lt3A = arith.constant 125 : i32
      %lt3A_87 = arith.cmpi slt, %add3A_86, %lt3A : i32
      %convert_element_type3A = arith.extui %lt3A_87 : i1 to i32
      %cond3A = arith.constant 0 : i32
      %cond3A_88 = arith.cmpi ne, %convert_element_type3A, %cond3A : i32
      scf.if %cond3A_88 {
        %mul3A_89 = arith.constant 80 : i32
        %mul3A_90 = arith.muli %add3A_86, %mul3A_89 : i32
        %mul3A_91 = arith.constant 80 : i32
        %mul3A_92 = arith.muli %add3A_86, %mul3A_91 : i32
        "tpu.region"() ({
          %run_scoped3A = tpu.sem_alloc : memref<!tpu.dma_semaphore, #tpu.memory_space<semaphore_mem>>
          %dma_start3A_93 = arith.constant 0 : i32
          %dma_start3A_94 = tpu.memref_slice %arg6[%arg0, %mul3A_92, %dma_start3A_93] : memref<2x10000x128xf32, #tpu.memory_space<hbm>> -> memref<1x80x128xf32, #tpu.memory_space<hbm>>
          %dma_start3A_95 = tpu.memref_squeeze %dma_start3A_94 : memref<1x80x128xf32, #tpu.memory_space<hbm>> -> memref<80x128xf32, #tpu.memory_space<hbm>>
          %dma_start3A_96 = arith.constant 0 : i32
          %dma_start3A_97 = tpu.memref_slice %arg23[%mul3A_90, %dma_start3A_96] : memref<10000x128xf32, #tpu.memory_space<vmem_shared>> -> memref<80x128xf32, #tpu.memory_space<vmem_shared>>
          tpu.enqueue_dma source(%dma_start3A_97 : memref<80x128xf32, #tpu.memory_space<vmem_shared>>) target(%dma_start3A_95 : memref<80x128xf32, #tpu.memory_space<hbm>>) target_semaphore(%run_scoped3A : memref<!tpu.dma_semaphore, #tpu.memory_space<semaphore_mem>>)
          %dma_wait3A_98 = arith.constant 0 : i32
          %dma_wait3A_99 = tpu.memref_slice %arg6[%arg0, %mul3A_92, %dma_wait3A_98] : memref<2x10000x128xf32, #tpu.memory_space<hbm>> -> memref<1x80x128xf32, #tpu.memory_space<hbm>>
          %dma_wait3A_100 = tpu.memref_squeeze %dma_wait3A_99 : memref<1x80x128xf32, #tpu.memory_space<hbm>> -> memref<80x128xf32, #tpu.memory_space<hbm>>
          %dma_wait3A_101 = arith.constant 0 : i32
          %dma_wait3A_102 = tpu.memref_slice %arg23[%mul3A_90, %dma_wait3A_101] : memref<10000x128xf32, #tpu.memory_space<vmem_shared>> -> memref<80x128xf32, #tpu.memory_space<vmem_shared>>
          tpu.wait_dma2 semaphore(%run_scoped3A : memref<!tpu.dma_semaphore, #tpu.memory_space<semaphore_mem>>) src(%dma_wait3A_102 : memref<80x128xf32, #tpu.memory_space<vmem_shared>>) dst(%dma_wait3A_100 : memref<80x128xf32, #tpu.memory_space<hbm>>)
          tpu.yield
        }) : () -> ()
      } else {
      }
    }
    %scan3A_78 = arith.constant 8 : i32
    return
  }
}

#map = affine_map<(d0, d1) -> (0, 0)>
#map1 = affine_map<(d0, d1) -> (0)>
#map2 = affine_map<(d0, d1) -> (0, 0, 0)>
module attributes {stable_mosaic.version = 14 : i64} {
  func.func @_mix_kernel(%arg0: i32, %arg1: i32, %arg2: memref<10000x128xf32, #tpu.memory_space<hbm>>, %arg3: memref<320000x128xf32, #tpu.memory_space<hbm>>, %arg4: memref<320000xi32, #tpu.memory_space<hbm>>, %arg5: memref<320000xi32, #tpu.memory_space<hbm>>, %arg6: memref<2x10000x128xf32, #tpu.memory_space<hbm>>, %arg7: memref<80xi32, #tpu.memory_space<vmem>>, %arg8: memref<80xi32, #tpu.memory_space<vmem>>, %arg9: memref<80xi32, #tpu.memory_space<vmem>>, %arg10: memref<80xi32, #tpu.memory_space<vmem>>, %arg11: memref<80x128xf32, #tpu.memory_space<vmem>>, %arg12: memref<80x128xf32, #tpu.memory_space<vmem>>, %arg13: memref<80x128xf32, #tpu.memory_space<vmem>>, %arg14: memref<80x128xf32, #tpu.memory_space<vmem>>, %arg15: memref<!tpu.dma_semaphore, #tpu.memory_space<semaphore_mem>>, %arg16: memref<!tpu.dma_semaphore, #tpu.memory_space<semaphore_mem>>, %arg17: memref<!tpu.dma_semaphore, #tpu.memory_space<semaphore_mem>>, %arg18: memref<!tpu.dma_semaphore, #tpu.memory_space<semaphore_mem>>, %arg19: memref<!tpu.dma_semaphore, #tpu.memory_space<semaphore_mem>>, %arg20: memref<!tpu.dma_semaphore, #tpu.memory_space<semaphore_mem>>, %arg21: memref<!tpu.dma_semaphore, #tpu.memory_space<semaphore_mem>>, %arg22: memref<!tpu.dma_semaphore, #tpu.memory_space<semaphore_mem>>, %arg23: memref<10000x128xf32, #tpu.memory_space<vmem_shared>>) attributes {dimension_semantics = [#tpu.dimension_semantics<core_parallel>, #tpu.dimension_semantics<subcore_parallel>], iteration_bounds = array<i64: 2, 16>, scalar_prefetch = 0 : i64, scratch_operands = 17 : i64, tpu.core_type = #tpu.core_type<sc_vector_subcore>, window_params = [{transform_indices = #map}, {transform_indices = #map}, {transform_indices = #map1}, {transform_indices = #map1}, {transform_indices = #map2}]} {
    %mul3A = arith.constant 16 : i32
    %mul3A_0 = arith.muli %arg0, %mul3A : i32
    %add3A = arith.addi %mul3A_0, %arg1 : i32
    %mul3A_1 = arith.constant 10000 : i32
    %mul3A_2 = arith.muli %add3A, %mul3A_1 : i32
    %broadcast_in_dim3A = arith.constant 0.000000e+00 : f32
    %broadcast_in_dim3A_3 = vector.broadcast %broadcast_in_dim3A : f32 to vector<16xf32>
    %scan3A = arith.constant 0 : i32
    %scan3A_4 = arith.constant 80 : i32
    %scan3A_5 = arith.addi %scan3A, %scan3A_4 : i32
    %scan3A_6 = arith.constant 1 : i32
    scf.for %scan3A_79 = %scan3A to %scan3A_5 step %scan3A_6  : i32 {
      %mul3A_80 = arith.constant 1 : i32
      %mul3A_81 = arith.muli %scan3A_79, %mul3A_80 : i32
      %add3A_82 = arith.constant 0 : i32
      %add3A_83 = arith.addi %add3A_82, %mul3A_81 : i32
      %swap3A = arith.index_cast %add3A_83 : i32 to index
      %swap3A_84 = arith.constant 0 : index
      %swap3A_85 = tpu.vector_load %arg11[%swap3A, %swap3A_84] {strides = array<i32>} : memref<80x128xf32, #tpu.memory_space<vmem>>, vector<1x16xf32>,
      %swap3A_86 = vector.shape_cast %swap3A_85 : vector<1x16xf32> to vector<16xf32>
      %swap3A_87 = vector.shape_cast %broadcast_in_dim3A_3 : vector<16xf32> to vector<1x16xf32>
      tpu.vector_store %arg11[%swap3A, %swap3A_84], %swap3A_87 {strides = array<i32>} : memref<80x128xf32, #tpu.memory_space<vmem>>, vector<1x16xf32>,
      %swap3A_88 = arith.index_cast %add3A_83 : i32 to index
      %swap3A_89 = arith.constant 16 : index
      %swap3A_90 = tpu.vector_load %arg11[%swap3A_88, %swap3A_89] {strides = array<i32>} : memref<80x128xf32, #tpu.memory_space<vmem>>, vector<1x16xf32>,
      %swap3A_91 = vector.shape_cast %swap3A_90 : vector<1x16xf32> to vector<16xf32>
      %swap3A_92 = vector.shape_cast %broadcast_in_dim3A_3 : vector<16xf32> to vector<1x16xf32>
      tpu.vector_store %arg11[%swap3A_88, %swap3A_89], %swap3A_92 {strides = array<i32>} : memref<80x128xf32, #tpu.memory_space<vmem>>, vector<1x16xf32>,
      %swap3A_93 = arith.index_cast %add3A_83 : i32 to index
      %swap3A_94 = arith.constant 32 : index
      %swap3A_95 = tpu.vector_load %arg11[%swap3A_93, %swap3A_94] {strides = array<i32>} : memref<80x128xf32, #tpu.memory_space<vmem>>, vector<1x16xf32>,
      %swap3A_96 = vector.shape_cast %swap3A_95 : vector<1x16xf32> to vector<16xf32>
      %swap3A_97 = vector.shape_cast %broadcast_in_dim3A_3 : vector<16xf32> to vector<1x16xf32>
      tpu.vector_store %arg11[%swap3A_93, %swap3A_94], %swap3A_97 {strides = array<i32>} : memref<80x128xf32, #tpu.memory_space<vmem>>, vector<1x16xf32>,
      %swap3A_98 = arith.index_cast %add3A_83 : i32 to index
      %swap3A_99 = arith.constant 48 : index
      %swap3A_100 = tpu.vector_load %arg11[%swap3A_98, %swap3A_99] {strides = array<i32>} : memref<80x128xf32, #tpu.memory_space<vmem>>, vector<1x16xf32>,
      %swap3A_101 = vector.shape_cast %swap3A_100 : vector<1x16xf32> to vector<16xf32>
      %swap3A_102 = vector.shape_cast %broadcast_in_dim3A_3 : vector<16xf32> to vector<1x16xf32>
      tpu.vector_store %arg11[%swap3A_98, %swap3A_99], %swap3A_102 {strides = array<i32>} : memref<80x128xf32, #tpu.memory_space<vmem>>, vector<1x16xf32>,
      %swap3A_103 = arith.index_cast %add3A_83 : i32 to index
      %swap3A_104 = arith.constant 64 : index
      %swap3A_105 = tpu.vector_load %arg11[%swap3A_103, %swap3A_104] {strides = array<i32>} : memref<80x128xf32, #tpu.memory_space<vmem>>, vector<1x16xf32>,
      %swap3A_106 = vector.shape_cast %swap3A_105 : vector<1x16xf32> to vector<16xf32>
      %swap3A_107 = vector.shape_cast %broadcast_in_dim3A_3 : vector<16xf32> to vector<1x16xf32>
      tpu.vector_store %arg11[%swap3A_103, %swap3A_104], %swap3A_107 {strides = array<i32>} : memref<80x128xf32, #tpu.memory_space<vmem>>, vector<1x16xf32>,
      %swap3A_108 = arith.index_cast %add3A_83 : i32 to index
      %swap3A_109 = arith.constant 80 : index
      %swap3A_110 = tpu.vector_load %arg11[%swap3A_108, %swap3A_109] {strides = array<i32>} : memref<80x128xf32, #tpu.memory_space<vmem>>, vector<1x16xf32>,
      %swap3A_111 = vector.shape_cast %swap3A_110 : vector<1x16xf32> to vector<16xf32>
      %swap3A_112 = vector.shape_cast %broadcast_in_dim3A_3 : vector<16xf32> to vector<1x16xf32>
      tpu.vector_store %arg11[%swap3A_108, %swap3A_109], %swap3A_112 {strides = array<i32>} : memref<80x128xf32, #tpu.memory_space<vmem>>, vector<1x16xf32>,
      %swap3A_113 = arith.index_cast %add3A_83 : i32 to index
      %swap3A_114 = arith.constant 96 : index
      %swap3A_115 = tpu.vector_load %arg11[%swap3A_113, %swap3A_114] {strides = array<i32>} : memref<80x128xf32, #tpu.memory_space<vmem>>, vector<1x16xf32>,
      %swap3A_116 = vector.shape_cast %swap3A_115 : vector<1x16xf32> to vector<16xf32>
      %swap3A_117 = vector.shape_cast %broadcast_in_dim3A_3 : vector<16xf32> to vector<1x16xf32>
      tpu.vector_store %arg11[%swap3A_113, %swap3A_114], %swap3A_117 {strides = array<i32>} : memref<80x128xf32, #tpu.memory_space<vmem>>, vector<1x16xf32>,
      %swap3A_118 = arith.index_cast %add3A_83 : i32 to index
      %swap3A_119 = arith.constant 112 : index
      %swap3A_120 = tpu.vector_load %arg11[%swap3A_118, %swap3A_119] {strides = array<i32>} : memref<80x128xf32, #tpu.memory_space<vmem>>, vector<1x16xf32>,
      %swap3A_121 = vector.shape_cast %swap3A_120 : vector<1x16xf32> to vector<16xf32>
      %swap3A_122 = vector.shape_cast %broadcast_in_dim3A_3 : vector<16xf32> to vector<1x16xf32>
      tpu.vector_store %arg11[%swap3A_118, %swap3A_119], %swap3A_122 {strides = array<i32>} : memref<80x128xf32, #tpu.memory_space<vmem>>, vector<1x16xf32>,
    }
    %scan3A_7 = arith.constant 80 : i32
    %scan3A_8 = arith.constant 0 : i32
    %scan3A_9 = arith.constant 8 : i32
    %scan3A_10 = arith.addi %scan3A_8, %scan3A_9 : i32
    %scan3A_11 = arith.constant 1 : i32
    scf.for %scan3A_79 = %scan3A_8 to %scan3A_10 step %scan3A_11  : i32 {
      %mul3A_80 = arith.constant 1 : i32
      %mul3A_81 = arith.muli %scan3A_79, %mul3A_80 : i32
      %add3A_82 = arith.constant 0 : i32
      %add3A_83 = arith.addi %add3A_82, %mul3A_81 : i32
      %mul3A_84 = arith.constant 16 : i32
      %mul3A_85 = arith.muli %add3A_83, %mul3A_84 : i32
      %add3A_86 = arith.addi %arg1, %mul3A_85 : i32
      %lt3A = arith.constant 125 : i32
      %lt3A_87 = arith.cmpi slt, %add3A_86, %lt3A : i32
      %convert_element_type3A = arith.extui %lt3A_87 : i1 to i32
      %cond3A = arith.constant 0 : i32
      %cond3A_88 = arith.cmpi ne, %convert_element_type3A, %cond3A : i32
      scf.if %cond3A_88 {
        %mul3A_89 = arith.constant 80 : i32
        %mul3A_90 = arith.muli %add3A_86, %mul3A_89 : i32
        "tpu.region"() ({
          %run_scoped3A = tpu.sem_alloc : memref<!tpu.dma_semaphore, #tpu.memory_space<semaphore_mem>>
          %dma_start3A_91 = arith.constant 0 : i32
          %dma_start3A_92 = tpu.memref_slice %arg23[%mul3A_90, %dma_start3A_91] : memref<10000x128xf32, #tpu.memory_space<vmem_shared>> -> memref<80x128xf32, #tpu.memory_space<vmem_shared>>
          %dma_start3A_93 = arith.constant 0 : i32
          %dma_start3A_94 = tpu.memref_slice %arg23[%mul3A_90, %dma_start3A_93] : memref<10000x128xf32, #tpu.memory_space<vmem_shared>> -> memref<80x128xf32, #tpu.memory_space<vmem_shared>>
          tpu.enqueue_dma source(%arg11 : memref<80x128xf32, #tpu.memory_space<vmem>>) target(%dma_start3A_94 : memref<80x128xf32, #tpu.memory_space<vmem_shared>>) target_semaphore(%run_scoped3A : memref<!tpu.dma_semaphore, #tpu.memory_space<semaphore_mem>>)
          %dma_wait3A_95 = arith.constant 0 : i32
          %dma_wait3A_96 = tpu.memref_slice %arg23[%mul3A_90, %dma_wait3A_95] : memref<10000x128xf32, #tpu.memory_space<vmem_shared>> -> memref<80x128xf32, #tpu.memory_space<vmem_shared>>
          %dma_wait3A_97 = arith.constant 0 : i32
          %dma_wait3A_98 = tpu.memref_slice %arg23[%mul3A_90, %dma_wait3A_97] : memref<10000x128xf32, #tpu.memory_space<vmem_shared>> -> memref<80x128xf32, #tpu.memory_space<vmem_shared>>
          tpu.wait_dma2 semaphore(%run_scoped3A : memref<!tpu.dma_semaphore, #tpu.memory_space<semaphore_mem>>) src(%arg11 : memref<80x128xf32, #tpu.memory_space<vmem>>) dst(%dma_wait3A_98 : memref<80x128xf32, #tpu.memory_space<vmem_shared>>)
          tpu.yield
        }) : () -> ()
      } else {
      }
    }
    %scan3A_12 = arith.constant 8 : i32
    %barrier3A = arith.constant 0 : index
    tpu.barrier barrier_id(%barrier3A)
    %add3A_13 = arith.constant 0 : i32
    %add3A_14 = arith.addi %mul3A_2, %add3A_13 : i32
    %dma_start3A = tpu.memref_slice %arg4[%add3A_14] : memref<320000xi32, #tpu.memory_space<hbm>> -> memref<80xi32, #tpu.memory_space<hbm>>
    %dma_start3A_15 = tpu.memref_slice %arg4[%add3A_14] : memref<320000xi32, #tpu.memory_space<hbm>> -> memref<80xi32, #tpu.memory_space<hbm>>
    tpu.enqueue_dma source(%dma_start3A_15 : memref<80xi32, #tpu.memory_space<hbm>>) target(%arg7 : memref<80xi32, #tpu.memory_space<vmem>>) target_semaphore(%arg19 : memref<!tpu.dma_semaphore, #tpu.memory_space<semaphore_mem>>)
    %add3A_16 = arith.constant 0 : i32
    %add3A_17 = arith.addi %mul3A_2, %add3A_16 : i32
    %dma_start3A_18 = tpu.memref_slice %arg5[%add3A_17] : memref<320000xi32, #tpu.memory_space<hbm>> -> memref<80xi32, #tpu.memory_space<hbm>>
    %dma_start3A_19 = tpu.memref_slice %arg5[%add3A_17] : memref<320000xi32, #tpu.memory_space<hbm>> -> memref<80xi32, #tpu.memory_space<hbm>>
    tpu.enqueue_dma source(%dma_start3A_19 : memref<80xi32, #tpu.memory_space<hbm>>) target(%arg9 : memref<80xi32, #tpu.memory_space<vmem>>) target_semaphore(%arg21 : memref<!tpu.dma_semaphore, #tpu.memory_space<semaphore_mem>>)
    %add3A_20 = arith.constant 80 : i32
    %add3A_21 = arith.addi %mul3A_2, %add3A_20 : i32
    %dma_start3A_22 = tpu.memref_slice %arg4[%add3A_21] : memref<320000xi32, #tpu.memory_space<hbm>> -> memref<80xi32, #tpu.memory_space<hbm>>
    %dma_start3A_23 = tpu.memref_slice %arg4[%add3A_21] : memref<320000xi32, #tpu.memory_space<hbm>> -> memref<80xi32, #tpu.memory_space<hbm>>
    tpu.enqueue_dma source(%dma_start3A_23 : memref<80xi32, #tpu.memory_space<hbm>>) target(%arg8 : memref<80xi32, #tpu.memory_space<vmem>>) target_semaphore(%arg20 : memref<!tpu.dma_semaphore, #tpu.memory_space<semaphore_mem>>)
    %add3A_24 = arith.constant 80 : i32
    %add3A_25 = arith.addi %mul3A_2, %add3A_24 : i32
    %dma_start3A_26 = tpu.memref_slice %arg5[%add3A_25] : memref<320000xi32, #tpu.memory_space<hbm>> -> memref<80xi32, #tpu.memory_space<hbm>>
    %dma_start3A_27 = tpu.memref_slice %arg5[%add3A_25] : memref<320000xi32, #tpu.memory_space<hbm>> -> memref<80xi32, #tpu.memory_space<hbm>>
    tpu.enqueue_dma source(%dma_start3A_27 : memref<80xi32, #tpu.memory_space<hbm>>) target(%arg10 : memref<80xi32, #tpu.memory_space<vmem>>) target_semaphore(%arg22 : memref<!tpu.dma_semaphore, #tpu.memory_space<semaphore_mem>>)
    %add3A_28 = arith.constant 0 : i32
    %add3A_29 = arith.addi %mul3A_2, %add3A_28 : i32
    %dma_wait3A = tpu.memref_slice %arg4[%add3A_29] : memref<320000xi32, #tpu.memory_space<hbm>> -> memref<80xi32, #tpu.memory_space<hbm>>
    %dma_wait3A_30 = tpu.memref_slice %arg4[%add3A_29] : memref<320000xi32, #tpu.memory_space<hbm>> -> memref<80xi32, #tpu.memory_space<hbm>>
    tpu.wait_dma2 semaphore(%arg19 : memref<!tpu.dma_semaphore, #tpu.memory_space<semaphore_mem>>) src(%dma_wait3A_30 : memref<80xi32, #tpu.memory_space<hbm>>) dst(%arg7 : memref<80xi32, #tpu.memory_space<vmem>>)
    %add3A_31 = arith.constant 0 : i32
    %add3A_32 = arith.addi %mul3A_2, %add3A_31 : i32
    %dma_start3A_33 = arith.constant 0 : i32
    %dma_start3A_34 = arith.constant 0 : i32
    %dma_start3A_35 = tpu.memref_slice %arg2[%dma_start3A_33, %dma_start3A_34] : memref<10000x128xf32, #tpu.memory_space<hbm>> -> memref<10000x128xf32, #tpu.memory_space<hbm>>
    tpu.enqueue_indirect_dma source(%dma_start3A_35 : memref<10000x128xf32, #tpu.memory_space<hbm>>) target(%arg11 : memref<80x128xf32, #tpu.memory_space<vmem>>) offsets(%arg7 : memref<80xi32, #tpu.memory_space<vmem>>) semaphore(%arg15 : memref<!tpu.dma_semaphore, #tpu.memory_space<semaphore_mem>>)
    %dma_start3A_36 = arith.constant 0 : i32
    %dma_start3A_37 = tpu.memref_slice %arg3[%add3A_32, %dma_start3A_36] : memref<320000x128xf32, #tpu.memory_space<hbm>> -> memref<80x128xf32, #tpu.memory_space<hbm>>
    %dma_start3A_38 = arith.constant 0 : i32
    %dma_start3A_39 = tpu.memref_slice %arg3[%add3A_32, %dma_start3A_38] : memref<320000x128xf32, #tpu.memory_space<hbm>> -> memref<80x128xf32, #tpu.memory_space<hbm>>
    tpu.enqueue_dma source(%dma_start3A_39 : memref<80x128xf32, #tpu.memory_space<hbm>>) target(%arg13 : memref<80x128xf32, #tpu.memory_space<vmem>>) target_semaphore(%arg16 : memref<!tpu.dma_semaphore, #tpu.memory_space<semaphore_mem>>)
    %add3A_40 = arith.constant 80 : i32
    %add3A_41 = arith.addi %mul3A_2, %add3A_40 : i32
    %dma_wait3A_42 = tpu.memref_slice %arg4[%add3A_41] : memref<320000xi32, #tpu.memory_space<hbm>> -> memref<80xi32, #tpu.memory_space<hbm>>
    %dma_wait3A_43 = tpu.memref_slice %arg4[%add3A_41] : memref<320000xi32, #tpu.memory_space<hbm>> -> memref<80xi32, #tpu.memory_space<hbm>>
    tpu.wait_dma2 semaphore(%arg20 : memref<!tpu.dma_semaphore, #tpu.memory_space<semaphore_mem>>) src(%dma_wait3A_43 : memref<80xi32, #tpu.memory_space<hbm>>) dst(%arg8 : memref<80xi32, #tpu.memory_space<vmem>>)
    %add3A_44 = arith.constant 80 : i32
    %add3A_45 = arith.addi %mul3A_2, %add3A_44 : i32
    %dma_start3A_46 = arith.constant 0 : i32
    %dma_start3A_47 = arith.constant 0 : i32
    %dma_start3A_48 = tpu.memref_slice %arg2[%dma_start3A_46, %dma_start3A_47] : memref<10000x128xf32, #tpu.memory_space<hbm>> -> memref<10000x128xf32, #tpu.memory_space<hbm>>
    tpu.enqueue_indirect_dma source(%dma_start3A_48 : memref<10000x128xf32, #tpu.memory_space<hbm>>) target(%arg12 : memref<80x128xf32, #tpu.memory_space<vmem>>) offsets(%arg8 : memref<80xi32, #tpu.memory_space<vmem>>) semaphore(%arg17 : memref<!tpu.dma_semaphore, #tpu.memory_space<semaphore_mem>>)
    %dma_start3A_49 = arith.constant 0 : i32
    %dma_start3A_50 = tpu.memref_slice %arg3[%add3A_45, %dma_start3A_49] : memref<320000x128xf32, #tpu.memory_space<hbm>> -> memref<80x128xf32, #tpu.memory_space<hbm>>
    %dma_start3A_51 = arith.constant 0 : i32
    %dma_start3A_52 = tpu.memref_slice %arg3[%add3A_45, %dma_start3A_51] : memref<320000x128xf32, #tpu.memory_space<hbm>> -> memref<80x128xf32, #tpu.memory_space<hbm>>
    tpu.enqueue_dma source(%dma_start3A_52 : memref<80x128xf32, #tpu.memory_space<hbm>>) target(%arg14 : memref<80x128xf32, #tpu.memory_space<vmem>>) target_semaphore(%arg18 : memref<!tpu.dma_semaphore, #tpu.memory_space<semaphore_mem>>)
    %scan3A_53 = arith.constant 0 : i32
    %scan3A_54 = arith.constant 62 : i32
    %scan3A_55 = arith.addi %scan3A_53, %scan3A_54 : i32
    %scan3A_56 = arith.constant 1 : i32
    scf.for %scan3A_79 = %scan3A_53 to %scan3A_55 step %scan3A_56  : i32 {
      %mul3A_80 = arith.constant 1 : i32
      %mul3A_81 = arith.muli %scan3A_79, %mul3A_80 : i32
      %add3A_82 = arith.constant 0 : i32
      %add3A_83 = arith.addi %add3A_82, %mul3A_81 : i32
      %mul3A_84 = arith.constant 2 : i32
      %mul3A_85 = arith.muli %mul3A_84, %add3A_83 : i32
      %add3A_86 = arith.constant 2 : i32
      %add3A_87 = arith.addi %mul3A_85, %add3A_86 : i32
      %mul3A_88 = arith.constant 80 : i32
      %mul3A_89 = arith.muli %mul3A_85, %mul3A_88 : i32
      %add3A_90 = arith.addi %mul3A_2, %mul3A_89 : i32
      %dma_wait3A_91 = arith.constant 0 : i32
      %dma_wait3A_92 = arith.constant 0 : i32
      %dma_wait3A_93 = tpu.memref_slice %arg2[%dma_wait3A_91, %dma_wait3A_92] : memref<10000x128xf32, #tpu.memory_space<hbm>> -> memref<10000x128xf32, #tpu.memory_space<hbm>>
      tpu.wait_indirect_dma semaphore(%arg15 : memref<!tpu.dma_semaphore, #tpu.memory_space<semaphore_mem>>) src(%dma_wait3A_93 : memref<10000x128xf32, #tpu.memory_space<hbm>>) dst(%arg11 : memref<80x128xf32, #tpu.memory_space<vmem>>)
      %dma_wait3A_94 = arith.constant 0 : i32
      %dma_wait3A_95 = tpu.memref_slice %arg3[%add3A_90, %dma_wait3A_94] : memref<320000x128xf32, #tpu.memory_space<hbm>> -> memref<80x128xf32, #tpu.memory_space<hbm>>
      %dma_wait3A_96 = arith.constant 0 : i32
      %dma_wait3A_97 = tpu.memref_slice %arg3[%add3A_90, %dma_wait3A_96] : memref<320000x128xf32, #tpu.memory_space<hbm>> -> memref<80x128xf32, #tpu.memory_space<hbm>>
      tpu.wait_dma2 semaphore(%arg16 : memref<!tpu.dma_semaphore, #tpu.memory_space<semaphore_mem>>) src(%dma_wait3A_97 : memref<80x128xf32, #tpu.memory_space<hbm>>) dst(%arg13 : memref<80x128xf32, #tpu.memory_space<vmem>>)
      %lt3A = arith.constant 125 : i32
      %lt3A_98 = arith.cmpi slt, %add3A_87, %lt3A : i32
      %convert_element_type3A = arith.extui %lt3A_98 : i1 to i32
      %cond3A = arith.constant 0 : i32
      %cond3A_99 = arith.cmpi ne, %convert_element_type3A, %cond3A : i32
      scf.if %cond3A_99 {
        %mul3A_145 = arith.constant 80 : i32
        %mul3A_146 = arith.muli %add3A_87, %mul3A_145 : i32
        %add3A_147 = arith.addi %mul3A_2, %mul3A_146 : i32
        %dma_start3A_148 = tpu.memref_slice %arg4[%add3A_147] : memref<320000xi32, #tpu.memory_space<hbm>> -> memref<80xi32, #tpu.memory_space<hbm>>
        %dma_start3A_149 = tpu.memref_slice %arg4[%add3A_147] : memref<320000xi32, #tpu.memory_space<hbm>> -> memref<80xi32, #tpu.memory_space<hbm>>
        tpu.enqueue_dma source(%dma_start3A_149 : memref<80xi32, #tpu.memory_space<hbm>>) target(%arg7 : memref<80xi32, #tpu.memory_space<vmem>>) target_semaphore(%arg19 : memref<!tpu.dma_semaphore, #tpu.memory_space<semaphore_mem>>)
      } else {
      }
      %mul3A_100 = arith.constant 80 : i32
      %mul3A_101 = arith.muli %mul3A_85, %mul3A_100 : i32
      %add3A_102 = arith.addi %mul3A_2, %mul3A_101 : i32
      %dma_wait3A_103 = tpu.memref_slice %arg5[%add3A_102] : memref<320000xi32, #tpu.memory_space<hbm>> -> memref<80xi32, #tpu.memory_space<hbm>>
      %dma_wait3A_104 = tpu.memref_slice %arg5[%add3A_102] : memref<320000xi32, #tpu.memory_space<hbm>> -> memref<80xi32, #tpu.memory_space<hbm>>
      tpu.wait_dma2 semaphore(%arg21 : memref<!tpu.dma_semaphore, #tpu.memory_space<semaphore_mem>>) src(%dma_wait3A_104 : memref<80xi32, #tpu.memory_space<hbm>>) dst(%arg9 : memref<80xi32, #tpu.memory_space<vmem>>)
      %parallel_loop3A_105 = arith.constant 0 : i32
      %parallel_loop3A_106 = arith.constant 80 : i32
      %parallel_loop3A_107 = arith.constant 1 : i32
      scf.for %parallel_loop3A_145 = %parallel_loop3A_105 to %parallel_loop3A_106 step %parallel_loop3A_107  : i32 {
        %parallel_loop3A_146 = arith.index_cast %parallel_loop3A_145 : i32 to index
        %parallel_loop3A_147 = arith.constant 0 : index
        %parallel_loop3A_148 = tpu.vector_load %arg11[%parallel_loop3A_146, %parallel_loop3A_147] {strides = array<i32>} : memref<80x128xf32, #tpu.memory_space<vmem>>, vector<1x16xf32>,
        %parallel_loop3A_149 = vector.shape_cast %parallel_loop3A_148 : vector<1x16xf32> to vector<16xf32>
        %parallel_loop3A_150 = arith.index_cast %parallel_loop3A_145 : i32 to index
        %parallel_loop3A_151 = arith.constant 0 : index
        %parallel_loop3A_152 = tpu.vector_load %arg13[%parallel_loop3A_150, %parallel_loop3A_151] {strides = array<i32>} : memref<80x128xf32, #tpu.memory_space<vmem>>, vector<1x16xf32>,
        %parallel_loop3A_153 = vector.shape_cast %parallel_loop3A_152 : vector<1x16xf32> to vector<16xf32>
        %parallel_loop3A_154 = arith.mulf %parallel_loop3A_149, %parallel_loop3A_153 : vector<16xf32>
        %parallel_loop3A_155 = arith.index_cast %parallel_loop3A_145 : i32 to index
        %parallel_loop3A_156 = arith.constant 0 : index
        %parallel_loop3A_157 = tpu.vector_load %arg11[%parallel_loop3A_155, %parallel_loop3A_156] {strides = array<i32>} : memref<80x128xf32, #tpu.memory_space<vmem>>, vector<1x16xf32>,
        %parallel_loop3A_158 = vector.shape_cast %parallel_loop3A_157 : vector<1x16xf32> to vector<16xf32>
        %parallel_loop3A_159 = vector.shape_cast %parallel_loop3A_154 : vector<16xf32> to vector<1x16xf32>
        tpu.vector_store %arg11[%parallel_loop3A_155, %parallel_loop3A_156], %parallel_loop3A_159 {strides = array<i32>} : memref<80x128xf32, #tpu.memory_space<vmem>>, vector<1x16xf32>,
        %parallel_loop3A_160 = arith.index_cast %parallel_loop3A_145 : i32 to index
        %parallel_loop3A_161 = arith.constant 16 : index
        %parallel_loop3A_162 = tpu.vector_load %arg11[%parallel_loop3A_160, %parallel_loop3A_161] {strides = array<i32>} : memref<80x128xf32, #tpu.memory_space<vmem>>, vector<1x16xf32>,
        %parallel_loop3A_163 = vector.shape_cast %parallel_loop3A_162 : vector<1x16xf32> to vector<16xf32>
        %parallel_loop3A_164 = arith.index_cast %parallel_loop3A_145 : i32 to index
        %parallel_loop3A_165 = arith.constant 16 : index
        %parallel_loop3A_166 = tpu.vector_load %arg13[%parallel_loop3A_164, %parallel_loop3A_165] {strides = array<i32>} : memref<80x128xf32, #tpu.memory_space<vmem>>, vector<1x16xf32>,
        %parallel_loop3A_167 = vector.shape_cast %parallel_loop3A_166 : vector<1x16xf32> to vector<16xf32>
        %parallel_loop3A_168 = arith.mulf %parallel_loop3A_163, %parallel_loop3A_167 : vector<16xf32>
        %parallel_loop3A_169 = arith.index_cast %parallel_loop3A_145 : i32 to index
        %parallel_loop3A_170 = arith.constant 16 : index
        %parallel_loop3A_171 = tpu.vector_load %arg11[%parallel_loop3A_169, %parallel_loop3A_170] {strides = array<i32>} : memref<80x128xf32, #tpu.memory_space<vmem>>, vector<1x16xf32>,
        %parallel_loop3A_172 = vector.shape_cast %parallel_loop3A_171 : vector<1x16xf32> to vector<16xf32>
        %parallel_loop3A_173 = vector.shape_cast %parallel_loop3A_168 : vector<16xf32> to vector<1x16xf32>
        tpu.vector_store %arg11[%parallel_loop3A_169, %parallel_loop3A_170], %parallel_loop3A_173 {strides = array<i32>} : memref<80x128xf32, #tpu.memory_space<vmem>>, vector<1x16xf32>,
        %parallel_loop3A_174 = arith.index_cast %parallel_loop3A_145 : i32 to index
        %parallel_loop3A_175 = arith.constant 32 : index
        %parallel_loop3A_176 = tpu.vector_load %arg11[%parallel_loop3A_174, %parallel_loop3A_175] {strides = array<i32>} : memref<80x128xf32, #tpu.memory_space<vmem>>, vector<1x16xf32>,
        %parallel_loop3A_177 = vector.shape_cast %parallel_loop3A_176 : vector<1x16xf32> to vector<16xf32>
        %parallel_loop3A_178 = arith.index_cast %parallel_loop3A_145 : i32 to index
        %parallel_loop3A_179 = arith.constant 32 : index
        %parallel_loop3A_180 = tpu.vector_load %arg13[%parallel_loop3A_178, %parallel_loop3A_179] {strides = array<i32>} : memref<80x128xf32, #tpu.memory_space<vmem>>, vector<1x16xf32>,
        %parallel_loop3A_181 = vector.shape_cast %parallel_loop3A_180 : vector<1x16xf32> to vector<16xf32>
        %parallel_loop3A_182 = arith.mulf %parallel_loop3A_177, %parallel_loop3A_181 : vector<16xf32>
        %parallel_loop3A_183 = arith.index_cast %parallel_loop3A_145 : i32 to index
        %parallel_loop3A_184 = arith.constant 32 : index
        %parallel_loop3A_185 = tpu.vector_load %arg11[%parallel_loop3A_183, %parallel_loop3A_184] {strides = array<i32>} : memref<80x128xf32, #tpu.memory_space<vmem>>, vector<1x16xf32>,
        %parallel_loop3A_186 = vector.shape_cast %parallel_loop3A_185 : vector<1x16xf32> to vector<16xf32>
        %parallel_loop3A_187 = vector.shape_cast %parallel_loop3A_182 : vector<16xf32> to vector<1x16xf32>
        tpu.vector_store %arg11[%parallel_loop3A_183, %parallel_loop3A_184], %parallel_loop3A_187 {strides = array<i32>} : memref<80x128xf32, #tpu.memory_space<vmem>>, vector<1x16xf32>,
        %parallel_loop3A_188 = arith.index_cast %parallel_loop3A_145 : i32 to index
        %parallel_loop3A_189 = arith.constant 48 : index
        %parallel_loop3A_190 = tpu.vector_load %arg11[%parallel_loop3A_188, %parallel_loop3A_189] {strides = array<i32>} : memref<80x128xf32, #tpu.memory_space<vmem>>, vector<1x16xf32>,
        %parallel_loop3A_191 = vector.shape_cast %parallel_loop3A_190 : vector<1x16xf32> to vector<16xf32>
        %parallel_loop3A_192 = arith.index_cast %parallel_loop3A_145 : i32 to index
        %parallel_loop3A_193 = arith.constant 48 : index
        %parallel_loop3A_194 = tpu.vector_load %arg13[%parallel_loop3A_192, %parallel_loop3A_193] {strides = array<i32>} : memref<80x128xf32, #tpu.memory_space<vmem>>, vector<1x16xf32>,
        %parallel_loop3A_195 = vector.shape_cast %parallel_loop3A_194 : vector<1x16xf32> to vector<16xf32>
        %parallel_loop3A_196 = arith.mulf %parallel_loop3A_191, %parallel_loop3A_195 : vector<16xf32>
        %parallel_loop3A_197 = arith.index_cast %parallel_loop3A_145 : i32 to index
        %parallel_loop3A_198 = arith.constant 48 : index
        %parallel_loop3A_199 = tpu.vector_load %arg11[%parallel_loop3A_197, %parallel_loop3A_198] {strides = array<i32>} : memref<80x128xf32, #tpu.memory_space<vmem>>, vector<1x16xf32>,
        %parallel_loop3A_200 = vector.shape_cast %parallel_loop3A_199 : vector<1x16xf32> to vector<16xf32>
        %parallel_loop3A_201 = vector.shape_cast %parallel_loop3A_196 : vector<16xf32> to vector<1x16xf32>
        tpu.vector_store %arg11[%parallel_loop3A_197, %parallel_loop3A_198], %parallel_loop3A_201 {strides = array<i32>} : memref<80x128xf32, #tpu.memory_space<vmem>>, vector<1x16xf32>,
        %parallel_loop3A_202 = arith.index_cast %parallel_loop3A_145 : i32 to index
        %parallel_loop3A_203 = arith.constant 64 : index
        %parallel_loop3A_204 = tpu.vector_load %arg11[%parallel_loop3A_202, %parallel_loop3A_203] {strides = array<i32>} : memref<80x128xf32, #tpu.memory_space<vmem>>, vector<1x16xf32>,
        %parallel_loop3A_205 = vector.shape_cast %parallel_loop3A_204 : vector<1x16xf32> to vector<16xf32>
        %parallel_loop3A_206 = arith.index_cast %parallel_loop3A_145 : i32 to index
        %parallel_loop3A_207 = arith.constant 64 : index
        %parallel_loop3A_208 = tpu.vector_load %arg13[%parallel_loop3A_206, %parallel_loop3A_207] {strides = array<i32>} : memref<80x128xf32, #tpu.memory_space<vmem>>, vector<1x16xf32>,
        %parallel_loop3A_209 = vector.shape_cast %parallel_loop3A_208 : vector<1x16xf32> to vector<16xf32>
        %parallel_loop3A_210 = arith.mulf %parallel_loop3A_205, %parallel_loop3A_209 : vector<16xf32>
        %parallel_loop3A_211 = arith.index_cast %parallel_loop3A_145 : i32 to index
        %parallel_loop3A_212 = arith.constant 64 : index
        %parallel_loop3A_213 = tpu.vector_load %arg11[%parallel_loop3A_211, %parallel_loop3A_212] {strides = array<i32>} : memref<80x128xf32, #tpu.memory_space<vmem>>, vector<1x16xf32>,
        %parallel_loop3A_214 = vector.shape_cast %parallel_loop3A_213 : vector<1x16xf32> to vector<16xf32>
        %parallel_loop3A_215 = vector.shape_cast %parallel_loop3A_210 : vector<16xf32> to vector<1x16xf32>
        tpu.vector_store %arg11[%parallel_loop3A_211, %parallel_loop3A_212], %parallel_loop3A_215 {strides = array<i32>} : memref<80x128xf32, #tpu.memory_space<vmem>>, vector<1x16xf32>,
        %parallel_loop3A_216 = arith.index_cast %parallel_loop3A_145 : i32 to index
        %parallel_loop3A_217 = arith.constant 80 : index
        %parallel_loop3A_218 = tpu.vector_load %arg11[%parallel_loop3A_216, %parallel_loop3A_217] {strides = array<i32>} : memref<80x128xf32, #tpu.memory_space<vmem>>, vector<1x16xf32>,
        %parallel_loop3A_219 = vector.shape_cast %parallel_loop3A_218 : vector<1x16xf32> to vector<16xf32>
        %parallel_loop3A_220 = arith.index_cast %parallel_loop3A_145 : i32 to index
        %parallel_loop3A_221 = arith.constant 80 : index
        %parallel_loop3A_222 = tpu.vector_load %arg13[%parallel_loop3A_220, %parallel_loop3A_221] {strides = array<i32>} : memref<80x128xf32, #tpu.memory_space<vmem>>, vector<1x16xf32>,
        %parallel_loop3A_223 = vector.shape_cast %parallel_loop3A_222 : vector<1x16xf32> to vector<16xf32>
        %parallel_loop3A_224 = arith.mulf %parallel_loop3A_219, %parallel_loop3A_223 : vector<16xf32>
        %parallel_loop3A_225 = arith.index_cast %parallel_loop3A_145 : i32 to index
        %parallel_loop3A_226 = arith.constant 80 : index
        %parallel_loop3A_227 = tpu.vector_load %arg11[%parallel_loop3A_225, %parallel_loop3A_226] {strides = array<i32>} : memref<80x128xf32, #tpu.memory_space<vmem>>, vector<1x16xf32>,
        %parallel_loop3A_228 = vector.shape_cast %parallel_loop3A_227 : vector<1x16xf32> to vector<16xf32>
        %parallel_loop3A_229 = vector.shape_cast %parallel_loop3A_224 : vector<16xf32> to vector<1x16xf32>
        tpu.vector_store %arg11[%parallel_loop3A_225, %parallel_loop3A_226], %parallel_loop3A_229 {strides = array<i32>} : memref<80x128xf32, #tpu.memory_space<vmem>>, vector<1x16xf32>,
        %parallel_loop3A_230 = arith.index_cast %parallel_loop3A_145 : i32 to index
        %parallel_loop3A_231 = arith.constant 96 : index
        %parallel_loop3A_232 = tpu.vector_load %arg11[%parallel_loop3A_230, %parallel_loop3A_231] {strides = array<i32>} : memref<80x128xf32, #tpu.memory_space<vmem>>, vector<1x16xf32>,
        %parallel_loop3A_233 = vector.shape_cast %parallel_loop3A_232 : vector<1x16xf32> to vector<16xf32>
        %parallel_loop3A_234 = arith.index_cast %parallel_loop3A_145 : i32 to index
        %parallel_loop3A_235 = arith.constant 96 : index
        %parallel_loop3A_236 = tpu.vector_load %arg13[%parallel_loop3A_234, %parallel_loop3A_235] {strides = array<i32>} : memref<80x128xf32, #tpu.memory_space<vmem>>, vector<1x16xf32>,
        %parallel_loop3A_237 = vector.shape_cast %parallel_loop3A_236 : vector<1x16xf32> to vector<16xf32>
        %parallel_loop3A_238 = arith.mulf %parallel_loop3A_233, %parallel_loop3A_237 : vector<16xf32>
        %parallel_loop3A_239 = arith.index_cast %parallel_loop3A_145 : i32 to index
        %parallel_loop3A_240 = arith.constant 96 : index
        %parallel_loop3A_241 = tpu.vector_load %arg11[%parallel_loop3A_239, %parallel_loop3A_240] {strides = array<i32>} : memref<80x128xf32, #tpu.memory_space<vmem>>, vector<1x16xf32>,
        %parallel_loop3A_242 = vector.shape_cast %parallel_loop3A_241 : vector<1x16xf32> to vector<16xf32>
        %parallel_loop3A_243 = vector.shape_cast %parallel_loop3A_238 : vector<16xf32> to vector<1x16xf32>
        tpu.vector_store %arg11[%parallel_loop3A_239, %parallel_loop3A_240], %parallel_loop3A_243 {strides = array<i32>} : memref<80x128xf32, #tpu.memory_space<vmem>>, vector<1x16xf32>,
        %parallel_loop3A_244 = arith.index_cast %parallel_loop3A_145 : i32 to index
        %parallel_loop3A_245 = arith.constant 112 : index
        %parallel_loop3A_246 = tpu.vector_load %arg11[%parallel_loop3A_244, %parallel_loop3A_245] {strides = array<i32>} : memref<80x128xf32, #tpu.memory_space<vmem>>, vector<1x16xf32>,
        %parallel_loop3A_247 = vector.shape_cast %parallel_loop3A_246 : vector<1x16xf32> to vector<16xf32>
        %parallel_loop3A_248 = arith.index_cast %parallel_loop3A_145 : i32 to index
        %parallel_loop3A_249 = arith.constant 112 : index
        %parallel_loop3A_250 = tpu.vector_load %arg13[%parallel_loop3A_248, %parallel_loop3A_249] {strides = array<i32>} : memref<80x128xf32, #tpu.memory_space<vmem>>, vector<1x16xf32>,
        %parallel_loop3A_251 = vector.shape_cast %parallel_loop3A_250 : vector<1x16xf32> to vector<16xf32>
        %parallel_loop3A_252 = arith.mulf %parallel_loop3A_247, %parallel_loop3A_251 : vector<16xf32>
        %parallel_loop3A_253 = arith.index_cast %parallel_loop3A_145 : i32 to index
        %parallel_loop3A_254 = arith.constant 112 : index
        %parallel_loop3A_255 = tpu.vector_load %arg11[%parallel_loop3A_253, %parallel_loop3A_254] {strides = array<i32>} : memref<80x128xf32, #tpu.memory_space<vmem>>, vector<1x16xf32>,
        %parallel_loop3A_256 = vector.shape_cast %parallel_loop3A_255 : vector<1x16xf32> to vector<16xf32>
        %parallel_loop3A_257 = vector.shape_cast %parallel_loop3A_252 : vector<16xf32> to vector<1x16xf32>
        tpu.vector_store %arg11[%parallel_loop3A_253, %parallel_loop3A_254], %parallel_loop3A_257 {strides = array<i32>} : memref<80x128xf32, #tpu.memory_space<vmem>>, vector<1x16xf32>,
      } {sc.loop_unroll_factor = 4 : i64, sc.parallel_access}
      "tpu.region"() ({
        %run_scoped3A = tpu.sem_alloc : memref<!tpu.dma_semaphore, #tpu.memory_space<semaphore_mem>>
        %dma_start3A_145 = arith.constant 0 : i32
        %dma_start3A_146 = arith.constant 0 : i32
        %dma_start3A_147 = tpu.memref_slice %arg23[%dma_start3A_145, %dma_start3A_146] : memref<10000x128xf32, #tpu.memory_space<vmem_shared>> -> memref<10000x128xf32, #tpu.memory_space<vmem_shared>>
        tpu.enqueue_indirect_dma source(%arg11 : memref<80x128xf32, #tpu.memory_space<vmem>>) target(%dma_start3A_147 : memref<10000x128xf32, #tpu.memory_space<vmem_shared>>) offsets(%arg9 : memref<80xi32, #tpu.memory_space<vmem>>) semaphore(%run_scoped3A : memref<!tpu.dma_semaphore, #tpu.memory_space<semaphore_mem>>) {add = true}
        %dma_wait3A_148 = arith.constant 0 : i32
        %dma_wait3A_149 = arith.constant 0 : i32
        %dma_wait3A_150 = tpu.memref_slice %arg23[%dma_wait3A_148, %dma_wait3A_149] : memref<10000x128xf32, #tpu.memory_space<vmem_shared>> -> memref<10000x128xf32, #tpu.memory_space<vmem_shared>>
        tpu.wait_indirect_dma semaphore(%run_scoped3A : memref<!tpu.dma_semaphore, #tpu.memory_space<semaphore_mem>>) src(%arg11 : memref<80x128xf32, #tpu.memory_space<vmem>>) dst(%dma_wait3A_150 : memref<10000x128xf32, #tpu.memory_space<vmem_shared>>)
        tpu.yield
      }) : () -> ()
      %lt3A_108 = arith.constant 125 : i32
      %lt3A_109 = arith.cmpi slt, %add3A_87, %lt3A_108 : i32
      %convert_element_type3A_110 = arith.extui %lt3A_109 : i1 to i32
      %cond3A_111 = arith.constant 0 : i32
      %cond3A_112 = arith.cmpi ne, %convert_element_type3A_110, %cond3A_111 : i32
      scf.if %cond3A_112 {
        %mul3A_145 = arith.constant 80 : i32
        %mul3A_146 = arith.muli %add3A_87, %mul3A_145 : i32
        %add3A_147 = arith.addi %mul3A_2, %mul3A_146 : i32
        %dma_start3A_148 = tpu.memref_slice %arg5[%add3A_147] : memref<320000xi32, #tpu.memory_space<hbm>> -> memref<80xi32, #tpu.memory_space<hbm>>
        %dma_start3A_149 = tpu.memref_slice %arg5[%add3A_147] : memref<320000xi32, #tpu.memory_space<hbm>> -> memref<80xi32, #tpu.memory_space<hbm>>
        tpu.enqueue_dma source(%dma_start3A_149 : memref<80xi32, #tpu.memory_space<hbm>>) target(%arg9 : memref<80xi32, #tpu.memory_space<vmem>>) target_semaphore(%arg21 : memref<!tpu.dma_semaphore, #tpu.memory_space<semaphore_mem>>)
        %mul3A_150 = arith.constant 80 : i32
        %mul3A_151 = arith.muli %add3A_87, %mul3A_150 : i32
        %add3A_152 = arith.addi %mul3A_2, %mul3A_151 : i32
        %dma_wait3A_153 = tpu.memref_slice %arg4[%add3A_152] : memref<320000xi32, #tpu.memory_space<hbm>> -> memref<80xi32, #tpu.memory_space<hbm>>
        %dma_wait3A_154 = tpu.memref_slice %arg4[%add3A_152] : memref<320000xi32, #tpu.memory_space<hbm>> -> memref<80xi32, #tpu.memory_space<hbm>>
        tpu.wait_dma2 semaphore(%arg19 : memref<!tpu.dma_semaphore, #tpu.memory_space<semaphore_mem>>) src(%dma_wait3A_154 : memref<80xi32, #tpu.memory_space<hbm>>) dst(%arg7 : memref<80xi32, #tpu.memory_space<vmem>>)
        %mul3A_155 = arith.constant 80 : i32
        %mul3A_156 = arith.muli %add3A_87, %mul3A_155 : i32
        %add3A_157 = arith.addi %mul3A_2, %mul3A_156 : i32
        %dma_start3A_158 = arith.constant 0 : i32
        %dma_start3A_159 = arith.constant 0 : i32
        %dma_start3A_160 = tpu.memref_slice %arg2[%dma_start3A_158, %dma_start3A_159] : memref<10000x128xf32, #tpu.memory_space<hbm>> -> memref<10000x128xf32, #tpu.memory_space<hbm>>
        tpu.enqueue_indirect_dma source(%dma_start3A_160 : memref<10000x128xf32, #tpu.memory_space<hbm>>) target(%arg11 : memref<80x128xf32, #tpu.memory_space<vmem>>) offsets(%arg7 : memref<80xi32, #tpu.memory_space<vmem>>) semaphore(%arg15 : memref<!tpu.dma_semaphore, #tpu.memory_space<semaphore_mem>>)
        %dma_start3A_161 = arith.constant 0 : i32
        %dma_start3A_162 = tpu.memref_slice %arg3[%add3A_157, %dma_start3A_161] : memref<320000x128xf32, #tpu.memory_space<hbm>> -> memref<80x128xf32, #tpu.memory_space<hbm>>
        %dma_start3A_163 = arith.constant 0 : i32
        %dma_start3A_164 = tpu.memref_slice %arg3[%add3A_157, %dma_start3A_163] : memref<320000x128xf32, #tpu.memory_space<hbm>> -> memref<80x128xf32, #tpu.memory_space<hbm>>
        tpu.enqueue_dma source(%dma_start3A_164 : memref<80x128xf32, #tpu.memory_space<hbm>>) target(%arg13 : memref<80x128xf32, #tpu.memory_space<vmem>>) target_semaphore(%arg16 : memref<!tpu.dma_semaphore, #tpu.memory_space<semaphore_mem>>)
      } else {
      }
      %add3A_113 = arith.constant 1 : i32
      %add3A_114 = arith.addi %mul3A_85, %add3A_113 : i32
      %add3A_115 = arith.constant 3 : i32
      %add3A_116 = arith.addi %mul3A_85, %add3A_115 : i32
      %mul3A_117 = arith.constant 80 : i32
      %mul3A_118 = arith.muli %add3A_114, %mul3A_117 : i32
      %add3A_119 = arith.addi %mul3A_2, %mul3A_118 : i32
      %dma_wait3A_120 = arith.constant 0 : i32
      %dma_wait3A_121 = arith.constant 0 : i32
      %dma_wait3A_122 = tpu.memref_slice %arg2[%dma_wait3A_120, %dma_wait3A_121] : memref<10000x128xf32, #tpu.memory_space<hbm>> -> memref<10000x128xf32, #tpu.memory_space<hbm>>
      tpu.wait_indirect_dma semaphore(%arg17 : memref<!tpu.dma_semaphore, #tpu.memory_space<semaphore_mem>>) src(%dma_wait3A_122 : memref<10000x128xf32, #tpu.memory_space<hbm>>) dst(%arg12 : memref<80x128xf32, #tpu.memory_space<vmem>>)
      %dma_wait3A_123 = arith.constant 0 : i32
      %dma_wait3A_124 = tpu.memref_slice %arg3[%add3A_119, %dma_wait3A_123] : memref<320000x128xf32, #tpu.memory_space<hbm>> -> memref<80x128xf32, #tpu.memory_space<hbm>>
      %dma_wait3A_125 = arith.constant 0 : i32
      %dma_wait3A_126 = tpu.memref_slice %arg3[%add3A_119, %dma_wait3A_125] : memref<320000x128xf32, #tpu.memory_space<hbm>> -> memref<80x128xf32, #tpu.memory_space<hbm>>
      tpu.wait_dma2 semaphore(%arg18 : memref<!tpu.dma_semaphore, #tpu.memory_space<semaphore_mem>>) src(%dma_wait3A_126 : memref<80x128xf32, #tpu.memory_space<hbm>>) dst(%arg14 : memref<80x128xf32, #tpu.memory_space<vmem>>)
      %lt3A_127 = arith.constant 125 : i32
      %lt3A_128 = arith.cmpi slt, %add3A_116, %lt3A_127 : i32
      %convert_element_type3A_129 = arith.extui %lt3A_128 : i1 to i32
      %cond3A_130 = arith.constant 0 : i32
      %cond3A_131 = arith.cmpi ne, %convert_element_type3A_129, %cond3A_130 : i32
      scf.if %cond3A_131 {
        %mul3A_145 = arith.constant 80 : i32
        %mul3A_146 = arith.muli %add3A_116, %mul3A_145 : i32
        %add3A_147 = arith.addi %mul3A_2, %mul3A_146 : i32
        %dma_start3A_148 = tpu.memref_slice %arg4[%add3A_147] : memref<320000xi32, #tpu.memory_space<hbm>> -> memref<80xi32, #tpu.memory_space<hbm>>
        %dma_start3A_149 = tpu.memref_slice %arg4[%add3A_147] : memref<320000xi32, #tpu.memory_space<hbm>> -> memref<80xi32, #tpu.memory_space<hbm>>
        tpu.enqueue_dma source(%dma_start3A_149 : memref<80xi32, #tpu.memory_space<hbm>>) target(%arg8 : memref<80xi32, #tpu.memory_space<vmem>>) target_semaphore(%arg20 : memref<!tpu.dma_semaphore, #tpu.memory_space<semaphore_mem>>)
      } else {
      }
      %mul3A_132 = arith.constant 80 : i32
      %mul3A_133 = arith.muli %add3A_114, %mul3A_132 : i32
      %add3A_134 = arith.addi %mul3A_2, %mul3A_133 : i32
      %dma_wait3A_135 = tpu.memref_slice %arg5[%add3A_134] : memref<320000xi32, #tpu.memory_space<hbm>> -> memref<80xi32, #tpu.memory_space<hbm>>
      %dma_wait3A_136 = tpu.memref_slice %arg5[%add3A_134] : memref<320000xi32, #tpu.memory_space<hbm>> -> memref<80xi32, #tpu.memory_space<hbm>>
      tpu.wait_dma2 semaphore(%arg22 : memref<!tpu.dma_semaphore, #tpu.memory_space<semaphore_mem>>) src(%dma_wait3A_136 : memref<80xi32, #tpu.memory_space<hbm>>) dst(%arg10 : memref<80xi32, #tpu.memory_space<vmem>>)
      %parallel_loop3A_137 = arith.constant 0 : i32
      %parallel_loop3A_138 = arith.constant 80 : i32
      %parallel_loop3A_139 = arith.constant 1 : i32
      scf.for %parallel_loop3A_145 = %parallel_loop3A_137 to %parallel_loop3A_138 step %parallel_loop3A_139  : i32 {
        %parallel_loop3A_146 = arith.index_cast %parallel_loop3A_145 : i32 to index
        %parallel_loop3A_147 = arith.constant 0 : index
        %parallel_loop3A_148 = tpu.vector_load %arg12[%parallel_loop3A_146, %parallel_loop3A_147] {strides = array<i32>} : memref<80x128xf32, #tpu.memory_space<vmem>>, vector<1x16xf32>,
        %parallel_loop3A_149 = vector.shape_cast %parallel_loop3A_148 : vector<1x16xf32> to vector<16xf32>
        %parallel_loop3A_150 = arith.index_cast %parallel_loop3A_145 : i32 to index
        %parallel_loop3A_151 = arith.constant 0 : index
        %parallel_loop3A_152 = tpu.vector_load %arg14[%parallel_loop3A_150, %parallel_loop3A_151] {strides = array<i32>} : memref<80x128xf32, #tpu.memory_space<vmem>>, vector<1x16xf32>,
        %parallel_loop3A_153 = vector.shape_cast %parallel_loop3A_152 : vector<1x16xf32> to vector<16xf32>
        %parallel_loop3A_154 = arith.mulf %parallel_loop3A_149, %parallel_loop3A_153 : vector<16xf32>
        %parallel_loop3A_155 = arith.index_cast %parallel_loop3A_145 : i32 to index
        %parallel_loop3A_156 = arith.constant 0 : index
        %parallel_loop3A_157 = tpu.vector_load %arg12[%parallel_loop3A_155, %parallel_loop3A_156] {strides = array<i32>} : memref<80x128xf32, #tpu.memory_space<vmem>>, vector<1x16xf32>,
        %parallel_loop3A_158 = vector.shape_cast %parallel_loop3A_157 : vector<1x16xf32> to vector<16xf32>
        %parallel_loop3A_159 = vector.shape_cast %parallel_loop3A_154 : vector<16xf32> to vector<1x16xf32>
        tpu.vector_store %arg12[%parallel_loop3A_155, %parallel_loop3A_156], %parallel_loop3A_159 {strides = array<i32>} : memref<80x128xf32, #tpu.memory_space<vmem>>, vector<1x16xf32>,
        %parallel_loop3A_160 = arith.index_cast %parallel_loop3A_145 : i32 to index
        %parallel_loop3A_161 = arith.constant 16 : index
        %parallel_loop3A_162 = tpu.vector_load %arg12[%parallel_loop3A_160, %parallel_loop3A_161] {strides = array<i32>} : memref<80x128xf32, #tpu.memory_space<vmem>>, vector<1x16xf32>,
        %parallel_loop3A_163 = vector.shape_cast %parallel_loop3A_162 : vector<1x16xf32> to vector<16xf32>
        %parallel_loop3A_164 = arith.index_cast %parallel_loop3A_145 : i32 to index
        %parallel_loop3A_165 = arith.constant 16 : index
        %parallel_loop3A_166 = tpu.vector_load %arg14[%parallel_loop3A_164, %parallel_loop3A_165] {strides = array<i32>} : memref<80x128xf32, #tpu.memory_space<vmem>>, vector<1x16xf32>,
        %parallel_loop3A_167 = vector.shape_cast %parallel_loop3A_166 : vector<1x16xf32> to vector<16xf32>
        %parallel_loop3A_168 = arith.mulf %parallel_loop3A_163, %parallel_loop3A_167 : vector<16xf32>
        %parallel_loop3A_169 = arith.index_cast %parallel_loop3A_145 : i32 to index
        %parallel_loop3A_170 = arith.constant 16 : index
        %parallel_loop3A_171 = tpu.vector_load %arg12[%parallel_loop3A_169, %parallel_loop3A_170] {strides = array<i32>} : memref<80x128xf32, #tpu.memory_space<vmem>>, vector<1x16xf32>,
        %parallel_loop3A_172 = vector.shape_cast %parallel_loop3A_171 : vector<1x16xf32> to vector<16xf32>
        %parallel_loop3A_173 = vector.shape_cast %parallel_loop3A_168 : vector<16xf32> to vector<1x16xf32>
        tpu.vector_store %arg12[%parallel_loop3A_169, %parallel_loop3A_170], %parallel_loop3A_173 {strides = array<i32>} : memref<80x128xf32, #tpu.memory_space<vmem>>, vector<1x16xf32>,
        %parallel_loop3A_174 = arith.index_cast %parallel_loop3A_145 : i32 to index
        %parallel_loop3A_175 = arith.constant 32 : index
        %parallel_loop3A_176 = tpu.vector_load %arg12[%parallel_loop3A_174, %parallel_loop3A_175] {strides = array<i32>} : memref<80x128xf32, #tpu.memory_space<vmem>>, vector<1x16xf32>,
        %parallel_loop3A_177 = vector.shape_cast %parallel_loop3A_176 : vector<1x16xf32> to vector<16xf32>
        %parallel_loop3A_178 = arith.index_cast %parallel_loop3A_145 : i32 to index
        %parallel_loop3A_179 = arith.constant 32 : index
        %parallel_loop3A_180 = tpu.vector_load %arg14[%parallel_loop3A_178, %parallel_loop3A_179] {strides = array<i32>} : memref<80x128xf32, #tpu.memory_space<vmem>>, vector<1x16xf32>,
        %parallel_loop3A_181 = vector.shape_cast %parallel_loop3A_180 : vector<1x16xf32> to vector<16xf32>
        %parallel_loop3A_182 = arith.mulf %parallel_loop3A_177, %parallel_loop3A_181 : vector<16xf32>
        %parallel_loop3A_183 = arith.index_cast %parallel_loop3A_145 : i32 to index
        %parallel_loop3A_184 = arith.constant 32 : index
        %parallel_loop3A_185 = tpu.vector_load %arg12[%parallel_loop3A_183, %parallel_loop3A_184] {strides = array<i32>} : memref<80x128xf32, #tpu.memory_space<vmem>>, vector<1x16xf32>,
        %parallel_loop3A_186 = vector.shape_cast %parallel_loop3A_185 : vector<1x16xf32> to vector<16xf32>
        %parallel_loop3A_187 = vector.shape_cast %parallel_loop3A_182 : vector<16xf32> to vector<1x16xf32>
        tpu.vector_store %arg12[%parallel_loop3A_183, %parallel_loop3A_184], %parallel_loop3A_187 {strides = array<i32>} : memref<80x128xf32, #tpu.memory_space<vmem>>, vector<1x16xf32>,
        %parallel_loop3A_188 = arith.index_cast %parallel_loop3A_145 : i32 to index
        %parallel_loop3A_189 = arith.constant 48 : index
        %parallel_loop3A_190 = tpu.vector_load %arg12[%parallel_loop3A_188, %parallel_loop3A_189] {strides = array<i32>} : memref<80x128xf32, #tpu.memory_space<vmem>>, vector<1x16xf32>,
        %parallel_loop3A_191 = vector.shape_cast %parallel_loop3A_190 : vector<1x16xf32> to vector<16xf32>
        %parallel_loop3A_192 = arith.index_cast %parallel_loop3A_145 : i32 to index
        %parallel_loop3A_193 = arith.constant 48 : index
        %parallel_loop3A_194 = tpu.vector_load %arg14[%parallel_loop3A_192, %parallel_loop3A_193] {strides = array<i32>} : memref<80x128xf32, #tpu.memory_space<vmem>>, vector<1x16xf32>,
        %parallel_loop3A_195 = vector.shape_cast %parallel_loop3A_194 : vector<1x16xf32> to vector<16xf32>
        %parallel_loop3A_196 = arith.mulf %parallel_loop3A_191, %parallel_loop3A_195 : vector<16xf32>
        %parallel_loop3A_197 = arith.index_cast %parallel_loop3A_145 : i32 to index
        %parallel_loop3A_198 = arith.constant 48 : index
        %parallel_loop3A_199 = tpu.vector_load %arg12[%parallel_loop3A_197, %parallel_loop3A_198] {strides = array<i32>} : memref<80x128xf32, #tpu.memory_space<vmem>>, vector<1x16xf32>,
        %parallel_loop3A_200 = vector.shape_cast %parallel_loop3A_199 : vector<1x16xf32> to vector<16xf32>
        %parallel_loop3A_201 = vector.shape_cast %parallel_loop3A_196 : vector<16xf32> to vector<1x16xf32>
        tpu.vector_store %arg12[%parallel_loop3A_197, %parallel_loop3A_198], %parallel_loop3A_201 {strides = array<i32>} : memref<80x128xf32, #tpu.memory_space<vmem>>, vector<1x16xf32>,
        %parallel_loop3A_202 = arith.index_cast %parallel_loop3A_145 : i32 to index
        %parallel_loop3A_203 = arith.constant 64 : index
        %parallel_loop3A_204 = tpu.vector_load %arg12[%parallel_loop3A_202, %parallel_loop3A_203] {strides = array<i32>} : memref<80x128xf32, #tpu.memory_space<vmem>>, vector<1x16xf32>,
        %parallel_loop3A_205 = vector.shape_cast %parallel_loop3A_204 : vector<1x16xf32> to vector<16xf32>
        %parallel_loop3A_206 = arith.index_cast %parallel_loop3A_145 : i32 to index
        %parallel_loop3A_207 = arith.constant 64 : index
        %parallel_loop3A_208 = tpu.vector_load %arg14[%parallel_loop3A_206, %parallel_loop3A_207] {strides = array<i32>} : memref<80x128xf32, #tpu.memory_space<vmem>>, vector<1x16xf32>,
        %parallel_loop3A_209 = vector.shape_cast %parallel_loop3A_208 : vector<1x16xf32> to vector<16xf32>
        %parallel_loop3A_210 = arith.mulf %parallel_loop3A_205, %parallel_loop3A_209 : vector<16xf32>
        %parallel_loop3A_211 = arith.index_cast %parallel_loop3A_145 : i32 to index
        %parallel_loop3A_212 = arith.constant 64 : index
        %parallel_loop3A_213 = tpu.vector_load %arg12[%parallel_loop3A_211, %parallel_loop3A_212] {strides = array<i32>} : memref<80x128xf32, #tpu.memory_space<vmem>>, vector<1x16xf32>,
        %parallel_loop3A_214 = vector.shape_cast %parallel_loop3A_213 : vector<1x16xf32> to vector<16xf32>
        %parallel_loop3A_215 = vector.shape_cast %parallel_loop3A_210 : vector<16xf32> to vector<1x16xf32>
        tpu.vector_store %arg12[%parallel_loop3A_211, %parallel_loop3A_212], %parallel_loop3A_215 {strides = array<i32>} : memref<80x128xf32, #tpu.memory_space<vmem>>, vector<1x16xf32>,
        %parallel_loop3A_216 = arith.index_cast %parallel_loop3A_145 : i32 to index
        %parallel_loop3A_217 = arith.constant 80 : index
        %parallel_loop3A_218 = tpu.vector_load %arg12[%parallel_loop3A_216, %parallel_loop3A_217] {strides = array<i32>} : memref<80x128xf32, #tpu.memory_space<vmem>>, vector<1x16xf32>,
        %parallel_loop3A_219 = vector.shape_cast %parallel_loop3A_218 : vector<1x16xf32> to vector<16xf32>
        %parallel_loop3A_220 = arith.index_cast %parallel_loop3A_145 : i32 to index
        %parallel_loop3A_221 = arith.constant 80 : index
        %parallel_loop3A_222 = tpu.vector_load %arg14[%parallel_loop3A_220, %parallel_loop3A_221] {strides = array<i32>} : memref<80x128xf32, #tpu.memory_space<vmem>>, vector<1x16xf32>,
        %parallel_loop3A_223 = vector.shape_cast %parallel_loop3A_222 : vector<1x16xf32> to vector<16xf32>
        %parallel_loop3A_224 = arith.mulf %parallel_loop3A_219, %parallel_loop3A_223 : vector<16xf32>
        %parallel_loop3A_225 = arith.index_cast %parallel_loop3A_145 : i32 to index
        %parallel_loop3A_226 = arith.constant 80 : index
        %parallel_loop3A_227 = tpu.vector_load %arg12[%parallel_loop3A_225, %parallel_loop3A_226] {strides = array<i32>} : memref<80x128xf32, #tpu.memory_space<vmem>>, vector<1x16xf32>,
        %parallel_loop3A_228 = vector.shape_cast %parallel_loop3A_227 : vector<1x16xf32> to vector<16xf32>
        %parallel_loop3A_229 = vector.shape_cast %parallel_loop3A_224 : vector<16xf32> to vector<1x16xf32>
        tpu.vector_store %arg12[%parallel_loop3A_225, %parallel_loop3A_226], %parallel_loop3A_229 {strides = array<i32>} : memref<80x128xf32, #tpu.memory_space<vmem>>, vector<1x16xf32>,
        %parallel_loop3A_230 = arith.index_cast %parallel_loop3A_145 : i32 to index
        %parallel_loop3A_231 = arith.constant 96 : index
        %parallel_loop3A_232 = tpu.vector_load %arg12[%parallel_loop3A_230, %parallel_loop3A_231] {strides = array<i32>} : memref<80x128xf32, #tpu.memory_space<vmem>>, vector<1x16xf32>,
        %parallel_loop3A_233 = vector.shape_cast %parallel_loop3A_232 : vector<1x16xf32> to vector<16xf32>
        %parallel_loop3A_234 = arith.index_cast %parallel_loop3A_145 : i32 to index
        %parallel_loop3A_235 = arith.constant 96 : index
        %parallel_loop3A_236 = tpu.vector_load %arg14[%parallel_loop3A_234, %parallel_loop3A_235] {strides = array<i32>} : memref<80x128xf32, #tpu.memory_space<vmem>>, vector<1x16xf32>,
        %parallel_loop3A_237 = vector.shape_cast %parallel_loop3A_236 : vector<1x16xf32> to vector<16xf32>
        %parallel_loop3A_238 = arith.mulf %parallel_loop3A_233, %parallel_loop3A_237 : vector<16xf32>
        %parallel_loop3A_239 = arith.index_cast %parallel_loop3A_145 : i32 to index
        %parallel_loop3A_240 = arith.constant 96 : index
        %parallel_loop3A_241 = tpu.vector_load %arg12[%parallel_loop3A_239, %parallel_loop3A_240] {strides = array<i32>} : memref<80x128xf32, #tpu.memory_space<vmem>>, vector<1x16xf32>,
        %parallel_loop3A_242 = vector.shape_cast %parallel_loop3A_241 : vector<1x16xf32> to vector<16xf32>
        %parallel_loop3A_243 = vector.shape_cast %parallel_loop3A_238 : vector<16xf32> to vector<1x16xf32>
        tpu.vector_store %arg12[%parallel_loop3A_239, %parallel_loop3A_240], %parallel_loop3A_243 {strides = array<i32>} : memref<80x128xf32, #tpu.memory_space<vmem>>, vector<1x16xf32>,
        %parallel_loop3A_244 = arith.index_cast %parallel_loop3A_145 : i32 to index
        %parallel_loop3A_245 = arith.constant 112 : index
        %parallel_loop3A_246 = tpu.vector_load %arg12[%parallel_loop3A_244, %parallel_loop3A_245] {strides = array<i32>} : memref<80x128xf32, #tpu.memory_space<vmem>>, vector<1x16xf32>,
        %parallel_loop3A_247 = vector.shape_cast %parallel_loop3A_246 : vector<1x16xf32> to vector<16xf32>
        %parallel_loop3A_248 = arith.index_cast %parallel_loop3A_145 : i32 to index
        %parallel_loop3A_249 = arith.constant 112 : index
        %parallel_loop3A_250 = tpu.vector_load %arg14[%parallel_loop3A_248, %parallel_loop3A_249] {strides = array<i32>} : memref<80x128xf32, #tpu.memory_space<vmem>>, vector<1x16xf32>,
        %parallel_loop3A_251 = vector.shape_cast %parallel_loop3A_250 : vector<1x16xf32> to vector<16xf32>
        %parallel_loop3A_252 = arith.mulf %parallel_loop3A_247, %parallel_loop3A_251 : vector<16xf32>
        %parallel_loop3A_253 = arith.index_cast %parallel_loop3A_145 : i32 to index
        %parallel_loop3A_254 = arith.constant 112 : index
        %parallel_loop3A_255 = tpu.vector_load %arg12[%parallel_loop3A_253, %parallel_loop3A_254] {strides = array<i32>} : memref<80x128xf32, #tpu.memory_space<vmem>>, vector<1x16xf32>,
        %parallel_loop3A_256 = vector.shape_cast %parallel_loop3A_255 : vector<1x16xf32> to vector<16xf32>
        %parallel_loop3A_257 = vector.shape_cast %parallel_loop3A_252 : vector<16xf32> to vector<1x16xf32>
        tpu.vector_store %arg12[%parallel_loop3A_253, %parallel_loop3A_254], %parallel_loop3A_257 {strides = array<i32>} : memref<80x128xf32, #tpu.memory_space<vmem>>, vector<1x16xf32>,
      } {sc.loop_unroll_factor = 4 : i64, sc.parallel_access}
      "tpu.region"() ({
        %run_scoped3A = tpu.sem_alloc : memref<!tpu.dma_semaphore, #tpu.memory_space<semaphore_mem>>
        %dma_start3A_145 = arith.constant 0 : i32
        %dma_start3A_146 = arith.constant 0 : i32
        %dma_start3A_147 = tpu.memref_slice %arg23[%dma_start3A_145, %dma_start3A_146] : memref<10000x128xf32, #tpu.memory_space<vmem_shared>> -> memref<10000x128xf32, #tpu.memory_space<vmem_shared>>
        tpu.enqueue_indirect_dma source(%arg12 : memref<80x128xf32, #tpu.memory_space<vmem>>) target(%dma_start3A_147 : memref<10000x128xf32, #tpu.memory_space<vmem_shared>>) offsets(%arg10 : memref<80xi32, #tpu.memory_space<vmem>>) semaphore(%run_scoped3A : memref<!tpu.dma_semaphore, #tpu.memory_space<semaphore_mem>>) {add = true}
        %dma_wait3A_148 = arith.constant 0 : i32
        %dma_wait3A_149 = arith.constant 0 : i32
        %dma_wait3A_150 = tpu.memref_slice %arg23[%dma_wait3A_148, %dma_wait3A_149] : memref<10000x128xf32, #tpu.memory_space<vmem_shared>> -> memref<10000x128xf32, #tpu.memory_space<vmem_shared>>
        tpu.wait_indirect_dma semaphore(%run_scoped3A : memref<!tpu.dma_semaphore, #tpu.memory_space<semaphore_mem>>) src(%arg12 : memref<80x128xf32, #tpu.memory_space<vmem>>) dst(%dma_wait3A_150 : memref<10000x128xf32, #tpu.memory_space<vmem_shared>>)
        tpu.yield
      }) : () -> ()
      %lt3A_140 = arith.constant 125 : i32
      %lt3A_141 = arith.cmpi slt, %add3A_116, %lt3A_140 : i32
      %convert_element_type3A_142 = arith.extui %lt3A_141 : i1 to i32
      %cond3A_143 = arith.constant 0 : i32
      %cond3A_144 = arith.cmpi ne, %convert_element_type3A_142, %cond3A_143 : i32
      scf.if %cond3A_144 {
        %mul3A_145 = arith.constant 80 : i32
        %mul3A_146 = arith.muli %add3A_116, %mul3A_145 : i32
        %add3A_147 = arith.addi %mul3A_2, %mul3A_146 : i32
        %dma_start3A_148 = tpu.memref_slice %arg5[%add3A_147] : memref<320000xi32, #tpu.memory_space<hbm>> -> memref<80xi32, #tpu.memory_space<hbm>>
        %dma_start3A_149 = tpu.memref_slice %arg5[%add3A_147] : memref<320000xi32, #tpu.memory_space<hbm>> -> memref<80xi32, #tpu.memory_space<hbm>>
        tpu.enqueue_dma source(%dma_start3A_149 : memref<80xi32, #tpu.memory_space<hbm>>) target(%arg10 : memref<80xi32, #tpu.memory_space<vmem>>) target_semaphore(%arg22 : memref<!tpu.dma_semaphore, #tpu.memory_space<semaphore_mem>>)
        %mul3A_150 = arith.constant 80 : i32
        %mul3A_151 = arith.muli %add3A_116, %mul3A_150 : i32
        %add3A_152 = arith.addi %mul3A_2, %mul3A_151 : i32
        %dma_wait3A_153 = tpu.memref_slice %arg4[%add3A_152] : memref<320000xi32, #tpu.memory_space<hbm>> -> memref<80xi32, #tpu.memory_space<hbm>>
        %dma_wait3A_154 = tpu.memref_slice %arg4[%add3A_152] : memref<320000xi32, #tpu.memory_space<hbm>> -> memref<80xi32, #tpu.memory_space<hbm>>
        tpu.wait_dma2 semaphore(%arg20 : memref<!tpu.dma_semaphore, #tpu.memory_space<semaphore_mem>>) src(%dma_wait3A_154 : memref<80xi32, #tpu.memory_space<hbm>>) dst(%arg8 : memref<80xi32, #tpu.memory_space<vmem>>)
        %mul3A_155 = arith.constant 80 : i32
        %mul3A_156 = arith.muli %add3A_116, %mul3A_155 : i32
        %add3A_157 = arith.addi %mul3A_2, %mul3A_156 : i32
        %dma_start3A_158 = arith.constant 0 : i32
        %dma_start3A_159 = arith.constant 0 : i32
        %dma_start3A_160 = tpu.memref_slice %arg2[%dma_start3A_158, %dma_start3A_159] : memref<10000x128xf32, #tpu.memory_space<hbm>> -> memref<10000x128xf32, #tpu.memory_space<hbm>>
        tpu.enqueue_indirect_dma source(%dma_start3A_160 : memref<10000x128xf32, #tpu.memory_space<hbm>>) target(%arg12 : memref<80x128xf32, #tpu.memory_space<vmem>>) offsets(%arg8 : memref<80xi32, #tpu.memory_space<vmem>>) semaphore(%arg17 : memref<!tpu.dma_semaphore, #tpu.memory_space<semaphore_mem>>)
        %dma_start3A_161 = arith.constant 0 : i32
        %dma_start3A_162 = tpu.memref_slice %arg3[%add3A_157, %dma_start3A_161] : memref<320000x128xf32, #tpu.memory_space<hbm>> -> memref<80x128xf32, #tpu.memory_space<hbm>>
        %dma_start3A_163 = arith.constant 0 : i32
        %dma_start3A_164 = tpu.memref_slice %arg3[%add3A_157, %dma_start3A_163] : memref<320000x128xf32, #tpu.memory_space<hbm>> -> memref<80x128xf32, #tpu.memory_space<hbm>>
        tpu.enqueue_dma source(%dma_start3A_164 : memref<80x128xf32, #tpu.memory_space<hbm>>) target(%arg14 : memref<80x128xf32, #tpu.memory_space<vmem>>) target_semaphore(%arg18 : memref<!tpu.dma_semaphore, #tpu.memory_space<semaphore_mem>>)
      } else {
      }
    }
    %scan3A_57 = arith.constant 62 : i32
    %add3A_58 = arith.constant 9920 : i32
    %add3A_59 = arith.addi %mul3A_2, %add3A_58 : i32
    %dma_wait3A_60 = arith.constant 0 : i32
    %dma_wait3A_61 = arith.constant 0 : i32
    %dma_wait3A_62 = tpu.memref_slice %arg2[%dma_wait3A_60, %dma_wait3A_61] : memref<10000x128xf32, #tpu.memory_space<hbm>> -> memref<10000x128xf32, #tpu.memory_space<hbm>>
    tpu.wait_indirect_dma semaphore(%arg15 : memref<!tpu.dma_semaphore, #tpu.memory_space<semaphore_mem>>) src(%dma_wait3A_62 : memref<10000x128xf32, #tpu.memory_space<hbm>>) dst(%arg11 : memref<80x128xf32, #tpu.memory_space<vmem>>)
    %dma_wait3A_63 = arith.constant 0 : i32
    %dma_wait3A_64 = tpu.memref_slice %arg3[%add3A_59, %dma_wait3A_63] : memref<320000x128xf32, #tpu.memory_space<hbm>> -> memref<80x128xf32, #tpu.memory_space<hbm>>
    %dma_wait3A_65 = arith.constant 0 : i32
    %dma_wait3A_66 = tpu.memref_slice %arg3[%add3A_59, %dma_wait3A_65] : memref<320000x128xf32, #tpu.memory_space<hbm>> -> memref<80x128xf32, #tpu.memory_space<hbm>>
    tpu.wait_dma2 semaphore(%arg16 : memref<!tpu.dma_semaphore, #tpu.memory_space<semaphore_mem>>) src(%dma_wait3A_66 : memref<80x128xf32, #tpu.memory_space<hbm>>) dst(%arg13 : memref<80x128xf32, #tpu.memory_space<vmem>>)
    %add3A_67 = arith.constant 9920 : i32
    %add3A_68 = arith.addi %mul3A_2, %add3A_67 : i32
    %dma_wait3A_69 = tpu.memref_slice %arg5[%add3A_68] : memref<320000xi32, #tpu.memory_space<hbm>> -> memref<80xi32, #tpu.memory_space<hbm>>
    %dma_wait3A_70 = tpu.memref_slice %arg5[%add3A_68] : memref<320000xi32, #tpu.memory_space<hbm>> -> memref<80xi32, #tpu.memory_space<hbm>>
    tpu.wait_dma2 semaphore(%arg21 : memref<!tpu.dma_semaphore, #tpu.memory_space<semaphore_mem>>) src(%dma_wait3A_70 : memref<80xi32, #tpu.memory_space<hbm>>) dst(%arg9 : memref<80xi32, #tpu.memory_space<vmem>>)
    %parallel_loop3A = arith.constant 0 : i32
    %parallel_loop3A_71 = arith.constant 80 : i32
    %parallel_loop3A_72 = arith.constant 1 : i32
    scf.for %parallel_loop3A_79 = %parallel_loop3A to %parallel_loop3A_71 step %parallel_loop3A_72  : i32 {
      %parallel_loop3A_80 = arith.index_cast %parallel_loop3A_79 : i32 to index
      %parallel_loop3A_81 = arith.constant 0 : index
      %parallel_loop3A_82 = tpu.vector_load %arg11[%parallel_loop3A_80, %parallel_loop3A_81] {strides = array<i32>} : memref<80x128xf32, #tpu.memory_space<vmem>>, vector<1x16xf32>,
      %parallel_loop3A_83 = vector.shape_cast %parallel_loop3A_82 : vector<1x16xf32> to vector<16xf32>
      %parallel_loop3A_84 = arith.index_cast %parallel_loop3A_79 : i32 to index
      %parallel_loop3A_85 = arith.constant 0 : index
      %parallel_loop3A_86 = tpu.vector_load %arg13[%parallel_loop3A_84, %parallel_loop3A_85] {strides = array<i32>} : memref<80x128xf32, #tpu.memory_space<vmem>>, vector<1x16xf32>,
      %parallel_loop3A_87 = vector.shape_cast %parallel_loop3A_86 : vector<1x16xf32> to vector<16xf32>
      %parallel_loop3A_88 = arith.mulf %parallel_loop3A_83, %parallel_loop3A_87 : vector<16xf32>
      %parallel_loop3A_89 = arith.index_cast %parallel_loop3A_79 : i32 to index
      %parallel_loop3A_90 = arith.constant 0 : index
      %parallel_loop3A_91 = tpu.vector_load %arg11[%parallel_loop3A_89, %parallel_loop3A_90] {strides = array<i32>} : memref<80x128xf32, #tpu.memory_space<vmem>>, vector<1x16xf32>,
      %parallel_loop3A_92 = vector.shape_cast %parallel_loop3A_91 : vector<1x16xf32> to vector<16xf32>
      %parallel_loop3A_93 = vector.shape_cast %parallel_loop3A_88 : vector<16xf32> to vector<1x16xf32>
      tpu.vector_store %arg11[%parallel_loop3A_89, %parallel_loop3A_90], %parallel_loop3A_93 {strides = array<i32>} : memref<80x128xf32, #tpu.memory_space<vmem>>, vector<1x16xf32>,
      %parallel_loop3A_94 = arith.index_cast %parallel_loop3A_79 : i32 to index
      %parallel_loop3A_95 = arith.constant 16 : index
      %parallel_loop3A_96 = tpu.vector_load %arg11[%parallel_loop3A_94, %parallel_loop3A_95] {strides = array<i32>} : memref<80x128xf32, #tpu.memory_space<vmem>>, vector<1x16xf32>,
      %parallel_loop3A_97 = vector.shape_cast %parallel_loop3A_96 : vector<1x16xf32> to vector<16xf32>
      %parallel_loop3A_98 = arith.index_cast %parallel_loop3A_79 : i32 to index
      %parallel_loop3A_99 = arith.constant 16 : index
      %parallel_loop3A_100 = tpu.vector_load %arg13[%parallel_loop3A_98, %parallel_loop3A_99] {strides = array<i32>} : memref<80x128xf32, #tpu.memory_space<vmem>>, vector<1x16xf32>,
      %parallel_loop3A_101 = vector.shape_cast %parallel_loop3A_100 : vector<1x16xf32> to vector<16xf32>
      %parallel_loop3A_102 = arith.mulf %parallel_loop3A_97, %parallel_loop3A_101 : vector<16xf32>
      %parallel_loop3A_103 = arith.index_cast %parallel_loop3A_79 : i32 to index
      %parallel_loop3A_104 = arith.constant 16 : index
      %parallel_loop3A_105 = tpu.vector_load %arg11[%parallel_loop3A_103, %parallel_loop3A_104] {strides = array<i32>} : memref<80x128xf32, #tpu.memory_space<vmem>>, vector<1x16xf32>,
      %parallel_loop3A_106 = vector.shape_cast %parallel_loop3A_105 : vector<1x16xf32> to vector<16xf32>
      %parallel_loop3A_107 = vector.shape_cast %parallel_loop3A_102 : vector<16xf32> to vector<1x16xf32>
      tpu.vector_store %arg11[%parallel_loop3A_103, %parallel_loop3A_104], %parallel_loop3A_107 {strides = array<i32>} : memref<80x128xf32, #tpu.memory_space<vmem>>, vector<1x16xf32>,
      %parallel_loop3A_108 = arith.index_cast %parallel_loop3A_79 : i32 to index
      %parallel_loop3A_109 = arith.constant 32 : index
      %parallel_loop3A_110 = tpu.vector_load %arg11[%parallel_loop3A_108, %parallel_loop3A_109] {strides = array<i32>} : memref<80x128xf32, #tpu.memory_space<vmem>>, vector<1x16xf32>,
      %parallel_loop3A_111 = vector.shape_cast %parallel_loop3A_110 : vector<1x16xf32> to vector<16xf32>
      %parallel_loop3A_112 = arith.index_cast %parallel_loop3A_79 : i32 to index
      %parallel_loop3A_113 = arith.constant 32 : index
      %parallel_loop3A_114 = tpu.vector_load %arg13[%parallel_loop3A_112, %parallel_loop3A_113] {strides = array<i32>} : memref<80x128xf32, #tpu.memory_space<vmem>>, vector<1x16xf32>,
      %parallel_loop3A_115 = vector.shape_cast %parallel_loop3A_114 : vector<1x16xf32> to vector<16xf32>
      %parallel_loop3A_116 = arith.mulf %parallel_loop3A_111, %parallel_loop3A_115 : vector<16xf32>
      %parallel_loop3A_117 = arith.index_cast %parallel_loop3A_79 : i32 to index
      %parallel_loop3A_118 = arith.constant 32 : index
      %parallel_loop3A_119 = tpu.vector_load %arg11[%parallel_loop3A_117, %parallel_loop3A_118] {strides = array<i32>} : memref<80x128xf32, #tpu.memory_space<vmem>>, vector<1x16xf32>,
      %parallel_loop3A_120 = vector.shape_cast %parallel_loop3A_119 : vector<1x16xf32> to vector<16xf32>
      %parallel_loop3A_121 = vector.shape_cast %parallel_loop3A_116 : vector<16xf32> to vector<1x16xf32>
      tpu.vector_store %arg11[%parallel_loop3A_117, %parallel_loop3A_118], %parallel_loop3A_121 {strides = array<i32>} : memref<80x128xf32, #tpu.memory_space<vmem>>, vector<1x16xf32>,
      %parallel_loop3A_122 = arith.index_cast %parallel_loop3A_79 : i32 to index
      %parallel_loop3A_123 = arith.constant 48 : index
      %parallel_loop3A_124 = tpu.vector_load %arg11[%parallel_loop3A_122, %parallel_loop3A_123] {strides = array<i32>} : memref<80x128xf32, #tpu.memory_space<vmem>>, vector<1x16xf32>,
      %parallel_loop3A_125 = vector.shape_cast %parallel_loop3A_124 : vector<1x16xf32> to vector<16xf32>
      %parallel_loop3A_126 = arith.index_cast %parallel_loop3A_79 : i32 to index
      %parallel_loop3A_127 = arith.constant 48 : index
      %parallel_loop3A_128 = tpu.vector_load %arg13[%parallel_loop3A_126, %parallel_loop3A_127] {strides = array<i32>} : memref<80x128xf32, #tpu.memory_space<vmem>>, vector<1x16xf32>,
      %parallel_loop3A_129 = vector.shape_cast %parallel_loop3A_128 : vector<1x16xf32> to vector<16xf32>
      %parallel_loop3A_130 = arith.mulf %parallel_loop3A_125, %parallel_loop3A_129 : vector<16xf32>
      %parallel_loop3A_131 = arith.index_cast %parallel_loop3A_79 : i32 to index
      %parallel_loop3A_132 = arith.constant 48 : index
      %parallel_loop3A_133 = tpu.vector_load %arg11[%parallel_loop3A_131, %parallel_loop3A_132] {strides = array<i32>} : memref<80x128xf32, #tpu.memory_space<vmem>>, vector<1x16xf32>,
      %parallel_loop3A_134 = vector.shape_cast %parallel_loop3A_133 : vector<1x16xf32> to vector<16xf32>
      %parallel_loop3A_135 = vector.shape_cast %parallel_loop3A_130 : vector<16xf32> to vector<1x16xf32>
      tpu.vector_store %arg11[%parallel_loop3A_131, %parallel_loop3A_132], %parallel_loop3A_135 {strides = array<i32>} : memref<80x128xf32, #tpu.memory_space<vmem>>, vector<1x16xf32>,
      %parallel_loop3A_136 = arith.index_cast %parallel_loop3A_79 : i32 to index
      %parallel_loop3A_137 = arith.constant 64 : index
      %parallel_loop3A_138 = tpu.vector_load %arg11[%parallel_loop3A_136, %parallel_loop3A_137] {strides = array<i32>} : memref<80x128xf32, #tpu.memory_space<vmem>>, vector<1x16xf32>,
      %parallel_loop3A_139 = vector.shape_cast %parallel_loop3A_138 : vector<1x16xf32> to vector<16xf32>
      %parallel_loop3A_140 = arith.index_cast %parallel_loop3A_79 : i32 to index
      %parallel_loop3A_141 = arith.constant 64 : index
      %parallel_loop3A_142 = tpu.vector_load %arg13[%parallel_loop3A_140, %parallel_loop3A_141] {strides = array<i32>} : memref<80x128xf32, #tpu.memory_space<vmem>>, vector<1x16xf32>,
      %parallel_loop3A_143 = vector.shape_cast %parallel_loop3A_142 : vector<1x16xf32> to vector<16xf32>
      %parallel_loop3A_144 = arith.mulf %parallel_loop3A_139, %parallel_loop3A_143 : vector<16xf32>
      %parallel_loop3A_145 = arith.index_cast %parallel_loop3A_79 : i32 to index
      %parallel_loop3A_146 = arith.constant 64 : index
      %parallel_loop3A_147 = tpu.vector_load %arg11[%parallel_loop3A_145, %parallel_loop3A_146] {strides = array<i32>} : memref<80x128xf32, #tpu.memory_space<vmem>>, vector<1x16xf32>,
      %parallel_loop3A_148 = vector.shape_cast %parallel_loop3A_147 : vector<1x16xf32> to vector<16xf32>
      %parallel_loop3A_149 = vector.shape_cast %parallel_loop3A_144 : vector<16xf32> to vector<1x16xf32>
      tpu.vector_store %arg11[%parallel_loop3A_145, %parallel_loop3A_146], %parallel_loop3A_149 {strides = array<i32>} : memref<80x128xf32, #tpu.memory_space<vmem>>, vector<1x16xf32>,
      %parallel_loop3A_150 = arith.index_cast %parallel_loop3A_79 : i32 to index
      %parallel_loop3A_151 = arith.constant 80 : index
      %parallel_loop3A_152 = tpu.vector_load %arg11[%parallel_loop3A_150, %parallel_loop3A_151] {strides = array<i32>} : memref<80x128xf32, #tpu.memory_space<vmem>>, vector<1x16xf32>,
      %parallel_loop3A_153 = vector.shape_cast %parallel_loop3A_152 : vector<1x16xf32> to vector<16xf32>
      %parallel_loop3A_154 = arith.index_cast %parallel_loop3A_79 : i32 to index
      %parallel_loop3A_155 = arith.constant 80 : index
      %parallel_loop3A_156 = tpu.vector_load %arg13[%parallel_loop3A_154, %parallel_loop3A_155] {strides = array<i32>} : memref<80x128xf32, #tpu.memory_space<vmem>>, vector<1x16xf32>,
      %parallel_loop3A_157 = vector.shape_cast %parallel_loop3A_156 : vector<1x16xf32> to vector<16xf32>
      %parallel_loop3A_158 = arith.mulf %parallel_loop3A_153, %parallel_loop3A_157 : vector<16xf32>
      %parallel_loop3A_159 = arith.index_cast %parallel_loop3A_79 : i32 to index
      %parallel_loop3A_160 = arith.constant 80 : index
      %parallel_loop3A_161 = tpu.vector_load %arg11[%parallel_loop3A_159, %parallel_loop3A_160] {strides = array<i32>} : memref<80x128xf32, #tpu.memory_space<vmem>>, vector<1x16xf32>,
      %parallel_loop3A_162 = vector.shape_cast %parallel_loop3A_161 : vector<1x16xf32> to vector<16xf32>
      %parallel_loop3A_163 = vector.shape_cast %parallel_loop3A_158 : vector<16xf32> to vector<1x16xf32>
      tpu.vector_store %arg11[%parallel_loop3A_159, %parallel_loop3A_160], %parallel_loop3A_163 {strides = array<i32>} : memref<80x128xf32, #tpu.memory_space<vmem>>, vector<1x16xf32>,
      %parallel_loop3A_164 = arith.index_cast %parallel_loop3A_79 : i32 to index
      %parallel_loop3A_165 = arith.constant 96 : index
      %parallel_loop3A_166 = tpu.vector_load %arg11[%parallel_loop3A_164, %parallel_loop3A_165] {strides = array<i32>} : memref<80x128xf32, #tpu.memory_space<vmem>>, vector<1x16xf32>,
      %parallel_loop3A_167 = vector.shape_cast %parallel_loop3A_166 : vector<1x16xf32> to vector<16xf32>
      %parallel_loop3A_168 = arith.index_cast %parallel_loop3A_79 : i32 to index
      %parallel_loop3A_169 = arith.constant 96 : index
      %parallel_loop3A_170 = tpu.vector_load %arg13[%parallel_loop3A_168, %parallel_loop3A_169] {strides = array<i32>} : memref<80x128xf32, #tpu.memory_space<vmem>>, vector<1x16xf32>,
      %parallel_loop3A_171 = vector.shape_cast %parallel_loop3A_170 : vector<1x16xf32> to vector<16xf32>
      %parallel_loop3A_172 = arith.mulf %parallel_loop3A_167, %parallel_loop3A_171 : vector<16xf32>
      %parallel_loop3A_173 = arith.index_cast %parallel_loop3A_79 : i32 to index
      %parallel_loop3A_174 = arith.constant 96 : index
      %parallel_loop3A_175 = tpu.vector_load %arg11[%parallel_loop3A_173, %parallel_loop3A_174] {strides = array<i32>} : memref<80x128xf32, #tpu.memory_space<vmem>>, vector<1x16xf32>,
      %parallel_loop3A_176 = vector.shape_cast %parallel_loop3A_175 : vector<1x16xf32> to vector<16xf32>
      %parallel_loop3A_177 = vector.shape_cast %parallel_loop3A_172 : vector<16xf32> to vector<1x16xf32>
      tpu.vector_store %arg11[%parallel_loop3A_173, %parallel_loop3A_174], %parallel_loop3A_177 {strides = array<i32>} : memref<80x128xf32, #tpu.memory_space<vmem>>, vector<1x16xf32>,
      %parallel_loop3A_178 = arith.index_cast %parallel_loop3A_79 : i32 to index
      %parallel_loop3A_179 = arith.constant 112 : index
      %parallel_loop3A_180 = tpu.vector_load %arg11[%parallel_loop3A_178, %parallel_loop3A_179] {strides = array<i32>} : memref<80x128xf32, #tpu.memory_space<vmem>>, vector<1x16xf32>,
      %parallel_loop3A_181 = vector.shape_cast %parallel_loop3A_180 : vector<1x16xf32> to vector<16xf32>
      %parallel_loop3A_182 = arith.index_cast %parallel_loop3A_79 : i32 to index
      %parallel_loop3A_183 = arith.constant 112 : index
      %parallel_loop3A_184 = tpu.vector_load %arg13[%parallel_loop3A_182, %parallel_loop3A_183] {strides = array<i32>} : memref<80x128xf32, #tpu.memory_space<vmem>>, vector<1x16xf32>,
      %parallel_loop3A_185 = vector.shape_cast %parallel_loop3A_184 : vector<1x16xf32> to vector<16xf32>
      %parallel_loop3A_186 = arith.mulf %parallel_loop3A_181, %parallel_loop3A_185 : vector<16xf32>
      %parallel_loop3A_187 = arith.index_cast %parallel_loop3A_79 : i32 to index
      %parallel_loop3A_188 = arith.constant 112 : index
      %parallel_loop3A_189 = tpu.vector_load %arg11[%parallel_loop3A_187, %parallel_loop3A_188] {strides = array<i32>} : memref<80x128xf32, #tpu.memory_space<vmem>>, vector<1x16xf32>,
      %parallel_loop3A_190 = vector.shape_cast %parallel_loop3A_189 : vector<1x16xf32> to vector<16xf32>
      %parallel_loop3A_191 = vector.shape_cast %parallel_loop3A_186 : vector<16xf32> to vector<1x16xf32>
      tpu.vector_store %arg11[%parallel_loop3A_187, %parallel_loop3A_188], %parallel_loop3A_191 {strides = array<i32>} : memref<80x128xf32, #tpu.memory_space<vmem>>, vector<1x16xf32>,
    } {sc.loop_unroll_factor = 4 : i64, sc.parallel_access}
    "tpu.region"() ({
      %run_scoped3A = tpu.sem_alloc : memref<!tpu.dma_semaphore, #tpu.memory_space<semaphore_mem>>
      %dma_start3A_79 = arith.constant 0 : i32
      %dma_start3A_80 = arith.constant 0 : i32
      %dma_start3A_81 = tpu.memref_slice %arg23[%dma_start3A_79, %dma_start3A_80] : memref<10000x128xf32, #tpu.memory_space<vmem_shared>> -> memref<10000x128xf32, #tpu.memory_space<vmem_shared>>
      tpu.enqueue_indirect_dma source(%arg11 : memref<80x128xf32, #tpu.memory_space<vmem>>) target(%dma_start3A_81 : memref<10000x128xf32, #tpu.memory_space<vmem_shared>>) offsets(%arg9 : memref<80xi32, #tpu.memory_space<vmem>>) semaphore(%run_scoped3A : memref<!tpu.dma_semaphore, #tpu.memory_space<semaphore_mem>>) {add = true}
      %dma_wait3A_82 = arith.constant 0 : i32
      %dma_wait3A_83 = arith.constant 0 : i32
      %dma_wait3A_84 = tpu.memref_slice %arg23[%dma_wait3A_82, %dma_wait3A_83] : memref<10000x128xf32, #tpu.memory_space<vmem_shared>> -> memref<10000x128xf32, #tpu.memory_space<vmem_shared>>
      tpu.wait_indirect_dma semaphore(%run_scoped3A : memref<!tpu.dma_semaphore, #tpu.memory_space<semaphore_mem>>) src(%arg11 : memref<80x128xf32, #tpu.memory_space<vmem>>) dst(%dma_wait3A_84 : memref<10000x128xf32, #tpu.memory_space<vmem_shared>>)
      tpu.yield
    }) : () -> ()
    %barrier3A_73 = arith.constant 0 : index
    tpu.barrier barrier_id(%barrier3A_73)
    %scan3A_74 = arith.constant 0 : i32
    %scan3A_75 = arith.constant 8 : i32
    %scan3A_76 = arith.addi %scan3A_74, %scan3A_75 : i32
    %scan3A_77 = arith.constant 1 : i32
    scf.for %scan3A_79 = %scan3A_74 to %scan3A_76 step %scan3A_77  : i32 {
      %mul3A_80 = arith.constant 1 : i32
      %mul3A_81 = arith.muli %scan3A_79, %mul3A_80 : i32
      %add3A_82 = arith.constant 0 : i32
      %add3A_83 = arith.addi %add3A_82, %mul3A_81 : i32
      %mul3A_84 = arith.constant 16 : i32
      %mul3A_85 = arith.muli %add3A_83, %mul3A_84 : i32
      %add3A_86 = arith.addi %arg1, %mul3A_85 : i32
      %lt3A = arith.constant 125 : i32
      %lt3A_87 = arith.cmpi slt, %add3A_86, %lt3A : i32
      %convert_element_type3A = arith.extui %lt3A_87 : i1 to i32
      %cond3A = arith.constant 0 : i32
      %cond3A_88 = arith.cmpi ne, %convert_element_type3A, %cond3A : i32
      scf.if %cond3A_88 {
        %mul3A_89 = arith.constant 80 : i32
        %mul3A_90 = arith.muli %add3A_86, %mul3A_89 : i32
        %mul3A_91 = arith.constant 80 : i32
        %mul3A_92 = arith.muli %add3A_86, %mul3A_91 : i32
        "tpu.region"() ({
          %run_scoped3A = tpu.sem_alloc : memref<!tpu.dma_semaphore, #tpu.memory_space<semaphore_mem>>
          %dma_start3A_93 = arith.constant 0 : i32
          %dma_start3A_94 = tpu.memref_slice %arg6[%arg0, %mul3A_92, %dma_start3A_93] : memref<2x10000x128xf32, #tpu.memory_space<hbm>> -> memref<1x80x128xf32, #tpu.memory_space<hbm>>
          %dma_start3A_95 = tpu.memref_squeeze %dma_start3A_94 : memref<1x80x128xf32, #tpu.memory_space<hbm>> -> memref<80x128xf32, #tpu.memory_space<hbm>>
          %dma_start3A_96 = arith.constant 0 : i32
          %dma_start3A_97 = tpu.memref_slice %arg23[%mul3A_90, %dma_start3A_96] : memref<10000x128xf32, #tpu.memory_space<vmem_shared>> -> memref<80x128xf32, #tpu.memory_space<vmem_shared>>
          tpu.enqueue_dma source(%dma_start3A_97 : memref<80x128xf32, #tpu.memory_space<vmem_shared>>) target(%dma_start3A_95 : memref<80x128xf32, #tpu.memory_space<hbm>>) target_semaphore(%run_scoped3A : memref<!tpu.dma_semaphore, #tpu.memory_space<semaphore_mem>>)
          %dma_wait3A_98 = arith.constant 0 : i32
          %dma_wait3A_99 = tpu.memref_slice %arg6[%arg0, %mul3A_92, %dma_wait3A_98] : memref<2x10000x128xf32, #tpu.memory_space<hbm>> -> memref<1x80x128xf32, #tpu.memory_space<hbm>>
          %dma_wait3A_100 = tpu.memref_squeeze %dma_wait3A_99 : memref<1x80x128xf32, #tpu.memory_space<hbm>> -> memref<80x128xf32, #tpu.memory_space<hbm>>
          %dma_wait3A_101 = arith.constant 0 : i32
          %dma_wait3A_102 = tpu.memref_slice %arg23[%mul3A_90, %dma_wait3A_101] : memref<10000x128xf32, #tpu.memory_space<vmem_shared>> -> memref<80x128xf32, #tpu.memory_space<vmem_shared>>
          tpu.wait_dma2 semaphore(%run_scoped3A : memref<!tpu.dma_semaphore, #tpu.memory_space<semaphore_mem>>) src(%dma_wait3A_102 : memref<80x128xf32, #tpu.memory_space<vmem_shared>>) dst(%dma_wait3A_100 : memref<80x128xf32, #tpu.memory_space<hbm>>)
          tpu.yield
        }) : () -> ()
      } else {
      }
    }
    %scan3A_78 = arith.constant 8 : i32
    return
  }
}

module attributes {stable_mosaic.version = 14 : i64} {
  func.func @_wg_body(%arg0: i32, %arg1: memref<1x1x2000xi32, #tpu.memory_space<vmem>>, %arg2: memref<100x128xf32, #tpu.memory_space<vmem>>, %arg3: memref<2000x128xf32, #tpu.memory_space<vmem>>) attributes {dimension_semantics = [#tpu.dimension_semantics<arbitrary>], iteration_bounds = array<i64: 160>, scalar_prefetch = 0 : i64, scratch_operands = 0 : i64, tpu.core_type = #tpu.core_type<tc>, window_params = [{transform_indices = @transform_0, window_bounds = array<i64: 1, 1, 2000>}, {pipeline_mode = #tpu.pipeline_mode<synchronous>, transform_indices = @transform_1, window_bounds = array<i64: 100, 128>}, {transform_indices = @transform_2, window_bounds = array<i64: 2000, 128>}]} {
    %get3A = arith.constant 0 : index
    %get3A_0 = arith.constant 0 : index
    %get3A_1 = arith.constant 0 : index
    %get3A_2 = vector.load %arg1[%get3A, %get3A_0, %get3A_1] : memref<1x1x2000xi32, #tpu.memory_space<vmem>>, vector<1x1x2000xi32>
    %get3A_3 = vector.shape_cast %get3A_2 : vector<1x1x2000xi32> to vector<1x2000xi32>
    %iota3A = tpu.iota {dimensions = array<i32: 0>} : vector<100x2000xi32>
    %eq3A = vector.broadcast %get3A_3 : vector<1x2000xi32> to vector<100x2000xi32>
    %eq3A_4 = arith.cmpi eq, %eq3A, %iota3A : vector<100x2000xi32>
    %convert_element_type3A = arith.extui %eq3A_4 : vector<100x2000xi1> to vector<100x2000xi32>
    %convert_element_type3A_5 = arith.sitofp %convert_element_type3A : vector<100x2000xi32> to vector<100x2000xf32>
    %get3A_6 = arith.constant 0 : index
    %get3A_7 = arith.constant 0 : index
    %get3A_8 = vector.load %arg2[%get3A_6, %get3A_7] : memref<100x128xf32, #tpu.memory_space<vmem>>, vector<100x128xf32>
    %dot_general3A = arith.constant dense<0.000000e+00> : vector<2000x128xf32>
    %dot_general3A_9 = tpu.matmul %convert_element_type3A_5, %get3A_8, %dot_general3A {dimension_numbers = #tpu.dot_dimension_numbers<[0], [0], [1], [1], [0, 1, 1, 1], [], []>, transpose_lhs_hint = false} : vector<100x2000xf32>, vector<100x128xf32>, vector<2000x128xf32> -> vector<2000x128xf32>
    %swap3A = arith.constant 0 : index
    %swap3A_10 = arith.constant 0 : index
    %swap3A_11 = vector.load %arg3[%swap3A, %swap3A_10] : memref<2000x128xf32, #tpu.memory_space<vmem>>, vector<2000x128xf32>
    tpu.vector_store %arg3[%swap3A, %swap3A_10], %dot_general3A_9 {strides = array<i32>} : memref<2000x128xf32, #tpu.memory_space<vmem>>, vector<2000x128xf32>,
    return
  }
  func.func @transform_0(%arg0: i32) -> (i32, i32, i32) {
    %c0_i32 = arith.constant 0 : i32
    %c0_i32_0 = arith.constant 0 : i32
    %c0_i32_1 = arith.constant 0 : i32
    return %arg0, %c0_i32, %c0_i32_0 : i32, i32, i32
  }
  func.func @transform_1(%arg0: i32) -> (i32, i32) {
    %c0_i32 = arith.constant 0 : i32
    %c0_i32_0 = arith.constant 0 : i32
    %c0_i32_1 = arith.constant 0 : i32
    return %c0_i32, %c0_i32_0 : i32, i32
  }
  func.func @transform_2(%arg0: i32) -> (i32, i32) {
    %c0_i32 = arith.constant 0 : i32
    %c0_i32_0 = arith.constant 0 : i32
    return %arg0, %c0_i32 : i32, i32
  }
}

module attributes {stable_mosaic.version = 14 : i64} {
  func.func @_prep_body(%arg0: memref<625x16x128xf32, #tpu.memory_space<vmem>>, %arg1: memref<32x128x128xf32, #tpu.memory_space<vmem>>, %arg2: memref<32x128x128xf32, #tpu.memory_space<vmem>>, %arg3: memref<625x16x128xf32, #tpu.memory_space<vmem>>, %arg4: memref<625x16xf32, #tpu.memory_space<vmem>>, %arg5: memref<625x16xf32, #tpu.memory_space<vmem>>, %arg6: memref<625x16xf32, #tpu.memory_space<vmem>>) attributes {dimension_semantics = [], scalar_prefetch = 0 : i64, scratch_operands = 0 : i64, tpu.core_type = #tpu.core_type<tc>} {
    %get3A = arith.constant 0 : index
    %get3A_0 = arith.constant 0 : index
    %get3A_1 = arith.constant 0 : index
    %get3A_2 = vector.load %arg1[%get3A, %get3A_0, %get3A_1] : memref<32x128x128xf32, #tpu.memory_space<vmem>>, vector<32x128x128xf32>
    %reduce_sum3A = arith.constant dense<0.000000e+00> : vector<128x128xf32>
    %reduce_sum3A_3 = vector.multi_reduction <add>, %get3A_2, %reduce_sum3A [0] : vector<32x128x128xf32> to vector<128x128xf32>
    %slice3A = vector.extract_strided_slice %reduce_sum3A_3 {offsets = [0, 0], sizes = [128, 16], strides = [1, 1]} : vector<128x128xf32> to vector<128x16xf32>
    %slice3A_4 = vector.extract_strided_slice %reduce_sum3A_3 {offsets = [0, 16], sizes = [128, 16], strides = [1, 1]} : vector<128x128xf32> to vector<128x16xf32>
    %slice3A_5 = vector.extract_strided_slice %reduce_sum3A_3 {offsets = [0, 32], sizes = [128, 16], strides = [1, 1]} : vector<128x128xf32> to vector<128x16xf32>
    %slice3A_6 = vector.extract_strided_slice %reduce_sum3A_3 {offsets = [0, 48], sizes = [128, 16], strides = [1, 1]} : vector<128x128xf32> to vector<128x16xf32>
    %slice3A_7 = vector.extract_strided_slice %reduce_sum3A_3 {offsets = [0, 64], sizes = [128, 16], strides = [1, 1]} : vector<128x128xf32> to vector<128x16xf32>
    %concatenate3A = tpu.concatenate %slice3A, %slice3A_4, %slice3A_5, %slice3A_6, %slice3A_7 in 0 : vector<128x16xf32>, vector<128x16xf32>, vector<128x16xf32>, vector<128x16xf32>, vector<128x16xf32> -> vector<640x16xf32>
    %slice3A_8 = vector.extract_strided_slice %concatenate3A {offsets = [0, 0], sizes = [625, 16], strides = [1, 1]} : vector<640x16xf32> to vector<625x16xf32>
    %get3A_9 = arith.constant 0 : index
    %get3A_10 = arith.constant 0 : index
    %get3A_11 = arith.constant 0 : index
    %get3A_12 = vector.load %arg2[%get3A_9, %get3A_10, %get3A_11] : memref<32x128x128xf32, #tpu.memory_space<vmem>>, vector<32x128x128xf32>
    %reduce_sum3A_13 = arith.constant dense<0.000000e+00> : vector<128x128xf32>
    %reduce_sum3A_14 = vector.multi_reduction <add>, %get3A_12, %reduce_sum3A_13 [0] : vector<32x128x128xf32> to vector<128x128xf32>
    %slice3A_15 = vector.extract_strided_slice %reduce_sum3A_14 {offsets = [0, 0], sizes = [128, 16], strides = [1, 1]} : vector<128x128xf32> to vector<128x16xf32>
    %slice3A_16 = vector.extract_strided_slice %reduce_sum3A_14 {offsets = [0, 16], sizes = [128, 16], strides = [1, 1]} : vector<128x128xf32> to vector<128x16xf32>
    %slice3A_17 = vector.extract_strided_slice %reduce_sum3A_14 {offsets = [0, 32], sizes = [128, 16], strides = [1, 1]} : vector<128x128xf32> to vector<128x16xf32>
    %slice3A_18 = vector.extract_strided_slice %reduce_sum3A_14 {offsets = [0, 48], sizes = [128, 16], strides = [1, 1]} : vector<128x128xf32> to vector<128x16xf32>
    %slice3A_19 = vector.extract_strided_slice %reduce_sum3A_14 {offsets = [0, 64], sizes = [128, 16], strides = [1, 1]} : vector<128x128xf32> to vector<128x16xf32>
    %concatenate3A_20 = tpu.concatenate %slice3A_15, %slice3A_16, %slice3A_17, %slice3A_18, %slice3A_19 in 0 : vector<128x16xf32>, vector<128x16xf32>, vector<128x16xf32>, vector<128x16xf32>, vector<128x16xf32> -> vector<640x16xf32>
    %slice3A_21 = vector.extract_strided_slice %concatenate3A_20 {offsets = [0, 0], sizes = [625, 16], strides = [1, 1]} : vector<640x16xf32> to vector<625x16xf32>
    %max3A = arith.constant 1.000000e+00 : f32
    %max3A_22 = vector.broadcast %max3A : f32 to vector<625x16xf32>
    %max3A_23 = arith.maximumf %slice3A_8, %max3A_22 : vector<625x16xf32>
    %rsqrt3A = math.rsqrt %max3A_23 : vector<625x16xf32>
    %max3A_24 = arith.constant 1.000000e+00 : f32
    %max3A_25 = vector.broadcast %max3A_24 : f32 to vector<625x16xf32>
    %max3A_26 = arith.maximumf %slice3A_21, %max3A_25 : vector<625x16xf32>
    %rsqrt3A_27 = math.rsqrt %max3A_26 : vector<625x16xf32>
    %swap3A = arith.constant 0 : index
    %swap3A_28 = arith.constant 0 : index
    %swap3A_29 = vector.load %arg6[%swap3A, %swap3A_28] : memref<625x16xf32, #tpu.memory_space<vmem>>, vector<625x16xf32>
    tpu.vector_store %arg6[%swap3A, %swap3A_28], %rsqrt3A {strides = array<i32>} : memref<625x16xf32, #tpu.memory_space<vmem>>, vector<625x16xf32>,
    %swap3A_30 = arith.constant 0 : index
    %swap3A_31 = arith.constant 0 : index
    %swap3A_32 = vector.load %arg5[%swap3A_30, %swap3A_31] : memref<625x16xf32, #tpu.memory_space<vmem>>, vector<625x16xf32>
    tpu.vector_store %arg5[%swap3A_30, %swap3A_31], %rsqrt3A_27 {strides = array<i32>} : memref<625x16xf32, #tpu.memory_space<vmem>>, vector<625x16xf32>,
    %div3A = arith.divf %rsqrt3A_27, %max3A_26 : vector<625x16xf32>
    %swap3A_33 = arith.constant 0 : index
    %swap3A_34 = arith.constant 0 : index
    %swap3A_35 = vector.load %arg4[%swap3A_33, %swap3A_34] : memref<625x16xf32, #tpu.memory_space<vmem>>, vector<625x16xf32>
    tpu.vector_store %arg4[%swap3A_33, %swap3A_34], %div3A {strides = array<i32>} : memref<625x16xf32, #tpu.memory_space<vmem>>, vector<625x16xf32>,
    %get3A_36 = arith.constant 0 : index
    %get3A_37 = arith.constant 0 : index
    %get3A_38 = arith.constant 0 : index
    %get3A_39 = vector.load %arg0[%get3A_36, %get3A_37, %get3A_38] : memref<625x16x128xf32, #tpu.memory_space<vmem>>, vector<625x16x128xf32>
    %broadcast_in_dim3A = vector.shape_cast %rsqrt3A : vector<625x16xf32> to vector<625x16x1xf32>
    %mul3A = vector.broadcast %broadcast_in_dim3A : vector<625x16x1xf32> to vector<625x16x128xf32>
    %mul3A_40 = arith.mulf %get3A_39, %mul3A : vector<625x16x128xf32>
    %swap3A_41 = arith.constant 0 : index
    %swap3A_42 = arith.constant 0 : index
    %swap3A_43 = arith.constant 0 : index
    %swap3A_44 = vector.load %arg3[%swap3A_41, %swap3A_42, %swap3A_43] : memref<625x16x128xf32, #tpu.memory_space<vmem>>, vector<625x16x128xf32>
    tpu.vector_store %arg3[%swap3A_41, %swap3A_42, %swap3A_43], %mul3A_40 {strides = array<i32>} : memref<625x16x128xf32, #tpu.memory_space<vmem>>, vector<625x16x128xf32>,
    return
  }
}

module attributes {stable_mosaic.version = 14 : i64} {
  func.func @_post_body(%arg0: memref<625x16x128xf32, #tpu.memory_space<vmem>>, %arg1: memref<2x625x16x128xf32, #tpu.memory_space<vmem>>, %arg2: memref<128x128xf32, #tpu.memory_space<vmem>>, %arg3: memref<625x16xf32, #tpu.memory_space<vmem>>, %arg4: memref<625x16xf32, #tpu.memory_space<vmem>>, %arg5: memref<625x16xf32, #tpu.memory_space<vmem>>, %arg6: memref<625x16x128xf32, #tpu.memory_space<vmem>>, %arg7: memref<625x16x128xf32, #tpu.memory_space<vmem>>) attributes {dimension_semantics = [], scalar_prefetch = 0 : i64, scratch_operands = 0 : i64, tpu.core_type = #tpu.core_type<tc>} {
    %get3A = arith.constant 0 : index
    %get3A_0 = arith.constant 0 : index
    %get3A_1 = arith.constant 0 : index
    %get3A_2 = arith.constant 0 : index
    %get3A_3 = vector.load %arg1[%get3A, %get3A_0, %get3A_1, %get3A_2] : memref<2x625x16x128xf32, #tpu.memory_space<vmem>>, vector<1x625x16x128xf32>
    %get3A_4 = vector.shape_cast %get3A_3 : vector<1x625x16x128xf32> to vector<625x16x128xf32>
    %get3A_5 = arith.constant 1 : index
    %get3A_6 = arith.constant 0 : index
    %get3A_7 = arith.constant 0 : index
    %get3A_8 = arith.constant 0 : index
    %get3A_9 = vector.load %arg1[%get3A_5, %get3A_6, %get3A_7, %get3A_8] : memref<2x625x16x128xf32, #tpu.memory_space<vmem>>, vector<1x625x16x128xf32>
    %get3A_10 = vector.shape_cast %get3A_9 : vector<1x625x16x128xf32> to vector<625x16x128xf32>
    %add3A = arith.addf %get3A_4, %get3A_10 : vector<625x16x128xf32>
    %get3A_11 = arith.constant 0 : index
    %get3A_12 = arith.constant 0 : index
    %get3A_13 = arith.constant 0 : index
    %get3A_14 = vector.load %arg0[%get3A_11, %get3A_12, %get3A_13] : memref<625x16x128xf32, #tpu.memory_space<vmem>>, vector<625x16x128xf32>
    %get3A_15 = arith.constant 0 : index
    %get3A_16 = arith.constant 0 : index
    %get3A_17 = vector.load %arg2[%get3A_15, %get3A_16] : memref<128x128xf32, #tpu.memory_space<vmem>>, vector<128x128xf32>
    %dot_general3A = arith.constant dense<0.000000e+00> : vector<625x16x128xf32>
    %dot_general3A_18 = tpu.matmul %get3A_14, %get3A_17, %dot_general3A {dimension_numbers = #tpu.dot_dimension_numbers<[2], [0], [0, 1], [1], [0, 0, 0, 1, 1, 1], [], []>, transpose_lhs_hint = false} : vector<625x16x128xf32>, vector<128x128xf32>, vector<625x16x128xf32> -> vector<625x16x128xf32>
    %get3A_19 = arith.constant 0 : index
    %get3A_20 = arith.constant 0 : index
    %get3A_21 = vector.load %arg4[%get3A_19, %get3A_20] : memref<625x16xf32, #tpu.memory_space<vmem>>, vector<625x16xf32>
    %broadcast_in_dim3A = vector.shape_cast %get3A_21 : vector<625x16xf32> to vector<625x16x1xf32>
    %mul3A = vector.broadcast %broadcast_in_dim3A : vector<625x16x1xf32> to vector<625x16x128xf32>
    %mul3A_22 = arith.mulf %dot_general3A_18, %mul3A : vector<625x16x128xf32>
    %get3A_23 = arith.constant 0 : index
    %get3A_24 = arith.constant 0 : index
    %get3A_25 = vector.load %arg3[%get3A_23, %get3A_24] : memref<625x16xf32, #tpu.memory_space<vmem>>, vector<625x16xf32>
    %broadcast_in_dim3A_26 = vector.shape_cast %get3A_25 : vector<625x16xf32> to vector<625x16x1xf32>
    %mul3A_27 = vector.broadcast %broadcast_in_dim3A_26 : vector<625x16x1xf32> to vector<625x16x128xf32>
    %mul3A_28 = arith.mulf %add3A, %mul3A_27 : vector<625x16x128xf32>
    %add3A_29 = arith.addf %mul3A_22, %mul3A_28 : vector<625x16x128xf32>
    %max3A = arith.constant 0.000000e+00 : f32
    %max3A_30 = vector.broadcast %max3A : f32 to vector<625x16x128xf32>
    %max3A_31 = arith.maximumf %add3A_29, %max3A_30 : vector<625x16x128xf32>
    %swap3A = arith.constant 0 : index
    %swap3A_32 = arith.constant 0 : index
    %swap3A_33 = arith.constant 0 : index
    %swap3A_34 = vector.load %arg6[%swap3A, %swap3A_32, %swap3A_33] : memref<625x16x128xf32, #tpu.memory_space<vmem>>, vector<625x16x128xf32>
    tpu.vector_store %arg6[%swap3A, %swap3A_32, %swap3A_33], %max3A_31 {strides = array<i32>} : memref<625x16x128xf32, #tpu.memory_space<vmem>>, vector<625x16x128xf32>,
    %get3A_35 = arith.constant 0 : index
    %get3A_36 = arith.constant 0 : index
    %get3A_37 = vector.load %arg5[%get3A_35, %get3A_36] : memref<625x16xf32, #tpu.memory_space<vmem>>, vector<625x16xf32>
    %broadcast_in_dim3A_38 = vector.shape_cast %get3A_37 : vector<625x16xf32> to vector<625x16x1xf32>
    %mul3A_39 = vector.broadcast %broadcast_in_dim3A_38 : vector<625x16x1xf32> to vector<625x16x128xf32>
    %mul3A_40 = arith.mulf %max3A_31, %mul3A_39 : vector<625x16x128xf32>
    %swap3A_41 = arith.constant 0 : index
    %swap3A_42 = arith.constant 0 : index
    %swap3A_43 = arith.constant 0 : index
    %swap3A_44 = vector.load %arg7[%swap3A_41, %swap3A_42, %swap3A_43] : memref<625x16x128xf32, #tpu.memory_space<vmem>>, vector<625x16x128xf32>
    tpu.vector_store %arg7[%swap3A_41, %swap3A_42, %swap3A_43], %mul3A_40 {strides = array<i32>} : memref<625x16x128xf32, #tpu.memory_space<vmem>>, vector<625x16x128xf32>,
    return
  }
}

module attributes {stable_mosaic.version = 14 : i64} {
  func.func @_post_body(%arg0: memref<625x16x128xf32, #tpu.memory_space<vmem>>, %arg1: memref<2x625x16x128xf32, #tpu.memory_space<vmem>>, %arg2: memref<128x128xf32, #tpu.memory_space<vmem>>, %arg3: memref<625x16xf32, #tpu.memory_space<vmem>>, %arg4: memref<625x16xf32, #tpu.memory_space<vmem>>, %arg5: memref<625x16xf32, #tpu.memory_space<vmem>>, %arg6: memref<625x16x128xf32, #tpu.memory_space<vmem>>, %arg7: memref<625x16x128xf32, #tpu.memory_space<vmem>>) attributes {dimension_semantics = [], scalar_prefetch = 0 : i64, scratch_operands = 0 : i64, tpu.core_type = #tpu.core_type<tc>} {
    %get3A = arith.constant 0 : index
    %get3A_0 = arith.constant 0 : index
    %get3A_1 = arith.constant 0 : index
    %get3A_2 = arith.constant 0 : index
    %get3A_3 = vector.load %arg1[%get3A, %get3A_0, %get3A_1, %get3A_2] : memref<2x625x16x128xf32, #tpu.memory_space<vmem>>, vector<1x625x16x128xf32>
    %get3A_4 = vector.shape_cast %get3A_3 : vector<1x625x16x128xf32> to vector<625x16x128xf32>
    %get3A_5 = arith.constant 1 : index
    %get3A_6 = arith.constant 0 : index
    %get3A_7 = arith.constant 0 : index
    %get3A_8 = arith.constant 0 : index
    %get3A_9 = vector.load %arg1[%get3A_5, %get3A_6, %get3A_7, %get3A_8] : memref<2x625x16x128xf32, #tpu.memory_space<vmem>>, vector<1x625x16x128xf32>
    %get3A_10 = vector.shape_cast %get3A_9 : vector<1x625x16x128xf32> to vector<625x16x128xf32>
    %add3A = arith.addf %get3A_4, %get3A_10 : vector<625x16x128xf32>
    %get3A_11 = arith.constant 0 : index
    %get3A_12 = arith.constant 0 : index
    %get3A_13 = arith.constant 0 : index
    %get3A_14 = vector.load %arg0[%get3A_11, %get3A_12, %get3A_13] : memref<625x16x128xf32, #tpu.memory_space<vmem>>, vector<625x16x128xf32>
    %get3A_15 = arith.constant 0 : index
    %get3A_16 = arith.constant 0 : index
    %get3A_17 = vector.load %arg2[%get3A_15, %get3A_16] : memref<128x128xf32, #tpu.memory_space<vmem>>, vector<128x128xf32>
    %dot_general3A = arith.constant dense<0.000000e+00> : vector<625x16x128xf32>
    %dot_general3A_18 = tpu.matmul %get3A_14, %get3A_17, %dot_general3A {dimension_numbers = #tpu.dot_dimension_numbers<[2], [0], [0, 1], [1], [0, 0, 0, 1, 1, 1], [], []>, transpose_lhs_hint = false} : vector<625x16x128xf32>, vector<128x128xf32>, vector<625x16x128xf32> -> vector<625x16x128xf32>
    %get3A_19 = arith.constant 0 : index
    %get3A_20 = arith.constant 0 : index
    %get3A_21 = vector.load %arg4[%get3A_19, %get3A_20] : memref<625x16xf32, #tpu.memory_space<vmem>>, vector<625x16xf32>
    %broadcast_in_dim3A = vector.shape_cast %get3A_21 : vector<625x16xf32> to vector<625x16x1xf32>
    %mul3A = vector.broadcast %broadcast_in_dim3A : vector<625x16x1xf32> to vector<625x16x128xf32>
    %mul3A_22 = arith.mulf %dot_general3A_18, %mul3A : vector<625x16x128xf32>
    %get3A_23 = arith.constant 0 : index
    %get3A_24 = arith.constant 0 : index
    %get3A_25 = vector.load %arg3[%get3A_23, %get3A_24] : memref<625x16xf32, #tpu.memory_space<vmem>>, vector<625x16xf32>
    %broadcast_in_dim3A_26 = vector.shape_cast %get3A_25 : vector<625x16xf32> to vector<625x16x1xf32>
    %mul3A_27 = vector.broadcast %broadcast_in_dim3A_26 : vector<625x16x1xf32> to vector<625x16x128xf32>
    %mul3A_28 = arith.mulf %add3A, %mul3A_27 : vector<625x16x128xf32>
    %add3A_29 = arith.addf %mul3A_22, %mul3A_28 : vector<625x16x128xf32>
    %max3A = arith.constant 0.000000e+00 : f32
    %max3A_30 = vector.broadcast %max3A : f32 to vector<625x16x128xf32>
    %max3A_31 = arith.maximumf %add3A_29, %max3A_30 : vector<625x16x128xf32>
    %swap3A = arith.constant 0 : index
    %swap3A_32 = arith.constant 0 : index
    %swap3A_33 = arith.constant 0 : index
    %swap3A_34 = vector.load %arg6[%swap3A, %swap3A_32, %swap3A_33] : memref<625x16x128xf32, #tpu.memory_space<vmem>>, vector<625x16x128xf32>
    tpu.vector_store %arg6[%swap3A, %swap3A_32, %swap3A_33], %max3A_31 {strides = array<i32>} : memref<625x16x128xf32, #tpu.memory_space<vmem>>, vector<625x16x128xf32>,
    %get3A_35 = arith.constant 0 : index
    %get3A_36 = arith.constant 0 : index
    %get3A_37 = vector.load %arg5[%get3A_35, %get3A_36] : memref<625x16xf32, #tpu.memory_space<vmem>>, vector<625x16xf32>
    %broadcast_in_dim3A_38 = vector.shape_cast %get3A_37 : vector<625x16xf32> to vector<625x16x1xf32>
    %mul3A_39 = vector.broadcast %broadcast_in_dim3A_38 : vector<625x16x1xf32> to vector<625x16x128xf32>
    %mul3A_40 = arith.mulf %max3A_31, %mul3A_39 : vector<625x16x128xf32>
    %swap3A_41 = arith.constant 0 : index
    %swap3A_42 = arith.constant 0 : index
    %swap3A_43 = arith.constant 0 : index
    %swap3A_44 = vector.load %arg7[%swap3A_41, %swap3A_42, %swap3A_43] : memref<625x16x128xf32, #tpu.memory_space<vmem>>, vector<625x16x128xf32>
    tpu.vector_store %arg7[%swap3A_41, %swap3A_42, %swap3A_43], %mul3A_40 {strides = array<i32>} : memref<625x16x128xf32, #tpu.memory_space<vmem>>, vector<625x16x128xf32>,
    return
  }
}

</mosaic_0001>

<sc_bundles>
// kernel: kernel.12.cloned.1.call-start
scs
__scs_entry_jumppad:
0x0: {  	(pc) =	sbr.rel $0x88, $3  }
0x1: {  	(tag) =	ssettag $0x0;
	lr =	simm.s32 $0x1  }
0x2: {  	[smem:$0x3F9B] =	sst lr;
	_ =	strace $0xD0000000  }
0x3: {  	_ = 	snop  }
0x4: {  	_ = 	snop  }
0x5: {  	_ = 	snop  }
0x6: {  	_ = 	snop  }
0x7: {  	_ = 	snop  }
__scs_overlays_trampoline_lowered:
0x8: {  	[smem:$0x3FAA] =	sst s0  }
0x9: {  	[smem:$0x3FAB] =	sst s1  }
0xa: {  	[smem:$0x3FAC] =	sst s2  }
0xb: {  	[smem:$0x3FAD] =	sst s3  }
0xc: {  	[smem:$0x3FAE] =	sst s4  }
0xd: {  	[smem:$0x3FAF] =	sst s5  }
0xe: {  	[smem:$0x3FB0] =	sst s6  }
0xf: {  	[smem:$0x3FB1] =	sst s7  }
0x10: {  	[smem:$0x3FB2] =	sst s8  }
0x11: {  	[smem:$0x3FB3] =	sst s9;
	s0 =	simm.s32 @!p0 $0x0  }
0x12: {  	s1 =	sld [smem:$0x3F99];
	s0 =	simm.s32 @p0 $0x1  }
0x13: {  	[smem:$0x3FB4] =	sst s0;
	s0 =	simm.s32 @!p1 $0x0  }
0x14: {  	s2 =	sld [smem:$0x3F98];
	s0 =	simm.s32 @p1 $0x1  }
0x15: {  	[smem:$0x3FB5] =	sst s0;
	s0 =	simm.s32 @!p2 $0x0  }
0x16: {  	s3 =	sld [smem:$0x3FDB];
	s0 =	simm.s32 @p2 $0x1  }
0x17: {  	s4 =	simm.s32 $0x1BF5;
	[smem:$0x3FB7] =	sst s0  }
0x18: {  	s0 =	sld [smem:$0x3F9A];
	_ =	swait.ge [sflag:s4], $0x0  }
0x19: {  	s7 =	sld [smem:$0x3F9B]  }
0x1a: {  	s8 =	sadd.s32 $0xFFFFE003, lr  }
0x1b: {  	s9 =	sadd.s32 $0xFFFFFEF7, lr;
	s5 =	simm.s32 $0xFFFFFFFF;
	p2 =	slt.u32 s8, $0xFFFFF086  }
0x1c: {  	p1 =	slt.u32 s9, $0xF7A;
	s5 =	simm.s32 @!p2 $0x0  }
0x1d: {  	s5 =	simm.s32 @p1 $0x1;
	p0 =	seq.s32 s7, s2  }
0x1e: {  	s7 =	smul.u32 @!p0 $0xF7A, s2;
	p2 =	seq.s32 @!p0 s5, $0x0  }
0x1f: {  	s9 =	smul.u32 $0xF7A, s1;
	s8 =	simm.s32 @!p0 $0x1BF5;
	p2 =	por !p2, p0  }
0x20: {  	[sflag:s8] =	ssyncset.s32 @!p0 $0xFFFFF086;
	s6 =	sadd.s32 @!p0 s3, s7;
	s7 =	simm.s32 @!p0 $0x108  }
0x21: {  	s3 =	sadd.s32 s3, s9;
	s6 =	sadd.s32 @!p0 $0x88, s6;
	s7 =	simm.s32 @p2 $0x1082  }
0x22: {  	[simem:s7], [sflag:s8] =	dma.local @!p0 [hbm:s6], $0xF7A  }
0x23: {  	s9 =	sor.u32 $0xD0000000, s2;
	s6 =	simm.s32 $0x108;
	_ =	swait.ge @!p0 [sflag:s8], $0x0  }
0x24: {  	s3 =	sadd.s32 $0x88, s3;
	s6 =	simm.s32 @!p1 $0x1082;
	[sflag:s4] =	ssyncset.s32 $0xFFFFF086  }
0x25: {  	[simem:s6], [sflag:s4] =	dma.local [hbm:s3], $0xF7A  }
0x26: {  	[smem:$0x3F9B] =	sst s1;
	(tag) =	ssettag s2;
	_ =	strace s9  }
0x27: {  	s1 =	sld [smem:$0x3FAB]  }
0x28: {  	s2 =	sld [smem:$0x3FAC]  }
0x29: {  	s4 =	sld [smem:$0x3FAE]  }
0x2a: {  	p0 =	seq.s32 s5, $0x0;
	s5 =	sld [smem:$0x3FAF]  }
0x2b: {  	s6 =	sld [smem:$0x3FB0]  }
0x2c: {  	s7 =	sld [smem:$0x3FB1]  }
0x2d: {  	s3 =	simm.s32 $0x108;
	s8 =	sld [smem:$0x3FB2]  }
0x2e: {  	s3 =	simm.s32 @!p0 $0x1082;
	s9 =	sld [smem:$0x3FB3]  }
0x2f: {  	lr =	sadd.s32 s0, s3;
	s0 =	sld [smem:$0x3FAA]  }
0x30: {  	s3 =	sld [smem:$0x3FAD]  }
0x31: {  	[smem:$0x3FB6] =	sst s10  }
0x32: {  	s10 =	sld [smem:$0x3FB4];
	_ =	sdelay $0x3  }
0x33: {  	p0 =	seq.s32 s10, $0x1;
	s10 =	sld [smem:$0x3FB6];
	_ =	sdelay $0x3  }
0x34: {  	[smem:$0x3FB6] =	sst s10  }
0x35: {  	s10 =	sld [smem:$0x3FB5];
	_ =	sdelay $0x3  }
0x36: {  	p1 =	seq.s32 s10, $0x1;
	s10 =	sld [smem:$0x3FB6];
	_ =	sdelay $0x3  }
0x37: {  	[smem:$0x3FB6] =	sst s10  }
0x38: {  	s10 =	sld [smem:$0x3FB7]  }
0x39: {  	_ = 	snop;
	(pc) =	sbr.ind lr, $3  }
0x3a: {  	_ = 	snop  }
0x3b: {  	_ = 	snop  }
0x3c: {  	p2 =	seq.s32 s10, $0x1;
	s10 =	sld [smem:$0x3FB6]  }
0x3d: {  	_ =	shalt  }
0x3e: {  	_ =	shalt  }
0x3f: {  	_ =	shalt  }
0x40: {  	_ =	shalt  }
0x41: {  	_ =	shalt  }
0x42: {  	_ =	shalt  }
0x43: {  	_ =	shalt  }
0x44: {  	_ =	shalt  }
0x45: {  	_ =	shalt  }
0x46: {  	_ =	shalt  }
0x47: {  	_ =	shalt  }
0x48: {  	_ =	shalt  }
0x49: {  	_ =	shalt  }
0x4a: {  	_ =	shalt  }
0x4b: {  	_ =	shalt  }
0x4c: {  	_ =	shalt  }
0x4d: {  	_ =	shalt  }
0x4e: {  	_ =	shalt  }
0x4f: {  	_ =	shalt  }
0x50: {  	_ =	shalt  }
0x51: {  	_ =	shalt  }
0x52: {  	_ =	shalt  }
0x53: {  	_ =	shalt  }
0x54: {  	_ =	shalt  }
0x55: {  	_ =	shalt  }
0x56: {  	_ =	shalt  }
0x57: {  	_ =	shalt  }
0x58: {  	_ =	shalt  }
0x59: {  	_ =	shalt  }
0x5a: {  	_ =	shalt  }
0x5b: {  	_ =	shalt  }
0x5c: {  	_ =	shalt  }
0x5d: {  	_ =	shalt  }
0x5e: {  	_ =	shalt  }
0x5f: {  	_ =	shalt  }
0x60: {  	_ =	shalt  }
0x61: {  	_ =	shalt  }
0x62: {  	_ =	shalt  }
0x63: {  	_ =	shalt  }
0x64: {  	_ =	shalt  }
0x65: {  	_ =	shalt  }
0x66: {  	_ =	shalt  }
0x67: {  	_ =	shalt  }
0x68: {  	_ =	shalt  }
0x69: {  	_ =	shalt  }
0x6a: {  	_ =	shalt  }
0x6b: {  	_ =	shalt  }
0x6c: {  	_ =	shalt  }
0x6d: {  	_ =	shalt  }
0x6e: {  	_ =	shalt  }
0x6f: {  	_ =	shalt  }
0x70: {  	_ =	shalt  }
0x71: {  	_ =	shalt  }
0x72: {  	_ =	shalt  }
0x73: {  	_ =	shalt  }
0x74: {  	_ =	shalt  }
0x75: {  	_ =	shalt  }
0x76: {  	_ =	shalt  }
0x77: {  	_ =	shalt  }
0x78: {  	_ =	shalt  }
0x79: {  	_ =	shalt  }
0x7a: {  	_ =	shalt  }
0x7b: {  	_ =	shalt  }
0x7c: {  	_ =	shalt  }
0x7d: {  	_ =	shalt  }
0x7e: {  	_ =	shalt  }
0x7f: {  	_ =	shalt  }
0x80: {  	_ =	shalt  }
0x81: {  	_ =	shalt  }
0x82: {  	_ =	shalt  }
0x83: {  	_ =	shalt  }
0x84: {  	_ =	shalt  }
0x85: {  	_ =	shalt  }
0x86: {  	_ =	shalt  }
0x87: {  	_ =	shalt  }
.Lfunc_end0:
.L_simem_size_0:
called_computation.1_lowered:
.L_overlay_start_0:
0x88: {  	s2 =	sld [smem:$0x3FD9]  }
0x89: {  	s3 =	sld [smem:$0x3FFE];
	_ =	sdelay $0x1  }
0x8a: {  	s1 =	srdreg.scid  }
0x8b: {  	s0 =	sand.u32 $0x1, s1  }
0x8c: {  	s17 =	sshll.u32 s0, $0xA;
	s2 =	sadd.s32 s3, s2  }
0x8d: {  	s2 =	sadd.s32 s2, s17  }
0x8e: {  	[smem:$0x3FC2] =	sst s2  }
0x8f: {  	_ = 	snop  }
0x90: {  	s2 =	sld [smem:$0x3FD0];
	(tm) =	ssettm $0x1  }
0x91: {  	s18 =	sld [smem:$0x3FFB];
	_ =	sdelay $0x3  }
0x92: {  	_ =	strace s18  }
0x93: {  	s3 =	sld [smem:$0x3FFC];
	_ =	sdelay $0x3  }
0x94: {  	_ =	strace s3  }
0x95: {  	s3 =	sld [smem:$0x3FFD];
	_ =	sdelay $0x3  }
0x96: {  	_ =	strace s3  }
0x97: {  	_ =	strace $0x8FFFFFFF  }
0x98: {  	s19 =	sld [smem:$0x3FDB];
	_ =	sdelay $0x1  }
0x99: {  	s4 =	simm.s32 $_scs_section_size  }
0x9a: {  	s5 =	simm.s32 $_size__tile_overlayer_lowered;
	s6 =	simm.s32 $_tile_overlayer_lowered  }
0x9b: {  	s22 =	simm.s32 $0x1BFF;
	s21 =	sshll.u32 s6, $0x1;
	s3 =	sadd.s32 s4, s19  }
0x9c: {  	s7 =	simm.s32 $0x0;
	s20 =	sshll.u32 s5, $0x1;
	s5 =	sadd.s32 s21, s3  }
0x9d: {  	[timem:s7], [sflag:s22] =	dma.local [hbm:s5], s20  }
0x9e: {  	_ =	swait.ge [sflag:s22], s20  }
0x9f: {  	s4 =	ssub.s32 $0x0, s20;
	[sflag:s22] =	ssyncset.done $0x0  }
0xa0: {  	[sflag:s22] =	ssyncadd.s32 s4;
	_ =	sdelay $0x1  }
0xa1: {  	s23 =	simm.s32 $0x1B8B  }
0xa2: {  	_ =	swait.ge [sflag:s23], $0x1  }
0xa3: {  	[sflag:s23] =	ssyncset.done $0x0  }
0xa4: {  	s25 =	simm.s32 $0x1B8E;
	s24 =	sld [smem:$0x3FFE];
	[sflag:s23] =	ssyncadd.s32 $0xFFFFFFFF  }
0xa5: {  	s26 =	simm.s32 $execute0_lowered;
	[smem:$0x3FD2] =	sst s25  }
0xa6: {  	s5 =	sshll.u32 s26, $0x1;
	_ =	strace $0x80000049;
	[dreg:$0x1] =	wrdreg $0xFFFFFFFF  }
0xa7: {  	s28 =	simm.s32 $_size_execute0_lowered;
	s3 =	sadd.s32 s3, s5;
	[dreg:$0x0] =	wrdreg $0x0  }
0xa8: {  	s5 =	sshll.u32 s28, $0x1;
	[dreg:$0x2] =	wrdreg s3  }
0xa9: {  	[dreg:$0x3] =	wrdreg s5  }
0xaa: {  	[dreg:$0x4] =	wrdreg $0xC0  }
0xab: {  	_ =	task [dreg:s7], $0x5FFFF  }
0xac: {  	[dreg:$0x1] =	wrdreg $0xFFFFFFFF  }
0xad: {  	[dreg:$0x0] =	wrdreg $0x60  }
0xae: {  	[dreg:$0x2] =	wrdreg s2  }
0xaf: {  	[dreg:$0x3] =	wrdreg s24  }
0xb0: {  	[dreg:$0x4] =	wrdreg $0xA2000  }
0xb1: {  	[dreg:$0x5] =	wrdreg $0x9  }
0xb2: {  	_ =	task.clear_ibuf [dreg:s7], $0x6FFFF;
	_ =	strace $0x90000049  }
0xb3: {  	s29 =	simm.s32 $0x9;
	_ =	strace $0x8000004B  }
0xb4: {  	_ =	swait.ge [sflag:s29], $0x1  }
0xb5: {  	[sflag:s29] =	ssyncadd.s32 $0xFFFFFFFF  }
0xb6: {  	_ =	strace $0x9000004B  }
0xb7: {  	_ =	sfence  }
0xb8: {  	s30 =	sld [smem:$0x0];
	_ =	sdelay $0x2  }
0xb9: {  	s31 =	sshll.u32 s1, $0xD;
	s1 =	sshrl.u32 s1, $0x2  }
0xba: {  	s3 =	sand.u32 $0x4000, s31;
	s1 =	sadd.s32 s1, s30  }
0xbb: {  	s0 =	sor.u32 s3, s0;
	s1 =	sshll.u32 s1, $0x11  }
0xbc: {  	s0 =	sor.u32 s1, s0  }
0xbd: {  	s0 =	sadd.s32 $0x8F2B, s0  }
0xbe: {  	[sflag:s0] =	ssyncadd.remote.s32 $0x1  }
0xbf: {  	_ =	sfence.sel $0xFFFF  }
0xc0: {  	[dreg:$0x0] =	wrdreg $0xFFFFFFFF;
	(pc) =	sbr.abs _section_cstart, $3  }
0xc1: {  	[dreg:$0x1] =	wrdreg $0xFFFFFFFF  }
0xc2: {  	_ =	task.clear_ibuf [dreg:s7], $0x2FFFF;
	_ =	strace $0x9FFFFFFF  }
0xc3: {  	(tm) =	ssettm $0x7FFFFFFF  }
tec
execute0_lowered:
.L_overlay_start_1:
0x0: {  	(tag) =	ssettag $0x1  }
0x1: {  	s1 =	rddreg [dreg:$0x0]  }
0x2: {  	s0 =	rddreg [dreg:$0x1]  }
0x3: {  	s2 =	rddreg [dreg:$0x2]  }
0x4: {  	s4 =	srdreg.scid;
	s24 =	stileid.u32  }
0x5: {  	s3 =	simm.s32 $0x0;
	s4 =	sand.u32 $0x1, s4;
	s8 =	smul.u32 $0x2800, s24  }
0x6: {  	[smem:$0x7FF] =	sst s3;
	s7 =	sor.u32 $0x10, s24;
	s6 =	smul.u32 $0x138800, s4  }
0x7: {  	s5 =	sadd.s32 $0x27A00, s0;
	s10 =	sor.u32 $0x20, s24;
	s11 =	smul.u32 $0x2800, s7  }
0x8: {  	s9 =	sadd.s32 $0x509A00, s0;
	s13 =	sor.u32 $0x30, s24;
	s14 =	smul.u32 $0x2800, s10  }
0x9: {  	s17 =	sor.u32 $0x40, s24;
	s18 =	sor.u32 $0x50, s24;
	s16 =	smul.u32 $0x2800, s13  }
0xa: {  	s19 =	sor.u32 $0x60, s24;
	s21 =	sor.u32 $0x70, s24;
	s26 =	smul.u32 $0x2800, s17  }
0xb: {  	_ =	strace $0x8000004A;
	s12 =	ssub.s32 $0x2, s4;
	s20 =	smul.u32 $0x2800, s18  }
0xc: {  	s4 =	sshll.u32 s4, $0x4;
	s22 =	smul.u32 $0x2800, s19;
	s15 =	sshrl.u32 s12, $0x1  }
0xd: {  	s23 =	smul.u32 $0x2800, s21;
	s4 =	sor.u32 s24, s4;
	s12 =	ssub.s32 s12, s15  }
0xe: {  	s8 =	sadd.s32 s6, s8;
	s11 =	sadd.s32 s6, s11;
	s14 =	sadd.s32 s6, s14  }
0xf: {  	s16 =	sadd.s32 s6, s16;
	s15 =	sadd.s32 s6, s26;
	s20 =	sadd.s32 s6, s20  }
0x10: {  	s22 =	sadd.s32 s6, s22;
	s23 =	sadd.s32 s6, s23;
	s6 =	smul.u32 $0x2710, s4  }
0x11: {  	p0 =	sgt.u32 s21, $0x7C;
	s4 =	smul.u32 $0x27100, s4;
	s8 =	sshrl.u32 s8, $0x3  }
0x12: {  	s11 =	sshrl.u32 s11, $0x3;
	s15 =	sshrl.u32 s15, $0x3;
	s20 =	sshrl.u32 s20, $0x3  }
0x13: {  	s25 =	sshrl.u32 s22, $0x3;
	s26 =	sshrl.u32 s23, $0x3;
	s22 =	smul.u32 $0xA000, s7  }
0x14: {  	s8 =	sadd.s32 s9, s8;
	s31 =	sadd.s32 s9, s11;
	s11 =	sshrl.u32 s14, $0x3  }
0x15: {  	s14 =	sshrl.u32 s16, $0x3;
	s16 =	sadd.s32 s9, s15;
	[dreg:$0x4] =	wrdreg s8  }
0x16: {  	s15 =	sadd.s32 $0xDC00, s0;
	s4 =	sadd.s32 s5, s4;
	[dreg:$0x5] =	wrdreg s31  }
0x17: {  	s8 =	sadd.s32 s9, s11;
	[dreg:$0x8] =	wrdreg s16;
	s31 =	sadd.s32 s9, s26  }
0x18: {  	s16 =	sadd.s32 $0x3E00, s0;
	s11 =	sadd.s32 $0x50, s6;
	[dreg:$0x10] =	wrdreg s4  }
0x19: {  	s4 =	sadd.s32 $0xA0, s6;
	[dreg:$0x6] =	wrdreg s8;
	s8 =	sadd.s32 s9, s14  }
0x1a: {  	[dreg:$0xb] =	wrdreg s31;
	s26 =	sshll.u32 s11, $0x4;
	s31 =	smul.u32 $0xA000, s24  }
0x1b: {  	[dreg:$0x7] =	wrdreg s8;
	s8 =	sadd.s32 s9, s20;
	s20 =	sshrl.u32 s11, $0x3  }
0x1c: {  	s7 =	sadd.s32 s5, s26;
	[dreg:$0x9] =	wrdreg s8;
	s8 =	sadd.s32 s9, s25  }
0x1d: {  	s23 =	sadd.s32 s15, s20;
	[dreg:$0x11] =	wrdreg s7;
	s9 =	smul.u32 $0xA000, s10  }
0x1e: {  	s10 =	smax.u32 s12, $0x1;
	s12 =	smul.u32 $0xA000, s13;
	[dreg:$0xa] =	wrdreg s8  }
0x1f: {  	s25 =	sadd.s32 s16, s20;
	s13 =	smul.u32 $0xA000, s17;
	[dreg:$0xe] =	wrdreg s23  }
0x20: {  	s11 =	sshrl.u32 s31, $0x2;
	s17 =	smul.u32 $0xA000, s18;
	[dreg:$0xf] =	wrdreg s25  }
0x21: {  	s20 =	smul.u32 $0xA000, s19;
	s8 =	sshrl.u32 s6, $0x3;
	[dreg:$0x12] =	wrdreg s10  }
0x22: {  	s28 =	sadd.s32 s11, s2;
	s10 =	simm.s32 $0x80;
	s11 =	simm.s32 $0x180  }
0x23: {  	s14 =	sadd.s32 s15, s8;
	s0 =	sadd.s32 s16, s8;
	s18 =	sshrl.u32 s12, $0x2  }
0x24: {  	s7 =	sshrl.u32 s13, $0x2;
	s24 =	sshrl.u32 s17, $0x2;
	s25 =	sshrl.u32 s20, $0x2  }
0x25: {  	s8 =	simm.s32 $0x9;
	s12 =	simm.s32 $0x5;
	[dreg:$0x13] =	wrdreg s28  }
0x26: {  	s13 =	simm.s32 $0x50;
	s17 =	simm.s32 $0x6;
	[dreg:$0xc] =	wrdreg s14  }
0x27: {  	s20 =	simm.s32 $0x1;
	[dreg:$0xd] =	wrdreg s0;
	s0 =	sshrl.u32 s22, $0x2  }
0x28: {  	s14 =	sshrl.u32 s9, $0x2;
	s22 =	smul.u32 $0xA000, s21;
	s23 =	sadd.s32 s7, s2  }
0x29: {  	s7 =	simm.s32 $0x200;
	s9 =	simm.s32 $0x100;
	s21 =	simm.s32 $0x2  }
0x2a: {  	s29 =	sadd.s32 s0, s2;
	s0 =	sadd.s32 s18, s2;
	[dreg:$0x17] =	wrdreg s23  }
0x2b: {  	s30 =	sadd.s32 s14, s2;
	s14 =	simm.s32 $0x5200;
	[dreg:$0x16] =	wrdreg s0  }
0x2c: {  	s18 =	simm.s32 $0x2A00;
	s23 =	simm.s32 $0x3;
	[dreg:$0x14] =	wrdreg s29  }
0x2d: {  	s0 =	sadd.s32 s24, s2;
	s26 =	sshrl.u32 s22, $0x2;
	[dreg:$0x15] =	wrdreg s30  }
0x2e: {  	s22 =	simm.s32 $0x7;
	[dreg:$0x18] =	wrdreg s0;
	s0 =	sadd.s32 s25, s2  }
0x2f: {  	s24 =	simm.s32 $0x4;
	s31 =	sadd.s32 s26, s2;
	[dreg:$0x19] =	wrdreg s0  }
0x30: {  	v0 =	vimm.f32 $0.0e+00;
	s25 =	simm.s32 $0x8;
	s26 =	simm.s32 $0x0;
	[dreg:$0x1a] =	wrdreg s31  }
.LBB2_1:
0x31: {  	s0 =	simm.s32 $0x0;
	s19 =	simm.s32 $0x200  }
.LBB2_2:
0x32: {  	p1 =	sne.s32 s19, $0x9E00;
	[tilespmem:s0+$0x270] =	vst v0  }
0x33: {  	[tilespmem:s0+$0x200] =	vst v0  }
0x34: {  	[tilespmem:s0+$0x210] =	vst v0  }
.Ltmp0:
0x35: {  	[tilespmem:s0+$0x220] =	vst v0;
	(pc) =	sbr.rel @p1 .LBB2_2-.Ltmp0, $4  }
0x36: {  	[tilespmem:s0+$0x230] =	vst v0  }
0x37: {  	[tilespmem:s0+$0x240] =	vst v0  }
0x38: {  	[tilespmem:s0+$0x250] =	vst v0  }
0x39: {  	[tilespmem:s0+$0x260] =	vst v0;
	s0 =	sshra.s32 s19, $0x2;
	s19 =	sadd.s32 $0x200, s19  }
0x3a: {  	[tilespmem:s0+$0x270] =	vst v0  }
0x3b: {  	[tilespmem:s0+$0x200] =	vst v0  }
0x3c: {  	[tilespmem:s0+$0x210] =	vst v0  }
0x3d: {  	[tilespmem:s0+$0x220] =	vst v0  }
0x3e: {  	[tilespmem:s0+$0x230] =	vst v0  }
0x3f: {  	[tilespmem:s0+$0x240] =	vst v0  }
0x40: {  	[tilespmem:s0+$0x250] =	vst v0  }
0x41: {  	[dreg:$0x1b] =	wrdreg s26;
	[tilespmem:s0+$0x260] =	vst v0  }
0x42: {  	[spmem:s28] =	stream.linear.scatter [tilespmem:s7], [sflag:$0x9], $0x2800, $0x38;
	[tilespmem:$0x1DA80] =	vst v63  }
0x43: {  	_ =	swait.ge [sflag:s8], $0x2800  }
0x44: {  	[sflag:s8] =	ssyncset.done $0x0  }
0x45: {  	[sflag:s8] =	ssyncadd.s32 $0xFFFFD800  }
0x46: {  	[spmem:s29] =	stream.linear.scatter [tilespmem:s7], [sflag:$0x9], $0x2800, $0x38;
	[tilespmem:$0x1DA80] =	vst v63  }
0x47: {  	_ =	swait.ge [sflag:s8], $0x2800  }
0x48: {  	[sflag:s8] =	ssyncset.done $0x0  }
0x49: {  	[sflag:s8] =	ssyncadd.s32 $0xFFFFD800  }
0x4a: {  	[spmem:s30] =	stream.linear.scatter [tilespmem:s7], [sflag:$0x9], $0x2800, $0x38;
	[tilespmem:$0x1DA80] =	vst v63  }
0x4b: {  	_ =	swait.ge [sflag:s8], $0x2800  }
0x4c: {  	[sflag:s8] =	ssyncset.done $0x0  }
0x4d: {  	s31 =	rddreg [dreg:$0x16];
	[sflag:s8] =	ssyncadd.s32 $0xFFFFD800  }
0x4e: {  	[spmem:s31] =	stream.linear.scatter [tilespmem:s7], [sflag:$0x9], $0x2800, $0x38;
	[tilespmem:$0x1DA80] =	vst v63  }
0x4f: {  	_ =	swait.ge [sflag:s8], $0x2800  }
0x50: {  	[sflag:s8] =	ssyncset.done $0x0  }
0x51: {  	s19 =	rddreg [dreg:$0x17];
	[sflag:s8] =	ssyncadd.s32 $0xFFFFD800  }
0x52: {  	[spmem:s19] =	stream.linear.scatter [tilespmem:s7], [sflag:$0x9], $0x2800, $0x38;
	[tilespmem:$0x1DA80] =	vst v63  }
0x53: {  	_ =	swait.ge [sflag:s8], $0x2800  }
0x54: {  	[sflag:s8] =	ssyncset.done $0x0  }
0x55: {  	s26 =	rddreg [dreg:$0x18];
	[sflag:s8] =	ssyncadd.s32 $0xFFFFD800  }
0x56: {  	[spmem:s26] =	stream.linear.scatter [tilespmem:s7], [sflag:$0x9], $0x2800, $0x38;
	[tilespmem:$0x1DA80] =	vst v63  }
0x57: {  	_ =	swait.ge [sflag:s8], $0x2800  }
0x58: {  	[sflag:s8] =	ssyncset.done $0x0  }
0x59: {  	s29 =	rddreg [dreg:$0x19];
	[sflag:s8] =	ssyncadd.s32 $0xFFFFD800  }
0x5a: {  	[spmem:s29] =	stream.linear.scatter [tilespmem:s7], [sflag:$0x9], $0x2800, $0x38;
	[tilespmem:$0x1DA80] =	vst v63  }
0x5b: {  	_ =	swait.ge [sflag:s8], $0x2800  }
0x5c: {  	[sflag:s8] =	ssyncset.done $0x0  }
0x5d: {  	s0 =	simm.s32 @!p0 $0x200;
	s19 =	rddreg [dreg:$0x1a];
	[sflag:s8] =	ssyncadd.s32 $0xFFFFD800  }
0x5e: {  	[spmem:s19] =	stream.linear.scatter @!p0 [tilespmem:s0], [sflag:$0x9], $0x2800, $0x38;
	[tilespmem:$0x1DA80] =	vst v63  }
0x5f: {  	s0 =	simm.s32 @!p0 $0x9  }
0x60: {  	_ =	swait.ge @!p0 [sflag:s0], $0x2800  }
0x61: {  	[sflag:s0] =	ssyncset.done @!p0 $0x0  }
0x62: {  	[sflag:s0] =	ssyncadd.s32 @!p0 $0xFFFFD800  }
0x63: {  	[bflag:$0x0] =	sbarrier.arrive $0xFFFF  }
0x64: {  	s28 =	simm.s32 $0x0;
	s30 =	rddreg [dreg:$0xc]  }
0x65: {  	[tilespmem:s28], [sflag:$0x5] =	stream.linear.gather [hbm4b:s30+s28], $0x50, $0x38;
	[tilespmem:$0x1DA80] =	vst v63  }
0x66: {  	s31 =	rddreg [dreg:$0xd]  }
0x67: {  	[tilespmem:s9], [sflag:$0x7] =	stream.linear.gather [hbm4b:s31+s28], $0x50, $0x38;
	[tilespmem:$0x1DA80] =	vst v63  }
0x68: {  	s19 =	rddreg [dreg:$0xe]  }
0x69: {  	[tilespmem:s10], [sflag:$0x6] =	stream.linear.gather [hbm4b:s19+s28], $0x50, $0x38;
	[tilespmem:$0x1DA80] =	vst v63  }
0x6a: {  	s26 =	rddreg [dreg:$0xf]  }
0x6b: {  	[tilespmem:s11], [sflag:$0x8] =	stream.linear.gather [hbm4b:s26+s28], $0x50, $0x38;
	[tilespmem:$0x1DA80] =	vst v63  }
0x6c: {  	_ =	swait.ge [sflag:s12], $0x50  }
0x6d: {  	[sflag:s12] =	ssyncset.done $0x0  }
0x6e: {  	[sflag:s12] =	ssyncadd.s32 $0xFFFFFFB0  }
0x6f: {  	[tilespmem:s7], [sflag:$0x1] =	stream.indirect.gather [hbm4b:s1+s13], $0x80, s28, s13, $0xb8;
	[tilespmem:$0x1DA80] =	vst v63  }
0x70: {  	s29 =	rddreg [dreg:$0x10]  }
0x71: {  	[tilespmem:s14], [sflag:$0x2] =	stream.linear.gather [hbm4b:s29+s28], $0x2800, $0x38;
	[tilespmem:$0x1DA80] =	vst v63  }
0x72: {  	_ =	swait.ge [sflag:s17], $0x50  }
0x73: {  	[sflag:s17] =	ssyncset.done $0x0  }
0x74: {  	[sflag:s17] =	ssyncadd.s32 $0xFFFFFFB0  }
0x75: {  	[tilespmem:s18], [sflag:$0x3] =	stream.indirect.gather [hbm4b:s1+s13], $0x80, s10, s13, $0xb8;
	[tilespmem:$0x1DA80] =	vst v63  }
0x76: {  	s31 =	simm.s32 $0x7A00;
	s30 =	rddreg [dreg:$0x11]  }
0x77: {  	[tilespmem:s31], [sflag:$0x4] =	stream.linear.gather [hbm4b:s30+s28], $0x2800, $0x38;
	[tilespmem:$0x1DA80] =	vst v63  }
.LBB2_4:
0x78: {  	_ =	swait.ge [sflag:s20], $0x2800  }
0x79: {  	s0 =	smul.u32 $0xA0, s28;
	[sflag:s20] =	ssyncset.done $0x0  }
0x7a: {  	[sflag:s20] =	ssyncadd.s32 $0xFFFFD800  }
0x7b: {  	s29 =	sadd.s32 s0, s4;
	_ =	swait.ge [sflag:s21], $0x2800  }
0x7c: {  	s30 =	sshrl.u32 s29, $0x3;
	[sflag:s21] =	ssyncset.done $0x0  }
0x7d: {  	s26 =	sadd.s32 s15, s30;
	[sflag:s21] =	ssyncadd.s32 $0xFFFFD800  }
0x7e: {  	[tilespmem:s3], [sflag:$0x5] =	stream.linear.gather [hbm4b:s26+s3], $0x50, $0x38;
	[tilespmem:$0x1DA80] =	vst v63  }
0x7f: {  	_ =	swait.ge [sflag:s22], $0x50  }
0x80: {  	[sflag:s22] =	ssyncset.done $0x0  }
0x81: {  	s31 =	simm.s32 $0x300;
	[sflag:s22] =	ssyncadd.s32 $0xFFFFFFB0  }
0x82: {  	s0 =	simm.s32 $0x5300;
	v1 =	vld [tilespmem:s31+$0x80]  }
0x83: {  	v2 =	vld [tilespmem:s0+$0x80]  }
0x84: {  	v3 =	vld [tilespmem:s31+$0xFFFFFF80]  }
0x85: {  	v4 =	vld [tilespmem:s0+$0xFFFFFF80]  }
0x86: {  	v5 =	vld [tilespmem:s31+$0x0]  }
0x87: {  	v6 =	vld [tilespmem:s0+$0x0]  }
0x88: {  	v7 =	vld [tilespmem:s31+$0xFFFFFF00];
	v1 =	vmul.f32 v2, v1  }
0x89: {  	v2 =	vld [tilespmem:s0+$0xFFFFFF00]  }
0x8a: {  	[tilespmem:s31+$0x80] =	vst v1;
	v1 =	vld [tilespmem:s31+$0x90]  }
0x8b: {  	v3 =	vmul.f32 v4, v3;
	v4 =	vld [tilespmem:s0+$0x90]  }
0x8c: {  	v8 =	vld [tilespmem:s31+$0xFFFFFF10]  }
0x8d: {  	[tilespmem:s31+$0xFFFFFF80] =	vst v3;
	v3 =	vmul.f32 v6, v5;
	v5 =	vld [tilespmem:s31+$0xFFFFFF90]  }
0x8e: {  	v6 =	vld [tilespmem:s0+$0xFFFFFF90];
	v2 =	vmul.f32 v2, v7  }
0x8f: {  	[tilespmem:s31+$0x0] =	vst v3;
	v3 =	vld [tilespmem:s31+$0x10]  }
0x90: {  	v7 =	vld [tilespmem:s0+$0x10];
	[tilespmem:s31+$0xFFFFFF00] =	vst v2;
	v1 =	vmul.f32 v4, v1  }
0x91: {  	v2 =	vld [tilespmem:s0+$0xFFFFFF10]  }
0x92: {  	[tilespmem:s31+$0x90] =	vst v1;
	v1 =	vld [tilespmem:s31+$0xA0]  }
0x93: {  	v4 =	vmul.f32 v6, v5;
	v5 =	vld [tilespmem:s0+$0xA0]  }
0x94: {  	v6 =	vld [tilespmem:s31+$0xFFFFFF20]  }
0x95: {  	[tilespmem:s31+$0xFFFFFF90] =	vst v4;
	v3 =	vmul.f32 v7, v3;
	v4 =	vld [tilespmem:s31+$0xFFFFFFA0]  }
0x96: {  	v7 =	vld [tilespmem:s0+$0xFFFFFFA0];
	v2 =	vmul.f32 v2, v8  }
0x97: {  	[tilespmem:s31+$0x10] =	vst v3;
	v3 =	vld [tilespmem:s31+$0x20]  }
0x98: {  	v8 =	vld [tilespmem:s0+$0x20];
	[tilespmem:s31+$0xFFFFFF10] =	vst v2;
	v1 =	vmul.f32 v5, v1  }
0x99: {  	v2 =	vld [tilespmem:s0+$0xFFFFFF20]  }
0x9a: {  	[tilespmem:s31+$0xA0] =	vst v1;
	v1 =	vld [tilespmem:s31+$0xB0]  }
0x9b: {  	v4 =	vmul.f32 v7, v4;
	v5 =	vld [tilespmem:s0+$0xB0]  }
0x9c: {  	v7 =	vld [tilespmem:s31+$0xFFFFFF30]  }
0x9d: {  	[tilespmem:s31+$0xFFFFFFA0] =	vst v4;
	v3 =	vmul.f32 v8, v3;
	v4 =	vld [tilespmem:s31+$0xFFFFFFB0]  }
0x9e: {  	v8 =	vld [tilespmem:s0+$0xFFFFFFB0];
	v2 =	vmul.f32 v2, v6  }
0x9f: {  	[tilespmem:s31+$0x20] =	vst v3;
	v3 =	vld [tilespmem:s31+$0x30]  }
0xa0: {  	v6 =	vld [tilespmem:s0+$0x30];
	[tilespmem:s31+$0xFFFFFF20] =	vst v2;
	v1 =	vmul.f32 v5, v1  }
0xa1: {  	v2 =	vld [tilespmem:s0+$0xFFFFFF30]  }
0xa2: {  	[tilespmem:s31+$0xB0] =	vst v1;
	v1 =	vld [tilespmem:s31+$0xC0]  }
0xa3: {  	v4 =	vmul.f32 v8, v4;
	v5 =	vld [tilespmem:s0+$0xC0]  }
0xa4: {  	v8 =	vld [tilespmem:s31+$0xFFFFFF40]  }
0xa5: {  	[tilespmem:s31+$0xFFFFFFB0] =	vst v4;
	v3 =	vmul.f32 v6, v3;
	v4 =	vld [tilespmem:s31+$0xFFFFFFC0]  }
0xa6: {  	v6 =	vld [tilespmem:s0+$0xFFFFFFC0];
	v2 =	vmul.f32 v2, v7  }
0xa7: {  	[tilespmem:s31+$0x30] =	vst v3;
	v3 =	vld [tilespmem:s31+$0x40]  }
0xa8: {  	v7 =	vld [tilespmem:s0+$0x40];
	[tilespmem:s31+$0xFFFFFF30] =	vst v2;
	v1 =	vmul.f32 v5, v1  }
0xa9: {  	v2 =	vld [tilespmem:s0+$0xFFFFFF40]  }
0xaa: {  	[tilespmem:s31+$0xC0] =	vst v1;
	v1 =	vld [tilespmem:s31+$0xD0]  }
0xab: {  	v4 =	vmul.f32 v6, v4;
	v5 =	vld [tilespmem:s0+$0xD0]  }
0xac: {  	v6 =	vld [tilespmem:s31+$0xFFFFFF50]  }
0xad: {  	[tilespmem:s31+$0xFFFFFFC0] =	vst v4;
	v3 =	vmul.f32 v7, v3;
	v4 =	vld [tilespmem:s31+$0xFFFFFFD0]  }
0xae: {  	v7 =	vld [tilespmem:s0+$0xFFFFFFD0];
	v2 =	vmul.f32 v2, v8  }
0xaf: {  	[tilespmem:s31+$0x40] =	vst v3;
	v3 =	vld [tilespmem:s31+$0x50]  }
0xb0: {  	v8 =	vld [tilespmem:s0+$0x50];
	[tilespmem:s31+$0xFFFFFF40] =	vst v2;
	v1 =	vmul.f32 v5, v1  }
0xb1: {  	v2 =	vld [tilespmem:s0+$0xFFFFFF50]  }
0xb2: {  	[tilespmem:s31+$0xD0] =	vst v1;
	v1 =	vld [tilespmem:s31+$0xE0]  }
0xb3: {  	v4 =	vmul.f32 v7, v4;
	v5 =	vld [tilespmem:s0+$0xE0]  }
0xb4: {  	v7 =	vld [tilespmem:s31+$0xFFFFFF60]  }
0xb5: {  	[tilespmem:s31+$0xFFFFFFD0] =	vst v4;
	v3 =	vmul.f32 v8, v3;
	v4 =	vld [tilespmem:s31+$0xFFFFFFE0]  }
0xb6: {  	v8 =	vld [tilespmem:s0+$0xFFFFFFE0];
	v2 =	vmul.f32 v2, v6  }
0xb7: {  	[tilespmem:s31+$0x50] =	vst v3;
	v3 =	vld [tilespmem:s31+$0x60]  }
0xb8: {  	v6 =	vld [tilespmem:s0+$0x60];
	[tilespmem:s31+$0xFFFFFF50] =	vst v2;
	v1 =	vmul.f32 v5, v1  }
0xb9: {  	v5 =	vld [tilespmem:s0+$0xFFFFFF60]  }
0xba: {  	v9 =	vld [tilespmem:s31+$0xF0];
	[tilespmem:s31+$0xE0] =	vst v1  }
0xbb: {  	v2 =	vmul.f32 v8, v4;
	v8 =	vld [tilespmem:s0+$0xF0]  }
0xbc: {  	v1 =	vld [tilespmem:s31+$0xFFFFFF70]  }
0xbd: {  	[tilespmem:s31+$0xFFFFFFE0] =	vst v2;
	v3 =	vmul.f32 v6, v3;
	v2 =	vld [tilespmem:s31+$0xFFFFFFF0]  }
0xbe: {  	v4 =	vld [tilespmem:s0+$0xFFFFFFF0];
	v5 =	vmul.f32 v5, v7  }
0xbf: {  	[tilespmem:s31+$0x60] =	vst v3;
	v3 =	vld [tilespmem:s31+$0x70]  }
0xc0: {  	[tilespmem:s31+$0xFFFFFF60] =	vst v5;
	v5 =	vld [tilespmem:s0+$0x70];
	v7 =	vmul.f32 v8, v9  }
0xc1: {  	s19 =	simm.s32 $0x500;
	s26 =	simm.s32 $0x0;
	v6 =	vld [tilespmem:s0+$0xFFFFFF70]  }
.LBB2_5:
0xc2: {  	v8 =	vld [tilespmem:s19+$0x80];
	[tilespmem:s31+$0xF0] =	vst v7;
	s0 =	sadd.s32 $0x200, s0  }
0xc3: {  	s26 =	sadd.s32 $0x4, s26;
	v7 =	vld [tilespmem:s0+$0x80];
	v2 =	vmul.f32 v4, v2  }
0xc4: {  	p1 =	slt.u32 s26, $0x4C;
	v4 =	vld [tilespmem:s0+$0xFFFFFF00]  }
0xc5: {  	v9 =	vld [tilespmem:s19+$0xFFFFFF80];
	[tilespmem:s31+$0xFFFFFFF0] =	vst v2;
	v2 =	vmul.f32 v5, v3  }
0xc6: {  	v3 =	vld [tilespmem:s0+$0xFFFFFF80];
	v1 =	vmul.f32 v6, v1  }
0xc7: {  	v5 =	vld [tilespmem:s19+$0x0];
	[tilespmem:s31+$0x70] =	vst v2  }
0xc8: {  	v2 =	vld [tilespmem:s0+$0x0];
	v6 =	vmul.f32 v7, v8;
	[tilespmem:s31+$0xFFFFFF70] =	vst v1;
	s31 =	smov.u32 s19  }
0xc9: {  	v1 =	vld [tilespmem:s19+$0xFFFFFF00]  }
0xca: {  	[tilespmem:s19+$0x80] =	vst v6;
	v6 =	vld [tilespmem:s19+$0x90]  }
0xcb: {  	v3 =	vmul.f32 v3, v9;
	v7 =	vld [tilespmem:s0+$0x90]  }
0xcc: {  	v8 =	vld [tilespmem:s19+$0xFFFFFF10]  }
0xcd: {  	[tilespmem:s19+$0xFFFFFF80] =	vst v3;
	v3 =	vld [tilespmem:s19+$0xFFFFFF90];
	v2 =	vmul.f32 v2, v5  }
0xce: {  	v1 =	vmul.f32 v4, v1;
	v4 =	vld [tilespmem:s0+$0xFFFFFF90]  }
0xcf: {  	[tilespmem:s19+$0x0] =	vst v2;
	v2 =	vld [tilespmem:s19+$0x10]  }
0xd0: {  	[tilespmem:s19+$0xFFFFFF00] =	vst v1;
	v1 =	vld [tilespmem:s0+$0x10];
	v5 =	vmul.f32 v7, v6  }
0xd1: {  	v6 =	vld [tilespmem:s0+$0xFFFFFF10]  }
0xd2: {  	[tilespmem:s19+$0x90] =	vst v5;
	v5 =	vld [tilespmem:s19+$0xA0]  }
0xd3: {  	v3 =	vmul.f32 v4, v3;
	v4 =	vld [tilespmem:s0+$0xA0]  }
0xd4: {  	v7 =	vld [tilespmem:s19+$0xFFFFFF20]  }
0xd5: {  	[tilespmem:s19+$0xFFFFFF90] =	vst v3;
	v3 =	vld [tilespmem:s19+$0xFFFFFFA0];
	v1 =	vmul.f32 v1, v2  }
0xd6: {  	v2 =	vmul.f32 v6, v8;
	v6 =	vld [tilespmem:s0+$0xFFFFFFA0]  }
0xd7: {  	[tilespmem:s19+$0x10] =	vst v1;
	v1 =	vld [tilespmem:s19+$0x20]  }
0xd8: {  	[tilespmem:s19+$0xFFFFFF10] =	vst v2;
	v2 =	vld [tilespmem:s0+$0x20];
	v4 =	vmul.f32 v4, v5  }
0xd9: {  	v5 =	vld [tilespmem:s0+$0xFFFFFF20]  }
0xda: {  	[tilespmem:s19+$0xA0] =	vst v4;
	v4 =	vld [tilespmem:s19+$0xB0]  }
0xdb: {  	v3 =	vmul.f32 v6, v3;
	v6 =	vld [tilespmem:s0+$0xB0]  }
0xdc: {  	v8 =	vld [tilespmem:s19+$0xFFFFFF30]  }
0xdd: {  	[tilespmem:s19+$0xFFFFFFA0] =	vst v3;
	v3 =	vld [tilespmem:s19+$0xFFFFFFB0];
	v1 =	vmul.f32 v2, v1  }
0xde: {  	v2 =	vmul.f32 v5, v7;
	v5 =	vld [tilespmem:s0+$0xFFFFFFB0]  }
0xdf: {  	[tilespmem:s19+$0x20] =	vst v1;
	v1 =	vld [tilespmem:s19+$0x30]  }
0xe0: {  	[tilespmem:s19+$0xFFFFFF20] =	vst v2;
	v2 =	vld [tilespmem:s0+$0x30];
	v4 =	vmul.f32 v6, v4  }
0xe1: {  	v6 =	vld [tilespmem:s0+$0xFFFFFF30]  }
0xe2: {  	[tilespmem:s19+$0xB0] =	vst v4;
	v4 =	vld [tilespmem:s19+$0xC0]  }
0xe3: {  	v3 =	vmul.f32 v5, v3;
	v5 =	vld [tilespmem:s0+$0xC0]  }
0xe4: {  	v7 =	vld [tilespmem:s19+$0xFFFFFF40]  }
0xe5: {  	[tilespmem:s19+$0xFFFFFFB0] =	vst v3;
	v3 =	vld [tilespmem:s19+$0xFFFFFFC0];
	v1 =	vmul.f32 v2, v1  }
0xe6: {  	v2 =	vmul.f32 v6, v8;
	v6 =	vld [tilespmem:s0+$0xFFFFFFC0]  }
0xe7: {  	[tilespmem:s19+$0x30] =	vst v1;
	v1 =	vld [tilespmem:s19+$0x40]  }
0xe8: {  	[tilespmem:s19+$0xFFFFFF30] =	vst v2;
	v2 =	vld [tilespmem:s0+$0x40];
	v4 =	vmul.f32 v5, v4  }
0xe9: {  	v5 =	vld [tilespmem:s0+$0xFFFFFF40]  }
0xea: {  	[tilespmem:s19+$0xC0] =	vst v4;
	v4 =	vld [tilespmem:s19+$0xD0]  }
0xeb: {  	v3 =	vmul.f32 v6, v3;
	v6 =	vld [tilespmem:s0+$0xD0]  }
0xec: {  	v8 =	vld [tilespmem:s19+$0xFFFFFF50]  }
0xed: {  	[tilespmem:s19+$0xFFFFFFC0] =	vst v3;
	v3 =	vld [tilespmem:s19+$0xFFFFFFD0];
	v1 =	vmul.f32 v2, v1  }
0xee: {  	v2 =	vmul.f32 v5, v7;
	v5 =	vld [tilespmem:s0+$0xFFFFFFD0]  }
0xef: {  	[tilespmem:s19+$0x40] =	vst v1;
	v1 =	vld [tilespmem:s19+$0x50]  }
0xf0: {  	[tilespmem:s19+$0xFFFFFF40] =	vst v2;
	v2 =	vld [tilespmem:s0+$0x50];
	v4 =	vmul.f32 v6, v4  }
0xf1: {  	v6 =	vld [tilespmem:s0+$0xFFFFFF50]  }
0xf2: {  	[tilespmem:s19+$0xD0] =	vst v4;
	v4 =	vld [tilespmem:s19+$0xE0]  }
0xf3: {  	v3 =	vmul.f32 v5, v3;
	v5 =	vld [tilespmem:s0+$0xE0]  }
0xf4: {  	v7 =	vld [tilespmem:s19+$0xFFFFFF60]  }
0xf5: {  	[tilespmem:s19+$0xFFFFFFD0] =	vst v3;
	v3 =	vld [tilespmem:s19+$0xFFFFFFE0];
	v1 =	vmul.f32 v2, v1  }
0xf6: {  	v2 =	vmul.f32 v6, v8;
	v6 =	vld [tilespmem:s0+$0xFFFFFFE0]  }
0xf7: {  	[tilespmem:s19+$0x50] =	vst v1;
	v8 =	vld [tilespmem:s19+$0x60]  }
0xf8: {  	[tilespmem:s19+$0xFFFFFF50] =	vst v2;
	v9 =	vld [tilespmem:s0+$0x60];
	v1 =	vmul.f32 v5, v4  }
0xf9: {  	v4 =	vld [tilespmem:s0+$0xFFFFFF60]  }
0xfa: {  	[tilespmem:s19+$0xE0] =	vst v1;
	v10 =	vld [tilespmem:s19+$0xF0]  }
0xfb: {  	v2 =	vmul.f32 v6, v3;
	v6 =	vld [tilespmem:s0+$0xF0]  }
0xfc: {  	v1 =	vld [tilespmem:s19+$0xFFFFFF70]  }
.Ltmp1:
0xfd: {  	[tilespmem:s19+$0xFFFFFFE0] =	vst v2;
	v2 =	vld [tilespmem:s19+$0xFFFFFFF0];
	v3 =	vmul.f32 v9, v8;
	(pc) =	sbr.rel @p1 .LBB2_5-.Ltmp1, $4  }
0xfe: {  	v5 =	vmul.f32 v4, v7;
	v4 =	vld [tilespmem:s0+$0xFFFFFFF0]  }
0xff: {  	[tilespmem:s19+$0x60] =	vst v3;
	v3 =	vld [tilespmem:s19+$0x70]  }
0x100: {  	[tilespmem:s19+$0xFFFFFF60] =	vst v5;
	v5 =	vld [tilespmem:s0+$0x70];
	v7 =	vmul.f32 v6, v10  }
0x101: {  	s19 =	sadd.s32 $0x200, s19;
	v6 =	vld [tilespmem:s0+$0xFFFFFF70]  }
0x102: {  	_ =	sdelay $0x1  }
0x103: {  	v2 =	vmul.f32 v4, v2  }
0x104: {  	[tilespmem:s31+$0xF0] =	vst v7;
	v3 =	vmul.f32 v5, v3  }
0x105: {  	[tilespmem:s31+$0xFFFFFFF0] =	vst v2;
	v1 =	vmul.f32 v6, v1  }
0x106: {  	[tilespmem:s31+$0x70] =	vst v3  }
0x107: {  	[tilespmem:s31+$0xFFFFFF70] =	vst v1  }
0x108: {  	[spmem:s2] =	stream.indirect.scatter.add.f32 [tilespmem:s7], [sflag:$0x9], $0x80, s9, s13, $0xb8;
	[tilespmem:$0x1DA80] =	vst v63  }
0x109: {  	_ =	swait.ge [sflag:s8], $0x2800  }
0x10a: {  	[sflag:s8] =	ssyncset.done $0x0  }
0x10b: {  	s0 =	sadd.s32 s16, s30;
	[sflag:s8] =	ssyncadd.s32 $0xFFFFD800  }
0x10c: {  	[tilespmem:s9], [sflag:$0x7] =	stream.linear.gather [hbm4b:s0+s3], $0x50, $0x38;
	[tilespmem:$0x1DA80] =	vst v63  }
0x10d: {  	_ =	swait.ge [sflag:s12], $0x50  }
0x10e: {  	[sflag:s12] =	ssyncset.done $0x0  }
0x10f: {  	s26 =	sshll.u32 s29, $0x4;
	[sflag:s12] =	ssyncadd.s32 $0xFFFFFFB0  }
0x110: {  	[tilespmem:s7], [sflag:$0x1] =	stream.indirect.gather [hbm4b:s1+s13], $0x80, s3, s13, $0xb8;
	[tilespmem:$0x1DA80] =	vst v63  }
0x111: {  	s31 =	sshll.u32 s28, $0x1;
	s0 =	sadd.s32 s5, s26  }
0x112: {  	[tilespmem:s14], [sflag:$0x2] =	stream.linear.gather [hbm4b:s0+s3], $0x2800, $0x38;
	[tilespmem:$0x1DA80] =	vst v63  }
0x113: {  	p1 =	seq.s32 s28, $0x3D;
	s29 =	sadd.s32 $0x3, s31;
	_ =	swait.ge [sflag:s23], $0x2800  }
0x114: {  	s0 =	smul.u32 @!p1 $0x50, s29;
	[sflag:s23] =	ssyncset.done $0x0  }
0x115: {  	[sflag:s23] =	ssyncadd.s32 $0xFFFFD800  }
0x116: {  	s0 =	sadd.s32 @!p1 s6, s0;
	_ =	swait.ge [sflag:s24], $0x2800  }
0x117: {  	s19 =	simm.s32 @!p1 $0x0;
	s0 =	sshrl.u32 @!p1 s0, $0x3;
	[sflag:s24] =	ssyncset.done $0x0  }
0x118: {  	s26 =	simm.s32 @!p1 $0x80;
	s0 =	sadd.s32 @!p1 s15, s0;
	[sflag:s24] =	ssyncadd.s32 $0xFFFFD800  }
0x119: {  	[tilespmem:s26], [sflag:$0x6] =	stream.linear.gather @!p1 [hbm4b:s0+s19], $0x50, $0x38;
	[tilespmem:$0x1DA80] =	vst v63  }
0x11a: {  	_ =	swait.ge [sflag:s25], $0x50  }
0x11b: {  	[sflag:s25] =	ssyncset.done $0x0  }
0x11c: {  	s30 =	simm.s32 $0x2B00;
	[sflag:s25] =	ssyncadd.s32 $0xFFFFFFB0  }
0x11d: {  	s0 =	simm.s32 $0x7B00;
	v1 =	vld [tilespmem:s30+$0x80]  }
0x11e: {  	v2 =	vld [tilespmem:s0+$0x80]  }
0x11f: {  	v3 =	vld [tilespmem:s30+$0xFFFFFF80]  }
0x120: {  	v4 =	vld [tilespmem:s0+$0xFFFFFF80]  }
0x121: {  	v5 =	vld [tilespmem:s30+$0x0]  }
0x122: {  	v6 =	vld [tilespmem:s0+$0x0]  }
0x123: {  	v7 =	vld [tilespmem:s30+$0xFFFFFF00];
	v1 =	vmul.f32 v2, v1  }
0x124: {  	v2 =	vld [tilespmem:s0+$0xFFFFFF00]  }
0x125: {  	[tilespmem:s30+$0x80] =	vst v1;
	v1 =	vld [tilespmem:s30+$0x90]  }
0x126: {  	v3 =	vmul.f32 v4, v3;
	v4 =	vld [tilespmem:s0+$0x90]  }
0x127: {  	v8 =	vld [tilespmem:s30+$0xFFFFFF10]  }
0x128: {  	[tilespmem:s30+$0xFFFFFF80] =	vst v3;
	v3 =	vmul.f32 v6, v5;
	v5 =	vld [tilespmem:s30+$0xFFFFFF90]  }
0x129: {  	v6 =	vld [tilespmem:s0+$0xFFFFFF90];
	v2 =	vmul.f32 v2, v7  }
0x12a: {  	[tilespmem:s30+$0x0] =	vst v3;
	v3 =	vld [tilespmem:s30+$0x10]  }
0x12b: {  	v7 =	vld [tilespmem:s0+$0x10];
	[tilespmem:s30+$0xFFFFFF00] =	vst v2;
	v1 =	vmul.f32 v4, v1  }
0x12c: {  	v2 =	vld [tilespmem:s0+$0xFFFFFF10]  }
0x12d: {  	[tilespmem:s30+$0x90] =	vst v1;
	v1 =	vld [tilespmem:s30+$0xA0]  }
0x12e: {  	v4 =	vmul.f32 v6, v5;
	v5 =	vld [tilespmem:s0+$0xA0]  }
0x12f: {  	v6 =	vld [tilespmem:s30+$0xFFFFFF20]  }
0x130: {  	[tilespmem:s30+$0xFFFFFF90] =	vst v4;
	v3 =	vmul.f32 v7, v3;
	v4 =	vld [tilespmem:s30+$0xFFFFFFA0]  }
0x131: {  	v7 =	vld [tilespmem:s0+$0xFFFFFFA0];
	v2 =	vmul.f32 v2, v8  }
0x132: {  	[tilespmem:s30+$0x10] =	vst v3;
	v3 =	vld [tilespmem:s30+$0x20]  }
0x133: {  	v8 =	vld [tilespmem:s0+$0x20];
	[tilespmem:s30+$0xFFFFFF10] =	vst v2;
	v1 =	vmul.f32 v5, v1  }
0x134: {  	v2 =	vld [tilespmem:s0+$0xFFFFFF20]  }
0x135: {  	[tilespmem:s30+$0xA0] =	vst v1;
	v1 =	vld [tilespmem:s30+$0xB0]  }
0x136: {  	v4 =	vmul.f32 v7, v4;
	v5 =	vld [tilespmem:s0+$0xB0]  }
0x137: {  	v7 =	vld [tilespmem:s30+$0xFFFFFF30]  }
0x138: {  	[tilespmem:s30+$0xFFFFFFA0] =	vst v4;
	v3 =	vmul.f32 v8, v3;
	v4 =	vld [tilespmem:s30+$0xFFFFFFB0]  }
0x139: {  	v8 =	vld [tilespmem:s0+$0xFFFFFFB0];
	v2 =	vmul.f32 v2, v6  }
0x13a: {  	[tilespmem:s30+$0x20] =	vst v3;
	v3 =	vld [tilespmem:s30+$0x30]  }
0x13b: {  	v6 =	vld [tilespmem:s0+$0x30];
	[tilespmem:s30+$0xFFFFFF20] =	vst v2;
	v1 =	vmul.f32 v5, v1  }
0x13c: {  	v2 =	vld [tilespmem:s0+$0xFFFFFF30]  }
0x13d: {  	[tilespmem:s30+$0xB0] =	vst v1;
	v1 =	vld [tilespmem:s30+$0xC0]  }
0x13e: {  	v4 =	vmul.f32 v8, v4;
	v5 =	vld [tilespmem:s0+$0xC0]  }
0x13f: {  	v8 =	vld [tilespmem:s30+$0xFFFFFF40]  }
0x140: {  	[tilespmem:s30+$0xFFFFFFB0] =	vst v4;
	v3 =	vmul.f32 v6, v3;
	v4 =	vld [tilespmem:s30+$0xFFFFFFC0]  }
0x141: {  	v6 =	vld [tilespmem:s0+$0xFFFFFFC0];
	v2 =	vmul.f32 v2, v7  }
0x142: {  	[tilespmem:s30+$0x30] =	vst v3;
	v3 =	vld [tilespmem:s30+$0x40]  }
0x143: {  	v7 =	vld [tilespmem:s0+$0x40];
	[tilespmem:s30+$0xFFFFFF30] =	vst v2;
	v1 =	vmul.f32 v5, v1  }
0x144: {  	v2 =	vld [tilespmem:s0+$0xFFFFFF40]  }
0x145: {  	[tilespmem:s30+$0xC0] =	vst v1;
	v1 =	vld [tilespmem:s30+$0xD0]  }
0x146: {  	v4 =	vmul.f32 v6, v4;
	v5 =	vld [tilespmem:s0+$0xD0]  }
0x147: {  	v6 =	vld [tilespmem:s30+$0xFFFFFF50]  }
0x148: {  	[tilespmem:s30+$0xFFFFFFC0] =	vst v4;
	v3 =	vmul.f32 v7, v3;
	v4 =	vld [tilespmem:s30+$0xFFFFFFD0]  }
0x149: {  	v7 =	vld [tilespmem:s0+$0xFFFFFFD0];
	v2 =	vmul.f32 v2, v8  }
0x14a: {  	[tilespmem:s30+$0x40] =	vst v3;
	v3 =	vld [tilespmem:s30+$0x50]  }
0x14b: {  	v8 =	vld [tilespmem:s0+$0x50];
	[tilespmem:s30+$0xFFFFFF40] =	vst v2;
	v1 =	vmul.f32 v5, v1  }
0x14c: {  	v2 =	vld [tilespmem:s0+$0xFFFFFF50]  }
0x14d: {  	[tilespmem:s30+$0xD0] =	vst v1;
	v1 =	vld [tilespmem:s30+$0xE0]  }
0x14e: {  	v4 =	vmul.f32 v7, v4;
	v5 =	vld [tilespmem:s0+$0xE0]  }
0x14f: {  	v7 =	vld [tilespmem:s30+$0xFFFFFF60]  }
0x150: {  	[tilespmem:s30+$0xFFFFFFD0] =	vst v4;
	v3 =	vmul.f32 v8, v3;
	v4 =	vld [tilespmem:s30+$0xFFFFFFE0]  }
0x151: {  	v8 =	vld [tilespmem:s0+$0xFFFFFFE0];
	v2 =	vmul.f32 v2, v6  }
0x152: {  	[tilespmem:s30+$0x50] =	vst v3;
	v3 =	vld [tilespmem:s30+$0x60]  }
0x153: {  	v6 =	vld [tilespmem:s0+$0x60];
	[tilespmem:s30+$0xFFFFFF50] =	vst v2;
	v1 =	vmul.f32 v5, v1  }
0x154: {  	v5 =	vld [tilespmem:s0+$0xFFFFFF60]  }
0x155: {  	v9 =	vld [tilespmem:s30+$0xF0];
	[tilespmem:s30+$0xE0] =	vst v1  }
0x156: {  	v2 =	vmul.f32 v8, v4;
	v8 =	vld [tilespmem:s0+$0xF0]  }
0x157: {  	v1 =	vld [tilespmem:s30+$0xFFFFFF70]  }
0x158: {  	[tilespmem:s30+$0xFFFFFFE0] =	vst v2;
	v3 =	vmul.f32 v6, v3;
	v2 =	vld [tilespmem:s30+$0xFFFFFFF0]  }
0x159: {  	v4 =	vld [tilespmem:s0+$0xFFFFFFF0];
	v5 =	vmul.f32 v5, v7  }
0x15a: {  	[tilespmem:s30+$0x60] =	vst v3;
	v3 =	vld [tilespmem:s30+$0x70]  }
0x15b: {  	[tilespmem:s30+$0xFFFFFF60] =	vst v5;
	v5 =	vld [tilespmem:s0+$0x70];
	v7 =	vmul.f32 v8, v9  }
0x15c: {  	s26 =	simm.s32 $0x0;
	s19 =	simm.s32 $0x2D00;
	v6 =	vld [tilespmem:s0+$0xFFFFFF70]  }
.LBB2_7:
0x15d: {  	v8 =	vld [tilespmem:s19+$0x80];
	[tilespmem:s30+$0xF0] =	vst v7;
	s0 =	sadd.s32 $0x200, s0  }
0x15e: {  	s26 =	sadd.s32 $0x4, s26;
	v7 =	vld [tilespmem:s0+$0x80];
	v2 =	vmul.f32 v4, v2  }
0x15f: {  	p2 =	slt.u32 s26, $0x4C;
	v4 =	vld [tilespmem:s0+$0xFFFFFF00]  }
0x160: {  	v9 =	vld [tilespmem:s19+$0xFFFFFF80];
	[tilespmem:s30+$0xFFFFFFF0] =	vst v2;
	v2 =	vmul.f32 v5, v3  }
0x161: {  	v3 =	vld [tilespmem:s0+$0xFFFFFF80];
	v1 =	vmul.f32 v6, v1  }
0x162: {  	v5 =	vld [tilespmem:s19+$0x0];
	[tilespmem:s30+$0x70] =	vst v2  }
0x163: {  	v2 =	vld [tilespmem:s0+$0x0];
	v6 =	vmul.f32 v7, v8;
	[tilespmem:s30+$0xFFFFFF70] =	vst v1;
	s30 =	smov.u32 s19  }
0x164: {  	v1 =	vld [tilespmem:s19+$0xFFFFFF00]  }
0x165: {  	[tilespmem:s19+$0x80] =	vst v6;
	v6 =	vld [tilespmem:s19+$0x90]  }
0x166: {  	v3 =	vmul.f32 v3, v9;
	v7 =	vld [tilespmem:s0+$0x90]  }
0x167: {  	v8 =	vld [tilespmem:s19+$0xFFFFFF10]  }
0x168: {  	[tilespmem:s19+$0xFFFFFF80] =	vst v3;
	v3 =	vld [tilespmem:s19+$0xFFFFFF90];
	v2 =	vmul.f32 v2, v5  }
0x169: {  	v1 =	vmul.f32 v4, v1;
	v4 =	vld [tilespmem:s0+$0xFFFFFF90]  }
0x16a: {  	[tilespmem:s19+$0x0] =	vst v2;
	v2 =	vld [tilespmem:s19+$0x10]  }
0x16b: {  	[tilespmem:s19+$0xFFFFFF00] =	vst v1;
	v1 =	vld [tilespmem:s0+$0x10];
	v5 =	vmul.f32 v7, v6  }
0x16c: {  	v6 =	vld [tilespmem:s0+$0xFFFFFF10]  }
0x16d: {  	[tilespmem:s19+$0x90] =	vst v5;
	v5 =	vld [tilespmem:s19+$0xA0]  }
0x16e: {  	v3 =	vmul.f32 v4, v3;
	v4 =	vld [tilespmem:s0+$0xA0]  }
0x16f: {  	v7 =	vld [tilespmem:s19+$0xFFFFFF20]  }
0x170: {  	[tilespmem:s19+$0xFFFFFF90] =	vst v3;
	v3 =	vld [tilespmem:s19+$0xFFFFFFA0];
	v1 =	vmul.f32 v1, v2  }
0x171: {  	v2 =	vmul.f32 v6, v8;
	v6 =	vld [tilespmem:s0+$0xFFFFFFA0]  }
0x172: {  	[tilespmem:s19+$0x10] =	vst v1;
	v1 =	vld [tilespmem:s19+$0x20]  }
0x173: {  	[tilespmem:s19+$0xFFFFFF10] =	vst v2;
	v2 =	vld [tilespmem:s0+$0x20];
	v4 =	vmul.f32 v4, v5  }
0x174: {  	v5 =	vld [tilespmem:s0+$0xFFFFFF20]  }
0x175: {  	[tilespmem:s19+$0xA0] =	vst v4;
	v4 =	vld [tilespmem:s19+$0xB0]  }
0x176: {  	v3 =	vmul.f32 v6, v3;
	v6 =	vld [tilespmem:s0+$0xB0]  }
0x177: {  	v8 =	vld [tilespmem:s19+$0xFFFFFF30]  }
0x178: {  	[tilespmem:s19+$0xFFFFFFA0] =	vst v3;
	v3 =	vld [tilespmem:s19+$0xFFFFFFB0];
	v1 =	vmul.f32 v2, v1  }
0x179: {  	v2 =	vmul.f32 v5, v7;
	v5 =	vld [tilespmem:s0+$0xFFFFFFB0]  }
0x17a: {  	[tilespmem:s19+$0x20] =	vst v1;
	v1 =	vld [tilespmem:s19+$0x30]  }
0x17b: {  	[tilespmem:s19+$0xFFFFFF20] =	vst v2;
	v2 =	vld [tilespmem:s0+$0x30];
	v4 =	vmul.f32 v6, v4  }
0x17c: {  	v6 =	vld [tilespmem:s0+$0xFFFFFF30]  }
0x17d: {  	[tilespmem:s19+$0xB0] =	vst v4;
	v4 =	vld [tilespmem:s19+$0xC0]  }
0x17e: {  	v3 =	vmul.f32 v5, v3;
	v5 =	vld [tilespmem:s0+$0xC0]  }
0x17f: {  	v7 =	vld [tilespmem:s19+$0xFFFFFF40]  }
0x180: {  	[tilespmem:s19+$0xFFFFFFB0] =	vst v3;
	v3 =	vld [tilespmem:s19+$0xFFFFFFC0];
	v1 =	vmul.f32 v2, v1  }
0x181: {  	v2 =	vmul.f32 v6, v8;
	v6 =	vld [tilespmem:s0+$0xFFFFFFC0]  }
0x182: {  	[tilespmem:s19+$0x30] =	vst v1;
	v1 =	vld [tilespmem:s19+$0x40]  }
0x183: {  	[tilespmem:s19+$0xFFFFFF30] =	vst v2;
	v2 =	vld [tilespmem:s0+$0x40];
	v4 =	vmul.f32 v5, v4  }
0x184: {  	v5 =	vld [tilespmem:s0+$0xFFFFFF40]  }
0x185: {  	[tilespmem:s19+$0xC0] =	vst v4;
	v4 =	vld [tilespmem:s19+$0xD0]  }
0x186: {  	v3 =	vmul.f32 v6, v3;
	v6 =	vld [tilespmem:s0+$0xD0]  }
0x187: {  	v8 =	vld [tilespmem:s19+$0xFFFFFF50]  }
0x188: {  	[tilespmem:s19+$0xFFFFFFC0] =	vst v3;
	v3 =	vld [tilespmem:s19+$0xFFFFFFD0];
	v1 =	vmul.f32 v2, v1  }
0x189: {  	v2 =	vmul.f32 v5, v7;
	v5 =	vld [tilespmem:s0+$0xFFFFFFD0]  }
0x18a: {  	[tilespmem:s19+$0x40] =	vst v1;
	v1 =	vld [tilespmem:s19+$0x50]  }
0x18b: {  	[tilespmem:s19+$0xFFFFFF40] =	vst v2;
	v2 =	vld [tilespmem:s0+$0x50];
	v4 =	vmul.f32 v6, v4  }
0x18c: {  	v6 =	vld [tilespmem:s0+$0xFFFFFF50]  }
0x18d: {  	[tilespmem:s19+$0xD0] =	vst v4;
	v4 =	vld [tilespmem:s19+$0xE0]  }
0x18e: {  	v3 =	vmul.f32 v5, v3;
	v5 =	vld [tilespmem:s0+$0xE0]  }
0x18f: {  	v7 =	vld [tilespmem:s19+$0xFFFFFF60]  }
0x190: {  	[tilespmem:s19+$0xFFFFFFD0] =	vst v3;
	v3 =	vld [tilespmem:s19+$0xFFFFFFE0];
	v1 =	vmul.f32 v2, v1  }
0x191: {  	v2 =	vmul.f32 v6, v8;
	v6 =	vld [tilespmem:s0+$0xFFFFFFE0]  }
0x192: {  	[tilespmem:s19+$0x50] =	vst v1;
	v8 =	vld [tilespmem:s19+$0x60]  }
0x193: {  	[tilespmem:s19+$0xFFFFFF50] =	vst v2;
	v9 =	vld [tilespmem:s0+$0x60];
	v1 =	vmul.f32 v5, v4  }
0x194: {  	v4 =	vld [tilespmem:s0+$0xFFFFFF60]  }
0x195: {  	[tilespmem:s19+$0xE0] =	vst v1;
	v10 =	vld [tilespmem:s19+$0xF0]  }
0x196: {  	v2 =	vmul.f32 v6, v3;
	v6 =	vld [tilespmem:s0+$0xF0]  }
0x197: {  	v1 =	vld [tilespmem:s19+$0xFFFFFF70]  }
.Ltmp2:
0x198: {  	[tilespmem:s19+$0xFFFFFFE0] =	vst v2;
	v2 =	vld [tilespmem:s19+$0xFFFFFFF0];
	v3 =	vmul.f32 v9, v8;
	(pc) =	sbr.rel @p2 .LBB2_7-.Ltmp2, $4  }
0x199: {  	v5 =	vmul.f32 v4, v7;
	v4 =	vld [tilespmem:s0+$0xFFFFFFF0]  }
0x19a: {  	[tilespmem:s19+$0x60] =	vst v3;
	v3 =	vld [tilespmem:s19+$0x70]  }
0x19b: {  	[tilespmem:s19+$0xFFFFFF60] =	vst v5;
	v5 =	vld [tilespmem:s0+$0x70];
	v7 =	vmul.f32 v6, v10  }
0x19c: {  	s19 =	sadd.s32 $0x200, s19;
	v6 =	vld [tilespmem:s0+$0xFFFFFF70]  }
0x19d: {  	_ =	sdelay $0x1  }
0x19e: {  	v2 =	vmul.f32 v4, v2  }
0x19f: {  	[tilespmem:s30+$0xF0] =	vst v7;
	v3 =	vmul.f32 v5, v3  }
0x1a0: {  	[tilespmem:s30+$0xFFFFFFF0] =	vst v2;
	v1 =	vmul.f32 v6, v1  }
0x1a1: {  	[tilespmem:s30+$0x70] =	vst v3  }
.Ltmp3:
0x1a2: {  	[tilespmem:s30+$0xFFFFFF70] =	vst v1;
	(pc) =	sbr.rel @p1 .LBB2_10-.Ltmp3, $4  }
0x1a3: {  	[spmem:s2] =	stream.indirect.scatter.add.f32 [tilespmem:s18], [sflag:$0x9], $0x80, s11, s13, $0xb8;
	[tilespmem:$0x1DA80] =	vst v63  }
0x1a4: {  	_ =	swait.ge [sflag:s8], $0x2800  }
0x1a5: {  	[sflag:s8] =	ssyncset.done $0x0  }
0x1a6: {  	[sflag:s8] =	ssyncadd.s32 $0xFFFFD800  }
0x1a7: {  	s0 =	smul.u32 $0x50, s29;
	_ =	sdelay $0x1  }
0x1a8: {  	s0 =	sadd.s32 s6, s0  }
0x1a9: {  	s19 =	sshrl.u32 s0, $0x3  }
0x1aa: {  	s19 =	sadd.s32 s16, s19  }
0x1ab: {  	[tilespmem:s11], [sflag:$0x8] =	stream.linear.gather [hbm4b:s19+s3], $0x50, $0x38;
	[tilespmem:$0x1DA80] =	vst v63  }
0x1ac: {  	_ =	swait.ge [sflag:s17], $0x50  }
.Ltmp4:
0x1ad: {  	[sflag:s17] =	ssyncset.done $0x0;
	(pc) =	sbr.rel .LBB2_4-.Ltmp4, $4  }
0x1ae: {  	s0 =	sshll.u32 s0, $0x4;
	[sflag:s17] =	ssyncadd.s32 $0xFFFFFFB0  }
0x1af: {  	[tilespmem:s18], [sflag:$0x3] =	stream.indirect.gather [hbm4b:s1+s13], $0x80, s10, s13, $0xb8;
	[tilespmem:$0x1DA80] =	vst v63  }
0x1b0: {  	s31 =	simm.s32 $0x7A00;
	s28 =	sadd.s32 $0x1, s28;
	s0 =	sadd.s32 s5, s0  }
0x1b1: {  	[tilespmem:s31], [sflag:$0x4] =	stream.linear.gather [hbm4b:s0+s3], $0x2800, $0x38;
	[tilespmem:$0x1DA80] =	vst v63  }
.LBB2_10:
0x1b2: {  	_ =	swait.ge [sflag:s20], $0x2800  }
0x1b3: {  	[sflag:s20] =	ssyncset.done $0x0  }
0x1b4: {  	[sflag:s20] =	ssyncadd.s32 $0xFFFFD800  }
0x1b5: {  	_ =	swait.ge [sflag:s21], $0x2800  }
0x1b6: {  	[sflag:s21] =	ssyncset.done $0x0  }
0x1b7: {  	[sflag:s21] =	ssyncadd.s32 $0xFFFFD800  }
0x1b8: {  	_ =	swait.ge [sflag:s22], $0x50  }
0x1b9: {  	[sflag:s22] =	ssyncset.done $0x0  }
0x1ba: {  	s28 =	simm.s32 $0x300;
	[sflag:s22] =	ssyncadd.s32 $0xFFFFFFB0  }
0x1bb: {  	s0 =	simm.s32 $0x5300;
	v1 =	vld [tilespmem:s28+$0x80]  }
0x1bc: {  	v2 =	vld [tilespmem:s0+$0x80]  }
0x1bd: {  	v3 =	vld [tilespmem:s28+$0xFFFFFF80]  }
0x1be: {  	v4 =	vld [tilespmem:s0+$0xFFFFFF80]  }
0x1bf: {  	v5 =	vld [tilespmem:s28+$0x0]  }
0x1c0: {  	v6 =	vld [tilespmem:s0+$0x0]  }
0x1c1: {  	v7 =	vld [tilespmem:s28+$0xFFFFFF00];
	v1 =	vmul.f32 v2, v1  }
0x1c2: {  	v2 =	vld [tilespmem:s0+$0xFFFFFF00]  }
0x1c3: {  	[tilespmem:s28+$0x80] =	vst v1;
	v1 =	vld [tilespmem:s28+$0x90]  }
0x1c4: {  	v3 =	vmul.f32 v4, v3;
	v4 =	vld [tilespmem:s0+$0x90]  }
0x1c5: {  	v8 =	vld [tilespmem:s28+$0xFFFFFF10]  }
0x1c6: {  	[tilespmem:s28+$0xFFFFFF80] =	vst v3;
	v3 =	vmul.f32 v6, v5;
	v5 =	vld [tilespmem:s28+$0xFFFFFF90]  }
0x1c7: {  	v6 =	vld [tilespmem:s0+$0xFFFFFF90];
	v2 =	vmul.f32 v2, v7  }
0x1c8: {  	[tilespmem:s28+$0x0] =	vst v3;
	v3 =	vld [tilespmem:s28+$0x10]  }
0x1c9: {  	v7 =	vld [tilespmem:s0+$0x10];
	[tilespmem:s28+$0xFFFFFF00] =	vst v2;
	v1 =	vmul.f32 v4, v1  }
0x1ca: {  	v2 =	vld [tilespmem:s0+$0xFFFFFF10]  }
0x1cb: {  	[tilespmem:s28+$0x90] =	vst v1;
	v1 =	vld [tilespmem:s28+$0xA0]  }
0x1cc: {  	v4 =	vmul.f32 v6, v5;
	v5 =	vld [tilespmem:s0+$0xA0]  }
0x1cd: {  	v6 =	vld [tilespmem:s28+$0xFFFFFF20]  }
0x1ce: {  	[tilespmem:s28+$0xFFFFFF90] =	vst v4;
	v3 =	vmul.f32 v7, v3;
	v4 =	vld [tilespmem:s28+$0xFFFFFFA0]  }
0x1cf: {  	v7 =	vld [tilespmem:s0+$0xFFFFFFA0];
	v2 =	vmul.f32 v2, v8  }
0x1d0: {  	[tilespmem:s28+$0x10] =	vst v3;
	v3 =	vld [tilespmem:s28+$0x20]  }
0x1d1: {  	v8 =	vld [tilespmem:s0+$0x20];
	[tilespmem:s28+$0xFFFFFF10] =	vst v2;
	v1 =	vmul.f32 v5, v1  }
0x1d2: {  	v2 =	vld [tilespmem:s0+$0xFFFFFF20]  }
0x1d3: {  	[tilespmem:s28+$0xA0] =	vst v1;
	v1 =	vld [tilespmem:s28+$0xB0]  }
0x1d4: {  	v4 =	vmul.f32 v7, v4;
	v5 =	vld [tilespmem:s0+$0xB0]  }
0x1d5: {  	v7 =	vld [tilespmem:s28+$0xFFFFFF30]  }
0x1d6: {  	[tilespmem:s28+$0xFFFFFFA0] =	vst v4;
	v3 =	vmul.f32 v8, v3;
	v4 =	vld [tilespmem:s28+$0xFFFFFFB0]  }
0x1d7: {  	v8 =	vld [tilespmem:s0+$0xFFFFFFB0];
	v2 =	vmul.f32 v2, v6  }
0x1d8: {  	[tilespmem:s28+$0x20] =	vst v3;
	v3 =	vld [tilespmem:s28+$0x30]  }
0x1d9: {  	v6 =	vld [tilespmem:s0+$0x30];
	[tilespmem:s28+$0xFFFFFF20] =	vst v2;
	v1 =	vmul.f32 v5, v1  }
0x1da: {  	v2 =	vld [tilespmem:s0+$0xFFFFFF30]  }
0x1db: {  	[tilespmem:s28+$0xB0] =	vst v1;
	v1 =	vld [tilespmem:s28+$0xC0]  }
0x1dc: {  	v4 =	vmul.f32 v8, v4;
	v5 =	vld [tilespmem:s0+$0xC0]  }
0x1dd: {  	v8 =	vld [tilespmem:s28+$0xFFFFFF40]  }
0x1de: {  	[tilespmem:s28+$0xFFFFFFB0] =	vst v4;
	v3 =	vmul.f32 v6, v3;
	v4 =	vld [tilespmem:s28+$0xFFFFFFC0]  }
0x1df: {  	v6 =	vld [tilespmem:s0+$0xFFFFFFC0];
	v2 =	vmul.f32 v2, v7  }
0x1e0: {  	[tilespmem:s28+$0x30] =	vst v3;
	v3 =	vld [tilespmem:s28+$0x40]  }
0x1e1: {  	v7 =	vld [tilespmem:s0+$0x40];
	[tilespmem:s28+$0xFFFFFF30] =	vst v2;
	v1 =	vmul.f32 v5, v1  }
0x1e2: {  	v2 =	vld [tilespmem:s0+$0xFFFFFF40]  }
0x1e3: {  	[tilespmem:s28+$0xC0] =	vst v1;
	v1 =	vld [tilespmem:s28+$0xD0]  }
0x1e4: {  	v4 =	vmul.f32 v6, v4;
	v5 =	vld [tilespmem:s0+$0xD0]  }
0x1e5: {  	v6 =	vld [tilespmem:s28+$0xFFFFFF50]  }
0x1e6: {  	[tilespmem:s28+$0xFFFFFFC0] =	vst v4;
	v3 =	vmul.f32 v7, v3;
	v4 =	vld [tilespmem:s28+$0xFFFFFFD0]  }
0x1e7: {  	v7 =	vld [tilespmem:s0+$0xFFFFFFD0];
	v2 =	vmul.f32 v2, v8  }
0x1e8: {  	[tilespmem:s28+$0x40] =	vst v3;
	v3 =	vld [tilespmem:s28+$0x50]  }
0x1e9: {  	v8 =	vld [tilespmem:s0+$0x50];
	[tilespmem:s28+$0xFFFFFF40] =	vst v2;
	v1 =	vmul.f32 v5, v1  }
0x1ea: {  	v2 =	vld [tilespmem:s0+$0xFFFFFF50]  }
0x1eb: {  	[tilespmem:s28+$0xD0] =	vst v1;
	v1 =	vld [tilespmem:s28+$0xE0]  }
0x1ec: {  	v4 =	vmul.f32 v7, v4;
	v5 =	vld [tilespmem:s0+$0xE0]  }
0x1ed: {  	v7 =	vld [tilespmem:s28+$0xFFFFFF60]  }
0x1ee: {  	[tilespmem:s28+$0xFFFFFFD0] =	vst v4;
	v3 =	vmul.f32 v8, v3;
	v4 =	vld [tilespmem:s28+$0xFFFFFFE0]  }
0x1ef: {  	v8 =	vld [tilespmem:s0+$0xFFFFFFE0];
	v2 =	vmul.f32 v2, v6  }
0x1f0: {  	[tilespmem:s28+$0x50] =	vst v3;
	v3 =	vld [tilespmem:s28+$0x60]  }
0x1f1: {  	v6 =	vld [tilespmem:s0+$0x60];
	[tilespmem:s28+$0xFFFFFF50] =	vst v2;
	v1 =	vmul.f32 v5, v1  }
0x1f2: {  	v5 =	vld [tilespmem:s0+$0xFFFFFF60]  }
0x1f3: {  	v9 =	vld [tilespmem:s28+$0xF0];
	[tilespmem:s28+$0xE0] =	vst v1  }
0x1f4: {  	v2 =	vmul.f32 v8, v4;
	v8 =	vld [tilespmem:s0+$0xF0]  }
0x1f5: {  	v1 =	vld [tilespmem:s28+$0xFFFFFF70]  }
0x1f6: {  	[tilespmem:s28+$0xFFFFFFE0] =	vst v2;
	v3 =	vmul.f32 v6, v3;
	v2 =	vld [tilespmem:s28+$0xFFFFFFF0]  }
0x1f7: {  	v4 =	vld [tilespmem:s0+$0xFFFFFFF0];
	v5 =	vmul.f32 v5, v7  }
0x1f8: {  	[tilespmem:s28+$0x60] =	vst v3;
	v3 =	vld [tilespmem:s28+$0x70]  }
0x1f9: {  	[tilespmem:s28+$0xFFFFFF60] =	vst v5;
	v5 =	vld [tilespmem:s0+$0x70];
	v7 =	vmul.f32 v8, v9  }
0x1fa: {  	s26 =	simm.s32 $0x0;
	s19 =	simm.s32 $0x500;
	v6 =	vld [tilespmem:s0+$0xFFFFFF70]  }
.LBB2_11:
0x1fb: {  	v8 =	vld [tilespmem:s19+$0x80];
	[tilespmem:s28+$0xF0] =	vst v7;
	s0 =	sadd.s32 $0x200, s0  }
0x1fc: {  	s26 =	sadd.s32 $0x4, s26;
	v7 =	vld [tilespmem:s0+$0x80];
	v2 =	vmul.f32 v4, v2  }
0x1fd: {  	p1 =	slt.u32 s26, $0x4C;
	v4 =	vld [tilespmem:s0+$0xFFFFFF00]  }
0x1fe: {  	v9 =	vld [tilespmem:s19+$0xFFFFFF80];
	[tilespmem:s28+$0xFFFFFFF0] =	vst v2;
	v2 =	vmul.f32 v5, v3  }
0x1ff: {  	v3 =	vld [tilespmem:s0+$0xFFFFFF80];
	v1 =	vmul.f32 v6, v1  }
0x200: {  	v5 =	vld [tilespmem:s19+$0x0];
	[tilespmem:s28+$0x70] =	vst v2  }
0x201: {  	v2 =	vld [tilespmem:s0+$0x0];
	v6 =	vmul.f32 v7, v8;
	[tilespmem:s28+$0xFFFFFF70] =	vst v1;
	s28 =	smov.u32 s19  }
0x202: {  	v1 =	vld [tilespmem:s19+$0xFFFFFF00]  }
0x203: {  	[tilespmem:s19+$0x80] =	vst v6;
	v6 =	vld [tilespmem:s19+$0x90]  }
0x204: {  	v3 =	vmul.f32 v3, v9;
	v7 =	vld [tilespmem:s0+$0x90]  }
0x205: {  	v8 =	vld [tilespmem:s19+$0xFFFFFF10]  }
0x206: {  	[tilespmem:s19+$0xFFFFFF80] =	vst v3;
	v3 =	vld [tilespmem:s19+$0xFFFFFF90];
	v2 =	vmul.f32 v2, v5  }
0x207: {  	v1 =	vmul.f32 v4, v1;
	v4 =	vld [tilespmem:s0+$0xFFFFFF90]  }
0x208: {  	[tilespmem:s19+$0x0] =	vst v2;
	v2 =	vld [tilespmem:s19+$0x10]  }
0x209: {  	[tilespmem:s19+$0xFFFFFF00] =	vst v1;
	v1 =	vld [tilespmem:s0+$0x10];
	v5 =	vmul.f32 v7, v6  }
0x20a: {  	v6 =	vld [tilespmem:s0+$0xFFFFFF10]  }
0x20b: {  	[tilespmem:s19+$0x90] =	vst v5;
	v5 =	vld [tilespmem:s19+$0xA0]  }
0x20c: {  	v3 =	vmul.f32 v4, v3;
	v4 =	vld [tilespmem:s0+$0xA0]  }
0x20d: {  	v7 =	vld [tilespmem:s19+$0xFFFFFF20]  }
0x20e: {  	[tilespmem:s19+$0xFFFFFF90] =	vst v3;
	v3 =	vld [tilespmem:s19+$0xFFFFFFA0];
	v1 =	vmul.f32 v1, v2  }
0x20f: {  	v2 =	vmul.f32 v6, v8;
	v6 =	vld [tilespmem:s0+$0xFFFFFFA0]  }
0x210: {  	[tilespmem:s19+$0x10] =	vst v1;
	v1 =	vld [tilespmem:s19+$0x20]  }
0x211: {  	[tilespmem:s19+$0xFFFFFF10] =	vst v2;
	v2 =	vld [tilespmem:s0+$0x20];
	v4 =	vmul.f32 v4, v5  }
0x212: {  	v5 =	vld [tilespmem:s0+$0xFFFFFF20]  }
0x213: {  	[tilespmem:s19+$0xA0] =	vst v4;
	v4 =	vld [tilespmem:s19+$0xB0]  }
0x214: {  	v3 =	vmul.f32 v6, v3;
	v6 =	vld [tilespmem:s0+$0xB0]  }
0x215: {  	v8 =	vld [tilespmem:s19+$0xFFFFFF30]  }
0x216: {  	[tilespmem:s19+$0xFFFFFFA0] =	vst v3;
	v3 =	vld [tilespmem:s19+$0xFFFFFFB0];
	v1 =	vmul.f32 v2, v1  }
0x217: {  	v2 =	vmul.f32 v5, v7;
	v5 =	vld [tilespmem:s0+$0xFFFFFFB0]  }
0x218: {  	[tilespmem:s19+$0x20] =	vst v1;
	v1 =	vld [tilespmem:s19+$0x30]  }
0x219: {  	[tilespmem:s19+$0xFFFFFF20] =	vst v2;
	v2 =	vld [tilespmem:s0+$0x30];
	v4 =	vmul.f32 v6, v4  }
0x21a: {  	v6 =	vld [tilespmem:s0+$0xFFFFFF30]  }
0x21b: {  	[tilespmem:s19+$0xB0] =	vst v4;
	v4 =	vld [tilespmem:s19+$0xC0]  }
0x21c: {  	v3 =	vmul.f32 v5, v3;
	v5 =	vld [tilespmem:s0+$0xC0]  }
0x21d: {  	v7 =	vld [tilespmem:s19+$0xFFFFFF40]  }
0x21e: {  	[tilespmem:s19+$0xFFFFFFB0] =	vst v3;
	v3 =	vld [tilespmem:s19+$0xFFFFFFC0];
	v1 =	vmul.f32 v2, v1  }
0x21f: {  	v2 =	vmul.f32 v6, v8;
	v6 =	vld [tilespmem:s0+$0xFFFFFFC0]  }
0x220: {  	[tilespmem:s19+$0x30] =	vst v1;
	v1 =	vld [tilespmem:s19+$0x40]  }
0x221: {  	[tilespmem:s19+$0xFFFFFF30] =	vst v2;
	v2 =	vld [tilespmem:s0+$0x40];
	v4 =	vmul.f32 v5, v4  }
0x222: {  	v5 =	vld [tilespmem:s0+$0xFFFFFF40]  }
0x223: {  	[tilespmem:s19+$0xC0] =	vst v4;
	v4 =	vld [tilespmem:s19+$0xD0]  }
0x224: {  	v3 =	vmul.f32 v6, v3;
	v6 =	vld [tilespmem:s0+$0xD0]  }
0x225: {  	v8 =	vld [tilespmem:s19+$0xFFFFFF50]  }
0x226: {  	[tilespmem:s19+$0xFFFFFFC0] =	vst v3;
	v3 =	vld [tilespmem:s19+$0xFFFFFFD0];
	v1 =	vmul.f32 v2, v1  }
0x227: {  	v2 =	vmul.f32 v5, v7;
	v5 =	vld [tilespmem:s0+$0xFFFFFFD0]  }
0x228: {  	[tilespmem:s19+$0x40] =	vst v1;
	v1 =	vld [tilespmem:s19+$0x50]  }
0x229: {  	[tilespmem:s19+$0xFFFFFF40] =	vst v2;
	v2 =	vld [tilespmem:s0+$0x50];
	v4 =	vmul.f32 v6, v4  }
0x22a: {  	v6 =	vld [tilespmem:s0+$0xFFFFFF50]  }
0x22b: {  	[tilespmem:s19+$0xD0] =	vst v4;
	v4 =	vld [tilespmem:s19+$0xE0]  }
0x22c: {  	v3 =	vmul.f32 v5, v3;
	v5 =	vld [tilespmem:s0+$0xE0]  }
0x22d: {  	v7 =	vld [tilespmem:s19+$0xFFFFFF60]  }
0x22e: {  	[tilespmem:s19+$0xFFFFFFD0] =	vst v3;
	v3 =	vld [tilespmem:s19+$0xFFFFFFE0];
	v1 =	vmul.f32 v2, v1  }
0x22f: {  	v2 =	vmul.f32 v6, v8;
	v6 =	vld [tilespmem:s0+$0xFFFFFFE0]  }
0x230: {  	[tilespmem:s19+$0x50] =	vst v1;
	v8 =	vld [tilespmem:s19+$0x60]  }
0x231: {  	[tilespmem:s19+$0xFFFFFF50] =	vst v2;
	v9 =	vld [tilespmem:s0+$0x60];
	v1 =	vmul.f32 v5, v4  }
0x232: {  	v4 =	vld [tilespmem:s0+$0xFFFFFF60]  }
0x233: {  	[tilespmem:s19+$0xE0] =	vst v1;
	v10 =	vld [tilespmem:s19+$0xF0]  }
0x234: {  	v2 =	vmul.f32 v6, v3;
	v6 =	vld [tilespmem:s0+$0xF0]  }
0x235: {  	v1 =	vld [tilespmem:s19+$0xFFFFFF70]  }
.Ltmp5:
0x236: {  	[tilespmem:s19+$0xFFFFFFE0] =	vst v2;
	v2 =	vld [tilespmem:s19+$0xFFFFFFF0];
	v3 =	vmul.f32 v9, v8;
	(pc) =	sbr.rel @p1 .LBB2_11-.Ltmp5, $4  }
0x237: {  	v5 =	vmul.f32 v4, v7;
	v4 =	vld [tilespmem:s0+$0xFFFFFFF0]  }
0x238: {  	[tilespmem:s19+$0x60] =	vst v3;
	v3 =	vld [tilespmem:s19+$0x70]  }
0x239: {  	[tilespmem:s19+$0xFFFFFF60] =	vst v5;
	v5 =	vld [tilespmem:s0+$0x70];
	v7 =	vmul.f32 v6, v10  }
0x23a: {  	s19 =	sadd.s32 $0x200, s19;
	v6 =	vld [tilespmem:s0+$0xFFFFFF70]  }
0x23b: {  	_ =	sdelay $0x1  }
0x23c: {  	v2 =	vmul.f32 v4, v2  }
0x23d: {  	[tilespmem:s28+$0xF0] =	vst v7;
	v3 =	vmul.f32 v5, v3  }
0x23e: {  	[tilespmem:s28+$0xFFFFFFF0] =	vst v2;
	v1 =	vmul.f32 v6, v1  }
0x23f: {  	[tilespmem:s28+$0x70] =	vst v3  }
0x240: {  	[tilespmem:s28+$0xFFFFFF70] =	vst v1  }
0x241: {  	[spmem:s2] =	stream.indirect.scatter.add.f32 [tilespmem:s7], [sflag:$0x9], $0x80, s9, s13, $0xb8;
	[tilespmem:$0x1DA80] =	vst v63  }
0x242: {  	_ =	swait.ge [sflag:s8], $0x2800  }
0x243: {  	[sflag:s8] =	ssyncset.done $0x0  }
0x244: {  	[sflag:s8] =	ssyncadd.s32 $0xFFFFD800  }
0x245: {  	s0 =	stileid.u32;
	[bflag:$0x0] =	sbarrier.arrive $0xFFFF  }
0x246: {  	s0 =	sshll.u32 s0, $0x6;
	s28 =	rddreg [dreg:$0x13]  }
0x247: {  	s0 =	sor.u32 $0x1C09, s0;
	s26 =	rddreg [dreg:$0x4];
	s19 =	sshrl.u32 s28, $0x3  }
0x248: {  	[hbm:s26], [sflag:s0] =	dma.local [spmem:s19], $0x500  }
0x249: {  	_ =	swait.ge [sflag:s8], $0x500  }
0x24a: {  	[sflag:s8] =	ssyncset.done $0x0;
	s29 =	rddreg [dreg:$0x14]  }
0x24b: {  	s31 =	rddreg [dreg:$0x5];
	[sflag:s8] =	ssyncadd.s32 $0xFFFFFB00;
	s26 =	sshrl.u32 s29, $0x3  }
0x24c: {  	[hbm:s31], [sflag:s0] =	dma.local [spmem:s26], $0x500  }
0x24d: {  	_ =	swait.ge [sflag:s8], $0x500  }
0x24e: {  	[sflag:s8] =	ssyncset.done $0x0;
	s30 =	rddreg [dreg:$0x15]  }
0x24f: {  	s31 =	rddreg [dreg:$0x6];
	[sflag:s8] =	ssyncadd.s32 $0xFFFFFB00;
	s26 =	sshrl.u32 s30, $0x3  }
0x250: {  	[hbm:s31], [sflag:s0] =	dma.local [spmem:s26], $0x500  }
0x251: {  	_ =	swait.ge [sflag:s8], $0x500  }
0x252: {  	[sflag:s8] =	ssyncset.done $0x0;
	s26 =	rddreg [dreg:$0x16]  }
0x253: {  	s31 =	rddreg [dreg:$0x7];
	[sflag:s8] =	ssyncadd.s32 $0xFFFFFB00;
	s19 =	sshrl.u32 s26, $0x3  }
0x254: {  	[hbm:s31], [sflag:s0] =	dma.local [spmem:s19], $0x500  }
0x255: {  	_ =	swait.ge [sflag:s8], $0x500  }
0x256: {  	[sflag:s8] =	ssyncset.done $0x0;
	s26 =	rddreg [dreg:$0x17]  }
0x257: {  	s31 =	rddreg [dreg:$0x8];
	[sflag:s8] =	ssyncadd.s32 $0xFFFFFB00;
	s19 =	sshrl.u32 s26, $0x3  }
0x258: {  	[hbm:s31], [sflag:s0] =	dma.local [spmem:s19], $0x500  }
0x259: {  	_ =	swait.ge [sflag:s8], $0x500  }
0x25a: {  	[sflag:s8] =	ssyncset.done $0x0;
	s26 =	rddreg [dreg:$0x18]  }
0x25b: {  	s31 =	rddreg [dreg:$0x9];
	[sflag:s8] =	ssyncadd.s32 $0xFFFFFB00;
	s19 =	sshrl.u32 s26, $0x3  }
0x25c: {  	[hbm:s31], [sflag:s0] =	dma.local [spmem:s19], $0x500  }
0x25d: {  	_ =	swait.ge [sflag:s8], $0x500  }
0x25e: {  	[sflag:s8] =	ssyncset.done $0x0;
	s26 =	rddreg [dreg:$0x19]  }
0x25f: {  	s31 =	rddreg [dreg:$0xa];
	[sflag:s8] =	ssyncadd.s32 $0xFFFFFB00;
	s19 =	sshrl.u32 s26, $0x3  }
0x260: {  	[hbm:s31], [sflag:s0] =	dma.local [spmem:s19], $0x500  }
0x261: {  	_ =	swait.ge [sflag:s8], $0x500  }
0x262: {  	[sflag:s8] =	ssyncset.done $0x0;
	s19 =	rddreg [dreg:$0x1a]  }
0x263: {  	s26 =	rddreg [dreg:$0xb];
	[sflag:s8] =	ssyncadd.s32 $0xFFFFFB00;
	s19 =	sshrl.u32 @!p0 s19, $0x3  }
0x264: {  	[hbm:s26], [sflag:s0] =	dma.local @!p0 [spmem:s19], $0x500  }
0x265: {  	s0 =	simm.s32 @!p0 $0x9  }
0x266: {  	_ =	swait.ge @!p0 [sflag:s0], $0x500  }
0x267: {  	s19 =	rddreg [dreg:$0x1b]  }
0x268: {  	s31 =	rddreg [dreg:$0x12];
	s26 =	sadd.s32 $0x1, s19  }
0x269: {  	p1 =	sne.s32 s26, s31  }
.Ltmp6:
0x26a: {  	_ = 	snop;
	(pc) =	sbr.rel @p1 .LBB2_1-.Ltmp6, $3  }
0x26b: {  	_ =	sdelay $0x1  }
0x26c: {  	[sflag:s0] =	ssyncset.done @!p0 $0x0  }
0x26d: {  	[sflag:s0] =	ssyncadd.s32 @!p0 $0xFFFFFB00  }
0x26e: {  	_ =	sfence.sel $0x180000  }
0x26f: {  	[bflag:$0x0] =	sbarrier.arrive $0xFFFF  }
0x270: {  	_ =	strace $0x9000004A  }
0x271: {  	s0 =	stileid.u32;
	[bflag:$0x2] =	sbarrier.arrive $0xFFFF  }
0x272: {  	p0 =	sne.s32 s0, $0x0;
	s0 =	rddreg [dreg:$0x3]  }
0x273: {  	s0 =	sadd.s32 @!p0 $0x100000, s0  }
0x274: {  	[sflag:s0] =	ssyncadd.tile.s32 @!p0 $0x1;
	_ =	shalt  }
.Lfunc_end2:
_tile_overlayer_lowered:
.L_overlay_start_2:
0x275: {  	(tag) =	ssettag $0x2  }
0x276: {  	s0 =	rddreg [dreg:$0x0];
	s2 =	stileid.u32  }
0x277: {  	s1 =	rddreg [dreg:$0x1];
	p0 =	sne.s32 s2, $0x0  }
0x278: {  	s3 =	rddreg [dreg:$0x2];
	[bflag:$0x3] =	sbarrier.arrive $0xFFFF;
	s2 =	simm.s32 @!p0 $0x1C09  }
0x279: {  	[timem:s3], [sflag:s2] =	dma.local @!p0 [hbm:s0], s1  }
0x27a: {  	s0 =	simm.s32 @!p0 $0x9  }
0x27b: {  	_ =	swait.ge @!p0 [sflag:s0], s1  }
0x27c: {  	s1 =	ssub.s32 @!p0 $0x0, s1;
	[sflag:s0] =	ssyncset.done @!p0 $0x0  }
0x27d: {  	[sflag:s0] =	ssyncadd.s32 @!p0 s1  }
0x27e: {  	[bflag:$0x3] =	sbarrier.arrive $0xFFFF  }
0x27f: {  	_ =	shalt  }

// kernel: kernel.15.cloned.1.call-start
scs
__scs_entry_jumppad:
0x0: {  	(pc) =	sbr.rel $0x88, $3  }
0x1: {  	(tag) =	ssettag $0x0;
	lr =	simm.s32 $0x1  }
0x2: {  	[smem:$0x3F9B] =	sst lr;
	_ =	strace $0xD0000000  }
0x3: {  	_ = 	snop  }
0x4: {  	_ = 	snop  }
0x5: {  	_ = 	snop  }
0x6: {  	_ = 	snop  }
0x7: {  	_ = 	snop  }
__scs_overlays_trampoline_lowered:
0x8: {  	[smem:$0x3FAA] =	sst s0  }
0x9: {  	[smem:$0x3FAB] =	sst s1  }
0xa: {  	[smem:$0x3FAC] =	sst s2  }
0xb: {  	[smem:$0x3FAD] =	sst s3  }
0xc: {  	[smem:$0x3FAE] =	sst s4  }
0xd: {  	[smem:$0x3FAF] =	sst s5  }
0xe: {  	[smem:$0x3FB0] =	sst s6  }
0xf: {  	[smem:$0x3FB1] =	sst s7  }
0x10: {  	[smem:$0x3FB2] =	sst s8  }
0x11: {  	[smem:$0x3FB3] =	sst s9;
	s0 =	simm.s32 @!p0 $0x0  }
0x12: {  	s1 =	sld [smem:$0x3F99];
	s0 =	simm.s32 @p0 $0x1  }
0x13: {  	[smem:$0x3FB4] =	sst s0;
	s0 =	simm.s32 @!p1 $0x0  }
0x14: {  	s2 =	sld [smem:$0x3F98];
	s0 =	simm.s32 @p1 $0x1  }
0x15: {  	[smem:$0x3FB5] =	sst s0;
	s0 =	simm.s32 @!p2 $0x0  }
0x16: {  	s3 =	sld [smem:$0x3FDB];
	s0 =	simm.s32 @p2 $0x1  }
0x17: {  	s4 =	simm.s32 $0x1BF5;
	[smem:$0x3FB7] =	sst s0  }
0x18: {  	s0 =	sld [smem:$0x3F9A];
	_ =	swait.ge [sflag:s4], $0x0  }
0x19: {  	s7 =	sld [smem:$0x3F9B]  }
0x1a: {  	s8 =	sadd.s32 $0xFFFFE003, lr  }
0x1b: {  	s9 =	sadd.s32 $0xFFFFFEF7, lr;
	s5 =	simm.s32 $0xFFFFFFFF;
	p2 =	slt.u32 s8, $0xFFFFF086  }
0x1c: {  	p1 =	slt.u32 s9, $0xF7A;
	s5 =	simm.s32 @!p2 $0x0  }
0x1d: {  	s5 =	simm.s32 @p1 $0x1;
	p0 =	seq.s32 s7, s2  }
0x1e: {  	s7 =	smul.u32 @!p0 $0xF7A, s2;
	p2 =	seq.s32 @!p0 s5, $0x0  }
0x1f: {  	s9 =	smul.u32 $0xF7A, s1;
	s8 =	simm.s32 @!p0 $0x1BF5;
	p2 =	por !p2, p0  }
0x20: {  	[sflag:s8] =	ssyncset.s32 @!p0 $0xFFFFF086;
	s6 =	sadd.s32 @!p0 s3, s7;
	s7 =	simm.s32 @!p0 $0x108  }
0x21: {  	s3 =	sadd.s32 s3, s9;
	s6 =	sadd.s32 @!p0 $0x88, s6;
	s7 =	simm.s32 @p2 $0x1082  }
0x22: {  	[simem:s7], [sflag:s8] =	dma.local @!p0 [hbm:s6], $0xF7A  }
0x23: {  	s9 =	sor.u32 $0xD0000000, s2;
	s6 =	simm.s32 $0x108;
	_ =	swait.ge @!p0 [sflag:s8], $0x0  }
0x24: {  	s3 =	sadd.s32 $0x88, s3;
	s6 =	simm.s32 @!p1 $0x1082;
	[sflag:s4] =	ssyncset.s32 $0xFFFFF086  }
0x25: {  	[simem:s6], [sflag:s4] =	dma.local [hbm:s3], $0xF7A  }
0x26: {  	[smem:$0x3F9B] =	sst s1;
	(tag) =	ssettag s2;
	_ =	strace s9  }
0x27: {  	s1 =	sld [smem:$0x3FAB]  }
0x28: {  	s2 =	sld [smem:$0x3FAC]  }
0x29: {  	s4 =	sld [smem:$0x3FAE]  }
0x2a: {  	p0 =	seq.s32 s5, $0x0;
	s5 =	sld [smem:$0x3FAF]  }
0x2b: {  	s6 =	sld [smem:$0x3FB0]  }
0x2c: {  	s7 =	sld [smem:$0x3FB1]  }
0x2d: {  	s3 =	simm.s32 $0x108;
	s8 =	sld [smem:$0x3FB2]  }
0x2e: {  	s3 =	simm.s32 @!p0 $0x1082;
	s9 =	sld [smem:$0x3FB3]  }
0x2f: {  	lr =	sadd.s32 s0, s3;
	s0 =	sld [smem:$0x3FAA]  }
0x30: {  	s3 =	sld [smem:$0x3FAD]  }
0x31: {  	[smem:$0x3FB6] =	sst s10  }
0x32: {  	s10 =	sld [smem:$0x3FB4];
	_ =	sdelay $0x3  }
0x33: {  	p0 =	seq.s32 s10, $0x1;
	s10 =	sld [smem:$0x3FB6];
	_ =	sdelay $0x3  }
0x34: {  	[smem:$0x3FB6] =	sst s10  }
0x35: {  	s10 =	sld [smem:$0x3FB5];
	_ =	sdelay $0x3  }
0x36: {  	p1 =	seq.s32 s10, $0x1;
	s10 =	sld [smem:$0x3FB6];
	_ =	sdelay $0x3  }
0x37: {  	[smem:$0x3FB6] =	sst s10  }
0x38: {  	s10 =	sld [smem:$0x3FB7]  }
0x39: {  	_ = 	snop;
	(pc) =	sbr.ind lr, $3  }
0x3a: {  	_ = 	snop  }
0x3b: {  	_ = 	snop  }
0x3c: {  	p2 =	seq.s32 s10, $0x1;
	s10 =	sld [smem:$0x3FB6]  }
0x3d: {  	_ =	shalt  }
0x3e: {  	_ =	shalt  }
0x3f: {  	_ =	shalt  }
0x40: {  	_ =	shalt  }
0x41: {  	_ =	shalt  }
0x42: {  	_ =	shalt  }
0x43: {  	_ =	shalt  }
0x44: {  	_ =	shalt  }
0x45: {  	_ =	shalt  }
0x46: {  	_ =	shalt  }
0x47: {  	_ =	shalt  }
0x48: {  	_ =	shalt  }
0x49: {  	_ =	shalt  }
0x4a: {  	_ =	shalt  }
0x4b: {  	_ =	shalt  }
0x4c: {  	_ =	shalt  }
0x4d: {  	_ =	shalt  }
0x4e: {  	_ =	shalt  }
0x4f: {  	_ =	shalt  }
0x50: {  	_ =	shalt  }
0x51: {  	_ =	shalt  }
0x52: {  	_ =	shalt  }
0x53: {  	_ =	shalt  }
0x54: {  	_ =	shalt  }
0x55: {  	_ =	shalt  }
0x56: {  	_ =	shalt  }
0x57: {  	_ =	shalt  }
0x58: {  	_ =	shalt  }
0x59: {  	_ =	shalt  }
0x5a: {  	_ =	shalt  }
0x5b: {  	_ =	shalt  }
0x5c: {  	_ =	shalt  }
0x5d: {  	_ =	shalt  }
0x5e: {  	_ =	shalt  }
0x5f: {  	_ =	shalt  }
0x60: {  	_ =	shalt  }
0x61: {  	_ =	shalt  }
0x62: {  	_ =	shalt  }
0x63: {  	_ =	shalt  }
0x64: {  	_ =	shalt  }
0x65: {  	_ =	shalt  }
0x66: {  	_ =	shalt  }
0x67: {  	_ =	shalt  }
0x68: {  	_ =	shalt  }
0x69: {  	_ =	shalt  }
0x6a: {  	_ =	shalt  }
0x6b: {  	_ =	shalt  }
0x6c: {  	_ =	shalt  }
0x6d: {  	_ =	shalt  }
0x6e: {  	_ =	shalt  }
0x6f: {  	_ =	shalt  }
0x70: {  	_ =	shalt  }
0x71: {  	_ =	shalt  }
0x72: {  	_ =	shalt  }
0x73: {  	_ =	shalt  }
0x74: {  	_ =	shalt  }
0x75: {  	_ =	shalt  }
0x76: {  	_ =	shalt  }
0x77: {  	_ =	shalt  }
0x78: {  	_ =	shalt  }
0x79: {  	_ =	shalt  }
0x7a: {  	_ =	shalt  }
0x7b: {  	_ =	shalt  }
0x7c: {  	_ =	shalt  }
0x7d: {  	_ =	shalt  }
0x7e: {  	_ =	shalt  }
0x7f: {  	_ =	shalt  }
0x80: {  	_ =	shalt  }
0x81: {  	_ =	shalt  }
0x82: {  	_ =	shalt  }
0x83: {  	_ =	shalt  }
0x84: {  	_ =	shalt  }
0x85: {  	_ =	shalt  }
0x86: {  	_ =	shalt  }
0x87: {  	_ =	shalt  }
.Lfunc_end0:
.L_simem_size_0:
called_computation.2_lowered:
.L_overlay_start_0:
0x88: {  	s2 =	sld [smem:$0x3FD9]  }
0x89: {  	s3 =	sld [smem:$0x3FFE];
	_ =	sdelay $0x1  }
0x8a: {  	s1 =	srdreg.scid  }
0x8b: {  	s0 =	sand.u32 $0x1, s1  }
0x8c: {  	s16 =	sshll.u32 s0, $0xA;
	s2 =	sadd.s32 s3, s2  }
0x8d: {  	s2 =	sadd.s32 s2, s16  }
0x8e: {  	[smem:$0x3FC2] =	sst s2  }
0x8f: {  	_ = 	snop  }
0x90: {  	(tm) =	ssettm $0x1  }
0x91: {  	s17 =	sld [smem:$0x3FFB];
	_ =	sdelay $0x3  }
0x92: {  	_ =	strace s17  }
0x93: {  	s2 =	sld [smem:$0x3FFC];
	_ =	sdelay $0x3  }
0x94: {  	_ =	strace s2  }
0x95: {  	s2 =	sld [smem:$0x3FFD];
	_ =	sdelay $0x3  }
0x96: {  	_ =	strace s2  }
0x97: {  	_ =	strace $0x8FFFFFFF  }
0x98: {  	s18 =	sld [smem:$0x3FDB];
	_ =	sdelay $0x1  }
0x99: {  	s19 =	simm.s32 $_scs_section_size  }
0x9a: {  	s4 =	simm.s32 $_size__tile_overlayer_lowered;
	s5 =	simm.s32 $_tile_overlayer_lowered  }
0x9b: {  	s22 =	simm.s32 $0x1BFF;
	s21 =	sshll.u32 s5, $0x1;
	s2 =	sadd.s32 s19, s18  }
0x9c: {  	s6 =	simm.s32 $0x0;
	s20 =	sshll.u32 s4, $0x1;
	s4 =	sadd.s32 s21, s2  }
0x9d: {  	[timem:s6], [sflag:s22] =	dma.local [hbm:s4], s20  }
0x9e: {  	_ =	swait.ge [sflag:s22], s20  }
0x9f: {  	s3 =	ssub.s32 $0x0, s20;
	[sflag:s22] =	ssyncset.done $0x0  }
0xa0: {  	[sflag:s22] =	ssyncadd.s32 s3;
	_ =	sdelay $0x1  }
0xa1: {  	s23 =	simm.s32 $0x1B8B  }
0xa2: {  	_ =	swait.ge [sflag:s23], $0x1  }
0xa3: {  	[sflag:s23] =	ssyncset.done $0x0  }
0xa4: {  	s25 =	simm.s32 $0x1B8E;
	s24 =	sld [smem:$0x3FFE];
	[sflag:s23] =	ssyncadd.s32 $0xFFFFFFFF  }
0xa5: {  	s26 =	simm.s32 $execute0_lowered;
	[smem:$0x3FD2] =	sst s25  }
0xa6: {  	s4 =	sshll.u32 s26, $0x1;
	_ =	strace $0x8000004C;
	[dreg:$0x1] =	wrdreg $0xFFFFFFFF  }
0xa7: {  	s28 =	simm.s32 $_size_execute0_lowered;
	s2 =	sadd.s32 s2, s4;
	[dreg:$0x0] =	wrdreg $0x0  }
0xa8: {  	s4 =	sshll.u32 s28, $0x1;
	[dreg:$0x2] =	wrdreg s2  }
0xa9: {  	[dreg:$0x3] =	wrdreg s4  }
0xaa: {  	[dreg:$0x4] =	wrdreg $0xC0  }
0xab: {  	_ =	task [dreg:s6], $0x5FFFF  }
0xac: {  	[dreg:$0x1] =	wrdreg $0xFFFFFFFF  }
0xad: {  	[dreg:$0x0] =	wrdreg $0x60  }
0xae: {  	[dreg:$0x2] =	wrdreg s24  }
0xaf: {  	[dreg:$0x3] =	wrdreg $0xA2000  }
0xb0: {  	[dreg:$0x4] =	wrdreg $0x9  }
0xb1: {  	_ =	task.clear_ibuf [dreg:s6], $0x5FFFF;
	_ =	strace $0x9000004C  }
0xb2: {  	s29 =	simm.s32 $0x9;
	_ =	strace $0x8000004E  }
0xb3: {  	_ =	swait.ge [sflag:s29], $0x1  }
0xb4: {  	[sflag:s29] =	ssyncadd.s32 $0xFFFFFFFF  }
0xb5: {  	_ =	strace $0x9000004E  }
0xb6: {  	_ =	sfence  }
0xb7: {  	s30 =	sld [smem:$0x0];
	_ =	sdelay $0x2  }
0xb8: {  	s31 =	sshll.u32 s1, $0xD;
	s1 =	sshrl.u32 s1, $0x2  }
0xb9: {  	s3 =	sand.u32 $0x4000, s31;
	s1 =	sadd.s32 s1, s30  }
0xba: {  	s0 =	sor.u32 s3, s0;
	s1 =	sshll.u32 s1, $0x11  }
0xbb: {  	s0 =	sor.u32 s1, s0  }
0xbc: {  	s0 =	sadd.s32 $0x8F2B, s0  }
0xbd: {  	[sflag:s0] =	ssyncadd.remote.s32 $0x1  }
0xbe: {  	_ =	sfence.sel $0xFFFF  }
0xbf: {  	[dreg:$0x0] =	wrdreg $0xFFFFFFFF;
	(pc) =	sbr.abs _section_cstart, $3  }
0xc0: {  	[dreg:$0x1] =	wrdreg $0xFFFFFFFF  }
0xc1: {  	_ =	task.clear_ibuf [dreg:s6], $0x2FFFF;
	_ =	strace $0x9FFFFFFF  }
0xc2: {  	(tm) =	ssettm $0x7FFFFFFF  }
0xc3: {  	_ =	shalt  }
tec
execute0_lowered:
.L_overlay_start_1:
0x0: {  	(tag) =	ssettag $0x1  }
0x1: {  	s0 =	rddreg [dreg:$0x0]  }
0x2: {  	s1 =	rddreg [dreg:$0x1]  }
0x3: {  	s2 =	simm.s32 $0x0;
	s3 =	srdreg.scid;
	s24 =	stileid.u32  }
0x4: {  	[smem:$0x7FF] =	sst s2;
	s3 =	sand.u32 $0x1, s3;
	s8 =	smul.u32 $0x2800, s24  }
0x5: {  	s4 =	sadd.s32 $0x509A00, s0;
	s7 =	sor.u32 $0x10, s24;
	s6 =	smul.u32 $0x138800, s3  }
0x6: {  	s5 =	sadd.s32 $0x27A00, s0;
	s10 =	sor.u32 $0x20, s24;
	s11 =	smul.u32 $0x2800, s7  }
0x7: {  	s9 =	sadd.s32 $0x530C00, s0;
	s13 =	sor.u32 $0x30, s24;
	s14 =	smul.u32 $0x2800, s10  }
0x8: {  	s17 =	sor.u32 $0x40, s24;
	s18 =	sor.u32 $0x50, s24;
	s16 =	smul.u32 $0x2800, s13  }
0x9: {  	s19 =	sor.u32 $0x60, s24;
	s21 =	sor.u32 $0x70, s24;
	s26 =	smul.u32 $0x2800, s17  }
0xa: {  	_ =	strace $0x8000004D;
	s12 =	ssub.s32 $0x2, s3;
	s20 =	smul.u32 $0x2800, s18  }
0xb: {  	s3 =	sshll.u32 s3, $0x4;
	s22 =	smul.u32 $0x2800, s19;
	s15 =	sshrl.u32 s12, $0x1  }
0xc: {  	s23 =	smul.u32 $0x2800, s21;
	s3 =	sor.u32 s24, s3;
	s12 =	ssub.s32 s12, s15  }
0xd: {  	s8 =	sadd.s32 s6, s8;
	s11 =	sadd.s32 s6, s11;
	s14 =	sadd.s32 s6, s14  }
0xe: {  	s16 =	sadd.s32 s6, s16;
	s15 =	sadd.s32 s6, s26;
	s20 =	sadd.s32 s6, s20  }
0xf: {  	s22 =	sadd.s32 s6, s22;
	s23 =	sadd.s32 s6, s23;
	s6 =	smul.u32 $0x2710, s3  }
0x10: {  	p0 =	sgt.u32 s21, $0x7C;
	s3 =	smul.u32 $0x27100, s3;
	s8 =	sshrl.u32 s8, $0x3  }
0x11: {  	s11 =	sshrl.u32 s11, $0x3;
	s15 =	sshrl.u32 s15, $0x3;
	s20 =	sshrl.u32 s20, $0x3  }
0x12: {  	s25 =	sshrl.u32 s22, $0x3;
	s26 =	sshrl.u32 s23, $0x3;
	s22 =	smul.u32 $0xA000, s7  }
0x13: {  	s8 =	sadd.s32 s9, s8;
	s31 =	sadd.s32 s9, s11;
	s11 =	sshrl.u32 s14, $0x3  }
0x14: {  	s14 =	sshrl.u32 s16, $0x3;
	s16 =	sadd.s32 s9, s15;
	[dreg:$0x3] =	wrdreg s8  }
0x15: {  	s15 =	sadd.s32 $0xDC00, s0;
	s3 =	sadd.s32 s5, s3;
	[dreg:$0x4] =	wrdreg s31  }
0x16: {  	s8 =	sadd.s32 s9, s11;
	[dreg:$0x7] =	wrdreg s16;
	s31 =	sadd.s32 s9, s26  }
0x17: {  	s16 =	sadd.s32 $0x3E00, s0;
	s11 =	sadd.s32 $0x50, s6;
	[dreg:$0xf] =	wrdreg s3  }
0x18: {  	s3 =	sadd.s32 $0xA0, s6;
	[dreg:$0x5] =	wrdreg s8;
	s8 =	sadd.s32 s9, s14  }
0x19: {  	[dreg:$0xa] =	wrdreg s31;
	s26 =	sshll.u32 s11, $0x4;
	s31 =	smul.u32 $0xA000, s24  }
0x1a: {  	[dreg:$0x6] =	wrdreg s8;
	s8 =	sadd.s32 s9, s20;
	s20 =	sshrl.u32 s11, $0x3  }
0x1b: {  	s7 =	sadd.s32 s5, s26;
	[dreg:$0x8] =	wrdreg s8;
	s8 =	sadd.s32 s9, s25  }
0x1c: {  	s23 =	sadd.s32 s15, s20;
	[dreg:$0x10] =	wrdreg s7;
	s9 =	smul.u32 $0xA000, s10  }
0x1d: {  	s10 =	smax.u32 s12, $0x1;
	s12 =	smul.u32 $0xA000, s13;
	[dreg:$0x9] =	wrdreg s8  }
0x1e: {  	s25 =	sadd.s32 s16, s20;
	s13 =	smul.u32 $0xA000, s17;
	[dreg:$0xd] =	wrdreg s23  }
0x1f: {  	s11 =	sshrl.u32 s31, $0x2;
	s17 =	smul.u32 $0xA000, s18;
	[dreg:$0xe] =	wrdreg s25  }
0x20: {  	s20 =	smul.u32 $0xA000, s19;
	s8 =	sshrl.u32 s6, $0x3;
	[dreg:$0x11] =	wrdreg s10  }
0x21: {  	s28 =	sadd.s32 s11, s1;
	s10 =	simm.s32 $0x80;
	s11 =	simm.s32 $0x180  }
0x22: {  	s14 =	sadd.s32 s15, s8;
	s0 =	sadd.s32 s16, s8;
	s18 =	sshrl.u32 s12, $0x2  }
0x23: {  	s7 =	sshrl.u32 s13, $0x2;
	s24 =	sshrl.u32 s17, $0x2;
	s25 =	sshrl.u32 s20, $0x2  }
0x24: {  	s8 =	simm.s32 $0x9;
	s12 =	simm.s32 $0x5;
	[dreg:$0x12] =	wrdreg s28  }
0x25: {  	s13 =	simm.s32 $0x50;
	s17 =	simm.s32 $0x6;
	[dreg:$0xb] =	wrdreg s14  }
0x26: {  	s20 =	simm.s32 $0x1;
	[dreg:$0xc] =	wrdreg s0;
	s0 =	sshrl.u32 s22, $0x2  }
0x27: {  	s14 =	sshrl.u32 s9, $0x2;
	s22 =	smul.u32 $0xA000, s21;
	s23 =	sadd.s32 s7, s1  }
0x28: {  	s7 =	simm.s32 $0x200;
	s9 =	simm.s32 $0x100;
	s21 =	simm.s32 $0x2  }
0x29: {  	s29 =	sadd.s32 s0, s1;
	s0 =	sadd.s32 s18, s1;
	[dreg:$0x16] =	wrdreg s23  }
0x2a: {  	s30 =	sadd.s32 s14, s1;
	s14 =	simm.s32 $0x5200;
	[dreg:$0x15] =	wrdreg s0  }
0x2b: {  	s18 =	simm.s32 $0x2A00;
	s23 =	simm.s32 $0x3;
	[dreg:$0x13] =	wrdreg s29  }
0x2c: {  	s0 =	sadd.s32 s24, s1;
	s26 =	sshrl.u32 s22, $0x2;
	[dreg:$0x14] =	wrdreg s30  }
0x2d: {  	s22 =	simm.s32 $0x7;
	[dreg:$0x17] =	wrdreg s0;
	s0 =	sadd.s32 s25, s1  }
0x2e: {  	s24 =	simm.s32 $0x4;
	s31 =	sadd.s32 s26, s1;
	[dreg:$0x18] =	wrdreg s0  }
0x2f: {  	v0 =	vimm.f32 $0.0e+00;
	s25 =	simm.s32 $0x8;
	s26 =	simm.s32 $0x0;
	[dreg:$0x19] =	wrdreg s31  }
.LBB2_1:
0x30: {  	s0 =	simm.s32 $0x0;
	s19 =	simm.s32 $0x200  }
.LBB2_2:
0x31: {  	p1 =	sne.s32 s19, $0x9E00;
	[tilespmem:s0+$0x270] =	vst v0  }
0x32: {  	[tilespmem:s0+$0x200] =	vst v0  }
0x33: {  	[tilespmem:s0+$0x210] =	vst v0  }
.Ltmp0:
0x34: {  	[tilespmem:s0+$0x220] =	vst v0;
	(pc) =	sbr.rel @p1 .LBB2_2-.Ltmp0, $4  }
0x35: {  	[tilespmem:s0+$0x230] =	vst v0  }
0x36: {  	[tilespmem:s0+$0x240] =	vst v0  }
0x37: {  	[tilespmem:s0+$0x250] =	vst v0  }
0x38: {  	[tilespmem:s0+$0x260] =	vst v0;
	s0 =	sshra.s32 s19, $0x2;
	s19 =	sadd.s32 $0x200, s19  }
0x39: {  	[tilespmem:s0+$0x270] =	vst v0  }
0x3a: {  	[tilespmem:s0+$0x200] =	vst v0  }
0x3b: {  	[tilespmem:s0+$0x210] =	vst v0  }
0x3c: {  	[tilespmem:s0+$0x220] =	vst v0  }
0x3d: {  	[tilespmem:s0+$0x230] =	vst v0  }
0x3e: {  	[tilespmem:s0+$0x240] =	vst v0  }
0x3f: {  	[tilespmem:s0+$0x250] =	vst v0  }
0x40: {  	[dreg:$0x1a] =	wrdreg s26;
	[tilespmem:s0+$0x260] =	vst v0  }
0x41: {  	[spmem:s28] =	stream.linear.scatter [tilespmem:s7], [sflag:$0x9], $0x2800, $0x38;
	[tilespmem:$0x1DA80] =	vst v63  }
0x42: {  	_ =	swait.ge [sflag:s8], $0x2800  }
0x43: {  	[sflag:s8] =	ssyncset.done $0x0  }
0x44: {  	[sflag:s8] =	ssyncadd.s32 $0xFFFFD800  }
0x45: {  	[spmem:s29] =	stream.linear.scatter [tilespmem:s7], [sflag:$0x9], $0x2800, $0x38;
	[tilespmem:$0x1DA80] =	vst v63  }
0x46: {  	_ =	swait.ge [sflag:s8], $0x2800  }
0x47: {  	[sflag:s8] =	ssyncset.done $0x0  }
0x48: {  	[sflag:s8] =	ssyncadd.s32 $0xFFFFD800  }
0x49: {  	[spmem:s30] =	stream.linear.scatter [tilespmem:s7], [sflag:$0x9], $0x2800, $0x38;
	[tilespmem:$0x1DA80] =	vst v63  }
0x4a: {  	_ =	swait.ge [sflag:s8], $0x2800  }
0x4b: {  	[sflag:s8] =	ssyncset.done $0x0  }
0x4c: {  	s31 =	rddreg [dreg:$0x15];
	[sflag:s8] =	ssyncadd.s32 $0xFFFFD800  }
0x4d: {  	[spmem:s31] =	stream.linear.scatter [tilespmem:s7], [sflag:$0x9], $0x2800, $0x38;
	[tilespmem:$0x1DA80] =	vst v63  }
0x4e: {  	_ =	swait.ge [sflag:s8], $0x2800  }
0x4f: {  	[sflag:s8] =	ssyncset.done $0x0  }
0x50: {  	s19 =	rddreg [dreg:$0x16];
	[sflag:s8] =	ssyncadd.s32 $0xFFFFD800  }
0x51: {  	[spmem:s19] =	stream.linear.scatter [tilespmem:s7], [sflag:$0x9], $0x2800, $0x38;
	[tilespmem:$0x1DA80] =	vst v63  }
0x52: {  	_ =	swait.ge [sflag:s8], $0x2800  }
0x53: {  	[sflag:s8] =	ssyncset.done $0x0  }
0x54: {  	s26 =	rddreg [dreg:$0x17];
	[sflag:s8] =	ssyncadd.s32 $0xFFFFD800  }
0x55: {  	[spmem:s26] =	stream.linear.scatter [tilespmem:s7], [sflag:$0x9], $0x2800, $0x38;
	[tilespmem:$0x1DA80] =	vst v63  }
0x56: {  	_ =	swait.ge [sflag:s8], $0x2800  }
0x57: {  	[sflag:s8] =	ssyncset.done $0x0  }
0x58: {  	s29 =	rddreg [dreg:$0x18];
	[sflag:s8] =	ssyncadd.s32 $0xFFFFD800  }
0x59: {  	[spmem:s29] =	stream.linear.scatter [tilespmem:s7], [sflag:$0x9], $0x2800, $0x38;
	[tilespmem:$0x1DA80] =	vst v63  }
0x5a: {  	_ =	swait.ge [sflag:s8], $0x2800  }
0x5b: {  	[sflag:s8] =	ssyncset.done $0x0  }
0x5c: {  	s0 =	simm.s32 @!p0 $0x200;
	s19 =	rddreg [dreg:$0x19];
	[sflag:s8] =	ssyncadd.s32 $0xFFFFD800  }
0x5d: {  	[spmem:s19] =	stream.linear.scatter @!p0 [tilespmem:s0], [sflag:$0x9], $0x2800, $0x38;
	[tilespmem:$0x1DA80] =	vst v63  }
0x5e: {  	s0 =	simm.s32 @!p0 $0x9  }
0x5f: {  	_ =	swait.ge @!p0 [sflag:s0], $0x2800  }
0x60: {  	[sflag:s0] =	ssyncset.done @!p0 $0x0  }
0x61: {  	[sflag:s0] =	ssyncadd.s32 @!p0 $0xFFFFD800  }
0x62: {  	[bflag:$0x0] =	sbarrier.arrive $0xFFFF  }
0x63: {  	s28 =	simm.s32 $0x0;
	s30 =	rddreg [dreg:$0xb]  }
0x64: {  	[tilespmem:s28], [sflag:$0x5] =	stream.linear.gather [hbm4b:s30+s28], $0x50, $0x38;
	[tilespmem:$0x1DA80] =	vst v63  }
0x65: {  	s31 =	rddreg [dreg:$0xc]  }
0x66: {  	[tilespmem:s9], [sflag:$0x7] =	stream.linear.gather [hbm4b:s31+s28], $0x50, $0x38;
	[tilespmem:$0x1DA80] =	vst v63  }
0x67: {  	s19 =	rddreg [dreg:$0xd]  }
0x68: {  	[tilespmem:s10], [sflag:$0x6] =	stream.linear.gather [hbm4b:s19+s28], $0x50, $0x38;
	[tilespmem:$0x1DA80] =	vst v63  }
0x69: {  	s26 =	rddreg [dreg:$0xe]  }
0x6a: {  	[tilespmem:s11], [sflag:$0x8] =	stream.linear.gather [hbm4b:s26+s28], $0x50, $0x38;
	[tilespmem:$0x1DA80] =	vst v63  }
0x6b: {  	_ =	swait.ge [sflag:s12], $0x50  }
0x6c: {  	[sflag:s12] =	ssyncset.done $0x0  }
0x6d: {  	[sflag:s12] =	ssyncadd.s32 $0xFFFFFFB0  }
0x6e: {  	[tilespmem:s7], [sflag:$0x1] =	stream.indirect.gather [hbm4b:s4+s13], $0x80, s28, s13, $0xb8;
	[tilespmem:$0x1DA80] =	vst v63  }
0x6f: {  	s29 =	rddreg [dreg:$0xf]  }
0x70: {  	[tilespmem:s14], [sflag:$0x2] =	stream.linear.gather [hbm4b:s29+s28], $0x2800, $0x38;
	[tilespmem:$0x1DA80] =	vst v63  }
0x71: {  	_ =	swait.ge [sflag:s17], $0x50  }
0x72: {  	[sflag:s17] =	ssyncset.done $0x0  }
0x73: {  	[sflag:s17] =	ssyncadd.s32 $0xFFFFFFB0  }
0x74: {  	[tilespmem:s18], [sflag:$0x3] =	stream.indirect.gather [hbm4b:s4+s13], $0x80, s10, s13, $0xb8;
	[tilespmem:$0x1DA80] =	vst v63  }
0x75: {  	s31 =	simm.s32 $0x7A00;
	s30 =	rddreg [dreg:$0x10]  }
0x76: {  	[tilespmem:s31], [sflag:$0x4] =	stream.linear.gather [hbm4b:s30+s28], $0x2800, $0x38;
	[tilespmem:$0x1DA80] =	vst v63  }
.LBB2_4:
0x77: {  	_ =	swait.ge [sflag:s20], $0x2800  }
0x78: {  	s0 =	smul.u32 $0xA0, s28;
	[sflag:s20] =	ssyncset.done $0x0  }
0x79: {  	[sflag:s20] =	ssyncadd.s32 $0xFFFFD800  }
0x7a: {  	s29 =	sadd.s32 s0, s3;
	_ =	swait.ge [sflag:s21], $0x2800  }
0x7b: {  	s30 =	sshrl.u32 s29, $0x3;
	[sflag:s21] =	ssyncset.done $0x0  }
0x7c: {  	s26 =	sadd.s32 s15, s30;
	[sflag:s21] =	ssyncadd.s32 $0xFFFFD800  }
0x7d: {  	[tilespmem:s2], [sflag:$0x5] =	stream.linear.gather [hbm4b:s26+s2], $0x50, $0x38;
	[tilespmem:$0x1DA80] =	vst v63  }
0x7e: {  	_ =	swait.ge [sflag:s22], $0x50  }
0x7f: {  	[sflag:s22] =	ssyncset.done $0x0  }
0x80: {  	s31 =	simm.s32 $0x300;
	[sflag:s22] =	ssyncadd.s32 $0xFFFFFFB0  }
0x81: {  	s0 =	simm.s32 $0x5300;
	v1 =	vld [tilespmem:s31+$0x80]  }
0x82: {  	v2 =	vld [tilespmem:s0+$0x80]  }
0x83: {  	v3 =	vld [tilespmem:s31+$0xFFFFFF80]  }
0x84: {  	v4 =	vld [tilespmem:s0+$0xFFFFFF80]  }
0x85: {  	v5 =	vld [tilespmem:s31+$0x0]  }
0x86: {  	v6 =	vld [tilespmem:s0+$0x0]  }
0x87: {  	v7 =	vld [tilespmem:s31+$0xFFFFFF00];
	v1 =	vmul.f32 v2, v1  }
0x88: {  	v2 =	vld [tilespmem:s0+$0xFFFFFF00]  }
0x89: {  	[tilespmem:s31+$0x80] =	vst v1;
	v1 =	vld [tilespmem:s31+$0x90]  }
0x8a: {  	v3 =	vmul.f32 v4, v3;
	v4 =	vld [tilespmem:s0+$0x90]  }
0x8b: {  	v8 =	vld [tilespmem:s31+$0xFFFFFF10]  }
0x8c: {  	[tilespmem:s31+$0xFFFFFF80] =	vst v3;
	v3 =	vmul.f32 v6, v5;
	v5 =	vld [tilespmem:s31+$0xFFFFFF90]  }
0x8d: {  	v6 =	vld [tilespmem:s0+$0xFFFFFF90];
	v2 =	vmul.f32 v2, v7  }
0x8e: {  	[tilespmem:s31+$0x0] =	vst v3;
	v3 =	vld [tilespmem:s31+$0x10]  }
0x8f: {  	v7 =	vld [tilespmem:s0+$0x10];
	[tilespmem:s31+$0xFFFFFF00] =	vst v2;
	v1 =	vmul.f32 v4, v1  }
0x90: {  	v2 =	vld [tilespmem:s0+$0xFFFFFF10]  }
0x91: {  	[tilespmem:s31+$0x90] =	vst v1;
	v1 =	vld [tilespmem:s31+$0xA0]  }
0x92: {  	v4 =	vmul.f32 v6, v5;
	v5 =	vld [tilespmem:s0+$0xA0]  }
0x93: {  	v6 =	vld [tilespmem:s31+$0xFFFFFF20]  }
0x94: {  	[tilespmem:s31+$0xFFFFFF90] =	vst v4;
	v3 =	vmul.f32 v7, v3;
	v4 =	vld [tilespmem:s31+$0xFFFFFFA0]  }
0x95: {  	v7 =	vld [tilespmem:s0+$0xFFFFFFA0];
	v2 =	vmul.f32 v2, v8  }
0x96: {  	[tilespmem:s31+$0x10] =	vst v3;
	v3 =	vld [tilespmem:s31+$0x20]  }
0x97: {  	v8 =	vld [tilespmem:s0+$0x20];
	[tilespmem:s31+$0xFFFFFF10] =	vst v2;
	v1 =	vmul.f32 v5, v1  }
0x98: {  	v2 =	vld [tilespmem:s0+$0xFFFFFF20]  }
0x99: {  	[tilespmem:s31+$0xA0] =	vst v1;
	v1 =	vld [tilespmem:s31+$0xB0]  }
0x9a: {  	v4 =	vmul.f32 v7, v4;
	v5 =	vld [tilespmem:s0+$0xB0]  }
0x9b: {  	v7 =	vld [tilespmem:s31+$0xFFFFFF30]  }
0x9c: {  	[tilespmem:s31+$0xFFFFFFA0] =	vst v4;
	v3 =	vmul.f32 v8, v3;
	v4 =	vld [tilespmem:s31+$0xFFFFFFB0]  }
0x9d: {  	v8 =	vld [tilespmem:s0+$0xFFFFFFB0];
	v2 =	vmul.f32 v2, v6  }
0x9e: {  	[tilespmem:s31+$0x20] =	vst v3;
	v3 =	vld [tilespmem:s31+$0x30]  }
0x9f: {  	v6 =	vld [tilespmem:s0+$0x30];
	[tilespmem:s31+$0xFFFFFF20] =	vst v2;
	v1 =	vmul.f32 v5, v1  }
0xa0: {  	v2 =	vld [tilespmem:s0+$0xFFFFFF30]  }
0xa1: {  	[tilespmem:s31+$0xB0] =	vst v1;
	v1 =	vld [tilespmem:s31+$0xC0]  }
0xa2: {  	v4 =	vmul.f32 v8, v4;
	v5 =	vld [tilespmem:s0+$0xC0]  }
0xa3: {  	v8 =	vld [tilespmem:s31+$0xFFFFFF40]  }
0xa4: {  	[tilespmem:s31+$0xFFFFFFB0] =	vst v4;
	v3 =	vmul.f32 v6, v3;
	v4 =	vld [tilespmem:s31+$0xFFFFFFC0]  }
0xa5: {  	v6 =	vld [tilespmem:s0+$0xFFFFFFC0];
	v2 =	vmul.f32 v2, v7  }
0xa6: {  	[tilespmem:s31+$0x30] =	vst v3;
	v3 =	vld [tilespmem:s31+$0x40]  }
0xa7: {  	v7 =	vld [tilespmem:s0+$0x40];
	[tilespmem:s31+$0xFFFFFF30] =	vst v2;
	v1 =	vmul.f32 v5, v1  }
0xa8: {  	v2 =	vld [tilespmem:s0+$0xFFFFFF40]  }
0xa9: {  	[tilespmem:s31+$0xC0] =	vst v1;
	v1 =	vld [tilespmem:s31+$0xD0]  }
0xaa: {  	v4 =	vmul.f32 v6, v4;
	v5 =	vld [tilespmem:s0+$0xD0]  }
0xab: {  	v6 =	vld [tilespmem:s31+$0xFFFFFF50]  }
0xac: {  	[tilespmem:s31+$0xFFFFFFC0] =	vst v4;
	v3 =	vmul.f32 v7, v3;
	v4 =	vld [tilespmem:s31+$0xFFFFFFD0]  }
0xad: {  	v7 =	vld [tilespmem:s0+$0xFFFFFFD0];
	v2 =	vmul.f32 v2, v8  }
0xae: {  	[tilespmem:s31+$0x40] =	vst v3;
	v3 =	vld [tilespmem:s31+$0x50]  }
0xaf: {  	v8 =	vld [tilespmem:s0+$0x50];
	[tilespmem:s31+$0xFFFFFF40] =	vst v2;
	v1 =	vmul.f32 v5, v1  }
0xb0: {  	v2 =	vld [tilespmem:s0+$0xFFFFFF50]  }
0xb1: {  	[tilespmem:s31+$0xD0] =	vst v1;
	v1 =	vld [tilespmem:s31+$0xE0]  }
0xb2: {  	v4 =	vmul.f32 v7, v4;
	v5 =	vld [tilespmem:s0+$0xE0]  }
0xb3: {  	v7 =	vld [tilespmem:s31+$0xFFFFFF60]  }
0xb4: {  	[tilespmem:s31+$0xFFFFFFD0] =	vst v4;
	v3 =	vmul.f32 v8, v3;
	v4 =	vld [tilespmem:s31+$0xFFFFFFE0]  }
0xb5: {  	v8 =	vld [tilespmem:s0+$0xFFFFFFE0];
	v2 =	vmul.f32 v2, v6  }
0xb6: {  	[tilespmem:s31+$0x50] =	vst v3;
	v3 =	vld [tilespmem:s31+$0x60]  }
0xb7: {  	v6 =	vld [tilespmem:s0+$0x60];
	[tilespmem:s31+$0xFFFFFF50] =	vst v2;
	v1 =	vmul.f32 v5, v1  }
0xb8: {  	v5 =	vld [tilespmem:s0+$0xFFFFFF60]  }
0xb9: {  	v9 =	vld [tilespmem:s31+$0xF0];
	[tilespmem:s31+$0xE0] =	vst v1  }
0xba: {  	v2 =	vmul.f32 v8, v4;
	v8 =	vld [tilespmem:s0+$0xF0]  }
0xbb: {  	v1 =	vld [tilespmem:s31+$0xFFFFFF70]  }
0xbc: {  	[tilespmem:s31+$0xFFFFFFE0] =	vst v2;
	v3 =	vmul.f32 v6, v3;
	v2 =	vld [tilespmem:s31+$0xFFFFFFF0]  }
0xbd: {  	v4 =	vld [tilespmem:s0+$0xFFFFFFF0];
	v5 =	vmul.f32 v5, v7  }
0xbe: {  	[tilespmem:s31+$0x60] =	vst v3;
	v3 =	vld [tilespmem:s31+$0x70]  }
0xbf: {  	[tilespmem:s31+$0xFFFFFF60] =	vst v5;
	v5 =	vld [tilespmem:s0+$0x70];
	v7 =	vmul.f32 v8, v9  }
0xc0: {  	s19 =	simm.s32 $0x500;
	s26 =	simm.s32 $0x0;
	v6 =	vld [tilespmem:s0+$0xFFFFFF70]  }
.LBB2_5:
0xc1: {  	v8 =	vld [tilespmem:s19+$0x80];
	[tilespmem:s31+$0xF0] =	vst v7;
	s0 =	sadd.s32 $0x200, s0  }
0xc2: {  	s26 =	sadd.s32 $0x4, s26;
	v7 =	vld [tilespmem:s0+$0x80];
	v2 =	vmul.f32 v4, v2  }
0xc3: {  	p1 =	slt.u32 s26, $0x4C;
	v4 =	vld [tilespmem:s0+$0xFFFFFF00]  }
0xc4: {  	v9 =	vld [tilespmem:s19+$0xFFFFFF80];
	[tilespmem:s31+$0xFFFFFFF0] =	vst v2;
	v2 =	vmul.f32 v5, v3  }
0xc5: {  	v3 =	vld [tilespmem:s0+$0xFFFFFF80];
	v1 =	vmul.f32 v6, v1  }
0xc6: {  	v5 =	vld [tilespmem:s19+$0x0];
	[tilespmem:s31+$0x70] =	vst v2  }
0xc7: {  	v2 =	vld [tilespmem:s0+$0x0];
	v6 =	vmul.f32 v7, v8;
	[tilespmem:s31+$0xFFFFFF70] =	vst v1;
	s31 =	smov.u32 s19  }
0xc8: {  	v1 =	vld [tilespmem:s19+$0xFFFFFF00]  }
0xc9: {  	[tilespmem:s19+$0x80] =	vst v6;
	v6 =	vld [tilespmem:s19+$0x90]  }
0xca: {  	v3 =	vmul.f32 v3, v9;
	v7 =	vld [tilespmem:s0+$0x90]  }
0xcb: {  	v8 =	vld [tilespmem:s19+$0xFFFFFF10]  }
0xcc: {  	[tilespmem:s19+$0xFFFFFF80] =	vst v3;
	v3 =	vld [tilespmem:s19+$0xFFFFFF90];
	v2 =	vmul.f32 v2, v5  }
0xcd: {  	v1 =	vmul.f32 v4, v1;
	v4 =	vld [tilespmem:s0+$0xFFFFFF90]  }
0xce: {  	[tilespmem:s19+$0x0] =	vst v2;
	v2 =	vld [tilespmem:s19+$0x10]  }
0xcf: {  	[tilespmem:s19+$0xFFFFFF00] =	vst v1;
	v1 =	vld [tilespmem:s0+$0x10];
	v5 =	vmul.f32 v7, v6  }
0xd0: {  	v6 =	vld [tilespmem:s0+$0xFFFFFF10]  }
0xd1: {  	[tilespmem:s19+$0x90] =	vst v5;
	v5 =	vld [tilespmem:s19+$0xA0]  }
0xd2: {  	v3 =	vmul.f32 v4, v3;
	v4 =	vld [tilespmem:s0+$0xA0]  }
0xd3: {  	v7 =	vld [tilespmem:s19+$0xFFFFFF20]  }
0xd4: {  	[tilespmem:s19+$0xFFFFFF90] =	vst v3;
	v3 =	vld [tilespmem:s19+$0xFFFFFFA0];
	v1 =	vmul.f32 v1, v2  }
0xd5: {  	v2 =	vmul.f32 v6, v8;
	v6 =	vld [tilespmem:s0+$0xFFFFFFA0]  }
0xd6: {  	[tilespmem:s19+$0x10] =	vst v1;
	v1 =	vld [tilespmem:s19+$0x20]  }
0xd7: {  	[tilespmem:s19+$0xFFFFFF10] =	vst v2;
	v2 =	vld [tilespmem:s0+$0x20];
	v4 =	vmul.f32 v4, v5  }
0xd8: {  	v5 =	vld [tilespmem:s0+$0xFFFFFF20]  }
0xd9: {  	[tilespmem:s19+$0xA0] =	vst v4;
	v4 =	vld [tilespmem:s19+$0xB0]  }
0xda: {  	v3 =	vmul.f32 v6, v3;
	v6 =	vld [tilespmem:s0+$0xB0]  }
0xdb: {  	v8 =	vld [tilespmem:s19+$0xFFFFFF30]  }
0xdc: {  	[tilespmem:s19+$0xFFFFFFA0] =	vst v3;
	v3 =	vld [tilespmem:s19+$0xFFFFFFB0];
	v1 =	vmul.f32 v2, v1  }
0xdd: {  	v2 =	vmul.f32 v5, v7;
	v5 =	vld [tilespmem:s0+$0xFFFFFFB0]  }
0xde: {  	[tilespmem:s19+$0x20] =	vst v1;
	v1 =	vld [tilespmem:s19+$0x30]  }
0xdf: {  	[tilespmem:s19+$0xFFFFFF20] =	vst v2;
	v2 =	vld [tilespmem:s0+$0x30];
	v4 =	vmul.f32 v6, v4  }
0xe0: {  	v6 =	vld [tilespmem:s0+$0xFFFFFF30]  }
0xe1: {  	[tilespmem:s19+$0xB0] =	vst v4;
	v4 =	vld [tilespmem:s19+$0xC0]  }
0xe2: {  	v3 =	vmul.f32 v5, v3;
	v5 =	vld [tilespmem:s0+$0xC0]  }
0xe3: {  	v7 =	vld [tilespmem:s19+$0xFFFFFF40]  }
0xe4: {  	[tilespmem:s19+$0xFFFFFFB0] =	vst v3;
	v3 =	vld [tilespmem:s19+$0xFFFFFFC0];
	v1 =	vmul.f32 v2, v1  }
0xe5: {  	v2 =	vmul.f32 v6, v8;
	v6 =	vld [tilespmem:s0+$0xFFFFFFC0]  }
0xe6: {  	[tilespmem:s19+$0x30] =	vst v1;
	v1 =	vld [tilespmem:s19+$0x40]  }
0xe7: {  	[tilespmem:s19+$0xFFFFFF30] =	vst v2;
	v2 =	vld [tilespmem:s0+$0x40];
	v4 =	vmul.f32 v5, v4  }
0xe8: {  	v5 =	vld [tilespmem:s0+$0xFFFFFF40]  }
0xe9: {  	[tilespmem:s19+$0xC0] =	vst v4;
	v4 =	vld [tilespmem:s19+$0xD0]  }
0xea: {  	v3 =	vmul.f32 v6, v3;
	v6 =	vld [tilespmem:s0+$0xD0]  }
0xeb: {  	v8 =	vld [tilespmem:s19+$0xFFFFFF50]  }
0xec: {  	[tilespmem:s19+$0xFFFFFFC0] =	vst v3;
	v3 =	vld [tilespmem:s19+$0xFFFFFFD0];
	v1 =	vmul.f32 v2, v1  }
0xed: {  	v2 =	vmul.f32 v5, v7;
	v5 =	vld [tilespmem:s0+$0xFFFFFFD0]  }
0xee: {  	[tilespmem:s19+$0x40] =	vst v1;
	v1 =	vld [tilespmem:s19+$0x50]  }
0xef: {  	[tilespmem:s19+$0xFFFFFF40] =	vst v2;
	v2 =	vld [tilespmem:s0+$0x50];
	v4 =	vmul.f32 v6, v4  }
0xf0: {  	v6 =	vld [tilespmem:s0+$0xFFFFFF50]  }
0xf1: {  	[tilespmem:s19+$0xD0] =	vst v4;
	v4 =	vld [tilespmem:s19+$0xE0]  }
0xf2: {  	v3 =	vmul.f32 v5, v3;
	v5 =	vld [tilespmem:s0+$0xE0]  }
0xf3: {  	v7 =	vld [tilespmem:s19+$0xFFFFFF60]  }
0xf4: {  	[tilespmem:s19+$0xFFFFFFD0] =	vst v3;
	v3 =	vld [tilespmem:s19+$0xFFFFFFE0];
	v1 =	vmul.f32 v2, v1  }
0xf5: {  	v2 =	vmul.f32 v6, v8;
	v6 =	vld [tilespmem:s0+$0xFFFFFFE0]  }
0xf6: {  	[tilespmem:s19+$0x50] =	vst v1;
	v8 =	vld [tilespmem:s19+$0x60]  }
0xf7: {  	[tilespmem:s19+$0xFFFFFF50] =	vst v2;
	v9 =	vld [tilespmem:s0+$0x60];
	v1 =	vmul.f32 v5, v4  }
0xf8: {  	v4 =	vld [tilespmem:s0+$0xFFFFFF60]  }
0xf9: {  	[tilespmem:s19+$0xE0] =	vst v1;
	v10 =	vld [tilespmem:s19+$0xF0]  }
0xfa: {  	v2 =	vmul.f32 v6, v3;
	v6 =	vld [tilespmem:s0+$0xF0]  }
0xfb: {  	v1 =	vld [tilespmem:s19+$0xFFFFFF70]  }
.Ltmp1:
0xfc: {  	[tilespmem:s19+$0xFFFFFFE0] =	vst v2;
	v2 =	vld [tilespmem:s19+$0xFFFFFFF0];
	v3 =	vmul.f32 v9, v8;
	(pc) =	sbr.rel @p1 .LBB2_5-.Ltmp1, $4  }
0xfd: {  	v5 =	vmul.f32 v4, v7;
	v4 =	vld [tilespmem:s0+$0xFFFFFFF0]  }
0xfe: {  	[tilespmem:s19+$0x60] =	vst v3;
	v3 =	vld [tilespmem:s19+$0x70]  }
0xff: {  	[tilespmem:s19+$0xFFFFFF60] =	vst v5;
	v5 =	vld [tilespmem:s0+$0x70];
	v7 =	vmul.f32 v6, v10  }
0x100: {  	s19 =	sadd.s32 $0x200, s19;
	v6 =	vld [tilespmem:s0+$0xFFFFFF70]  }
0x101: {  	_ =	sdelay $0x1  }
0x102: {  	v2 =	vmul.f32 v4, v2  }
0x103: {  	[tilespmem:s31+$0xF0] =	vst v7;
	v3 =	vmul.f32 v5, v3  }
0x104: {  	[tilespmem:s31+$0xFFFFFFF0] =	vst v2;
	v1 =	vmul.f32 v6, v1  }
0x105: {  	[tilespmem:s31+$0x70] =	vst v3  }
0x106: {  	[tilespmem:s31+$0xFFFFFF70] =	vst v1  }
0x107: {  	[spmem:s1] =	stream.indirect.scatter.add.f32 [tilespmem:s7], [sflag:$0x9], $0x80, s9, s13, $0xb8;
	[tilespmem:$0x1DA80] =	vst v63  }
0x108: {  	_ =	swait.ge [sflag:s8], $0x2800  }
0x109: {  	[sflag:s8] =	ssyncset.done $0x0  }
0x10a: {  	s0 =	sadd.s32 s16, s30;
	[sflag:s8] =	ssyncadd.s32 $0xFFFFD800  }
0x10b: {  	[tilespmem:s9], [sflag:$0x7] =	stream.linear.gather [hbm4b:s0+s2], $0x50, $0x38;
	[tilespmem:$0x1DA80] =	vst v63  }
0x10c: {  	_ =	swait.ge [sflag:s12], $0x50  }
0x10d: {  	[sflag:s12] =	ssyncset.done $0x0  }
0x10e: {  	s26 =	sshll.u32 s29, $0x4;
	[sflag:s12] =	ssyncadd.s32 $0xFFFFFFB0  }
0x10f: {  	[tilespmem:s7], [sflag:$0x1] =	stream.indirect.gather [hbm4b:s4+s13], $0x80, s2, s13, $0xb8;
	[tilespmem:$0x1DA80] =	vst v63  }
0x110: {  	s31 =	sshll.u32 s28, $0x1;
	s0 =	sadd.s32 s5, s26  }
0x111: {  	[tilespmem:s14], [sflag:$0x2] =	stream.linear.gather [hbm4b:s0+s2], $0x2800, $0x38;
	[tilespmem:$0x1DA80] =	vst v63  }
0x112: {  	p1 =	seq.s32 s28, $0x3D;
	s29 =	sadd.s32 $0x3, s31;
	_ =	swait.ge [sflag:s23], $0x2800  }
0x113: {  	s0 =	smul.u32 @!p1 $0x50, s29;
	[sflag:s23] =	ssyncset.done $0x0  }
0x114: {  	[sflag:s23] =	ssyncadd.s32 $0xFFFFD800  }
0x115: {  	s0 =	sadd.s32 @!p1 s6, s0;
	_ =	swait.ge [sflag:s24], $0x2800  }
0x116: {  	s19 =	simm.s32 @!p1 $0x0;
	s0 =	sshrl.u32 @!p1 s0, $0x3;
	[sflag:s24] =	ssyncset.done $0x0  }
0x117: {  	s26 =	simm.s32 @!p1 $0x80;
	s0 =	sadd.s32 @!p1 s15, s0;
	[sflag:s24] =	ssyncadd.s32 $0xFFFFD800  }
0x118: {  	[tilespmem:s26], [sflag:$0x6] =	stream.linear.gather @!p1 [hbm4b:s0+s19], $0x50, $0x38;
	[tilespmem:$0x1DA80] =	vst v63  }
0x119: {  	_ =	swait.ge [sflag:s25], $0x50  }
0x11a: {  	[sflag:s25] =	ssyncset.done $0x0  }
0x11b: {  	s30 =	simm.s32 $0x2B00;
	[sflag:s25] =	ssyncadd.s32 $0xFFFFFFB0  }
0x11c: {  	s0 =	simm.s32 $0x7B00;
	v1 =	vld [tilespmem:s30+$0x80]  }
0x11d: {  	v2 =	vld [tilespmem:s0+$0x80]  }
0x11e: {  	v3 =	vld [tilespmem:s30+$0xFFFFFF80]  }
0x11f: {  	v4 =	vld [tilespmem:s0+$0xFFFFFF80]  }
0x120: {  	v5 =	vld [tilespmem:s30+$0x0]  }
0x121: {  	v6 =	vld [tilespmem:s0+$0x0]  }
0x122: {  	v7 =	vld [tilespmem:s30+$0xFFFFFF00];
	v1 =	vmul.f32 v2, v1  }
0x123: {  	v2 =	vld [tilespmem:s0+$0xFFFFFF00]  }
0x124: {  	[tilespmem:s30+$0x80] =	vst v1;
	v1 =	vld [tilespmem:s30+$0x90]  }
0x125: {  	v3 =	vmul.f32 v4, v3;
	v4 =	vld [tilespmem:s0+$0x90]  }
0x126: {  	v8 =	vld [tilespmem:s30+$0xFFFFFF10]  }
0x127: {  	[tilespmem:s30+$0xFFFFFF80] =	vst v3;
	v3 =	vmul.f32 v6, v5;
	v5 =	vld [tilespmem:s30+$0xFFFFFF90]  }
0x128: {  	v6 =	vld [tilespmem:s0+$0xFFFFFF90];
	v2 =	vmul.f32 v2, v7  }
0x129: {  	[tilespmem:s30+$0x0] =	vst v3;
	v3 =	vld [tilespmem:s30+$0x10]  }
0x12a: {  	v7 =	vld [tilespmem:s0+$0x10];
	[tilespmem:s30+$0xFFFFFF00] =	vst v2;
	v1 =	vmul.f32 v4, v1  }
0x12b: {  	v2 =	vld [tilespmem:s0+$0xFFFFFF10]  }
0x12c: {  	[tilespmem:s30+$0x90] =	vst v1;
	v1 =	vld [tilespmem:s30+$0xA0]  }
0x12d: {  	v4 =	vmul.f32 v6, v5;
	v5 =	vld [tilespmem:s0+$0xA0]  }
0x12e: {  	v6 =	vld [tilespmem:s30+$0xFFFFFF20]  }
0x12f: {  	[tilespmem:s30+$0xFFFFFF90] =	vst v4;
	v3 =	vmul.f32 v7, v3;
	v4 =	vld [tilespmem:s30+$0xFFFFFFA0]  }
0x130: {  	v7 =	vld [tilespmem:s0+$0xFFFFFFA0];
	v2 =	vmul.f32 v2, v8  }
0x131: {  	[tilespmem:s30+$0x10] =	vst v3;
	v3 =	vld [tilespmem:s30+$0x20]  }
0x132: {  	v8 =	vld [tilespmem:s0+$0x20];
	[tilespmem:s30+$0xFFFFFF10] =	vst v2;
	v1 =	vmul.f32 v5, v1  }
0x133: {  	v2 =	vld [tilespmem:s0+$0xFFFFFF20]  }
0x134: {  	[tilespmem:s30+$0xA0] =	vst v1;
	v1 =	vld [tilespmem:s30+$0xB0]  }
0x135: {  	v4 =	vmul.f32 v7, v4;
	v5 =	vld [tilespmem:s0+$0xB0]  }
0x136: {  	v7 =	vld [tilespmem:s30+$0xFFFFFF30]  }
0x137: {  	[tilespmem:s30+$0xFFFFFFA0] =	vst v4;
	v3 =	vmul.f32 v8, v3;
	v4 =	vld [tilespmem:s30+$0xFFFFFFB0]  }
0x138: {  	v8 =	vld [tilespmem:s0+$0xFFFFFFB0];
	v2 =	vmul.f32 v2, v6  }
0x139: {  	[tilespmem:s30+$0x20] =	vst v3;
	v3 =	vld [tilespmem:s30+$0x30]  }
0x13a: {  	v6 =	vld [tilespmem:s0+$0x30];
	[tilespmem:s30+$0xFFFFFF20] =	vst v2;
	v1 =	vmul.f32 v5, v1  }
0x13b: {  	v2 =	vld [tilespmem:s0+$0xFFFFFF30]  }
0x13c: {  	[tilespmem:s30+$0xB0] =	vst v1;
	v1 =	vld [tilespmem:s30+$0xC0]  }
0x13d: {  	v4 =	vmul.f32 v8, v4;
	v5 =	vld [tilespmem:s0+$0xC0]  }
0x13e: {  	v8 =	vld [tilespmem:s30+$0xFFFFFF40]  }
0x13f: {  	[tilespmem:s30+$0xFFFFFFB0] =	vst v4;
	v3 =	vmul.f32 v6, v3;
	v4 =	vld [tilespmem:s30+$0xFFFFFFC0]  }
0x140: {  	v6 =	vld [tilespmem:s0+$0xFFFFFFC0];
	v2 =	vmul.f32 v2, v7  }
0x141: {  	[tilespmem:s30+$0x30] =	vst v3;
	v3 =	vld [tilespmem:s30+$0x40]  }
0x142: {  	v7 =	vld [tilespmem:s0+$0x40];
	[tilespmem:s30+$0xFFFFFF30] =	vst v2;
	v1 =	vmul.f32 v5, v1  }
0x143: {  	v2 =	vld [tilespmem:s0+$0xFFFFFF40]  }
0x144: {  	[tilespmem:s30+$0xC0] =	vst v1;
	v1 =	vld [tilespmem:s30+$0xD0]  }
0x145: {  	v4 =	vmul.f32 v6, v4;
	v5 =	vld [tilespmem:s0+$0xD0]  }
0x146: {  	v6 =	vld [tilespmem:s30+$0xFFFFFF50]  }
0x147: {  	[tilespmem:s30+$0xFFFFFFC0] =	vst v4;
	v3 =	vmul.f32 v7, v3;
	v4 =	vld [tilespmem:s30+$0xFFFFFFD0]  }
0x148: {  	v7 =	vld [tilespmem:s0+$0xFFFFFFD0];
	v2 =	vmul.f32 v2, v8  }
0x149: {  	[tilespmem:s30+$0x40] =	vst v3;
	v3 =	vld [tilespmem:s30+$0x50]  }
0x14a: {  	v8 =	vld [tilespmem:s0+$0x50];
	[tilespmem:s30+$0xFFFFFF40] =	vst v2;
	v1 =	vmul.f32 v5, v1  }
0x14b: {  	v2 =	vld [tilespmem:s0+$0xFFFFFF50]  }
0x14c: {  	[tilespmem:s30+$0xD0] =	vst v1;
	v1 =	vld [tilespmem:s30+$0xE0]  }
0x14d: {  	v4 =	vmul.f32 v7, v4;
	v5 =	vld [tilespmem:s0+$0xE0]  }
0x14e: {  	v7 =	vld [tilespmem:s30+$0xFFFFFF60]  }
0x14f: {  	[tilespmem:s30+$0xFFFFFFD0] =	vst v4;
	v3 =	vmul.f32 v8, v3;
	v4 =	vld [tilespmem:s30+$0xFFFFFFE0]  }
0x150: {  	v8 =	vld [tilespmem:s0+$0xFFFFFFE0];
	v2 =	vmul.f32 v2, v6  }
0x151: {  	[tilespmem:s30+$0x50] =	vst v3;
	v3 =	vld [tilespmem:s30+$0x60]  }
0x152: {  	v6 =	vld [tilespmem:s0+$0x60];
	[tilespmem:s30+$0xFFFFFF50] =	vst v2;
	v1 =	vmul.f32 v5, v1  }
0x153: {  	v5 =	vld [tilespmem:s0+$0xFFFFFF60]  }
0x154: {  	v9 =	vld [tilespmem:s30+$0xF0];
	[tilespmem:s30+$0xE0] =	vst v1  }
0x155: {  	v2 =	vmul.f32 v8, v4;
	v8 =	vld [tilespmem:s0+$0xF0]  }
0x156: {  	v1 =	vld [tilespmem:s30+$0xFFFFFF70]  }
0x157: {  	[tilespmem:s30+$0xFFFFFFE0] =	vst v2;
	v3 =	vmul.f32 v6, v3;
	v2 =	vld [tilespmem:s30+$0xFFFFFFF0]  }
0x158: {  	v4 =	vld [tilespmem:s0+$0xFFFFFFF0];
	v5 =	vmul.f32 v5, v7  }
0x159: {  	[tilespmem:s30+$0x60] =	vst v3;
	v3 =	vld [tilespmem:s30+$0x70]  }
0x15a: {  	[tilespmem:s30+$0xFFFFFF60] =	vst v5;
	v5 =	vld [tilespmem:s0+$0x70];
	v7 =	vmul.f32 v8, v9  }
0x15b: {  	s26 =	simm.s32 $0x0;
	s19 =	simm.s32 $0x2D00;
	v6 =	vld [tilespmem:s0+$0xFFFFFF70]  }
.LBB2_7:
0x15c: {  	v8 =	vld [tilespmem:s19+$0x80];
	[tilespmem:s30+$0xF0] =	vst v7;
	s0 =	sadd.s32 $0x200, s0  }
0x15d: {  	s26 =	sadd.s32 $0x4, s26;
	v7 =	vld [tilespmem:s0+$0x80];
	v2 =	vmul.f32 v4, v2  }
0x15e: {  	p2 =	slt.u32 s26, $0x4C;
	v4 =	vld [tilespmem:s0+$0xFFFFFF00]  }
0x15f: {  	v9 =	vld [tilespmem:s19+$0xFFFFFF80];
	[tilespmem:s30+$0xFFFFFFF0] =	vst v2;
	v2 =	vmul.f32 v5, v3  }
0x160: {  	v3 =	vld [tilespmem:s0+$0xFFFFFF80];
	v1 =	vmul.f32 v6, v1  }
0x161: {  	v5 =	vld [tilespmem:s19+$0x0];
	[tilespmem:s30+$0x70] =	vst v2  }
0x162: {  	v2 =	vld [tilespmem:s0+$0x0];
	v6 =	vmul.f32 v7, v8;
	[tilespmem:s30+$0xFFFFFF70] =	vst v1;
	s30 =	smov.u32 s19  }
0x163: {  	v1 =	vld [tilespmem:s19+$0xFFFFFF00]  }
0x164: {  	[tilespmem:s19+$0x80] =	vst v6;
	v6 =	vld [tilespmem:s19+$0x90]  }
0x165: {  	v3 =	vmul.f32 v3, v9;
	v7 =	vld [tilespmem:s0+$0x90]  }
0x166: {  	v8 =	vld [tilespmem:s19+$0xFFFFFF10]  }
0x167: {  	[tilespmem:s19+$0xFFFFFF80] =	vst v3;
	v3 =	vld [tilespmem:s19+$0xFFFFFF90];
	v2 =	vmul.f32 v2, v5  }
0x168: {  	v1 =	vmul.f32 v4, v1;
	v4 =	vld [tilespmem:s0+$0xFFFFFF90]  }
0x169: {  	[tilespmem:s19+$0x0] =	vst v2;
	v2 =	vld [tilespmem:s19+$0x10]  }
0x16a: {  	[tilespmem:s19+$0xFFFFFF00] =	vst v1;
	v1 =	vld [tilespmem:s0+$0x10];
	v5 =	vmul.f32 v7, v6  }
0x16b: {  	v6 =	vld [tilespmem:s0+$0xFFFFFF10]  }
0x16c: {  	[tilespmem:s19+$0x90] =	vst v5;
	v5 =	vld [tilespmem:s19+$0xA0]  }
0x16d: {  	v3 =	vmul.f32 v4, v3;
	v4 =	vld [tilespmem:s0+$0xA0]  }
0x16e: {  	v7 =	vld [tilespmem:s19+$0xFFFFFF20]  }
0x16f: {  	[tilespmem:s19+$0xFFFFFF90] =	vst v3;
	v3 =	vld [tilespmem:s19+$0xFFFFFFA0];
	v1 =	vmul.f32 v1, v2  }
0x170: {  	v2 =	vmul.f32 v6, v8;
	v6 =	vld [tilespmem:s0+$0xFFFFFFA0]  }
0x171: {  	[tilespmem:s19+$0x10] =	vst v1;
	v1 =	vld [tilespmem:s19+$0x20]  }
0x172: {  	[tilespmem:s19+$0xFFFFFF10] =	vst v2;
	v2 =	vld [tilespmem:s0+$0x20];
	v4 =	vmul.f32 v4, v5  }
0x173: {  	v5 =	vld [tilespmem:s0+$0xFFFFFF20]  }
0x174: {  	[tilespmem:s19+$0xA0] =	vst v4;
	v4 =	vld [tilespmem:s19+$0xB0]  }
0x175: {  	v3 =	vmul.f32 v6, v3;
	v6 =	vld [tilespmem:s0+$0xB0]  }
0x176: {  	v8 =	vld [tilespmem:s19+$0xFFFFFF30]  }
0x177: {  	[tilespmem:s19+$0xFFFFFFA0] =	vst v3;
	v3 =	vld [tilespmem:s19+$0xFFFFFFB0];
	v1 =	vmul.f32 v2, v1  }
0x178: {  	v2 =	vmul.f32 v5, v7;
	v5 =	vld [tilespmem:s0+$0xFFFFFFB0]  }
0x179: {  	[tilespmem:s19+$0x20] =	vst v1;
	v1 =	vld [tilespmem:s19+$0x30]  }
0x17a: {  	[tilespmem:s19+$0xFFFFFF20] =	vst v2;
	v2 =	vld [tilespmem:s0+$0x30];
	v4 =	vmul.f32 v6, v4  }
0x17b: {  	v6 =	vld [tilespmem:s0+$0xFFFFFF30]  }
0x17c: {  	[tilespmem:s19+$0xB0] =	vst v4;
	v4 =	vld [tilespmem:s19+$0xC0]  }
0x17d: {  	v3 =	vmul.f32 v5, v3;
	v5 =	vld [tilespmem:s0+$0xC0]  }
0x17e: {  	v7 =	vld [tilespmem:s19+$0xFFFFFF40]  }
0x17f: {  	[tilespmem:s19+$0xFFFFFFB0] =	vst v3;
	v3 =	vld [tilespmem:s19+$0xFFFFFFC0];
	v1 =	vmul.f32 v2, v1  }
0x180: {  	v2 =	vmul.f32 v6, v8;
	v6 =	vld [tilespmem:s0+$0xFFFFFFC0]  }
0x181: {  	[tilespmem:s19+$0x30] =	vst v1;
	v1 =	vld [tilespmem:s19+$0x40]  }
0x182: {  	[tilespmem:s19+$0xFFFFFF30] =	vst v2;
	v2 =	vld [tilespmem:s0+$0x40];
	v4 =	vmul.f32 v5, v4  }
0x183: {  	v5 =	vld [tilespmem:s0+$0xFFFFFF40]  }
0x184: {  	[tilespmem:s19+$0xC0] =	vst v4;
	v4 =	vld [tilespmem:s19+$0xD0]  }
0x185: {  	v3 =	vmul.f32 v6, v3;
	v6 =	vld [tilespmem:s0+$0xD0]  }
0x186: {  	v8 =	vld [tilespmem:s19+$0xFFFFFF50]  }
0x187: {  	[tilespmem:s19+$0xFFFFFFC0] =	vst v3;
	v3 =	vld [tilespmem:s19+$0xFFFFFFD0];
	v1 =	vmul.f32 v2, v1  }
0x188: {  	v2 =	vmul.f32 v5, v7;
	v5 =	vld [tilespmem:s0+$0xFFFFFFD0]  }
0x189: {  	[tilespmem:s19+$0x40] =	vst v1;
	v1 =	vld [tilespmem:s19+$0x50]  }
0x18a: {  	[tilespmem:s19+$0xFFFFFF40] =	vst v2;
	v2 =	vld [tilespmem:s0+$0x50];
	v4 =	vmul.f32 v6, v4  }
0x18b: {  	v6 =	vld [tilespmem:s0+$0xFFFFFF50]  }
0x18c: {  	[tilespmem:s19+$0xD0] =	vst v4;
	v4 =	vld [tilespmem:s19+$0xE0]  }
0x18d: {  	v3 =	vmul.f32 v5, v3;
	v5 =	vld [tilespmem:s0+$0xE0]  }
0x18e: {  	v7 =	vld [tilespmem:s19+$0xFFFFFF60]  }
0x18f: {  	[tilespmem:s19+$0xFFFFFFD0] =	vst v3;
	v3 =	vld [tilespmem:s19+$0xFFFFFFE0];
	v1 =	vmul.f32 v2, v1  }
0x190: {  	v2 =	vmul.f32 v6, v8;
	v6 =	vld [tilespmem:s0+$0xFFFFFFE0]  }
0x191: {  	[tilespmem:s19+$0x50] =	vst v1;
	v8 =	vld [tilespmem:s19+$0x60]  }
0x192: {  	[tilespmem:s19+$0xFFFFFF50] =	vst v2;
	v9 =	vld [tilespmem:s0+$0x60];
	v1 =	vmul.f32 v5, v4  }
0x193: {  	v4 =	vld [tilespmem:s0+$0xFFFFFF60]  }
0x194: {  	[tilespmem:s19+$0xE0] =	vst v1;
	v10 =	vld [tilespmem:s19+$0xF0]  }
0x195: {  	v2 =	vmul.f32 v6, v3;
	v6 =	vld [tilespmem:s0+$0xF0]  }
0x196: {  	v1 =	vld [tilespmem:s19+$0xFFFFFF70]  }
.Ltmp2:
0x197: {  	[tilespmem:s19+$0xFFFFFFE0] =	vst v2;
	v2 =	vld [tilespmem:s19+$0xFFFFFFF0];
	v3 =	vmul.f32 v9, v8;
	(pc) =	sbr.rel @p2 .LBB2_7-.Ltmp2, $4  }
0x198: {  	v5 =	vmul.f32 v4, v7;
	v4 =	vld [tilespmem:s0+$0xFFFFFFF0]  }
0x199: {  	[tilespmem:s19+$0x60] =	vst v3;
	v3 =	vld [tilespmem:s19+$0x70]  }
0x19a: {  	[tilespmem:s19+$0xFFFFFF60] =	vst v5;
	v5 =	vld [tilespmem:s0+$0x70];
	v7 =	vmul.f32 v6, v10  }
0x19b: {  	s19 =	sadd.s32 $0x200, s19;
	v6 =	vld [tilespmem:s0+$0xFFFFFF70]  }
0x19c: {  	_ =	sdelay $0x1  }
0x19d: {  	v2 =	vmul.f32 v4, v2  }
0x19e: {  	[tilespmem:s30+$0xF0] =	vst v7;
	v3 =	vmul.f32 v5, v3  }
0x19f: {  	[tilespmem:s30+$0xFFFFFFF0] =	vst v2;
	v1 =	vmul.f32 v6, v1  }
0x1a0: {  	[tilespmem:s30+$0x70] =	vst v3  }
.Ltmp3:
0x1a1: {  	[tilespmem:s30+$0xFFFFFF70] =	vst v1;
	(pc) =	sbr.rel @p1 .LBB2_10-.Ltmp3, $4  }
0x1a2: {  	[spmem:s1] =	stream.indirect.scatter.add.f32 [tilespmem:s18], [sflag:$0x9], $0x80, s11, s13, $0xb8;
	[tilespmem:$0x1DA80] =	vst v63  }
0x1a3: {  	_ =	swait.ge [sflag:s8], $0x2800  }
0x1a4: {  	[sflag:s8] =	ssyncset.done $0x0  }
0x1a5: {  	[sflag:s8] =	ssyncadd.s32 $0xFFFFD800  }
0x1a6: {  	s0 =	smul.u32 $0x50, s29;
	_ =	sdelay $0x1  }
0x1a7: {  	s0 =	sadd.s32 s6, s0  }
0x1a8: {  	s19 =	sshrl.u32 s0, $0x3  }
0x1a9: {  	s19 =	sadd.s32 s16, s19  }
0x1aa: {  	[tilespmem:s11], [sflag:$0x8] =	stream.linear.gather [hbm4b:s19+s2], $0x50, $0x38;
	[tilespmem:$0x1DA80] =	vst v63  }
0x1ab: {  	_ =	swait.ge [sflag:s17], $0x50  }
.Ltmp4:
0x1ac: {  	[sflag:s17] =	ssyncset.done $0x0;
	(pc) =	sbr.rel .LBB2_4-.Ltmp4, $4  }
0x1ad: {  	s0 =	sshll.u32 s0, $0x4;
	[sflag:s17] =	ssyncadd.s32 $0xFFFFFFB0  }
0x1ae: {  	[tilespmem:s18], [sflag:$0x3] =	stream.indirect.gather [hbm4b:s4+s13], $0x80, s10, s13, $0xb8;
	[tilespmem:$0x1DA80] =	vst v63  }
0x1af: {  	s31 =	simm.s32 $0x7A00;
	s28 =	sadd.s32 $0x1, s28;
	s0 =	sadd.s32 s5, s0  }
0x1b0: {  	[tilespmem:s31], [sflag:$0x4] =	stream.linear.gather [hbm4b:s0+s2], $0x2800, $0x38;
	[tilespmem:$0x1DA80] =	vst v63  }
.LBB2_10:
0x1b1: {  	_ =	swait.ge [sflag:s20], $0x2800  }
0x1b2: {  	[sflag:s20] =	ssyncset.done $0x0  }
0x1b3: {  	[sflag:s20] =	ssyncadd.s32 $0xFFFFD800  }
0x1b4: {  	_ =	swait.ge [sflag:s21], $0x2800  }
0x1b5: {  	[sflag:s21] =	ssyncset.done $0x0  }
0x1b6: {  	[sflag:s21] =	ssyncadd.s32 $0xFFFFD800  }
0x1b7: {  	_ =	swait.ge [sflag:s22], $0x50  }
0x1b8: {  	[sflag:s22] =	ssyncset.done $0x0  }
0x1b9: {  	s28 =	simm.s32 $0x300;
	[sflag:s22] =	ssyncadd.s32 $0xFFFFFFB0  }
0x1ba: {  	s0 =	simm.s32 $0x5300;
	v1 =	vld [tilespmem:s28+$0x80]  }
0x1bb: {  	v2 =	vld [tilespmem:s0+$0x80]  }
0x1bc: {  	v3 =	vld [tilespmem:s28+$0xFFFFFF80]  }
0x1bd: {  	v4 =	vld [tilespmem:s0+$0xFFFFFF80]  }
0x1be: {  	v5 =	vld [tilespmem:s28+$0x0]  }
0x1bf: {  	v6 =	vld [tilespmem:s0+$0x0]  }
0x1c0: {  	v7 =	vld [tilespmem:s28+$0xFFFFFF00];
	v1 =	vmul.f32 v2, v1  }
0x1c1: {  	v2 =	vld [tilespmem:s0+$0xFFFFFF00]  }
0x1c2: {  	[tilespmem:s28+$0x80] =	vst v1;
	v1 =	vld [tilespmem:s28+$0x90]  }
0x1c3: {  	v3 =	vmul.f32 v4, v3;
	v4 =	vld [tilespmem:s0+$0x90]  }
0x1c4: {  	v8 =	vld [tilespmem:s28+$0xFFFFFF10]  }
0x1c5: {  	[tilespmem:s28+$0xFFFFFF80] =	vst v3;
	v3 =	vmul.f32 v6, v5;
	v5 =	vld [tilespmem:s28+$0xFFFFFF90]  }
0x1c6: {  	v6 =	vld [tilespmem:s0+$0xFFFFFF90];
	v2 =	vmul.f32 v2, v7  }
0x1c7: {  	[tilespmem:s28+$0x0] =	vst v3;
	v3 =	vld [tilespmem:s28+$0x10]  }
0x1c8: {  	v7 =	vld [tilespmem:s0+$0x10];
	[tilespmem:s28+$0xFFFFFF00] =	vst v2;
	v1 =	vmul.f32 v4, v1  }
0x1c9: {  	v2 =	vld [tilespmem:s0+$0xFFFFFF10]  }
0x1ca: {  	[tilespmem:s28+$0x90] =	vst v1;
	v1 =	vld [tilespmem:s28+$0xA0]  }
0x1cb: {  	v4 =	vmul.f32 v6, v5;
	v5 =	vld [tilespmem:s0+$0xA0]  }
0x1cc: {  	v6 =	vld [tilespmem:s28+$0xFFFFFF20]  }
0x1cd: {  	[tilespmem:s28+$0xFFFFFF90] =	vst v4;
	v3 =	vmul.f32 v7, v3;
	v4 =	vld [tilespmem:s28+$0xFFFFFFA0]  }
0x1ce: {  	v7 =	vld [tilespmem:s0+$0xFFFFFFA0];
	v2 =	vmul.f32 v2, v8  }
0x1cf: {  	[tilespmem:s28+$0x10] =	vst v3;
	v3 =	vld [tilespmem:s28+$0x20]  }
0x1d0: {  	v8 =	vld [tilespmem:s0+$0x20];
	[tilespmem:s28+$0xFFFFFF10] =	vst v2;
	v1 =	vmul.f32 v5, v1  }
0x1d1: {  	v2 =	vld [tilespmem:s0+$0xFFFFFF20]  }
0x1d2: {  	[tilespmem:s28+$0xA0] =	vst v1;
	v1 =	vld [tilespmem:s28+$0xB0]  }
0x1d3: {  	v4 =	vmul.f32 v7, v4;
	v5 =	vld [tilespmem:s0+$0xB0]  }
0x1d4: {  	v7 =	vld [tilespmem:s28+$0xFFFFFF30]  }
0x1d5: {  	[tilespmem:s28+$0xFFFFFFA0] =	vst v4;
	v3 =	vmul.f32 v8, v3;
	v4 =	vld [tilespmem:s28+$0xFFFFFFB0]  }
0x1d6: {  	v8 =	vld [tilespmem:s0+$0xFFFFFFB0];
	v2 =	vmul.f32 v2, v6  }
0x1d7: {  	[tilespmem:s28+$0x20] =	vst v3;
	v3 =	vld [tilespmem:s28+$0x30]  }
0x1d8: {  	v6 =	vld [tilespmem:s0+$0x30];
	[tilespmem:s28+$0xFFFFFF20] =	vst v2;
	v1 =	vmul.f32 v5, v1  }
0x1d9: {  	v2 =	vld [tilespmem:s0+$0xFFFFFF30]  }
0x1da: {  	[tilespmem:s28+$0xB0] =	vst v1;
	v1 =	vld [tilespmem:s28+$0xC0]  }
0x1db: {  	v4 =	vmul.f32 v8, v4;
	v5 =	vld [tilespmem:s0+$0xC0]  }
0x1dc: {  	v8 =	vld [tilespmem:s28+$0xFFFFFF40]  }
0x1dd: {  	[tilespmem:s28+$0xFFFFFFB0] =	vst v4;
	v3 =	vmul.f32 v6, v3;
	v4 =	vld [tilespmem:s28+$0xFFFFFFC0]  }
0x1de: {  	v6 =	vld [tilespmem:s0+$0xFFFFFFC0];
	v2 =	vmul.f32 v2, v7  }
0x1df: {  	[tilespmem:s28+$0x30] =	vst v3;
	v3 =	vld [tilespmem:s28+$0x40]  }
0x1e0: {  	v7 =	vld [tilespmem:s0+$0x40];
	[tilespmem:s28+$0xFFFFFF30] =	vst v2;
	v1 =	vmul.f32 v5, v1  }
0x1e1: {  	v2 =	vld [tilespmem:s0+$0xFFFFFF40]  }
0x1e2: {  	[tilespmem:s28+$0xC0] =	vst v1;
	v1 =	vld [tilespmem:s28+$0xD0]  }
0x1e3: {  	v4 =	vmul.f32 v6, v4;
	v5 =	vld [tilespmem:s0+$0xD0]  }
0x1e4: {  	v6 =	vld [tilespmem:s28+$0xFFFFFF50]  }
0x1e5: {  	[tilespmem:s28+$0xFFFFFFC0] =	vst v4;
	v3 =	vmul.f32 v7, v3;
	v4 =	vld [tilespmem:s28+$0xFFFFFFD0]  }
0x1e6: {  	v7 =	vld [tilespmem:s0+$0xFFFFFFD0];
	v2 =	vmul.f32 v2, v8  }
0x1e7: {  	[tilespmem:s28+$0x40] =	vst v3;
	v3 =	vld [tilespmem:s28+$0x50]  }
0x1e8: {  	v8 =	vld [tilespmem:s0+$0x50];
	[tilespmem:s28+$0xFFFFFF40] =	vst v2;
	v1 =	vmul.f32 v5, v1  }
0x1e9: {  	v2 =	vld [tilespmem:s0+$0xFFFFFF50]  }
0x1ea: {  	[tilespmem:s28+$0xD0] =	vst v1;
	v1 =	vld [tilespmem:s28+$0xE0]  }
0x1eb: {  	v4 =	vmul.f32 v7, v4;
	v5 =	vld [tilespmem:s0+$0xE0]  }
0x1ec: {  	v7 =	vld [tilespmem:s28+$0xFFFFFF60]  }
0x1ed: {  	[tilespmem:s28+$0xFFFFFFD0] =	vst v4;
	v3 =	vmul.f32 v8, v3;
	v4 =	vld [tilespmem:s28+$0xFFFFFFE0]  }
0x1ee: {  	v8 =	vld [tilespmem:s0+$0xFFFFFFE0];
	v2 =	vmul.f32 v2, v6  }
0x1ef: {  	[tilespmem:s28+$0x50] =	vst v3;
	v3 =	vld [tilespmem:s28+$0x60]  }
0x1f0: {  	v6 =	vld [tilespmem:s0+$0x60];
	[tilespmem:s28+$0xFFFFFF50] =	vst v2;
	v1 =	vmul.f32 v5, v1  }
0x1f1: {  	v5 =	vld [tilespmem:s0+$0xFFFFFF60]  }
0x1f2: {  	v9 =	vld [tilespmem:s28+$0xF0];
	[tilespmem:s28+$0xE0] =	vst v1  }
0x1f3: {  	v2 =	vmul.f32 v8, v4;
	v8 =	vld [tilespmem:s0+$0xF0]  }
0x1f4: {  	v1 =	vld [tilespmem:s28+$0xFFFFFF70]  }
0x1f5: {  	[tilespmem:s28+$0xFFFFFFE0] =	vst v2;
	v3 =	vmul.f32 v6, v3;
	v2 =	vld [tilespmem:s28+$0xFFFFFFF0]  }
0x1f6: {  	v4 =	vld [tilespmem:s0+$0xFFFFFFF0];
	v5 =	vmul.f32 v5, v7  }
0x1f7: {  	[tilespmem:s28+$0x60] =	vst v3;
	v3 =	vld [tilespmem:s28+$0x70]  }
0x1f8: {  	[tilespmem:s28+$0xFFFFFF60] =	vst v5;
	v5 =	vld [tilespmem:s0+$0x70];
	v7 =	vmul.f32 v8, v9  }
0x1f9: {  	s26 =	simm.s32 $0x0;
	s19 =	simm.s32 $0x500;
	v6 =	vld [tilespmem:s0+$0xFFFFFF70]  }
.LBB2_11:
0x1fa: {  	v8 =	vld [tilespmem:s19+$0x80];
	[tilespmem:s28+$0xF0] =	vst v7;
	s0 =	sadd.s32 $0x200, s0  }
0x1fb: {  	s26 =	sadd.s32 $0x4, s26;
	v7 =	vld [tilespmem:s0+$0x80];
	v2 =	vmul.f32 v4, v2  }
0x1fc: {  	p1 =	slt.u32 s26, $0x4C;
	v4 =	vld [tilespmem:s0+$0xFFFFFF00]  }
0x1fd: {  	v9 =	vld [tilespmem:s19+$0xFFFFFF80];
	[tilespmem:s28+$0xFFFFFFF0] =	vst v2;
	v2 =	vmul.f32 v5, v3  }
0x1fe: {  	v3 =	vld [tilespmem:s0+$0xFFFFFF80];
	v1 =	vmul.f32 v6, v1  }
0x1ff: {  	v5 =	vld [tilespmem:s19+$0x0];
	[tilespmem:s28+$0x70] =	vst v2  }
0x200: {  	v2 =	vld [tilespmem:s0+$0x0];
	v6 =	vmul.f32 v7, v8;
	[tilespmem:s28+$0xFFFFFF70] =	vst v1;
	s28 =	smov.u32 s19  }
0x201: {  	v1 =	vld [tilespmem:s19+$0xFFFFFF00]  }
0x202: {  	[tilespmem:s19+$0x80] =	vst v6;
	v6 =	vld [tilespmem:s19+$0x90]  }
0x203: {  	v3 =	vmul.f32 v3, v9;
	v7 =	vld [tilespmem:s0+$0x90]  }
0x204: {  	v8 =	vld [tilespmem:s19+$0xFFFFFF10]  }
0x205: {  	[tilespmem:s19+$0xFFFFFF80] =	vst v3;
	v3 =	vld [tilespmem:s19+$0xFFFFFF90];
	v2 =	vmul.f32 v2, v5  }
0x206: {  	v1 =	vmul.f32 v4, v1;
	v4 =	vld [tilespmem:s0+$0xFFFFFF90]  }
0x207: {  	[tilespmem:s19+$0x0] =	vst v2;
	v2 =	vld [tilespmem:s19+$0x10]  }
0x208: {  	[tilespmem:s19+$0xFFFFFF00] =	vst v1;
	v1 =	vld [tilespmem:s0+$0x10];
	v5 =	vmul.f32 v7, v6  }
0x209: {  	v6 =	vld [tilespmem:s0+$0xFFFFFF10]  }
0x20a: {  	[tilespmem:s19+$0x90] =	vst v5;
	v5 =	vld [tilespmem:s19+$0xA0]  }
0x20b: {  	v3 =	vmul.f32 v4, v3;
	v4 =	vld [tilespmem:s0+$0xA0]  }
0x20c: {  	v7 =	vld [tilespmem:s19+$0xFFFFFF20]  }
0x20d: {  	[tilespmem:s19+$0xFFFFFF90] =	vst v3;
	v3 =	vld [tilespmem:s19+$0xFFFFFFA0];
	v1 =	vmul.f32 v1, v2  }
0x20e: {  	v2 =	vmul.f32 v6, v8;
	v6 =	vld [tilespmem:s0+$0xFFFFFFA0]  }
0x20f: {  	[tilespmem:s19+$0x10] =	vst v1;
	v1 =	vld [tilespmem:s19+$0x20]  }
0x210: {  	[tilespmem:s19+$0xFFFFFF10] =	vst v2;
	v2 =	vld [tilespmem:s0+$0x20];
	v4 =	vmul.f32 v4, v5  }
0x211: {  	v5 =	vld [tilespmem:s0+$0xFFFFFF20]  }
0x212: {  	[tilespmem:s19+$0xA0] =	vst v4;
	v4 =	vld [tilespmem:s19+$0xB0]  }
0x213: {  	v3 =	vmul.f32 v6, v3;
	v6 =	vld [tilespmem:s0+$0xB0]  }
0x214: {  	v8 =	vld [tilespmem:s19+$0xFFFFFF30]  }
0x215: {  	[tilespmem:s19+$0xFFFFFFA0] =	vst v3;
	v3 =	vld [tilespmem:s19+$0xFFFFFFB0];
	v1 =	vmul.f32 v2, v1  }
0x216: {  	v2 =	vmul.f32 v5, v7;
	v5 =	vld [tilespmem:s0+$0xFFFFFFB0]  }
0x217: {  	[tilespmem:s19+$0x20] =	vst v1;
	v1 =	vld [tilespmem:s19+$0x30]  }
0x218: {  	[tilespmem:s19+$0xFFFFFF20] =	vst v2;
	v2 =	vld [tilespmem:s0+$0x30];
	v4 =	vmul.f32 v6, v4  }
0x219: {  	v6 =	vld [tilespmem:s0+$0xFFFFFF30]  }
0x21a: {  	[tilespmem:s19+$0xB0] =	vst v4;
	v4 =	vld [tilespmem:s19+$0xC0]  }
0x21b: {  	v3 =	vmul.f32 v5, v3;
	v5 =	vld [tilespmem:s0+$0xC0]  }
0x21c: {  	v7 =	vld [tilespmem:s19+$0xFFFFFF40]  }
0x21d: {  	[tilespmem:s19+$0xFFFFFFB0] =	vst v3;
	v3 =	vld [tilespmem:s19+$0xFFFFFFC0];
	v1 =	vmul.f32 v2, v1  }
0x21e: {  	v2 =	vmul.f32 v6, v8;
	v6 =	vld [tilespmem:s0+$0xFFFFFFC0]  }
0x21f: {  	[tilespmem:s19+$0x30] =	vst v1;
	v1 =	vld [tilespmem:s19+$0x40]  }
0x220: {  	[tilespmem:s19+$0xFFFFFF30] =	vst v2;
	v2 =	vld [tilespmem:s0+$0x40];
	v4 =	vmul.f32 v5, v4  }
0x221: {  	v5 =	vld [tilespmem:s0+$0xFFFFFF40]  }
0x222: {  	[tilespmem:s19+$0xC0] =	vst v4;
	v4 =	vld [tilespmem:s19+$0xD0]  }
0x223: {  	v3 =	vmul.f32 v6, v3;
	v6 =	vld [tilespmem:s0+$0xD0]  }
0x224: {  	v8 =	vld [tilespmem:s19+$0xFFFFFF50]  }
0x225: {  	[tilespmem:s19+$0xFFFFFFC0] =	vst v3;
	v3 =	vld [tilespmem:s19+$0xFFFFFFD0];
	v1 =	vmul.f32 v2, v1  }
0x226: {  	v2 =	vmul.f32 v5, v7;
	v5 =	vld [tilespmem:s0+$0xFFFFFFD0]  }
0x227: {  	[tilespmem:s19+$0x40] =	vst v1;
	v1 =	vld [tilespmem:s19+$0x50]  }
0x228: {  	[tilespmem:s19+$0xFFFFFF40] =	vst v2;
	v2 =	vld [tilespmem:s0+$0x50];
	v4 =	vmul.f32 v6, v4  }
0x229: {  	v6 =	vld [tilespmem:s0+$0xFFFFFF50]  }
0x22a: {  	[tilespmem:s19+$0xD0] =	vst v4;
	v4 =	vld [tilespmem:s19+$0xE0]  }
0x22b: {  	v3 =	vmul.f32 v5, v3;
	v5 =	vld [tilespmem:s0+$0xE0]  }
0x22c: {  	v7 =	vld [tilespmem:s19+$0xFFFFFF60]  }
0x22d: {  	[tilespmem:s19+$0xFFFFFFD0] =	vst v3;
	v3 =	vld [tilespmem:s19+$0xFFFFFFE0];
	v1 =	vmul.f32 v2, v1  }
0x22e: {  	v2 =	vmul.f32 v6, v8;
	v6 =	vld [tilespmem:s0+$0xFFFFFFE0]  }
0x22f: {  	[tilespmem:s19+$0x50] =	vst v1;
	v8 =	vld [tilespmem:s19+$0x60]  }
0x230: {  	[tilespmem:s19+$0xFFFFFF50] =	vst v2;
	v9 =	vld [tilespmem:s0+$0x60];
	v1 =	vmul.f32 v5, v4  }
0x231: {  	v4 =	vld [tilespmem:s0+$0xFFFFFF60]  }
0x232: {  	[tilespmem:s19+$0xE0] =	vst v1;
	v10 =	vld [tilespmem:s19+$0xF0]  }
0x233: {  	v2 =	vmul.f32 v6, v3;
	v6 =	vld [tilespmem:s0+$0xF0]  }
0x234: {  	v1 =	vld [tilespmem:s19+$0xFFFFFF70]  }
.Ltmp5:
0x235: {  	[tilespmem:s19+$0xFFFFFFE0] =	vst v2;
	v2 =	vld [tilespmem:s19+$0xFFFFFFF0];
	v3 =	vmul.f32 v9, v8;
	(pc) =	sbr.rel @p1 .LBB2_11-.Ltmp5, $4  }
0x236: {  	v5 =	vmul.f32 v4, v7;
	v4 =	vld [tilespmem:s0+$0xFFFFFFF0]  }
0x237: {  	[tilespmem:s19+$0x60] =	vst v3;
	v3 =	vld [tilespmem:s19+$0x70]  }
0x238: {  	[tilespmem:s19+$0xFFFFFF60] =	vst v5;
	v5 =	vld [tilespmem:s0+$0x70];
	v7 =	vmul.f32 v6, v10  }
0x239: {  	s19 =	sadd.s32 $0x200, s19;
	v6 =	vld [tilespmem:s0+$0xFFFFFF70]  }
0x23a: {  	_ =	sdelay $0x1  }
0x23b: {  	v2 =	vmul.f32 v4, v2  }
0x23c: {  	[tilespmem:s28+$0xF0] =	vst v7;
	v3 =	vmul.f32 v5, v3  }
0x23d: {  	[tilespmem:s28+$0xFFFFFFF0] =	vst v2;
	v1 =	vmul.f32 v6, v1  }
0x23e: {  	[tilespmem:s28+$0x70] =	vst v3  }
0x23f: {  	[tilespmem:s28+$0xFFFFFF70] =	vst v1  }
0x240: {  	[spmem:s1] =	stream.indirect.scatter.add.f32 [tilespmem:s7], [sflag:$0x9], $0x80, s9, s13, $0xb8;
	[tilespmem:$0x1DA80] =	vst v63  }
0x241: {  	_ =	swait.ge [sflag:s8], $0x2800  }
0x242: {  	[sflag:s8] =	ssyncset.done $0x0  }
0x243: {  	[sflag:s8] =	ssyncadd.s32 $0xFFFFD800  }
0x244: {  	s0 =	stileid.u32;
	[bflag:$0x0] =	sbarrier.arrive $0xFFFF  }
0x245: {  	s0 =	sshll.u32 s0, $0x6;
	s28 =	rddreg [dreg:$0x12]  }
0x246: {  	s0 =	sor.u32 $0x1C09, s0;
	s26 =	rddreg [dreg:$0x3];
	s19 =	sshrl.u32 s28, $0x3  }
0x247: {  	[hbm:s26], [sflag:s0] =	dma.local [spmem:s19], $0x500  }
0x248: {  	_ =	swait.ge [sflag:s8], $0x500  }
0x249: {  	[sflag:s8] =	ssyncset.done $0x0;
	s29 =	rddreg [dreg:$0x13]  }
0x24a: {  	s31 =	rddreg [dreg:$0x4];
	[sflag:s8] =	ssyncadd.s32 $0xFFFFFB00;
	s26 =	sshrl.u32 s29, $0x3  }
0x24b: {  	[hbm:s31], [sflag:s0] =	dma.local [spmem:s26], $0x500  }
0x24c: {  	_ =	swait.ge [sflag:s8], $0x500  }
0x24d: {  	[sflag:s8] =	ssyncset.done $0x0;
	s30 =	rddreg [dreg:$0x14]  }
0x24e: {  	s31 =	rddreg [dreg:$0x5];
	[sflag:s8] =	ssyncadd.s32 $0xFFFFFB00;
	s26 =	sshrl.u32 s30, $0x3  }
0x24f: {  	[hbm:s31], [sflag:s0] =	dma.local [spmem:s26], $0x500  }
0x250: {  	_ =	swait.ge [sflag:s8], $0x500  }
0x251: {  	[sflag:s8] =	ssyncset.done $0x0;
	s26 =	rddreg [dreg:$0x15]  }
0x252: {  	s31 =	rddreg [dreg:$0x6];
	[sflag:s8] =	ssyncadd.s32 $0xFFFFFB00;
	s19 =	sshrl.u32 s26, $0x3  }
0x253: {  	[hbm:s31], [sflag:s0] =	dma.local [spmem:s19], $0x500  }
0x254: {  	_ =	swait.ge [sflag:s8], $0x500  }
0x255: {  	[sflag:s8] =	ssyncset.done $0x0;
	s26 =	rddreg [dreg:$0x16]  }
0x256: {  	s31 =	rddreg [dreg:$0x7];
	[sflag:s8] =	ssyncadd.s32 $0xFFFFFB00;
	s19 =	sshrl.u32 s26, $0x3  }
0x257: {  	[hbm:s31], [sflag:s0] =	dma.local [spmem:s19], $0x500  }
0x258: {  	_ =	swait.ge [sflag:s8], $0x500  }
0x259: {  	[sflag:s8] =	ssyncset.done $0x0;
	s26 =	rddreg [dreg:$0x17]  }
0x25a: {  	s31 =	rddreg [dreg:$0x8];
	[sflag:s8] =	ssyncadd.s32 $0xFFFFFB00;
	s19 =	sshrl.u32 s26, $0x3  }
0x25b: {  	[hbm:s31], [sflag:s0] =	dma.local [spmem:s19], $0x500  }
0x25c: {  	_ =	swait.ge [sflag:s8], $0x500  }
0x25d: {  	[sflag:s8] =	ssyncset.done $0x0;
	s26 =	rddreg [dreg:$0x18]  }
0x25e: {  	s31 =	rddreg [dreg:$0x9];
	[sflag:s8] =	ssyncadd.s32 $0xFFFFFB00;
	s19 =	sshrl.u32 s26, $0x3  }
0x25f: {  	[hbm:s31], [sflag:s0] =	dma.local [spmem:s19], $0x500  }
0x260: {  	_ =	swait.ge [sflag:s8], $0x500  }
0x261: {  	[sflag:s8] =	ssyncset.done $0x0;
	s19 =	rddreg [dreg:$0x19]  }
0x262: {  	s26 =	rddreg [dreg:$0xa];
	[sflag:s8] =	ssyncadd.s32 $0xFFFFFB00;
	s19 =	sshrl.u32 @!p0 s19, $0x3  }
0x263: {  	[hbm:s26], [sflag:s0] =	dma.local @!p0 [spmem:s19], $0x500  }
0x264: {  	s0 =	simm.s32 @!p0 $0x9  }
0x265: {  	_ =	swait.ge @!p0 [sflag:s0], $0x500  }
0x266: {  	s19 =	rddreg [dreg:$0x1a]  }
0x267: {  	s31 =	rddreg [dreg:$0x11];
	s26 =	sadd.s32 $0x1, s19  }
0x268: {  	p1 =	sne.s32 s26, s31  }
.Ltmp6:
0x269: {  	_ = 	snop;
	(pc) =	sbr.rel @p1 .LBB2_1-.Ltmp6, $3  }
0x26a: {  	_ =	sdelay $0x1  }
0x26b: {  	[sflag:s0] =	ssyncset.done @!p0 $0x0  }
0x26c: {  	[sflag:s0] =	ssyncadd.s32 @!p0 $0xFFFFFB00  }
0x26d: {  	_ =	sfence.sel $0x180000  }
0x26e: {  	[bflag:$0x0] =	sbarrier.arrive $0xFFFF  }
0x26f: {  	_ =	strace $0x9000004D  }
0x270: {  	s0 =	stileid.u32;
	[bflag:$0x2] =	sbarrier.arrive $0xFFFF  }
0x271: {  	p0 =	sne.s32 s0, $0x0;
	s0 =	rddreg [dreg:$0x2]  }
0x272: {  	s0 =	sadd.s32 @!p0 $0x100000, s0  }
0x273: {  	[sflag:s0] =	ssyncadd.tile.s32 @!p0 $0x1;
	_ =	shalt  }
.Lfunc_end2:
_tile_overlayer_lowered:
.L_overlay_start_2:
0x274: {  	(tag) =	ssettag $0x2  }
0x275: {  	s0 =	rddreg [dreg:$0x0];
	s2 =	stileid.u32  }
0x276: {  	s1 =	rddreg [dreg:$0x1];
	p0 =	sne.s32 s2, $0x0  }
0x277: {  	s3 =	rddreg [dreg:$0x2];
	[bflag:$0x3] =	sbarrier.arrive $0xFFFF;
	s2 =	simm.s32 @!p0 $0x1C09  }
0x278: {  	[timem:s3], [sflag:s2] =	dma.local @!p0 [hbm:s0], s1  }
0x279: {  	s0 =	simm.s32 @!p0 $0x9  }
0x27a: {  	_ =	swait.ge @!p0 [sflag:s0], s1  }
0x27b: {  	s1 =	ssub.s32 @!p0 $0x0, s1;
	[sflag:s0] =	ssyncset.done @!p0 $0x0  }
0x27c: {  	[sflag:s0] =	ssyncadd.s32 @!p0 s1  }
0x27d: {  	[bflag:$0x3] =	sbarrier.arrive $0xFFFF  }
0x27e: {  	_ =	shalt  }

// kernel: kernel.9.cloned.1.call-start
scs
__scs_entry_jumppad:
0x0: {  	(pc) =	sbr.rel $0x88, $3  }
0x1: {  	(tag) =	ssettag $0x0;
	lr =	simm.s32 $0x1  }
0x2: {  	[smem:$0x3F9B] =	sst lr;
	_ =	strace $0xD0000000  }
0x3: {  	_ = 	snop  }
0x4: {  	_ = 	snop  }
0x5: {  	_ = 	snop  }
0x6: {  	_ = 	snop  }
0x7: {  	_ = 	snop  }
__scs_overlays_trampoline_lowered:
0x8: {  	[smem:$0x3FAA] =	sst s0  }
0x9: {  	[smem:$0x3FAB] =	sst s1  }
0xa: {  	[smem:$0x3FAC] =	sst s2  }
0xb: {  	[smem:$0x3FAD] =	sst s3  }
0xc: {  	[smem:$0x3FAE] =	sst s4  }
0xd: {  	[smem:$0x3FAF] =	sst s5  }
0xe: {  	[smem:$0x3FB0] =	sst s6  }
0xf: {  	[smem:$0x3FB1] =	sst s7  }
0x10: {  	[smem:$0x3FB2] =	sst s8  }
0x11: {  	[smem:$0x3FB3] =	sst s9;
	s0 =	simm.s32 @!p0 $0x0  }
0x12: {  	s1 =	sld [smem:$0x3F99];
	s0 =	simm.s32 @p0 $0x1  }
0x13: {  	[smem:$0x3FB4] =	sst s0;
	s0 =	simm.s32 @!p1 $0x0  }
0x14: {  	s2 =	sld [smem:$0x3F98];
	s0 =	simm.s32 @p1 $0x1  }
0x15: {  	[smem:$0x3FB5] =	sst s0;
	s0 =	simm.s32 @!p2 $0x0  }
0x16: {  	s3 =	sld [smem:$0x3FDB];
	s0 =	simm.s32 @p2 $0x1  }
0x17: {  	s4 =	simm.s32 $0x1BF5;
	[smem:$0x3FB7] =	sst s0  }
0x18: {  	s0 =	sld [smem:$0x3F9A];
	_ =	swait.ge [sflag:s4], $0x0  }
0x19: {  	s7 =	sld [smem:$0x3F9B]  }
0x1a: {  	s8 =	sadd.s32 $0xFFFFE003, lr  }
0x1b: {  	s9 =	sadd.s32 $0xFFFFFEF7, lr;
	s5 =	simm.s32 $0xFFFFFFFF;
	p2 =	slt.u32 s8, $0xFFFFF086  }
0x1c: {  	p1 =	slt.u32 s9, $0xF7A;
	s5 =	simm.s32 @!p2 $0x0  }
0x1d: {  	s5 =	simm.s32 @p1 $0x1;
	p0 =	seq.s32 s7, s2  }
0x1e: {  	s7 =	smul.u32 @!p0 $0xF7A, s2;
	p2 =	seq.s32 @!p0 s5, $0x0  }
0x1f: {  	s9 =	smul.u32 $0xF7A, s1;
	s8 =	simm.s32 @!p0 $0x1BF5;
	p2 =	por !p2, p0  }
0x20: {  	[sflag:s8] =	ssyncset.s32 @!p0 $0xFFFFF086;
	s6 =	sadd.s32 @!p0 s3, s7;
	s7 =	simm.s32 @!p0 $0x108  }
0x21: {  	s3 =	sadd.s32 s3, s9;
	s6 =	sadd.s32 @!p0 $0x88, s6;
	s7 =	simm.s32 @p2 $0x1082  }
0x22: {  	[simem:s7], [sflag:s8] =	dma.local @!p0 [hbm:s6], $0xF7A  }
0x23: {  	s9 =	sor.u32 $0xD0000000, s2;
	s6 =	simm.s32 $0x108;
	_ =	swait.ge @!p0 [sflag:s8], $0x0  }
0x24: {  	s3 =	sadd.s32 $0x88, s3;
	s6 =	simm.s32 @!p1 $0x1082;
	[sflag:s4] =	ssyncset.s32 $0xFFFFF086  }
0x25: {  	[simem:s6], [sflag:s4] =	dma.local [hbm:s3], $0xF7A  }
0x26: {  	[smem:$0x3F9B] =	sst s1;
	(tag) =	ssettag s2;
	_ =	strace s9  }
0x27: {  	s1 =	sld [smem:$0x3FAB]  }
0x28: {  	s2 =	sld [smem:$0x3FAC]  }
0x29: {  	s4 =	sld [smem:$0x3FAE]  }
0x2a: {  	p0 =	seq.s32 s5, $0x0;
	s5 =	sld [smem:$0x3FAF]  }
0x2b: {  	s6 =	sld [smem:$0x3FB0]  }
0x2c: {  	s7 =	sld [smem:$0x3FB1]  }
0x2d: {  	s3 =	simm.s32 $0x108;
	s8 =	sld [smem:$0x3FB2]  }
0x2e: {  	s3 =	simm.s32 @!p0 $0x1082;
	s9 =	sld [smem:$0x3FB3]  }
0x2f: {  	lr =	sadd.s32 s0, s3;
	s0 =	sld [smem:$0x3FAA]  }
0x30: {  	s3 =	sld [smem:$0x3FAD]  }
0x31: {  	[smem:$0x3FB6] =	sst s10  }
0x32: {  	s10 =	sld [smem:$0x3FB4];
	_ =	sdelay $0x3  }
0x33: {  	p0 =	seq.s32 s10, $0x1;
	s10 =	sld [smem:$0x3FB6];
	_ =	sdelay $0x3  }
0x34: {  	[smem:$0x3FB6] =	sst s10  }
0x35: {  	s10 =	sld [smem:$0x3FB5];
	_ =	sdelay $0x3  }
0x36: {  	p1 =	seq.s32 s10, $0x1;
	s10 =	sld [smem:$0x3FB6];
	_ =	sdelay $0x3  }
0x37: {  	[smem:$0x3FB6] =	sst s10  }
0x38: {  	s10 =	sld [smem:$0x3FB7]  }
0x39: {  	_ = 	snop;
	(pc) =	sbr.ind lr, $3  }
0x3a: {  	_ = 	snop  }
0x3b: {  	_ = 	snop  }
0x3c: {  	p2 =	seq.s32 s10, $0x1;
	s10 =	sld [smem:$0x3FB6]  }
0x3d: {  	_ =	shalt  }
0x3e: {  	_ =	shalt  }
0x3f: {  	_ =	shalt  }
0x40: {  	_ =	shalt  }
0x41: {  	_ =	shalt  }
0x42: {  	_ =	shalt  }
0x43: {  	_ =	shalt  }
0x44: {  	_ =	shalt  }
0x45: {  	_ =	shalt  }
0x46: {  	_ =	shalt  }
0x47: {  	_ =	shalt  }
0x48: {  	_ =	shalt  }
0x49: {  	_ =	shalt  }
0x4a: {  	_ =	shalt  }
0x4b: {  	_ =	shalt  }
0x4c: {  	_ =	shalt  }
0x4d: {  	_ =	shalt  }
0x4e: {  	_ =	shalt  }
0x4f: {  	_ =	shalt  }
0x50: {  	_ =	shalt  }
0x51: {  	_ =	shalt  }
0x52: {  	_ =	shalt  }
0x53: {  	_ =	shalt  }
0x54: {  	_ =	shalt  }
0x55: {  	_ =	shalt  }
0x56: {  	_ =	shalt  }
0x57: {  	_ =	shalt  }
0x58: {  	_ =	shalt  }
0x59: {  	_ =	shalt  }
0x5a: {  	_ =	shalt  }
0x5b: {  	_ =	shalt  }
0x5c: {  	_ =	shalt  }
0x5d: {  	_ =	shalt  }
0x5e: {  	_ =	shalt  }
0x5f: {  	_ =	shalt  }
0x60: {  	_ =	shalt  }
0x61: {  	_ =	shalt  }
0x62: {  	_ =	shalt  }
0x63: {  	_ =	shalt  }
0x64: {  	_ =	shalt  }
0x65: {  	_ =	shalt  }
0x66: {  	_ =	shalt  }
0x67: {  	_ =	shalt  }
0x68: {  	_ =	shalt  }
0x69: {  	_ =	shalt  }
0x6a: {  	_ =	shalt  }
0x6b: {  	_ =	shalt  }
0x6c: {  	_ =	shalt  }
0x6d: {  	_ =	shalt  }
0x6e: {  	_ =	shalt  }
0x6f: {  	_ =	shalt  }
0x70: {  	_ =	shalt  }
0x71: {  	_ =	shalt  }
0x72: {  	_ =	shalt  }
0x73: {  	_ =	shalt  }
0x74: {  	_ =	shalt  }
0x75: {  	_ =	shalt  }
0x76: {  	_ =	shalt  }
0x77: {  	_ =	shalt  }
0x78: {  	_ =	shalt  }
0x79: {  	_ =	shalt  }
0x7a: {  	_ =	shalt  }
0x7b: {  	_ =	shalt  }
0x7c: {  	_ =	shalt  }
0x7d: {  	_ =	shalt  }
0x7e: {  	_ =	shalt  }
0x7f: {  	_ =	shalt  }
0x80: {  	_ =	shalt  }
0x81: {  	_ =	shalt  }
0x82: {  	_ =	shalt  }
0x83: {  	_ =	shalt  }
0x84: {  	_ =	shalt  }
0x85: {  	_ =	shalt  }
0x86: {  	_ =	shalt  }
0x87: {  	_ =	shalt  }
.Lfunc_end0:
.L_simem_size_0:
called_computation_lowered:
.L_overlay_start_0:
0x88: {  	s2 =	sld [smem:$0x3FD9]  }
0x89: {  	s3 =	sld [smem:$0x3FFE];
	_ =	sdelay $0x1  }
0x8a: {  	s1 =	srdreg.scid  }
0x8b: {  	s0 =	sand.u32 $0x1, s1  }
0x8c: {  	s17 =	sshll.u32 s0, $0xA;
	s2 =	sadd.s32 s3, s2  }
0x8d: {  	s2 =	sadd.s32 s2, s17  }
0x8e: {  	[smem:$0x3FC2] =	sst s2  }
0x8f: {  	_ = 	snop  }
0x90: {  	s2 =	sld [smem:$0x3FD0];
	(tm) =	ssettm $0x1  }
0x91: {  	s18 =	sld [smem:$0x3FFB];
	_ =	sdelay $0x3  }
0x92: {  	_ =	strace s18  }
0x93: {  	s3 =	sld [smem:$0x3FFC];
	_ =	sdelay $0x3  }
0x94: {  	_ =	strace s3  }
0x95: {  	s3 =	sld [smem:$0x3FFD];
	_ =	sdelay $0x3  }
0x96: {  	_ =	strace s3  }
0x97: {  	_ =	strace $0x8FFFFFFF  }
0x98: {  	s19 =	sld [smem:$0x3FDB];
	_ =	sdelay $0x1  }
0x99: {  	s4 =	simm.s32 $_scs_section_size  }
0x9a: {  	s5 =	simm.s32 $_size__tile_overlayer_lowered;
	s6 =	simm.s32 $_tile_overlayer_lowered  }
0x9b: {  	s22 =	simm.s32 $0x1BFF;
	s21 =	sshll.u32 s6, $0x1;
	s3 =	sadd.s32 s4, s19  }
0x9c: {  	s7 =	simm.s32 $0x0;
	s20 =	sshll.u32 s5, $0x1;
	s5 =	sadd.s32 s21, s3  }
0x9d: {  	[timem:s7], [sflag:s22] =	dma.local [hbm:s5], s20  }
0x9e: {  	_ =	swait.ge [sflag:s22], s20  }
0x9f: {  	s4 =	ssub.s32 $0x0, s20;
	[sflag:s22] =	ssyncset.done $0x0  }
0xa0: {  	[sflag:s22] =	ssyncadd.s32 s4;
	_ =	sdelay $0x1  }
0xa1: {  	s23 =	simm.s32 $0x1B8B  }
0xa2: {  	_ =	swait.ge [sflag:s23], $0x1  }
0xa3: {  	[sflag:s23] =	ssyncset.done $0x0  }
0xa4: {  	s25 =	simm.s32 $0x1B8E;
	s24 =	sld [smem:$0x3FFE];
	[sflag:s23] =	ssyncadd.s32 $0xFFFFFFFF  }
0xa5: {  	s26 =	simm.s32 $execute0_lowered;
	[smem:$0x3FD2] =	sst s25  }
0xa6: {  	s5 =	sshll.u32 s26, $0x1;
	_ =	strace $0x80000046;
	[dreg:$0x1] =	wrdreg $0xFFFFFFFF  }
0xa7: {  	s28 =	simm.s32 $_size_execute0_lowered;
	s3 =	sadd.s32 s3, s5;
	[dreg:$0x0] =	wrdreg $0x0  }
0xa8: {  	s5 =	sshll.u32 s28, $0x1;
	[dreg:$0x2] =	wrdreg s3  }
0xa9: {  	[dreg:$0x3] =	wrdreg s5  }
0xaa: {  	[dreg:$0x4] =	wrdreg $0xC0  }
0xab: {  	_ =	task [dreg:s7], $0x5FFFF  }
0xac: {  	[dreg:$0x1] =	wrdreg $0xFFFFFFFF  }
0xad: {  	[dreg:$0x0] =	wrdreg $0x60  }
0xae: {  	[dreg:$0x2] =	wrdreg s24  }
0xaf: {  	[dreg:$0x3] =	wrdreg s2  }
0xb0: {  	[dreg:$0x4] =	wrdreg $0x9  }
0xb1: {  	_ =	task.clear_ibuf [dreg:s7], $0x5FFFF;
	_ =	strace $0x90000046  }
0xb2: {  	s29 =	simm.s32 $0x9;
	_ =	strace $0x80000048  }
0xb3: {  	_ =	swait.ge [sflag:s29], $0x1  }
0xb4: {  	[sflag:s29] =	ssyncadd.s32 $0xFFFFFFFF  }
0xb5: {  	_ =	strace $0x90000048  }
0xb6: {  	_ =	sfence  }
0xb7: {  	s30 =	sld [smem:$0x0];
	_ =	sdelay $0x2  }
0xb8: {  	s31 =	sshll.u32 s1, $0xD;
	s1 =	sshrl.u32 s1, $0x2  }
0xb9: {  	s3 =	sand.u32 $0x4000, s31;
	s1 =	sadd.s32 s1, s30  }
0xba: {  	s0 =	sor.u32 s3, s0;
	s1 =	sshll.u32 s1, $0x11  }
0xbb: {  	s0 =	sor.u32 s1, s0  }
0xbc: {  	s0 =	sadd.s32 $0x8F2B, s0  }
0xbd: {  	[sflag:s0] =	ssyncadd.remote.s32 $0x1  }
0xbe: {  	_ =	sfence.sel $0xFFFF  }
0xbf: {  	[dreg:$0x0] =	wrdreg $0xFFFFFFFF;
	(pc) =	sbr.abs _section_cstart, $3  }
0xc0: {  	[dreg:$0x1] =	wrdreg $0xFFFFFFFF  }
0xc1: {  	_ =	task.clear_ibuf [dreg:s7], $0x2FFFF;
	_ =	strace $0x9FFFFFFF  }
0xc2: {  	(tm) =	ssettm $0x7FFFFFFF  }
0xc3: {  	_ =	shalt  }
tec
execute0_lowered:
.L_overlay_start_1:
0x0: {  	(tag) =	ssettag $0x1  }
0x1: {  	s3 =	rddreg [dreg:$0x0]  }
0x2: {  	s0 =	srdreg.scid;
	s5 =	rddreg [dreg:$0x1]  }
0x3: {  	s1 =	stileid.u32;
	s2 =	simm.s32 $0x0;
	s10 =	simm.s32 $0x4F00  }
0x4: {  	s11 =	simm.s32 $0x8F00;
	s12 =	simm.s32 $0x80;
	s4 =	sand.u32 $0x1, s0  }
0x5: {  	s13 =	simm.s32 $0x400;
	s0 =	rddreg [dreg:$0x2];
	s6 =	sshll.u32 s4, $0x4  }
0x6: {  	s14 =	simm.s32 $0x0;
	[smem:$0x7FF] =	sst s2;
	s6 =	sor.u32 s1, s6  }
0x7: {  	s8 =	sshll.u32 s1, $0x4;
	s7 =	sshll.u32 s6, $0xB;
	s6 =	smul.u32 $0x4E2, s6  }
0x8: {  	s4 =	ssub.s32 $0x2, s4;
	_ =	strace $0x80000047;
	s7 =	sor.u32 s8, s7  }
0x9: {  	s31 =	sshrl.u32 s4, $0x1;
	s7 =	sand.u32 $0xC070, s7;
	s6 =	sadd.s32 s6, s3  }
0xa: {  	s8 =	ssub.s32 s4, s31;
	s9 =	sadd.s32 s7, s3;
	s3 =	sadd.s32 $0xDC00, s6  }
0xb: {  	s4 =	sadd.s32 $0x3E00, s6;
	s5 =	sadd.s32 s5, s7;
	s7 =	smax.u32 s8, $0x1  }
0xc: {  	v0 =	vimm.f32 $0.0e+00;
	v1 =	vimm.f32 $1.000000000e+00;
	s8 =	simm.s32 $0x1;
	s6 =	sadd.s32 $0x17A00, s9;
	s9 =	simm.s32 $0x2780  }
.LBB2_1:
0xd: {  	[tilespmem:s2], [sflag:$0x1] =	stream.linear.gather [hbm4b:s3+s2], $0x2710, $0x38;
	[tilespmem:$0xCF00] =	vst v63  }
0xe: {  	_ =	swait.ge [sflag:s8], $0x2710  }
0xf: {  	[sflag:s8] =	ssyncset.done $0x0  }
0x10: {  	[sflag:s8] =	ssyncadd.s32 $0xFFFFD8F0  }
0x11: {  	[tilespmem:s9], [sflag:$0x1] =	stream.linear.gather [hbm4b:s4+s2], $0x2710, $0x38;
	[tilespmem:$0xCF00] =	vst v63  }
0x12: {  	_ =	swait.ge [sflag:s8], $0x2710  }
0x13: {  	[sflag:s8] =	ssyncset.done $0x0  }
0x14: {  	s15 =	simm.s32 $0x0;
	[sflag:s8] =	ssyncadd.s32 $0xFFFFD8F0  }
.LBB2_2:
0x15: {  	p0 =	sne.s32 s15, $0xFFC0  }
.Ltmp0:
0x16: {  	_ = 	snop;
	(pc) =	sbr.rel @p0 .LBB2_2-.Ltmp0, $4  }
0x17: {  	_ = 	snop  }
0x18: {  	s16 =	sshra.s32 s15, $0x2  }
0x19: {  	[tilespmem:s16+$0x4F00] =	vst v0  }
0x1a: {  	s15 =	sadd.s32 $0x40, s15;
	[tilespmem:s16+$0x8F00] =	vst v0  }
0x1b: {  	s15 =	simm.s32 $0x0  }
.LBB2_4:
0x1c: {  	s16 =	sshra.s32 s15, $0x2  }
0x1d: {  	v2 =	vld [tilespmem:s16+$0x0];
	_ =	sdelay $0x4  }
0x1e: {  	v3 =	vshll.u32 v2, $0x3;
	v4 =	vshrl.u32 v2, $0x7  }
0x1f: {  	v3 =	vand.u32 $0x3F80, v3;
	v5 =	vand.u32 $0x1FFFFF0, v4  }
0x20: {  	v2 =	vand.u32 $0xF, v2;
	v4 =	vand.u32 $0x70, v4;
	v3 =	vadd.s32 v5, v3  }
0x21: {  	v2 =	vor.u32 v2, v4;
	v3 =	vand.u32 $0x3FFFF80, v3  }
0x22: {  	v2 =	vor.u32 v3, v2;
	_ =	sdelay $0x4  }
0x23: {  	[tilespmem:v2+s10+$0x0] =	vst.idx.add.f32.msk $0xffff, v1  }
0x24: {  	v2 =	vld [tilespmem:s16+$0x2780];
	_ =	sdelay $0x4  }
0x25: {  	v3 =	vshll.u32 v2, $0x3;
	v62 =	vshrl.u32 v2, $0x7  }
0x26: {  	v3 =	vand.u32 $0x3F80, v3;
	v63 =	vand.u32 $0x1FFFFF0, v62  }
0x27: {  	v2 =	vand.u32 $0xF, v2;
	v4 =	vand.u32 $0x70, v62;
	v3 =	vadd.s32 v63, v3  }
0x28: {  	v2 =	vor.u32 v2, v4;
	v3 =	vand.u32 $0x3FFFF80, v3  }
0x29: {  	p0 =	sne.s32 s15, $0x9C00;
	v2 =	vor.u32 v3, v2  }
.Ltmp1:
0x2a: {  	_ = 	snop;
	(pc) =	sbr.rel @p0 .LBB2_4-.Ltmp1, $2  }
0x2b: {  	_ =	sdelay $0x2  }
0x2c: {  	s15 =	sadd.s32 $0x40, s15;
	[tilespmem:v2+s11+$0x0] =	vst.idx.add.f32.msk $0xffff, v1  }
0x2d: {  	[hbm4b:s5+s12] =	stream.strided.scatter [tilespmem:s10], [sflag:$0x1], $0x4000, s13, s12, $0x38;
	[tilespmem:$0xCF00] =	vst v63  }
0x2e: {  	s14 =	sadd.s32 $0x1, s14;
	_ =	swait.ge [sflag:s8], $0x4000  }
0x2f: {  	p0 =	sne.s32 s14, s7;
	[sflag:s8] =	ssyncset.done $0x0  }
.Ltmp2:
0x30: {  	[sflag:s8] =	ssyncadd.s32 $0xFFFFC000;
	(pc) =	sbr.rel @p0 .LBB2_1-.Ltmp2, $4  }
0x31: {  	[hbm4b:s6+s12] =	stream.strided.scatter [tilespmem:s11], [sflag:$0x1], $0x4000, s13, s12, $0x38;
	[tilespmem:$0xCF00] =	vst v63  }
0x32: {  	_ =	swait.ge [sflag:s8], $0x4000  }
0x33: {  	[sflag:s8] =	ssyncset.done $0x0  }
0x34: {  	[sflag:s8] =	ssyncadd.s32 $0xFFFFC000  }
0x35: {  	_ =	sfence.sel $0x180000  }
0x36: {  	[bflag:$0x0] =	sbarrier.arrive $0xFFFF  }
0x37: {  	p0 =	sne.s32 s1, $0x0;
	_ =	strace $0x90000047  }
0x38: {  	s0 =	sadd.s32 @!p0 $0x100000, s0;
	[bflag:$0x2] =	sbarrier.arrive $0xFFFF  }
0x39: {  	[sflag:s0] =	ssyncadd.tile.s32 @!p0 $0x1;
	_ =	shalt  }
.Lfunc_end2:
_tile_overlayer_lowered:
.L_overlay_start_2:
0x3a: {  	(tag) =	ssettag $0x2  }
0x3b: {  	s0 =	rddreg [dreg:$0x0];
	s2 =	stileid.u32  }
0x3c: {  	s1 =	rddreg [dreg:$0x1];
	p0 =	sne.s32 s2, $0x0  }
0x3d: {  	s3 =	rddreg [dreg:$0x2];
	[bflag:$0x3] =	sbarrier.arrive $0xFFFF;
	s2 =	simm.s32 @!p0 $0x1C01  }
0x3e: {  	[timem:s3], [sflag:s2] =	dma.local @!p0 [hbm:s0], s1  }
0x3f: {  	s0 =	simm.s32 @!p0 $0x1  }
0x40: {  	_ =	swait.ge @!p0 [sflag:s0], s1  }
0x41: {  	s1 =	ssub.s32 @!p0 $0x0, s1;
	[sflag:s0] =	ssyncset.done @!p0 $0x0  }
0x42: {  	[sflag:s0] =	ssyncadd.s32 @!p0 s1  }
0x43: {  	[bflag:$0x3] =	sbarrier.arrive $0xFFFF  }
0x44: {  	_ =	shalt  }

</sc_bundles>
